<compile_context>
chip_gen: v7x
topology: tpu7x:2x2x1
jax: 0.10.2.dev20260603
libtpu: 0.0.44.dev20260713+nightly
codegen_flags: <defaults>
</compile_context>

<pallas_src>
import functools

import jax
import jax.numpy as jnp
from jax import lax
from jax.experimental import pallas as pl
from jax.experimental.pallas import tpu as pltpu
from jax.experimental.pallas import tpu_sc as plsc

N = 26
EMB = 32
OUT = 64
H1 = 256
H2 = 128
BATCH = 16384

NC = 2
NS = 16
NW = NC * NS

B_FLAT = BATCH * N
ROWS_PER_W = B_FLAT // NW
IDX_CHUNK = 128
IDX_ROWS = ROWS_PER_W // IDX_CHUNK
GATHERS_PER_STEP = 8
STEPS = IDX_ROWS // GATHERS_PER_STEP
STEP_ROWS = GATHERS_PER_STEP * IDX_CHUNK


def _sc_gather(table, idx):
    mesh = plsc.VectorSubcoreMesh(
        core_axis_name="c", subcore_axis_name="s", num_cores=NC,
        num_subcores=NS)

    @functools.partial(
        pl.kernel,
        out_type=jax.ShapeDtypeStruct((B_FLAT, EMB), jnp.float32),
        mesh=mesh,
        compiler_params=pltpu.CompilerParams(use_tc_tiling_on_sc=False),
        scratch_types=[
            pltpu.VMEM((IDX_ROWS, IDX_CHUNK), jnp.int32),
            pltpu.VMEM((2, STEP_ROWS, EMB), jnp.float32),
            pltpu.SemaphoreType.DMA,
            pltpu.SemaphoreType.DMA,
            pltpu.SemaphoreType.DMA,
            pltpu.SemaphoreType.DMA,
        ],
    )
    def k(table_hbm, idx_hbm, out_hbm, idx_v, rows_v, g0, g1, w0, w1):
        wid = lax.axis_index("s") * NC + lax.axis_index("c")
        base = wid * ROWS_PER_W
        gsem = (g0, g1)
        wsem = (w0, w1)
        pltpu.sync_copy(idx_hbm.at[wid], idx_v)

        def fire_gathers(step_idx, buf, sem):
            for j in range(GATHERS_PER_STEP):
                pltpu.async_copy(
                    table_hbm.at[idx_v.at[step_idx * GATHERS_PER_STEP + j]],
                    rows_v.at[buf, pl.ds(j * IDX_CHUNK, IDX_CHUNK)],
                    sem)

        def wait_bytes(buf, sem, out_off):
            pltpu.make_async_copy(
                rows_v.at[buf],
                out_hbm.at[pl.ds(out_off, STEP_ROWS)],
                sem).wait()

        fire_gathers(0, 0, gsem[0])
        for s in range(STEPS):
            buf = s % 2
            nxt = (s + 1) % 2
            if s + 1 < STEPS:
                if s >= 1:
                    wait_bytes(nxt, wsem[nxt], base)
                fire_gathers(s + 1, nxt, gsem[nxt])
            wait_bytes(buf, gsem[buf], base)
            pltpu.async_copy(rows_v.at[buf],
                             out_hbm.at[pl.ds(base + s * STEP_ROWS,
                                              STEP_ROWS)],
                             wsem[buf])
        wait_bytes(0, wsem[(STEPS - 1) % 2], base)
        wait_bytes(1, wsem[STEPS % 2], base)

    return k(table, idx)


def _mlp_body(h_ref, w1_ref, b1_ref, w2_ref, b2_ref, w3_ref, b3_ref, o_ref):
    h = h_ref[...]
    z = jnp.dot(h, w1_ref[...], preferred_element_type=jnp.float32)
    z = jnp.maximum(z + b1_ref[...], 0.0)
    z = jnp.dot(z, w2_ref[...], preferred_element_type=jnp.float32)
    z = jnp.maximum(z + b2_ref[...], 0.0)
    z = jnp.dot(z, w3_ref[...], preferred_element_type=jnp.float32)
    o_ref[...] = z + b3_ref[...]


def _mlp(h, W1, b1, W2, b2, W3, b3, block_b=1024):
    d_in = h.shape[1]
    grid = (BATCH // block_b,)
    return pl.pallas_call(
        _mlp_body,
        grid=grid,
        in_specs=[
            pl.BlockSpec((block_b, d_in), lambda i: (i, 0)),
            pl.BlockSpec((d_in, H1), lambda i: (0, 0)),
            pl.BlockSpec((1, H1), lambda i: (0, 0)),
            pl.BlockSpec((H1, H2), lambda i: (0, 0)),
            pl.BlockSpec((1, H2), lambda i: (0, 0)),
            pl.BlockSpec((H2, OUT), lambda i: (0, 0)),
            pl.BlockSpec((1, OUT), lambda i: (0, 0)),
        ],
        out_specs=pl.BlockSpec((block_b, OUT), lambda i: (i, 0)),
        out_shape=jax.ShapeDtypeStruct((BATCH, OUT), jnp.float32),
    )(h, W1, b1.reshape(1, H1), W2, b2.reshape(1, H2), W3,
      b3.reshape(1, OUT))


def kernel(x, table, W1, b1, W2, b2, W3, b3):
    idx = x.astype(jnp.int32).reshape(NW, IDX_ROWS, IDX_CHUNK)
    emb = _sc_gather(table, idx)
    h = emb.reshape(BATCH, N * EMB)
    return _mlp(h, W1, b1, W2, b2, W3, b3)

# --- scband reference (transcript-rebuilt; emitter-appended) ---
"""Pipeline reference for scband-multi-discrete-mlp-38104949850729 (READ-ONLY COPY).

The authoritative reference and input builder live on the scoring server;
editing this copy changes nothing except your own understanding.
"""

import jax, jax.numpy as jnp
import numpy as np

HIGH = 1000000
N = 26
EMB = 32
OUT = 64
H1 = 256
H2 = 128
BATCH = 16384


def setup_inputs(seed: int = 0) -> dict:
    key = jax.random.key(seed)
    ks = jax.random.split(key, 8)
    x = jax.random.randint(ks[0], (BATCH, N), 0, HIGH, dtype=jnp.int64 if jax.config.jax_enable_x64 else jnp.int32)
    table = jax.random.normal(ks[1], (HIGH, EMB), dtype=jnp.float32)
    d_in = EMB * N
    W1 = jax.random.normal(ks[2], (d_in, H1), dtype=jnp.float32) * (1.0 / np.sqrt(d_in))
    b1 = jnp.zeros((H1,), dtype=jnp.float32)
    W2 = jax.random.normal(ks[3], (H1, H2), dtype=jnp.float32) * (1.0 / np.sqrt(H1))
    b2 = jnp.zeros((H2,), dtype=jnp.float32)
    W3 = jax.random.normal(ks[4], (H2, OUT), dtype=jnp.float32) * (1.0 / np.sqrt(H2))
    b3 = jnp.zeros((OUT,), dtype=jnp.float32)
    return {"x": x, "table": table, "W1": W1, "b1": b1, "W2": W2, "b2": b2, "W3": W3, "b3": b3}


def reference(x, table, W1, b1, W2, b2, W3, b3):
    # Embedding lookup: [B, N] -> [B, N, EMB]
    emb = jnp.take(table, x, axis=0)
    # Flatten: [B, N*EMB]
    h = emb.reshape(emb.shape[0], -1)
    # MLP: Linear -> ReLU -> Linear -> ReLU -> Linear
    h = jax.nn.relu(h @ W1 + b1)
    h = jax.nn.relu(h @ W2 + b2)
    out = h @ W3 + b3
    return out

if __name__ == "__main__":
    import jax
    _d = setup_inputs()
    print(jax.jit(kernel)(*tuple(_d.values())))

</pallas_src>

<mosaic_0001>
#map = affine_map<(d0, d1) -> (0, 0)>
#map1 = affine_map<(d0, d1) -> (0, 0, 0)>
module attributes {stable_mosaic.version = 14 : i64} {
  func.func @k(%arg0: i32, %arg1: i32, %arg2: memref<1000000x32xf32, #tpu.memory_space<hbm>>, %arg3: memref<32x104x128xi32, #tpu.memory_space<hbm>>, %arg4: memref<425984x32xf32, #tpu.memory_space<hbm>>, %arg5: memref<104x128xi32, #tpu.memory_space<vmem>>, %arg6: memref<2x1024x32xf32, #tpu.memory_space<vmem>>, %arg7: memref<!tpu.dma_semaphore, #tpu.memory_space<semaphore_mem>>, %arg8: memref<!tpu.dma_semaphore, #tpu.memory_space<semaphore_mem>>, %arg9: memref<!tpu.dma_semaphore, #tpu.memory_space<semaphore_mem>>, %arg10: memref<!tpu.dma_semaphore, #tpu.memory_space<semaphore_mem>>) attributes {dimension_semantics = [#tpu.dimension_semantics<core_parallel>, #tpu.dimension_semantics<subcore_parallel>], iteration_bounds = array<i64: 2, 16>, scalar_prefetch = 0 : i64, scratch_operands = 6 : i64, tpu.core_type = #tpu.core_type<sc_vector_subcore>, window_params = [{transform_indices = #map}, {transform_indices = #map1}, {transform_indices = #map}]} {
    %mul3A = arith.constant 2 : i32
    %mul3A_0 = arith.muli %arg1, %mul3A : i32
    %add3A = arith.addi %mul3A_0, %arg0 : i32
    %mul3A_1 = arith.constant 13312 : i32
    %mul3A_2 = arith.muli %add3A, %mul3A_1 : i32
    "tpu.region"() ({
      %run_scoped3A = tpu.sem_alloc : memref<!tpu.dma_semaphore, #tpu.memory_space<semaphore_mem>>
      %dma_start3A_1782 = arith.constant 0 : i32
      %dma_start3A_1783 = arith.constant 0 : i32
      %dma_start3A_1784 = tpu.memref_slice %arg3[%add3A, %dma_start3A_1782, %dma_start3A_1783] : memref<32x104x128xi32, #tpu.memory_space<hbm>> -> memref<1x104x128xi32, #tpu.memory_space<hbm>>
      %dma_start3A_1785 = tpu.memref_squeeze %dma_start3A_1784 : memref<1x104x128xi32, #tpu.memory_space<hbm>> -> memref<104x128xi32, #tpu.memory_space<hbm>>
      %dma_start3A_1786 = arith.constant 0 : i32
      %dma_start3A_1787 = arith.constant 0 : i32
      %dma_start3A_1788 = tpu.memref_slice %arg3[%add3A, %dma_start3A_1786, %dma_start3A_1787] : memref<32x104x128xi32, #tpu.memory_space<hbm>> -> memref<1x104x128xi32, #tpu.memory_space<hbm>>
      %dma_start3A_1789 = tpu.memref_squeeze %dma_start3A_1788 : memref<1x104x128xi32, #tpu.memory_space<hbm>> -> memref<104x128xi32, #tpu.memory_space<hbm>>
      tpu.enqueue_dma source(%dma_start3A_1789 : memref<104x128xi32, #tpu.memory_space<hbm>>) target(%arg5 : memref<104x128xi32, #tpu.memory_space<vmem>>) target_semaphore(%run_scoped3A : memref<!tpu.dma_semaphore, #tpu.memory_space<semaphore_mem>>)
      %dma_wait3A_1790 = arith.constant 0 : i32
      %dma_wait3A_1791 = arith.constant 0 : i32
      %dma_wait3A_1792 = tpu.memref_slice %arg3[%add3A, %dma_wait3A_1790, %dma_wait3A_1791] : memref<32x104x128xi32, #tpu.memory_space<hbm>> -> memref<1x104x128xi32, #tpu.memory_space<hbm>>
      %dma_wait3A_1793 = tpu.memref_squeeze %dma_wait3A_1792 : memref<1x104x128xi32, #tpu.memory_space<hbm>> -> memref<104x128xi32, #tpu.memory_space<hbm>>
      %dma_wait3A_1794 = arith.constant 0 : i32
      %dma_wait3A_1795 = arith.constant 0 : i32
      %dma_wait3A_1796 = tpu.memref_slice %arg3[%add3A, %dma_wait3A_1794, %dma_wait3A_1795] : memref<32x104x128xi32, #tpu.memory_space<hbm>> -> memref<1x104x128xi32, #tpu.memory_space<hbm>>
      %dma_wait3A_1797 = tpu.memref_squeeze %dma_wait3A_1796 : memref<1x104x128xi32, #tpu.memory_space<hbm>> -> memref<104x128xi32, #tpu.memory_space<hbm>>
      tpu.wait_dma2 semaphore(%run_scoped3A : memref<!tpu.dma_semaphore, #tpu.memory_space<semaphore_mem>>) src(%dma_wait3A_1797 : memref<104x128xi32, #tpu.memory_space<hbm>>) dst(%arg5 : memref<104x128xi32, #tpu.memory_space<vmem>>)
      tpu.yield
    }) : () -> ()
    %dma_start3A = arith.constant 0 : i32
    %dma_start3A_3 = arith.constant 0 : i32
    %dma_start3A_4 = arith.constant 0 : i32
    %dma_start3A_5 = arith.constant 0 : i32
    %dma_start3A_6 = tpu.memref_slice %arg6[%dma_start3A_3, %dma_start3A_4, %dma_start3A_5] : memref<2x1024x32xf32, #tpu.memory_space<vmem>> -> memref<1x128x32xf32, #tpu.memory_space<vmem>>
    %dma_start3A_7 = tpu.memref_squeeze %dma_start3A_6 : memref<1x128x32xf32, #tpu.memory_space<vmem>> -> memref<128x32xf32, #tpu.memory_space<vmem>>
    %dma_start3A_8 = arith.constant 0 : i32
    %dma_start3A_9 = tpu.memref_slice %arg5[%dma_start3A, %dma_start3A_8] : memref<104x128xi32, #tpu.memory_space<vmem>> -> memref<1x128xi32, #tpu.memory_space<vmem>>
    %dma_start3A_10 = tpu.memref_squeeze %dma_start3A_9 : memref<1x128xi32, #tpu.memory_space<vmem>> -> memref<128xi32, #tpu.memory_space<vmem>>
    %dma_start3A_11 = arith.constant 0 : i32
    %dma_start3A_12 = arith.constant 0 : i32
    %dma_start3A_13 = tpu.memref_slice %arg2[%dma_start3A_11, %dma_start3A_12] : memref<1000000x32xf32, #tpu.memory_space<hbm>> -> memref<1000000x32xf32, #tpu.memory_space<hbm>>
    tpu.enqueue_indirect_dma source(%dma_start3A_13 : memref<1000000x32xf32, #tpu.memory_space<hbm>>) target(%dma_start3A_7 : memref<128x32xf32, #tpu.memory_space<vmem>>) offsets(%dma_start3A_10 : memref<128xi32, #tpu.memory_space<vmem>>) semaphore(%arg7 : memref<!tpu.dma_semaphore, #tpu.memory_space<semaphore_mem>>)
    %dma_start3A_14 = arith.constant 1 : i32
    %dma_start3A_15 = arith.constant 0 : i32
    %dma_start3A_16 = arith.constant 128 : i32
    %dma_start3A_17 = arith.constant 0 : i32
    %dma_start3A_18 = tpu.memref_slice %arg6[%dma_start3A_15, %dma_start3A_16, %dma_start3A_17] : memref<2x1024x32xf32, #tpu.memory_space<vmem>> -> memref<1x128x32xf32, #tpu.memory_space<vmem>>
    %dma_start3A_19 = tpu.memref_squeeze %dma_start3A_18 : memref<1x128x32xf32, #tpu.memory_space<vmem>> -> memref<128x32xf32, #tpu.memory_space<vmem>>
    %dma_start3A_20 = arith.constant 0 : i32
    %dma_start3A_21 = tpu.memref_slice %arg5[%dma_start3A_14, %dma_start3A_20] : memref<104x128xi32, #tpu.memory_space<vmem>> -> memref<1x128xi32, #tpu.memory_space<vmem>>
    %dma_start3A_22 = tpu.memref_squeeze %dma_start3A_21 : memref<1x128xi32, #tpu.memory_space<vmem>> -> memref<128xi32, #tpu.memory_space<vmem>>
    %dma_start3A_23 = arith.constant 0 : i32
    %dma_start3A_24 = arith.constant 0 : i32
    %dma_start3A_25 = tpu.memref_slice %arg2[%dma_start3A_23, %dma_start3A_24] : memref<1000000x32xf32, #tpu.memory_space<hbm>> -> memref<1000000x32xf32, #tpu.memory_space<hbm>>
    tpu.enqueue_indirect_dma source(%dma_start3A_25 : memref<1000000x32xf32, #tpu.memory_space<hbm>>) target(%dma_start3A_19 : memref<128x32xf32, #tpu.memory_space<vmem>>) offsets(%dma_start3A_22 : memref<128xi32, #tpu.memory_space<vmem>>) semaphore(%arg7 : memref<!tpu.dma_semaphore, #tpu.memory_space<semaphore_mem>>)
    %dma_start3A_26 = arith.constant 2 : i32
    %dma_start3A_27 = arith.constant 0 : i32
    %dma_start3A_28 = arith.constant 256 : i32
    %dma_start3A_29 = arith.constant 0 : i32
    %dma_start3A_30 = tpu.memref_slice %arg6[%dma_start3A_27, %dma_start3A_28, %dma_start3A_29] : memref<2x1024x32xf32, #tpu.memory_space<vmem>> -> memref<1x128x32xf32, #tpu.memory_space<vmem>>
    %dma_start3A_31 = tpu.memref_squeeze %dma_start3A_30 : memref<1x128x32xf32, #tpu.memory_space<vmem>> -> memref<128x32xf32, #tpu.memory_space<vmem>>
    %dma_start3A_32 = arith.constant 0 : i32
    %dma_start3A_33 = tpu.memref_slice %arg5[%dma_start3A_26, %dma_start3A_32] : memref<104x128xi32, #tpu.memory_space<vmem>> -> memref<1x128xi32, #tpu.memory_space<vmem>>
    %dma_start3A_34 = tpu.memref_squeeze %dma_start3A_33 : memref<1x128xi32, #tpu.memory_space<vmem>> -> memref<128xi32, #tpu.memory_space<vmem>>
    %dma_start3A_35 = arith.constant 0 : i32
    %dma_start3A_36 = arith.constant 0 : i32
    %dma_start3A_37 = tpu.memref_slice %arg2[%dma_start3A_35, %dma_start3A_36] : memref<1000000x32xf32, #tpu.memory_space<hbm>> -> memref<1000000x32xf32, #tpu.memory_space<hbm>>
    tpu.enqueue_indirect_dma source(%dma_start3A_37 : memref<1000000x32xf32, #tpu.memory_space<hbm>>) target(%dma_start3A_31 : memref<128x32xf32, #tpu.memory_space<vmem>>) offsets(%dma_start3A_34 : memref<128xi32, #tpu.memory_space<vmem>>) semaphore(%arg7 : memref<!tpu.dma_semaphore, #tpu.memory_space<semaphore_mem>>)
    %dma_start3A_38 = arith.constant 3 : i32
    %dma_start3A_39 = arith.constant 0 : i32
    %dma_start3A_40 = arith.constant 384 : i32
    %dma_start3A_41 = arith.constant 0 : i32
    %dma_start3A_42 = tpu.memref_slice %arg6[%dma_start3A_39, %dma_start3A_40, %dma_start3A_41] : memref<2x1024x32xf32, #tpu.memory_space<vmem>> -> memref<1x128x32xf32, #tpu.memory_space<vmem>>
    %dma_start3A_43 = tpu.memref_squeeze %dma_start3A_42 : memref<1x128x32xf32, #tpu.memory_space<vmem>> -> memref<128x32xf32, #tpu.memory_space<vmem>>
    %dma_start3A_44 = arith.constant 0 : i32
    %dma_start3A_45 = tpu.memref_slice %arg5[%dma_start3A_38, %dma_start3A_44] : memref<104x128xi32, #tpu.memory_space<vmem>> -> memref<1x128xi32, #tpu.memory_space<vmem>>
    %dma_start3A_46 = tpu.memref_squeeze %dma_start3A_45 : memref<1x128xi32, #tpu.memory_space<vmem>> -> memref<128xi32, #tpu.memory_space<vmem>>
    %dma_start3A_47 = arith.constant 0 : i32
    %dma_start3A_48 = arith.constant 0 : i32
    %dma_start3A_49 = tpu.memref_slice %arg2[%dma_start3A_47, %dma_start3A_48] : memref<1000000x32xf32, #tpu.memory_space<hbm>> -> memref<1000000x32xf32, #tpu.memory_space<hbm>>
    tpu.enqueue_indirect_dma source(%dma_start3A_49 : memref<1000000x32xf32, #tpu.memory_space<hbm>>) target(%dma_start3A_43 : memref<128x32xf32, #tpu.memory_space<vmem>>) offsets(%dma_start3A_46 : memref<128xi32, #tpu.memory_space<vmem>>) semaphore(%arg7 : memref<!tpu.dma_semaphore, #tpu.memory_space<semaphore_mem>>)
    %dma_start3A_50 = arith.constant 4 : i32
    %dma_start3A_51 = arith.constant 0 : i32
    %dma_start3A_52 = arith.constant 512 : i32
    %dma_start3A_53 = arith.constant 0 : i32
    %dma_start3A_54 = tpu.memref_slice %arg6[%dma_start3A_51, %dma_start3A_52, %dma_start3A_53] : memref<2x1024x32xf32, #tpu.memory_space<vmem>> -> memref<1x128x32xf32, #tpu.memory_space<vmem>>
    %dma_start3A_55 = tpu.memref_squeeze %dma_start3A_54 : memref<1x128x32xf32, #tpu.memory_space<vmem>> -> memref<128x32xf32, #tpu.memory_space<vmem>>
    %dma_start3A_56 = arith.constant 0 : i32
    %dma_start3A_57 = tpu.memref_slice %arg5[%dma_start3A_50, %dma_start3A_56] : memref<104x128xi32, #tpu.memory_space<vmem>> -> memref<1x128xi32, #tpu.memory_space<vmem>>
    %dma_start3A_58 = tpu.memref_squeeze %dma_start3A_57 : memref<1x128xi32, #tpu.memory_space<vmem>> -> memref<128xi32, #tpu.memory_space<vmem>>
    %dma_start3A_59 = arith.constant 0 : i32
    %dma_start3A_60 = arith.constant 0 : i32
    %dma_start3A_61 = tpu.memref_slice %arg2[%dma_start3A_59, %dma_start3A_60] : memref<1000000x32xf32, #tpu.memory_space<hbm>> -> memref<1000000x32xf32, #tpu.memory_space<hbm>>
    tpu.enqueue_indirect_dma source(%dma_start3A_61 : memref<1000000x32xf32, #tpu.memory_space<hbm>>) target(%dma_start3A_55 : memref<128x32xf32, #tpu.memory_space<vmem>>) offsets(%dma_start3A_58 : memref<128xi32, #tpu.memory_space<vmem>>) semaphore(%arg7 : memref<!tpu.dma_semaphore, #tpu.memory_space<semaphore_mem>>)
    %dma_start3A_62 = arith.constant 5 : i32
    %dma_start3A_63 = arith.constant 0 : i32
    %dma_start3A_64 = arith.constant 640 : i32
    %dma_start3A_65 = arith.constant 0 : i32
    %dma_start3A_66 = tpu.memref_slice %arg6[%dma_start3A_63, %dma_start3A_64, %dma_start3A_65] : memref<2x1024x32xf32, #tpu.memory_space<vmem>> -> memref<1x128x32xf32, #tpu.memory_space<vmem>>
    %dma_start3A_67 = tpu.memref_squeeze %dma_start3A_66 : memref<1x128x32xf32, #tpu.memory_space<vmem>> -> memref<128x32xf32, #tpu.memory_space<vmem>>
    %dma_start3A_68 = arith.constant 0 : i32
    %dma_start3A_69 = tpu.memref_slice %arg5[%dma_start3A_62, %dma_start3A_68] : memref<104x128xi32, #tpu.memory_space<vmem>> -> memref<1x128xi32, #tpu.memory_space<vmem>>
    %dma_start3A_70 = tpu.memref_squeeze %dma_start3A_69 : memref<1x128xi32, #tpu.memory_space<vmem>> -> memref<128xi32, #tpu.memory_space<vmem>>
    %dma_start3A_71 = arith.constant 0 : i32
    %dma_start3A_72 = arith.constant 0 : i32
    %dma_start3A_73 = tpu.memref_slice %arg2[%dma_start3A_71, %dma_start3A_72] : memref<1000000x32xf32, #tpu.memory_space<hbm>> -> memref<1000000x32xf32, #tpu.memory_space<hbm>>
    tpu.enqueue_indirect_dma source(%dma_start3A_73 : memref<1000000x32xf32, #tpu.memory_space<hbm>>) target(%dma_start3A_67 : memref<128x32xf32, #tpu.memory_space<vmem>>) offsets(%dma_start3A_70 : memref<128xi32, #tpu.memory_space<vmem>>) semaphore(%arg7 : memref<!tpu.dma_semaphore, #tpu.memory_space<semaphore_mem>>)
    %dma_start3A_74 = arith.constant 6 : i32
    %dma_start3A_75 = arith.constant 0 : i32
    %dma_start3A_76 = arith.constant 768 : i32
    %dma_start3A_77 = arith.constant 0 : i32
    %dma_start3A_78 = tpu.memref_slice %arg6[%dma_start3A_75, %dma_start3A_76, %dma_start3A_77] : memref<2x1024x32xf32, #tpu.memory_space<vmem>> -> memref<1x128x32xf32, #tpu.memory_space<vmem>>
    %dma_start3A_79 = tpu.memref_squeeze %dma_start3A_78 : memref<1x128x32xf32, #tpu.memory_space<vmem>> -> memref<128x32xf32, #tpu.memory_space<vmem>>
    %dma_start3A_80 = arith.constant 0 : i32
    %dma_start3A_81 = tpu.memref_slice %arg5[%dma_start3A_74, %dma_start3A_80] : memref<104x128xi32, #tpu.memory_space<vmem>> -> memref<1x128xi32, #tpu.memory_space<vmem>>
    %dma_start3A_82 = tpu.memref_squeeze %dma_start3A_81 : memref<1x128xi32, #tpu.memory_space<vmem>> -> memref<128xi32, #tpu.memory_space<vmem>>
    %dma_start3A_83 = arith.constant 0 : i32
    %dma_start3A_84 = arith.constant 0 : i32
    %dma_start3A_85 = tpu.memref_slice %arg2[%dma_start3A_83, %dma_start3A_84] : memref<1000000x32xf32, #tpu.memory_space<hbm>> -> memref<1000000x32xf32, #tpu.memory_space<hbm>>
    tpu.enqueue_indirect_dma source(%dma_start3A_85 : memref<1000000x32xf32, #tpu.memory_space<hbm>>) target(%dma_start3A_79 : memref<128x32xf32, #tpu.memory_space<vmem>>) offsets(%dma_start3A_82 : memref<128xi32, #tpu.memory_space<vmem>>) semaphore(%arg7 : memref<!tpu.dma_semaphore, #tpu.memory_space<semaphore_mem>>)
    %dma_start3A_86 = arith.constant 7 : i32
    %dma_start3A_87 = arith.constant 0 : i32
    %dma_start3A_88 = arith.constant 896 : i32
    %dma_start3A_89 = arith.constant 0 : i32
    %dma_start3A_90 = tpu.memref_slice %arg6[%dma_start3A_87, %dma_start3A_88, %dma_start3A_89] : memref<2x1024x32xf32, #tpu.memory_space<vmem>> -> memref<1x128x32xf32, #tpu.memory_space<vmem>>
    %dma_start3A_91 = tpu.memref_squeeze %dma_start3A_90 : memref<1x128x32xf32, #tpu.memory_space<vmem>> -> memref<128x32xf32, #tpu.memory_space<vmem>>
    %dma_start3A_92 = arith.constant 0 : i32
    %dma_start3A_93 = tpu.memref_slice %arg5[%dma_start3A_86, %dma_start3A_92] : memref<104x128xi32, #tpu.memory_space<vmem>> -> memref<1x128xi32, #tpu.memory_space<vmem>>
    %dma_start3A_94 = tpu.memref_squeeze %dma_start3A_93 : memref<1x128xi32, #tpu.memory_space<vmem>> -> memref<128xi32, #tpu.memory_space<vmem>>
    %dma_start3A_95 = arith.constant 0 : i32
    %dma_start3A_96 = arith.constant 0 : i32
    %dma_start3A_97 = tpu.memref_slice %arg2[%dma_start3A_95, %dma_start3A_96] : memref<1000000x32xf32, #tpu.memory_space<hbm>> -> memref<1000000x32xf32, #tpu.memory_space<hbm>>
    tpu.enqueue_indirect_dma source(%dma_start3A_97 : memref<1000000x32xf32, #tpu.memory_space<hbm>>) target(%dma_start3A_91 : memref<128x32xf32, #tpu.memory_space<vmem>>) offsets(%dma_start3A_94 : memref<128xi32, #tpu.memory_space<vmem>>) semaphore(%arg7 : memref<!tpu.dma_semaphore, #tpu.memory_space<semaphore_mem>>)
    %dma_start3A_98 = arith.constant 8 : i32
    %dma_start3A_99 = arith.constant 1 : i32
    %dma_start3A_100 = arith.constant 0 : i32
    %dma_start3A_101 = arith.constant 0 : i32
    %dma_start3A_102 = tpu.memref_slice %arg6[%dma_start3A_99, %dma_start3A_100, %dma_start3A_101] : memref<2x1024x32xf32, #tpu.memory_space<vmem>> -> memref<1x128x32xf32, #tpu.memory_space<vmem>>
    %dma_start3A_103 = tpu.memref_squeeze %dma_start3A_102 : memref<1x128x32xf32, #tpu.memory_space<vmem>> -> memref<128x32xf32, #tpu.memory_space<vmem>>
    %dma_start3A_104 = arith.constant 0 : i32
    %dma_start3A_105 = tpu.memref_slice %arg5[%dma_start3A_98, %dma_start3A_104] : memref<104x128xi32, #tpu.memory_space<vmem>> -> memref<1x128xi32, #tpu.memory_space<vmem>>
    %dma_start3A_106 = tpu.memref_squeeze %dma_start3A_105 : memref<1x128xi32, #tpu.memory_space<vmem>> -> memref<128xi32, #tpu.memory_space<vmem>>
    %dma_start3A_107 = arith.constant 0 : i32
    %dma_start3A_108 = arith.constant 0 : i32
    %dma_start3A_109 = tpu.memref_slice %arg2[%dma_start3A_107, %dma_start3A_108] : memref<1000000x32xf32, #tpu.memory_space<hbm>> -> memref<1000000x32xf32, #tpu.memory_space<hbm>>
    tpu.enqueue_indirect_dma source(%dma_start3A_109 : memref<1000000x32xf32, #tpu.memory_space<hbm>>) target(%dma_start3A_103 : memref<128x32xf32, #tpu.memory_space<vmem>>) offsets(%dma_start3A_106 : memref<128xi32, #tpu.memory_space<vmem>>) semaphore(%arg8 : memref<!tpu.dma_semaphore, #tpu.memory_space<semaphore_mem>>)
    %dma_start3A_110 = arith.constant 9 : i32
    %dma_start3A_111 = arith.constant 1 : i32
    %dma_start3A_112 = arith.constant 128 : i32
    %dma_start3A_113 = arith.constant 0 : i32
    %dma_start3A_114 = tpu.memref_slice %arg6[%dma_start3A_111, %dma_start3A_112, %dma_start3A_113] : memref<2x1024x32xf32, #tpu.memory_space<vmem>> -> memref<1x128x32xf32, #tpu.memory_space<vmem>>
    %dma_start3A_115 = tpu.memref_squeeze %dma_start3A_114 : memref<1x128x32xf32, #tpu.memory_space<vmem>> -> memref<128x32xf32, #tpu.memory_space<vmem>>
    %dma_start3A_116 = arith.constant 0 : i32
    %dma_start3A_117 = tpu.memref_slice %arg5[%dma_start3A_110, %dma_start3A_116] : memref<104x128xi32, #tpu.memory_space<vmem>> -> memref<1x128xi32, #tpu.memory_space<vmem>>
    %dma_start3A_118 = tpu.memref_squeeze %dma_start3A_117 : memref<1x128xi32, #tpu.memory_space<vmem>> -> memref<128xi32, #tpu.memory_space<vmem>>
    %dma_start3A_119 = arith.constant 0 : i32
    %dma_start3A_120 = arith.constant 0 : i32
    %dma_start3A_121 = tpu.memref_slice %arg2[%dma_start3A_119, %dma_start3A_120] : memref<1000000x32xf32, #tpu.memory_space<hbm>> -> memref<1000000x32xf32, #tpu.memory_space<hbm>>
    tpu.enqueue_indirect_dma source(%dma_start3A_121 : memref<1000000x32xf32, #tpu.memory_space<hbm>>) target(%dma_start3A_115 : memref<128x32xf32, #tpu.memory_space<vmem>>) offsets(%dma_start3A_118 : memref<128xi32, #tpu.memory_space<vmem>>) semaphore(%arg8 : memref<!tpu.dma_semaphore, #tpu.memory_space<semaphore_mem>>)
    %dma_start3A_122 = arith.constant 10 : i32
    %dma_start3A_123 = arith.constant 1 : i32
    %dma_start3A_124 = arith.constant 256 : i32
    %dma_start3A_125 = arith.constant 0 : i32
    %dma_start3A_126 = tpu.memref_slice %arg6[%dma_start3A_123, %dma_start3A_124, %dma_start3A_125] : memref<2x1024x32xf32, #tpu.memory_space<vmem>> -> memref<1x128x32xf32, #tpu.memory_space<vmem>>
    %dma_start3A_127 = tpu.memref_squeeze %dma_start3A_126 : memref<1x128x32xf32, #tpu.memory_space<vmem>> -> memref<128x32xf32, #tpu.memory_space<vmem>>
    %dma_start3A_128 = arith.constant 0 : i32
    %dma_start3A_129 = tpu.memref_slice %arg5[%dma_start3A_122, %dma_start3A_128] : memref<104x128xi32, #tpu.memory_space<vmem>> -> memref<1x128xi32, #tpu.memory_space<vmem>>
    %dma_start3A_130 = tpu.memref_squeeze %dma_start3A_129 : memref<1x128xi32, #tpu.memory_space<vmem>> -> memref<128xi32, #tpu.memory_space<vmem>>
    %dma_start3A_131 = arith.constant 0 : i32
    %dma_start3A_132 = arith.constant 0 : i32
    %dma_start3A_133 = tpu.memref_slice %arg2[%dma_start3A_131, %dma_start3A_132] : memref<1000000x32xf32, #tpu.memory_space<hbm>> -> memref<1000000x32xf32, #tpu.memory_space<hbm>>
    tpu.enqueue_indirect_dma source(%dma_start3A_133 : memref<1000000x32xf32, #tpu.memory_space<hbm>>) target(%dma_start3A_127 : memref<128x32xf32, #tpu.memory_space<vmem>>) offsets(%dma_start3A_130 : memref<128xi32, #tpu.memory_space<vmem>>) semaphore(%arg8 : memref<!tpu.dma_semaphore, #tpu.memory_space<semaphore_mem>>)
    %dma_start3A_134 = arith.constant 11 : i32
    %dma_start3A_135 = arith.constant 1 : i32
    %dma_start3A_136 = arith.constant 384 : i32
    %dma_start3A_137 = arith.constant 0 : i32
    %dma_start3A_138 = tpu.memref_slice %arg6[%dma_start3A_135, %dma_start3A_136, %dma_start3A_137] : memref<2x1024x32xf32, #tpu.memory_space<vmem>> -> memref<1x128x32xf32, #tpu.memory_space<vmem>>
    %dma_start3A_139 = tpu.memref_squeeze %dma_start3A_138 : memref<1x128x32xf32, #tpu.memory_space<vmem>> -> memref<128x32xf32, #tpu.memory_space<vmem>>
    %dma_start3A_140 = arith.constant 0 : i32
    %dma_start3A_141 = tpu.memref_slice %arg5[%dma_start3A_134, %dma_start3A_140] : memref<104x128xi32, #tpu.memory_space<vmem>> -> memref<1x128xi32, #tpu.memory_space<vmem>>
    %dma_start3A_142 = tpu.memref_squeeze %dma_start3A_141 : memref<1x128xi32, #tpu.memory_space<vmem>> -> memref<128xi32, #tpu.memory_space<vmem>>
    %dma_start3A_143 = arith.constant 0 : i32
    %dma_start3A_144 = arith.constant 0 : i32
    %dma_start3A_145 = tpu.memref_slice %arg2[%dma_start3A_143, %dma_start3A_144] : memref<1000000x32xf32, #tpu.memory_space<hbm>> -> memref<1000000x32xf32, #tpu.memory_space<hbm>>
    tpu.enqueue_indirect_dma source(%dma_start3A_145 : memref<1000000x32xf32, #tpu.memory_space<hbm>>) target(%dma_start3A_139 : memref<128x32xf32, #tpu.memory_space<vmem>>) offsets(%dma_start3A_142 : memref<128xi32, #tpu.memory_space<vmem>>) semaphore(%arg8 : memref<!tpu.dma_semaphore, #tpu.memory_space<semaphore_mem>>)
    %dma_start3A_146 = arith.constant 12 : i32
    %dma_start3A_147 = arith.constant 1 : i32
    %dma_start3A_148 = arith.constant 512 : i32
    %dma_start3A_149 = arith.constant 0 : i32
    %dma_start3A_150 = tpu.memref_slice %arg6[%dma_start3A_147, %dma_start3A_148, %dma_start3A_149] : memref<2x1024x32xf32, #tpu.memory_space<vmem>> -> memref<1x128x32xf32, #tpu.memory_space<vmem>>
    %dma_start3A_151 = tpu.memref_squeeze %dma_start3A_150 : memref<1x128x32xf32, #tpu.memory_space<vmem>> -> memref<128x32xf32, #tpu.memory_space<vmem>>
    %dma_start3A_152 = arith.constant 0 : i32
    %dma_start3A_153 = tpu.memref_slice %arg5[%dma_start3A_146, %dma_start3A_152] : memref<104x128xi32, #tpu.memory_space<vmem>> -> memref<1x128xi32, #tpu.memory_space<vmem>>
    %dma_start3A_154 = tpu.memref_squeeze %dma_start3A_153 : memref<1x128xi32, #tpu.memory_space<vmem>> -> memref<128xi32, #tpu.memory_space<vmem>>
    %dma_start3A_155 = arith.constant 0 : i32
    %dma_start3A_156 = arith.constant 0 : i32
    %dma_start3A_157 = tpu.memref_slice %arg2[%dma_start3A_155, %dma_start3A_156] : memref<1000000x32xf32, #tpu.memory_space<hbm>> -> memref<1000000x32xf32, #tpu.memory_space<hbm>>
    tpu.enqueue_indirect_dma source(%dma_start3A_157 : memref<1000000x32xf32, #tpu.memory_space<hbm>>) target(%dma_start3A_151 : memref<128x32xf32, #tpu.memory_space<vmem>>) offsets(%dma_start3A_154 : memref<128xi32, #tpu.memory_space<vmem>>) semaphore(%arg8 : memref<!tpu.dma_semaphore, #tpu.memory_space<semaphore_mem>>)
    %dma_start3A_158 = arith.constant 13 : i32
    %dma_start3A_159 = arith.constant 1 : i32
    %dma_start3A_160 = arith.constant 640 : i32
    %dma_start3A_161 = arith.constant 0 : i32
    %dma_start3A_162 = tpu.memref_slice %arg6[%dma_start3A_159, %dma_start3A_160, %dma_start3A_161] : memref<2x1024x32xf32, #tpu.memory_space<vmem>> -> memref<1x128x32xf32, #tpu.memory_space<vmem>>
    %dma_start3A_163 = tpu.memref_squeeze %dma_start3A_162 : memref<1x128x32xf32, #tpu.memory_space<vmem>> -> memref<128x32xf32, #tpu.memory_space<vmem>>
    %dma_start3A_164 = arith.constant 0 : i32
    %dma_start3A_165 = tpu.memref_slice %arg5[%dma_start3A_158, %dma_start3A_164] : memref<104x128xi32, #tpu.memory_space<vmem>> -> memref<1x128xi32, #tpu.memory_space<vmem>>
    %dma_start3A_166 = tpu.memref_squeeze %dma_start3A_165 : memref<1x128xi32, #tpu.memory_space<vmem>> -> memref<128xi32, #tpu.memory_space<vmem>>
    %dma_start3A_167 = arith.constant 0 : i32
    %dma_start3A_168 = arith.constant 0 : i32
    %dma_start3A_169 = tpu.memref_slice %arg2[%dma_start3A_167, %dma_start3A_168] : memref<1000000x32xf32, #tpu.memory_space<hbm>> -> memref<1000000x32xf32, #tpu.memory_space<hbm>>
    tpu.enqueue_indirect_dma source(%dma_start3A_169 : memref<1000000x32xf32, #tpu.memory_space<hbm>>) target(%dma_start3A_163 : memref<128x32xf32, #tpu.memory_space<vmem>>) offsets(%dma_start3A_166 : memref<128xi32, #tpu.memory_space<vmem>>) semaphore(%arg8 : memref<!tpu.dma_semaphore, #tpu.memory_space<semaphore_mem>>)
    %dma_start3A_170 = arith.constant 14 : i32
    %dma_start3A_171 = arith.constant 1 : i32
    %dma_start3A_172 = arith.constant 768 : i32
    %dma_start3A_173 = arith.constant 0 : i32
    %dma_start3A_174 = tpu.memref_slice %arg6[%dma_start3A_171, %dma_start3A_172, %dma_start3A_173] : memref<2x1024x32xf32, #tpu.memory_space<vmem>> -> memref<1x128x32xf32, #tpu.memory_space<vmem>>
    %dma_start3A_175 = tpu.memref_squeeze %dma_start3A_174 : memref<1x128x32xf32, #tpu.memory_space<vmem>> -> memref<128x32xf32, #tpu.memory_space<vmem>>
    %dma_start3A_176 = arith.constant 0 : i32
    %dma_start3A_177 = tpu.memref_slice %arg5[%dma_start3A_170, %dma_start3A_176] : memref<104x128xi32, #tpu.memory_space<vmem>> -> memref<1x128xi32, #tpu.memory_space<vmem>>
    %dma_start3A_178 = tpu.memref_squeeze %dma_start3A_177 : memref<1x128xi32, #tpu.memory_space<vmem>> -> memref<128xi32, #tpu.memory_space<vmem>>
    %dma_start3A_179 = arith.constant 0 : i32
    %dma_start3A_180 = arith.constant 0 : i32
    %dma_start3A_181 = tpu.memref_slice %arg2[%dma_start3A_179, %dma_start3A_180] : memref<1000000x32xf32, #tpu.memory_space<hbm>> -> memref<1000000x32xf32, #tpu.memory_space<hbm>>
    tpu.enqueue_indirect_dma source(%dma_start3A_181 : memref<1000000x32xf32, #tpu.memory_space<hbm>>) target(%dma_start3A_175 : memref<128x32xf32, #tpu.memory_space<vmem>>) offsets(%dma_start3A_178 : memref<128xi32, #tpu.memory_space<vmem>>) semaphore(%arg8 : memref<!tpu.dma_semaphore, #tpu.memory_space<semaphore_mem>>)
    %dma_start3A_182 = arith.constant 15 : i32
    %dma_start3A_183 = arith.constant 1 : i32
    %dma_start3A_184 = arith.constant 896 : i32
    %dma_start3A_185 = arith.constant 0 : i32
    %dma_start3A_186 = tpu.memref_slice %arg6[%dma_start3A_183, %dma_start3A_184, %dma_start3A_185] : memref<2x1024x32xf32, #tpu.memory_space<vmem>> -> memref<1x128x32xf32, #tpu.memory_space<vmem>>
    %dma_start3A_187 = tpu.memref_squeeze %dma_start3A_186 : memref<1x128x32xf32, #tpu.memory_space<vmem>> -> memref<128x32xf32, #tpu.memory_space<vmem>>
    %dma_start3A_188 = arith.constant 0 : i32
    %dma_start3A_189 = tpu.memref_slice %arg5[%dma_start3A_182, %dma_start3A_188] : memref<104x128xi32, #tpu.memory_space<vmem>> -> memref<1x128xi32, #tpu.memory_space<vmem>>
    %dma_start3A_190 = tpu.memref_squeeze %dma_start3A_189 : memref<1x128xi32, #tpu.memory_space<vmem>> -> memref<128xi32, #tpu.memory_space<vmem>>
    %dma_start3A_191 = arith.constant 0 : i32
    %dma_start3A_192 = arith.constant 0 : i32
    %dma_start3A_193 = tpu.memref_slice %arg2[%dma_start3A_191, %dma_start3A_192] : memref<1000000x32xf32, #tpu.memory_space<hbm>> -> memref<1000000x32xf32, #tpu.memory_space<hbm>>
    tpu.enqueue_indirect_dma source(%dma_start3A_193 : memref<1000000x32xf32, #tpu.memory_space<hbm>>) target(%dma_start3A_187 : memref<128x32xf32, #tpu.memory_space<vmem>>) offsets(%dma_start3A_190 : memref<128xi32, #tpu.memory_space<vmem>>) semaphore(%arg8 : memref<!tpu.dma_semaphore, #tpu.memory_space<semaphore_mem>>)
    %dma_wait3A = arith.constant 0 : i32
    %dma_wait3A_194 = arith.constant 0 : i32
    %dma_wait3A_195 = arith.constant 0 : i32
    %dma_wait3A_196 = tpu.memref_slice %arg6[%dma_wait3A, %dma_wait3A_194, %dma_wait3A_195] : memref<2x1024x32xf32, #tpu.memory_space<vmem>> -> memref<1x1024x32xf32, #tpu.memory_space<vmem>>
    %dma_wait3A_197 = tpu.memref_squeeze %dma_wait3A_196 : memref<1x1024x32xf32, #tpu.memory_space<vmem>> -> memref<1024x32xf32, #tpu.memory_space<vmem>>
    %dma_wait3A_198 = arith.constant 0 : i32
    %dma_wait3A_199 = tpu.memref_slice %arg4[%mul3A_2, %dma_wait3A_198] : memref<425984x32xf32, #tpu.memory_space<hbm>> -> memref<1024x32xf32, #tpu.memory_space<hbm>>
    %dma_wait3A_200 = arith.constant 0 : i32
    %dma_wait3A_201 = tpu.memref_slice %arg4[%mul3A_2, %dma_wait3A_200] : memref<425984x32xf32, #tpu.memory_space<hbm>> -> memref<1024x32xf32, #tpu.memory_space<hbm>>
    %dma_wait3A_202 = arith.constant 0 : i32
    %dma_wait3A_203 = arith.constant 0 : i32
    %dma_wait3A_204 = tpu.memref_slice %arg6[%dma_wait3A, %dma_wait3A_202, %dma_wait3A_203] : memref<2x1024x32xf32, #tpu.memory_space<vmem>> -> memref<1x1024x32xf32, #tpu.memory_space<vmem>>
    %dma_wait3A_205 = tpu.memref_squeeze %dma_wait3A_204 : memref<1x1024x32xf32, #tpu.memory_space<vmem>> -> memref<1024x32xf32, #tpu.memory_space<vmem>>
    tpu.wait_dma2 semaphore(%arg7 : memref<!tpu.dma_semaphore, #tpu.memory_space<semaphore_mem>>) src(%dma_wait3A_205 : memref<1024x32xf32, #tpu.memory_space<vmem>>) dst(%dma_wait3A_201 : memref<1024x32xf32, #tpu.memory_space<hbm>>)
    %add3A_206 = arith.constant 0 : i32
    %add3A_207 = arith.addi %mul3A_2, %add3A_206 : i32
    %dma_start3A_208 = arith.constant 0 : i32
    %dma_start3A_209 = arith.constant 0 : i32
    %dma_start3A_210 = arith.constant 0 : i32
    %dma_start3A_211 = tpu.memref_slice %arg6[%dma_start3A_208, %dma_start3A_209, %dma_start3A_210] : memref<2x1024x32xf32, #tpu.memory_space<vmem>> -> memref<1x1024x32xf32, #tpu.memory_space<vmem>>
    %dma_start3A_212 = tpu.memref_squeeze %dma_start3A_211 : memref<1x1024x32xf32, #tpu.memory_space<vmem>> -> memref<1024x32xf32, #tpu.memory_space<vmem>>
    %dma_start3A_213 = arith.constant 0 : i32
    %dma_start3A_214 = tpu.memref_slice %arg4[%add3A_207, %dma_start3A_213] : memref<425984x32xf32, #tpu.memory_space<hbm>> -> memref<1024x32xf32, #tpu.memory_space<hbm>>
    %dma_start3A_215 = arith.constant 0 : i32
    %dma_start3A_216 = tpu.memref_slice %arg4[%add3A_207, %dma_start3A_215] : memref<425984x32xf32, #tpu.memory_space<hbm>> -> memref<1024x32xf32, #tpu.memory_space<hbm>>
    %dma_start3A_217 = arith.constant 0 : i32
    %dma_start3A_218 = arith.constant 0 : i32
    %dma_start3A_219 = tpu.memref_slice %arg6[%dma_start3A_208, %dma_start3A_217, %dma_start3A_218] : memref<2x1024x32xf32, #tpu.memory_space<vmem>> -> memref<1x1024x32xf32, #tpu.memory_space<vmem>>
    %dma_start3A_220 = tpu.memref_squeeze %dma_start3A_219 : memref<1x1024x32xf32, #tpu.memory_space<vmem>> -> memref<1024x32xf32, #tpu.memory_space<vmem>>
    tpu.enqueue_dma source(%dma_start3A_220 : memref<1024x32xf32, #tpu.memory_space<vmem>>) target(%dma_start3A_216 : memref<1024x32xf32, #tpu.memory_space<hbm>>) target_semaphore(%arg9 : memref<!tpu.dma_semaphore, #tpu.memory_space<semaphore_mem>>)
    %dma_wait3A_221 = arith.constant 0 : i32
    %dma_wait3A_222 = arith.constant 0 : i32
    %dma_wait3A_223 = arith.constant 0 : i32
    %dma_wait3A_224 = tpu.memref_slice %arg6[%dma_wait3A_221, %dma_wait3A_222, %dma_wait3A_223] : memref<2x1024x32xf32, #tpu.memory_space<vmem>> -> memref<1x1024x32xf32, #tpu.memory_space<vmem>>
    %dma_wait3A_225 = tpu.memref_squeeze %dma_wait3A_224 : memref<1x1024x32xf32, #tpu.memory_space<vmem>> -> memref<1024x32xf32, #tpu.memory_space<vmem>>
    %dma_wait3A_226 = arith.constant 0 : i32
    %dma_wait3A_227 = tpu.memref_slice %arg4[%mul3A_2, %dma_wait3A_226] : memref<425984x32xf32, #tpu.memory_space<hbm>> -> memref<1024x32xf32, #tpu.memory_space<hbm>>
    %dma_wait3A_228 = arith.constant 0 : i32
    %dma_wait3A_229 = tpu.memref_slice %arg4[%mul3A_2, %dma_wait3A_228] : memref<425984x32xf32, #tpu.memory_space<hbm>> -> memref<1024x32xf32, #tpu.memory_space<hbm>>
    %dma_wait3A_230 = arith.constant 0 : i32
    %dma_wait3A_231 = arith.constant 0 : i32
    %dma_wait3A_232 = tpu.memref_slice %arg6[%dma_wait3A_221, %dma_wait3A_230, %dma_wait3A_231] : memref<2x1024x32xf32, #tpu.memory_space<vmem>> -> memref<1x1024x32xf32, #tpu.memory_space<vmem>>
    %dma_wait3A_233 = tpu.memref_squeeze %dma_wait3A_232 : memref<1x1024x32xf32, #tpu.memory_space<vmem>> -> memref<1024x32xf32, #tpu.memory_space<vmem>>
    tpu.wait_dma2 semaphore(%arg9 : memref<!tpu.dma_semaphore, #tpu.memory_space<semaphore_mem>>) src(%dma_wait3A_233 : memref<1024x32xf32, #tpu.memory_space<vmem>>) dst(%dma_wait3A_229 : memref<1024x32xf32, #tpu.memory_space<hbm>>)
    %dma_start3A_234 = arith.constant 16 : i32
    %dma_start3A_235 = arith.constant 0 : i32
    %dma_start3A_236 = arith.constant 0 : i32
    %dma_start3A_237 = arith.constant 0 : i32
    %dma_start3A_238 = tpu.memref_slice %arg6[%dma_start3A_235, %dma_start3A_236, %dma_start3A_237] : memref<2x1024x32xf32, #tpu.memory_space<vmem>> -> memref<1x128x32xf32, #tpu.memory_space<vmem>>
    %dma_start3A_239 = tpu.memref_squeeze %dma_start3A_238 : memref<1x128x32xf32, #tpu.memory_space<vmem>> -> memref<128x32xf32, #tpu.memory_space<vmem>>
    %dma_start3A_240 = arith.constant 0 : i32
    %dma_start3A_241 = tpu.memref_slice %arg5[%dma_start3A_234, %dma_start3A_240] : memref<104x128xi32, #tpu.memory_space<vmem>> -> memref<1x128xi32, #tpu.memory_space<vmem>>
    %dma_start3A_242 = tpu.memref_squeeze %dma_start3A_241 : memref<1x128xi32, #tpu.memory_space<vmem>> -> memref<128xi32, #tpu.memory_space<vmem>>
    %dma_start3A_243 = arith.constant 0 : i32
    %dma_start3A_244 = arith.constant 0 : i32
    %dma_start3A_245 = tpu.memref_slice %arg2[%dma_start3A_243, %dma_start3A_244] : memref<1000000x32xf32, #tpu.memory_space<hbm>> -> memref<1000000x32xf32, #tpu.memory_space<hbm>>
    tpu.enqueue_indirect_dma source(%dma_start3A_245 : memref<1000000x32xf32, #tpu.memory_space<hbm>>) target(%dma_start3A_239 : memref<128x32xf32, #tpu.memory_space<vmem>>) offsets(%dma_start3A_242 : memref<128xi32, #tpu.memory_space<vmem>>) semaphore(%arg7 : memref<!tpu.dma_semaphore, #tpu.memory_space<semaphore_mem>>)
    %dma_start3A_246 = arith.constant 17 : i32
    %dma_start3A_247 = arith.constant 0 : i32
    %dma_start3A_248 = arith.constant 128 : i32
    %dma_start3A_249 = arith.constant 0 : i32
    %dma_start3A_250 = tpu.memref_slice %arg6[%dma_start3A_247, %dma_start3A_248, %dma_start3A_249] : memref<2x1024x32xf32, #tpu.memory_space<vmem>> -> memref<1x128x32xf32, #tpu.memory_space<vmem>>
    %dma_start3A_251 = tpu.memref_squeeze %dma_start3A_250 : memref<1x128x32xf32, #tpu.memory_space<vmem>> -> memref<128x32xf32, #tpu.memory_space<vmem>>
    %dma_start3A_252 = arith.constant 0 : i32
    %dma_start3A_253 = tpu.memref_slice %arg5[%dma_start3A_246, %dma_start3A_252] : memref<104x128xi32, #tpu.memory_space<vmem>> -> memref<1x128xi32, #tpu.memory_space<vmem>>
    %dma_start3A_254 = tpu.memref_squeeze %dma_start3A_253 : memref<1x128xi32, #tpu.memory_space<vmem>> -> memref<128xi32, #tpu.memory_space<vmem>>
    %dma_start3A_255 = arith.constant 0 : i32
    %dma_start3A_256 = arith.constant 0 : i32
    %dma_start3A_257 = tpu.memref_slice %arg2[%dma_start3A_255, %dma_start3A_256] : memref<1000000x32xf32, #tpu.memory_space<hbm>> -> memref<1000000x32xf32, #tpu.memory_space<hbm>>
    tpu.enqueue_indirect_dma source(%dma_start3A_257 : memref<1000000x32xf32, #tpu.memory_space<hbm>>) target(%dma_start3A_251 : memref<128x32xf32, #tpu.memory_space<vmem>>) offsets(%dma_start3A_254 : memref<128xi32, #tpu.memory_space<vmem>>) semaphore(%arg7 : memref<!tpu.dma_semaphore, #tpu.memory_space<semaphore_mem>>)
    %dma_start3A_258 = arith.constant 18 : i32
    %dma_start3A_259 = arith.constant 0 : i32
    %dma_start3A_260 = arith.constant 256 : i32
    %dma_start3A_261 = arith.constant 0 : i32
    %dma_start3A_262 = tpu.memref_slice %arg6[%dma_start3A_259, %dma_start3A_260, %dma_start3A_261] : memref<2x1024x32xf32, #tpu.memory_space<vmem>> -> memref<1x128x32xf32, #tpu.memory_space<vmem>>
    %dma_start3A_263 = tpu.memref_squeeze %dma_start3A_262 : memref<1x128x32xf32, #tpu.memory_space<vmem>> -> memref<128x32xf32, #tpu.memory_space<vmem>>
    %dma_start3A_264 = arith.constant 0 : i32
    %dma_start3A_265 = tpu.memref_slice %arg5[%dma_start3A_258, %dma_start3A_264] : memref<104x128xi32, #tpu.memory_space<vmem>> -> memref<1x128xi32, #tpu.memory_space<vmem>>
    %dma_start3A_266 = tpu.memref_squeeze %dma_start3A_265 : memref<1x128xi32, #tpu.memory_space<vmem>> -> memref<128xi32, #tpu.memory_space<vmem>>
    %dma_start3A_267 = arith.constant 0 : i32
    %dma_start3A_268 = arith.constant 0 : i32
    %dma_start3A_269 = tpu.memref_slice %arg2[%dma_start3A_267, %dma_start3A_268] : memref<1000000x32xf32, #tpu.memory_space<hbm>> -> memref<1000000x32xf32, #tpu.memory_space<hbm>>
    tpu.enqueue_indirect_dma source(%dma_start3A_269 : memref<1000000x32xf32, #tpu.memory_space<hbm>>) target(%dma_start3A_263 : memref<128x32xf32, #tpu.memory_space<vmem>>) offsets(%dma_start3A_266 : memref<128xi32, #tpu.memory_space<vmem>>) semaphore(%arg7 : memref<!tpu.dma_semaphore, #tpu.memory_space<semaphore_mem>>)
    %dma_start3A_270 = arith.constant 19 : i32
    %dma_start3A_271 = arith.constant 0 : i32
    %dma_start3A_272 = arith.constant 384 : i32
    %dma_start3A_273 = arith.constant 0 : i32
    %dma_start3A_274 = tpu.memref_slice %arg6[%dma_start3A_271, %dma_start3A_272, %dma_start3A_273] : memref<2x1024x32xf32, #tpu.memory_space<vmem>> -> memref<1x128x32xf32, #tpu.memory_space<vmem>>
    %dma_start3A_275 = tpu.memref_squeeze %dma_start3A_274 : memref<1x128x32xf32, #tpu.memory_space<vmem>> -> memref<128x32xf32, #tpu.memory_space<vmem>>
    %dma_start3A_276 = arith.constant 0 : i32
    %dma_start3A_277 = tpu.memref_slice %arg5[%dma_start3A_270, %dma_start3A_276] : memref<104x128xi32, #tpu.memory_space<vmem>> -> memref<1x128xi32, #tpu.memory_space<vmem>>
    %dma_start3A_278 = tpu.memref_squeeze %dma_start3A_277 : memref<1x128xi32, #tpu.memory_space<vmem>> -> memref<128xi32, #tpu.memory_space<vmem>>
    %dma_start3A_279 = arith.constant 0 : i32
    %dma_start3A_280 = arith.constant 0 : i32
    %dma_start3A_281 = tpu.memref_slice %arg2[%dma_start3A_279, %dma_start3A_280] : memref<1000000x32xf32, #tpu.memory_space<hbm>> -> memref<1000000x32xf32, #tpu.memory_space<hbm>>
    tpu.enqueue_indirect_dma source(%dma_start3A_281 : memref<1000000x32xf32, #tpu.memory_space<hbm>>) target(%dma_start3A_275 : memref<128x32xf32, #tpu.memory_space<vmem>>) offsets(%dma_start3A_278 : memref<128xi32, #tpu.memory_space<vmem>>) semaphore(%arg7 : memref<!tpu.dma_semaphore, #tpu.memory_space<semaphore_mem>>)
    %dma_start3A_282 = arith.constant 20 : i32
    %dma_start3A_283 = arith.constant 0 : i32
    %dma_start3A_284 = arith.constant 512 : i32
    %dma_start3A_285 = arith.constant 0 : i32
    %dma_start3A_286 = tpu.memref_slice %arg6[%dma_start3A_283, %dma_start3A_284, %dma_start3A_285] : memref<2x1024x32xf32, #tpu.memory_space<vmem>> -> memref<1x128x32xf32, #tpu.memory_space<vmem>>
    %dma_start3A_287 = tpu.memref_squeeze %dma_start3A_286 : memref<1x128x32xf32, #tpu.memory_space<vmem>> -> memref<128x32xf32, #tpu.memory_space<vmem>>
    %dma_start3A_288 = arith.constant 0 : i32
    %dma_start3A_289 = tpu.memref_slice %arg5[%dma_start3A_282, %dma_start3A_288] : memref<104x128xi32, #tpu.memory_space<vmem>> -> memref<1x128xi32, #tpu.memory_space<vmem>>
    %dma_start3A_290 = tpu.memref_squeeze %dma_start3A_289 : memref<1x128xi32, #tpu.memory_space<vmem>> -> memref<128xi32, #tpu.memory_space<vmem>>
    %dma_start3A_291 = arith.constant 0 : i32
    %dma_start3A_292 = arith.constant 0 : i32
    %dma_start3A_293 = tpu.memref_slice %arg2[%dma_start3A_291, %dma_start3A_292] : memref<1000000x32xf32, #tpu.memory_space<hbm>> -> memref<1000000x32xf32, #tpu.memory_space<hbm>>
    tpu.enqueue_indirect_dma source(%dma_start3A_293 : memref<1000000x32xf32, #tpu.memory_space<hbm>>) target(%dma_start3A_287 : memref<128x32xf32, #tpu.memory_space<vmem>>) offsets(%dma_start3A_290 : memref<128xi32, #tpu.memory_space<vmem>>) semaphore(%arg7 : memref<!tpu.dma_semaphore, #tpu.memory_space<semaphore_mem>>)
    %dma_start3A_294 = arith.constant 21 : i32
    %dma_start3A_295 = arith.constant 0 : i32
    %dma_start3A_296 = arith.constant 640 : i32
    %dma_start3A_297 = arith.constant 0 : i32
    %dma_start3A_298 = tpu.memref_slice %arg6[%dma_start3A_295, %dma_start3A_296, %dma_start3A_297] : memref<2x1024x32xf32, #tpu.memory_space<vmem>> -> memref<1x128x32xf32, #tpu.memory_space<vmem>>
    %dma_start3A_299 = tpu.memref_squeeze %dma_start3A_298 : memref<1x128x32xf32, #tpu.memory_space<vmem>> -> memref<128x32xf32, #tpu.memory_space<vmem>>
    %dma_start3A_300 = arith.constant 0 : i32
    %dma_start3A_301 = tpu.memref_slice %arg5[%dma_start3A_294, %dma_start3A_300] : memref<104x128xi32, #tpu.memory_space<vmem>> -> memref<1x128xi32, #tpu.memory_space<vmem>>
    %dma_start3A_302 = tpu.memref_squeeze %dma_start3A_301 : memref<1x128xi32, #tpu.memory_space<vmem>> -> memref<128xi32, #tpu.memory_space<vmem>>
    %dma_start3A_303 = arith.constant 0 : i32
    %dma_start3A_304 = arith.constant 0 : i32
    %dma_start3A_305 = tpu.memref_slice %arg2[%dma_start3A_303, %dma_start3A_304] : memref<1000000x32xf32, #tpu.memory_space<hbm>> -> memref<1000000x32xf32, #tpu.memory_space<hbm>>
    tpu.enqueue_indirect_dma source(%dma_start3A_305 : memref<1000000x32xf32, #tpu.memory_space<hbm>>) target(%dma_start3A_299 : memref<128x32xf32, #tpu.memory_space<vmem>>) offsets(%dma_start3A_302 : memref<128xi32, #tpu.memory_space<vmem>>) semaphore(%arg7 : memref<!tpu.dma_semaphore, #tpu.memory_space<semaphore_mem>>)
    %dma_start3A_306 = arith.constant 22 : i32
    %dma_start3A_307 = arith.constant 0 : i32
    %dma_start3A_308 = arith.constant 768 : i32
    %dma_start3A_309 = arith.constant 0 : i32
    %dma_start3A_310 = tpu.memref_slice %arg6[%dma_start3A_307, %dma_start3A_308, %dma_start3A_309] : memref<2x1024x32xf32, #tpu.memory_space<vmem>> -> memref<1x128x32xf32, #tpu.memory_space<vmem>>
    %dma_start3A_311 = tpu.memref_squeeze %dma_start3A_310 : memref<1x128x32xf32, #tpu.memory_space<vmem>> -> memref<128x32xf32, #tpu.memory_space<vmem>>
    %dma_start3A_312 = arith.constant 0 : i32
    %dma_start3A_313 = tpu.memref_slice %arg5[%dma_start3A_306, %dma_start3A_312] : memref<104x128xi32, #tpu.memory_space<vmem>> -> memref<1x128xi32, #tpu.memory_space<vmem>>
    %dma_start3A_314 = tpu.memref_squeeze %dma_start3A_313 : memref<1x128xi32, #tpu.memory_space<vmem>> -> memref<128xi32, #tpu.memory_space<vmem>>
    %dma_start3A_315 = arith.constant 0 : i32
    %dma_start3A_316 = arith.constant 0 : i32
    %dma_start3A_317 = tpu.memref_slice %arg2[%dma_start3A_315, %dma_start3A_316] : memref<1000000x32xf32, #tpu.memory_space<hbm>> -> memref<1000000x32xf32, #tpu.memory_space<hbm>>
    tpu.enqueue_indirect_dma source(%dma_start3A_317 : memref<1000000x32xf32, #tpu.memory_space<hbm>>) target(%dma_start3A_311 : memref<128x32xf32, #tpu.memory_space<vmem>>) offsets(%dma_start3A_314 : memref<128xi32, #tpu.memory_space<vmem>>) semaphore(%arg7 : memref<!tpu.dma_semaphore, #tpu.memory_space<semaphore_mem>>)
    %dma_start3A_318 = arith.constant 23 : i32
    %dma_start3A_319 = arith.constant 0 : i32
    %dma_start3A_320 = arith.constant 896 : i32
    %dma_start3A_321 = arith.constant 0 : i32
    %dma_start3A_322 = tpu.memref_slice %arg6[%dma_start3A_319, %dma_start3A_320, %dma_start3A_321] : memref<2x1024x32xf32, #tpu.memory_space<vmem>> -> memref<1x128x32xf32, #tpu.memory_space<vmem>>
    %dma_start3A_323 = tpu.memref_squeeze %dma_start3A_322 : memref<1x128x32xf32, #tpu.memory_space<vmem>> -> memref<128x32xf32, #tpu.memory_space<vmem>>
    %dma_start3A_324 = arith.constant 0 : i32
    %dma_start3A_325 = tpu.memref_slice %arg5[%dma_start3A_318, %dma_start3A_324] : memref<104x128xi32, #tpu.memory_space<vmem>> -> memref<1x128xi32, #tpu.memory_space<vmem>>
    %dma_start3A_326 = tpu.memref_squeeze %dma_start3A_325 : memref<1x128xi32, #tpu.memory_space<vmem>> -> memref<128xi32, #tpu.memory_space<vmem>>
    %dma_start3A_327 = arith.constant 0 : i32
    %dma_start3A_328 = arith.constant 0 : i32
    %dma_start3A_329 = tpu.memref_slice %arg2[%dma_start3A_327, %dma_start3A_328] : memref<1000000x32xf32, #tpu.memory_space<hbm>> -> memref<1000000x32xf32, #tpu.memory_space<hbm>>
    tpu.enqueue_indirect_dma source(%dma_start3A_329 : memref<1000000x32xf32, #tpu.memory_space<hbm>>) target(%dma_start3A_323 : memref<128x32xf32, #tpu.memory_space<vmem>>) offsets(%dma_start3A_326 : memref<128xi32, #tpu.memory_space<vmem>>) semaphore(%arg7 : memref<!tpu.dma_semaphore, #tpu.memory_space<semaphore_mem>>)
    %dma_wait3A_330 = arith.constant 1 : i32
    %dma_wait3A_331 = arith.constant 0 : i32
    %dma_wait3A_332 = arith.constant 0 : i32
    %dma_wait3A_333 = tpu.memref_slice %arg6[%dma_wait3A_330, %dma_wait3A_331, %dma_wait3A_332] : memref<2x1024x32xf32, #tpu.memory_space<vmem>> -> memref<1x1024x32xf32, #tpu.memory_space<vmem>>
    %dma_wait3A_334 = tpu.memref_squeeze %dma_wait3A_333 : memref<1x1024x32xf32, #tpu.memory_space<vmem>> -> memref<1024x32xf32, #tpu.memory_space<vmem>>
    %dma_wait3A_335 = arith.constant 0 : i32
    %dma_wait3A_336 = tpu.memref_slice %arg4[%mul3A_2, %dma_wait3A_335] : memref<425984x32xf32, #tpu.memory_space<hbm>> -> memref<1024x32xf32, #tpu.memory_space<hbm>>
    %dma_wait3A_337 = arith.constant 0 : i32
    %dma_wait3A_338 = tpu.memref_slice %arg4[%mul3A_2, %dma_wait3A_337] : memref<425984x32xf32, #tpu.memory_space<hbm>> -> memref<1024x32xf32, #tpu.memory_space<hbm>>
    %dma_wait3A_339 = arith.constant 0 : i32
    %dma_wait3A_340 = arith.constant 0 : i32
    %dma_wait3A_341 = tpu.memref_slice %arg6[%dma_wait3A_330, %dma_wait3A_339, %dma_wait3A_340] : memref<2x1024x32xf32, #tpu.memory_space<vmem>> -> memref<1x1024x32xf32, #tpu.memory_space<vmem>>
    %dma_wait3A_342 = tpu.memref_squeeze %dma_wait3A_341 : memref<1x1024x32xf32, #tpu.memory_space<vmem>> -> memref<1024x32xf32, #tpu.memory_space<vmem>>
    tpu.wait_dma2 semaphore(%arg8 : memref<!tpu.dma_semaphore, #tpu.memory_space<semaphore_mem>>) src(%dma_wait3A_342 : memref<1024x32xf32, #tpu.memory_space<vmem>>) dst(%dma_wait3A_338 : memref<1024x32xf32, #tpu.memory_space<hbm>>)
    %add3A_343 = arith.constant 1024 : i32
    %add3A_344 = arith.addi %mul3A_2, %add3A_343 : i32
    %dma_start3A_345 = arith.constant 1 : i32
    %dma_start3A_346 = arith.constant 0 : i32
    %dma_start3A_347 = arith.constant 0 : i32
    %dma_start3A_348 = tpu.memref_slice %arg6[%dma_start3A_345, %dma_start3A_346, %dma_start3A_347] : memref<2x1024x32xf32, #tpu.memory_space<vmem>> -> memref<1x1024x32xf32, #tpu.memory_space<vmem>>
    %dma_start3A_349 = tpu.memref_squeeze %dma_start3A_348 : memref<1x1024x32xf32, #tpu.memory_space<vmem>> -> memref<1024x32xf32, #tpu.memory_space<vmem>>
    %dma_start3A_350 = arith.constant 0 : i32
    %dma_start3A_351 = tpu.memref_slice %arg4[%add3A_344, %dma_start3A_350] : memref<425984x32xf32, #tpu.memory_space<hbm>> -> memref<1024x32xf32, #tpu.memory_space<hbm>>
    %dma_start3A_352 = arith.constant 0 : i32
    %dma_start3A_353 = tpu.memref_slice %arg4[%add3A_344, %dma_start3A_352] : memref<425984x32xf32, #tpu.memory_space<hbm>> -> memref<1024x32xf32, #tpu.memory_space<hbm>>
    %dma_start3A_354 = arith.constant 0 : i32
    %dma_start3A_355 = arith.constant 0 : i32
    %dma_start3A_356 = tpu.memref_slice %arg6[%dma_start3A_345, %dma_start3A_354, %dma_start3A_355] : memref<2x1024x32xf32, #tpu.memory_space<vmem>> -> memref<1x1024x32xf32, #tpu.memory_space<vmem>>
    %dma_start3A_357 = tpu.memref_squeeze %dma_start3A_356 : memref<1x1024x32xf32, #tpu.memory_space<vmem>> -> memref<1024x32xf32, #tpu.memory_space<vmem>>
    tpu.enqueue_dma source(%dma_start3A_357 : memref<1024x32xf32, #tpu.memory_space<vmem>>) target(%dma_start3A_353 : memref<1024x32xf32, #tpu.memory_space<hbm>>) target_semaphore(%arg10 : memref<!tpu.dma_semaphore, #tpu.memory_space<semaphore_mem>>)
    %dma_wait3A_358 = arith.constant 1 : i32
    %dma_wait3A_359 = arith.constant 0 : i32
    %dma_wait3A_360 = arith.constant 0 : i32
    %dma_wait3A_361 = tpu.memref_slice %arg6[%dma_wait3A_358, %dma_wait3A_359, %dma_wait3A_360] : memref<2x1024x32xf32, #tpu.memory_space<vmem>> -> memref<1x1024x32xf32, #tpu.memory_space<vmem>>
    %dma_wait3A_362 = tpu.memref_squeeze %dma_wait3A_361 : memref<1x1024x32xf32, #tpu.memory_space<vmem>> -> memref<1024x32xf32, #tpu.memory_space<vmem>>
    %dma_wait3A_363 = arith.constant 0 : i32
    %dma_wait3A_364 = tpu.memref_slice %arg4[%mul3A_2, %dma_wait3A_363] : memref<425984x32xf32, #tpu.memory_space<hbm>> -> memref<1024x32xf32, #tpu.memory_space<hbm>>
    %dma_wait3A_365 = arith.constant 0 : i32
    %dma_wait3A_366 = tpu.memref_slice %arg4[%mul3A_2, %dma_wait3A_365] : memref<425984x32xf32, #tpu.memory_space<hbm>> -> memref<1024x32xf32, #tpu.memory_space<hbm>>
    %dma_wait3A_367 = arith.constant 0 : i32
    %dma_wait3A_368 = arith.constant 0 : i32
    %dma_wait3A_369 = tpu.memref_slice %arg6[%dma_wait3A_358, %dma_wait3A_367, %dma_wait3A_368] : memref<2x1024x32xf32, #tpu.memory_space<vmem>> -> memref<1x1024x32xf32, #tpu.memory_space<vmem>>
    %dma_wait3A_370 = tpu.memref_squeeze %dma_wait3A_369 : memref<1x1024x32xf32, #tpu.memory_space<vmem>> -> memref<1024x32xf32, #tpu.memory_space<vmem>>
    tpu.wait_dma2 semaphore(%arg10 : memref<!tpu.dma_semaphore, #tpu.memory_space<semaphore_mem>>) src(%dma_wait3A_370 : memref<1024x32xf32, #tpu.memory_space<vmem>>) dst(%dma_wait3A_366 : memref<1024x32xf32, #tpu.memory_space<hbm>>)
    %dma_start3A_371 = arith.constant 24 : i32
    %dma_start3A_372 = arith.constant 1 : i32
    %dma_start3A_373 = arith.constant 0 : i32
    %dma_start3A_374 = arith.constant 0 : i32
    %dma_start3A_375 = tpu.memref_slice %arg6[%dma_start3A_372, %dma_start3A_373, %dma_start3A_374] : memref<2x1024x32xf32, #tpu.memory_space<vmem>> -> memref<1x128x32xf32, #tpu.memory_space<vmem>>
    %dma_start3A_376 = tpu.memref_squeeze %dma_start3A_375 : memref<1x128x32xf32, #tpu.memory_space<vmem>> -> memref<128x32xf32, #tpu.memory_space<vmem>>
    %dma_start3A_377 = arith.constant 0 : i32
    %dma_start3A_378 = tpu.memref_slice %arg5[%dma_start3A_371, %dma_start3A_377] : memref<104x128xi32, #tpu.memory_space<vmem>> -> memref<1x128xi32, #tpu.memory_space<vmem>>
    %dma_start3A_379 = tpu.memref_squeeze %dma_start3A_378 : memref<1x128xi32, #tpu.memory_space<vmem>> -> memref<128xi32, #tpu.memory_space<vmem>>
    %dma_start3A_380 = arith.constant 0 : i32
    %dma_start3A_381 = arith.constant 0 : i32
    %dma_start3A_382 = tpu.memref_slice %arg2[%dma_start3A_380, %dma_start3A_381] : memref<1000000x32xf32, #tpu.memory_space<hbm>> -> memref<1000000x32xf32, #tpu.memory_space<hbm>>
    tpu.enqueue_indirect_dma source(%dma_start3A_382 : memref<1000000x32xf32, #tpu.memory_space<hbm>>) target(%dma_start3A_376 : memref<128x32xf32, #tpu.memory_space<vmem>>) offsets(%dma_start3A_379 : memref<128xi32, #tpu.memory_space<vmem>>) semaphore(%arg8 : memref<!tpu.dma_semaphore, #tpu.memory_space<semaphore_mem>>)
    %dma_start3A_383 = arith.constant 25 : i32
    %dma_start3A_384 = arith.constant 1 : i32
    %dma_start3A_385 = arith.constant 128 : i32
    %dma_start3A_386 = arith.constant 0 : i32
    %dma_start3A_387 = tpu.memref_slice %arg6[%dma_start3A_384, %dma_start3A_385, %dma_start3A_386] : memref<2x1024x32xf32, #tpu.memory_space<vmem>> -> memref<1x128x32xf32, #tpu.memory_space<vmem>>
    %dma_start3A_388 = tpu.memref_squeeze %dma_start3A_387 : memref<1x128x32xf32, #tpu.memory_space<vmem>> -> memref<128x32xf32, #tpu.memory_space<vmem>>
    %dma_start3A_389 = arith.constant 0 : i32
    %dma_start3A_390 = tpu.memref_slice %arg5[%dma_start3A_383, %dma_start3A_389] : memref<104x128xi32, #tpu.memory_space<vmem>> -> memref<1x128xi32, #tpu.memory_space<vmem>>
    %dma_start3A_391 = tpu.memref_squeeze %dma_start3A_390 : memref<1x128xi32, #tpu.memory_space<vmem>> -> memref<128xi32, #tpu.memory_space<vmem>>
    %dma_start3A_392 = arith.constant 0 : i32
    %dma_start3A_393 = arith.constant 0 : i32
    %dma_start3A_394 = tpu.memref_slice %arg2[%dma_start3A_392, %dma_start3A_393] : memref<1000000x32xf32, #tpu.memory_space<hbm>> -> memref<1000000x32xf32, #tpu.memory_space<hbm>>
    tpu.enqueue_indirect_dma source(%dma_start3A_394 : memref<1000000x32xf32, #tpu.memory_space<hbm>>) target(%dma_start3A_388 : memref<128x32xf32, #tpu.memory_space<vmem>>) offsets(%dma_start3A_391 : memref<128xi32, #tpu.memory_space<vmem>>) semaphore(%arg8 : memref<!tpu.dma_semaphore, #tpu.memory_space<semaphore_mem>>)
    %dma_start3A_395 = arith.constant 26 : i32
    %dma_start3A_396 = arith.constant 1 : i32
    %dma_start3A_397 = arith.constant 256 : i32
    %dma_start3A_398 = arith.constant 0 : i32
    %dma_start3A_399 = tpu.memref_slice %arg6[%dma_start3A_396, %dma_start3A_397, %dma_start3A_398] : memref<2x1024x32xf32, #tpu.memory_space<vmem>> -> memref<1x128x32xf32, #tpu.memory_space<vmem>>
    %dma_start3A_400 = tpu.memref_squeeze %dma_start3A_399 : memref<1x128x32xf32, #tpu.memory_space<vmem>> -> memref<128x32xf32, #tpu.memory_space<vmem>>
    %dma_start3A_401 = arith.constant 0 : i32
    %dma_start3A_402 = tpu.memref_slice %arg5[%dma_start3A_395, %dma_start3A_401] : memref<104x128xi32, #tpu.memory_space<vmem>> -> memref<1x128xi32, #tpu.memory_space<vmem>>
    %dma_start3A_403 = tpu.memref_squeeze %dma_start3A_402 : memref<1x128xi32, #tpu.memory_space<vmem>> -> memref<128xi32, #tpu.memory_space<vmem>>
    %dma_start3A_404 = arith.constant 0 : i32
    %dma_start3A_405 = arith.constant 0 : i32
    %dma_start3A_406 = tpu.memref_slice %arg2[%dma_start3A_404, %dma_start3A_405] : memref<1000000x32xf32, #tpu.memory_space<hbm>> -> memref<1000000x32xf32, #tpu.memory_space<hbm>>
    tpu.enqueue_indirect_dma source(%dma_start3A_406 : memref<1000000x32xf32, #tpu.memory_space<hbm>>) target(%dma_start3A_400 : memref<128x32xf32, #tpu.memory_space<vmem>>) offsets(%dma_start3A_403 : memref<128xi32, #tpu.memory_space<vmem>>) semaphore(%arg8 : memref<!tpu.dma_semaphore, #tpu.memory_space<semaphore_mem>>)
    %dma_start3A_407 = arith.constant 27 : i32
    %dma_start3A_408 = arith.constant 1 : i32
    %dma_start3A_409 = arith.constant 384 : i32
    %dma_start3A_410 = arith.constant 0 : i32
    %dma_start3A_411 = tpu.memref_slice %arg6[%dma_start3A_408, %dma_start3A_409, %dma_start3A_410] : memref<2x1024x32xf32, #tpu.memory_space<vmem>> -> memref<1x128x32xf32, #tpu.memory_space<vmem>>
    %dma_start3A_412 = tpu.memref_squeeze %dma_start3A_411 : memref<1x128x32xf32, #tpu.memory_space<vmem>> -> memref<128x32xf32, #tpu.memory_space<vmem>>
    %dma_start3A_413 = arith.constant 0 : i32
    %dma_start3A_414 = tpu.memref_slice %arg5[%dma_start3A_407, %dma_start3A_413] : memref<104x128xi32, #tpu.memory_space<vmem>> -> memref<1x128xi32, #tpu.memory_space<vmem>>
    %dma_start3A_415 = tpu.memref_squeeze %dma_start3A_414 : memref<1x128xi32, #tpu.memory_space<vmem>> -> memref<128xi32, #tpu.memory_space<vmem>>
    %dma_start3A_416 = arith.constant 0 : i32
    %dma_start3A_417 = arith.constant 0 : i32
    %dma_start3A_418 = tpu.memref_slice %arg2[%dma_start3A_416, %dma_start3A_417] : memref<1000000x32xf32, #tpu.memory_space<hbm>> -> memref<1000000x32xf32, #tpu.memory_space<hbm>>
    tpu.enqueue_indirect_dma source(%dma_start3A_418 : memref<1000000x32xf32, #tpu.memory_space<hbm>>) target(%dma_start3A_412 : memref<128x32xf32, #tpu.memory_space<vmem>>) offsets(%dma_start3A_415 : memref<128xi32, #tpu.memory_space<vmem>>) semaphore(%arg8 : memref<!tpu.dma_semaphore, #tpu.memory_space<semaphore_mem>>)
    %dma_start3A_419 = arith.constant 28 : i32
    %dma_start3A_420 = arith.constant 1 : i32
    %dma_start3A_421 = arith.constant 512 : i32
    %dma_start3A_422 = arith.constant 0 : i32
    %dma_start3A_423 = tpu.memref_slice %arg6[%dma_start3A_420, %dma_start3A_421, %dma_start3A_422] : memref<2x1024x32xf32, #tpu.memory_space<vmem>> -> memref<1x128x32xf32, #tpu.memory_space<vmem>>
    %dma_start3A_424 = tpu.memref_squeeze %dma_start3A_423 : memref<1x128x32xf32, #tpu.memory_space<vmem>> -> memref<128x32xf32, #tpu.memory_space<vmem>>
    %dma_start3A_425 = arith.constant 0 : i32
    %dma_start3A_426 = tpu.memref_slice %arg5[%dma_start3A_419, %dma_start3A_425] : memref<104x128xi32, #tpu.memory_space<vmem>> -> memref<1x128xi32, #tpu.memory_space<vmem>>
    %dma_start3A_427 = tpu.memref_squeeze %dma_start3A_426 : memref<1x128xi32, #tpu.memory_space<vmem>> -> memref<128xi32, #tpu.memory_space<vmem>>
    %dma_start3A_428 = arith.constant 0 : i32
    %dma_start3A_429 = arith.constant 0 : i32
    %dma_start3A_430 = tpu.memref_slice %arg2[%dma_start3A_428, %dma_start3A_429] : memref<1000000x32xf32, #tpu.memory_space<hbm>> -> memref<1000000x32xf32, #tpu.memory_space<hbm>>
    tpu.enqueue_indirect_dma source(%dma_start3A_430 : memref<1000000x32xf32, #tpu.memory_space<hbm>>) target(%dma_start3A_424 : memref<128x32xf32, #tpu.memory_space<vmem>>) offsets(%dma_start3A_427 : memref<128xi32, #tpu.memory_space<vmem>>) semaphore(%arg8 : memref<!tpu.dma_semaphore, #tpu.memory_space<semaphore_mem>>)
    %dma_start3A_431 = arith.constant 29 : i32
    %dma_start3A_432 = arith.constant 1 : i32
    %dma_start3A_433 = arith.constant 640 : i32
    %dma_start3A_434 = arith.constant 0 : i32
    %dma_start3A_435 = tpu.memref_slice %arg6[%dma_start3A_432, %dma_start3A_433, %dma_start3A_434] : memref<2x1024x32xf32, #tpu.memory_space<vmem>> -> memref<1x128x32xf32, #tpu.memory_space<vmem>>
    %dma_start3A_436 = tpu.memref_squeeze %dma_start3A_435 : memref<1x128x32xf32, #tpu.memory_space<vmem>> -> memref<128x32xf32, #tpu.memory_space<vmem>>
    %dma_start3A_437 = arith.constant 0 : i32
    %dma_start3A_438 = tpu.memref_slice %arg5[%dma_start3A_431, %dma_start3A_437] : memref<104x128xi32, #tpu.memory_space<vmem>> -> memref<1x128xi32, #tpu.memory_space<vmem>>
    %dma_start3A_439 = tpu.memref_squeeze %dma_start3A_438 : memref<1x128xi32, #tpu.memory_space<vmem>> -> memref<128xi32, #tpu.memory_space<vmem>>
    %dma_start3A_440 = arith.constant 0 : i32
    %dma_start3A_441 = arith.constant 0 : i32
    %dma_start3A_442 = tpu.memref_slice %arg2[%dma_start3A_440, %dma_start3A_441] : memref<1000000x32xf32, #tpu.memory_space<hbm>> -> memref<1000000x32xf32, #tpu.memory_space<hbm>>
    tpu.enqueue_indirect_dma source(%dma_start3A_442 : memref<1000000x32xf32, #tpu.memory_space<hbm>>) target(%dma_start3A_436 : memref<128x32xf32, #tpu.memory_space<vmem>>) offsets(%dma_start3A_439 : memref<128xi32, #tpu.memory_space<vmem>>) semaphore(%arg8 : memref<!tpu.dma_semaphore, #tpu.memory_space<semaphore_mem>>)
    %dma_start3A_443 = arith.constant 30 : i32
    %dma_start3A_444 = arith.constant 1 : i32
    %dma_start3A_445 = arith.constant 768 : i32
    %dma_start3A_446 = arith.constant 0 : i32
    %dma_start3A_447 = tpu.memref_slice %arg6[%dma_start3A_444, %dma_start3A_445, %dma_start3A_446] : memref<2x1024x32xf32, #tpu.memory_space<vmem>> -> memref<1x128x32xf32, #tpu.memory_space<vmem>>
    %dma_start3A_448 = tpu.memref_squeeze %dma_start3A_447 : memref<1x128x32xf32, #tpu.memory_space<vmem>> -> memref<128x32xf32, #tpu.memory_space<vmem>>
    %dma_start3A_449 = arith.constant 0 : i32
    %dma_start3A_450 = tpu.memref_slice %arg5[%dma_start3A_443, %dma_start3A_449] : memref<104x128xi32, #tpu.memory_space<vmem>> -> memref<1x128xi32, #tpu.memory_space<vmem>>
    %dma_start3A_451 = tpu.memref_squeeze %dma_start3A_450 : memref<1x128xi32, #tpu.memory_space<vmem>> -> memref<128xi32, #tpu.memory_space<vmem>>
    %dma_start3A_452 = arith.constant 0 : i32
    %dma_start3A_453 = arith.constant 0 : i32
    %dma_start3A_454 = tpu.memref_slice %arg2[%dma_start3A_452, %dma_start3A_453] : memref<1000000x32xf32, #tpu.memory_space<hbm>> -> memref<1000000x32xf32, #tpu.memory_space<hbm>>
    tpu.enqueue_indirect_dma source(%dma_start3A_454 : memref<1000000x32xf32, #tpu.memory_space<hbm>>) target(%dma_start3A_448 : memref<128x32xf32, #tpu.memory_space<vmem>>) offsets(%dma_start3A_451 : memref<128xi32, #tpu.memory_space<vmem>>) semaphore(%arg8 : memref<!tpu.dma_semaphore, #tpu.memory_space<semaphore_mem>>)
    %dma_start3A_455 = arith.constant 31 : i32
    %dma_start3A_456 = arith.constant 1 : i32
    %dma_start3A_457 = arith.constant 896 : i32
    %dma_start3A_458 = arith.constant 0 : i32
    %dma_start3A_459 = tpu.memref_slice %arg6[%dma_start3A_456, %dma_start3A_457, %dma_start3A_458] : memref<2x1024x32xf32, #tpu.memory_space<vmem>> -> memref<1x128x32xf32, #tpu.memory_space<vmem>>
    %dma_start3A_460 = tpu.memref_squeeze %dma_start3A_459 : memref<1x128x32xf32, #tpu.memory_space<vmem>> -> memref<128x32xf32, #tpu.memory_space<vmem>>
    %dma_start3A_461 = arith.constant 0 : i32
    %dma_start3A_462 = tpu.memref_slice %arg5[%dma_start3A_455, %dma_start3A_461] : memref<104x128xi32, #tpu.memory_space<vmem>> -> memref<1x128xi32, #tpu.memory_space<vmem>>
    %dma_start3A_463 = tpu.memref_squeeze %dma_start3A_462 : memref<1x128xi32, #tpu.memory_space<vmem>> -> memref<128xi32, #tpu.memory_space<vmem>>
    %dma_start3A_464 = arith.constant 0 : i32
    %dma_start3A_465 = arith.constant 0 : i32
    %dma_start3A_466 = tpu.memref_slice %arg2[%dma_start3A_464, %dma_start3A_465] : memref<1000000x32xf32, #tpu.memory_space<hbm>> -> memref<1000000x32xf32, #tpu.memory_space<hbm>>
    tpu.enqueue_indirect_dma source(%dma_start3A_466 : memref<1000000x32xf32, #tpu.memory_space<hbm>>) target(%dma_start3A_460 : memref<128x32xf32, #tpu.memory_space<vmem>>) offsets(%dma_start3A_463 : memref<128xi32, #tpu.memory_space<vmem>>) semaphore(%arg8 : memref<!tpu.dma_semaphore, #tpu.memory_space<semaphore_mem>>)
    %dma_wait3A_467 = arith.constant 0 : i32
    %dma_wait3A_468 = arith.constant 0 : i32
    %dma_wait3A_469 = arith.constant 0 : i32
    %dma_wait3A_470 = tpu.memref_slice %arg6[%dma_wait3A_467, %dma_wait3A_468, %dma_wait3A_469] : memref<2x1024x32xf32, #tpu.memory_space<vmem>> -> memref<1x1024x32xf32, #tpu.memory_space<vmem>>
    %dma_wait3A_471 = tpu.memref_squeeze %dma_wait3A_470 : memref<1x1024x32xf32, #tpu.memory_space<vmem>> -> memref<1024x32xf32, #tpu.memory_space<vmem>>
    %dma_wait3A_472 = arith.constant 0 : i32
    %dma_wait3A_473 = tpu.memref_slice %arg4[%mul3A_2, %dma_wait3A_472] : memref<425984x32xf32, #tpu.memory_space<hbm>> -> memref<1024x32xf32, #tpu.memory_space<hbm>>
    %dma_wait3A_474 = arith.constant 0 : i32
    %dma_wait3A_475 = tpu.memref_slice %arg4[%mul3A_2, %dma_wait3A_474] : memref<425984x32xf32, #tpu.memory_space<hbm>> -> memref<1024x32xf32, #tpu.memory_space<hbm>>
    %dma_wait3A_476 = arith.constant 0 : i32
    %dma_wait3A_477 = arith.constant 0 : i32
    %dma_wait3A_478 = tpu.memref_slice %arg6[%dma_wait3A_467, %dma_wait3A_476, %dma_wait3A_477] : memref<2x1024x32xf32, #tpu.memory_space<vmem>> -> memref<1x1024x32xf32, #tpu.memory_space<vmem>>
    %dma_wait3A_479 = tpu.memref_squeeze %dma_wait3A_478 : memref<1x1024x32xf32, #tpu.memory_space<vmem>> -> memref<1024x32xf32, #tpu.memory_space<vmem>>
    tpu.wait_dma2 semaphore(%arg7 : memref<!tpu.dma_semaphore, #tpu.memory_space<semaphore_mem>>) src(%dma_wait3A_479 : memref<1024x32xf32, #tpu.memory_space<vmem>>) dst(%dma_wait3A_475 : memref<1024x32xf32, #tpu.memory_space<hbm>>)
    %add3A_480 = arith.constant 2048 : i32
    %add3A_481 = arith.addi %mul3A_2, %add3A_480 : i32
    %dma_start3A_482 = arith.constant 0 : i32
    %dma_start3A_483 = arith.constant 0 : i32
    %dma_start3A_484 = arith.constant 0 : i32
    %dma_start3A_485 = tpu.memref_slice %arg6[%dma_start3A_482, %dma_start3A_483, %dma_start3A_484] : memref<2x1024x32xf32, #tpu.memory_space<vmem>> -> memref<1x1024x32xf32, #tpu.memory_space<vmem>>
    %dma_start3A_486 = tpu.memref_squeeze %dma_start3A_485 : memref<1x1024x32xf32, #tpu.memory_space<vmem>> -> memref<1024x32xf32, #tpu.memory_space<vmem>>
    %dma_start3A_487 = arith.constant 0 : i32
    %dma_start3A_488 = tpu.memref_slice %arg4[%add3A_481, %dma_start3A_487] : memref<425984x32xf32, #tpu.memory_space<hbm>> -> memref<1024x32xf32, #tpu.memory_space<hbm>>
    %dma_start3A_489 = arith.constant 0 : i32
    %dma_start3A_490 = tpu.memref_slice %arg4[%add3A_481, %dma_start3A_489] : memref<425984x32xf32, #tpu.memory_space<hbm>> -> memref<1024x32xf32, #tpu.memory_space<hbm>>
    %dma_start3A_491 = arith.constant 0 : i32
    %dma_start3A_492 = arith.constant 0 : i32
    %dma_start3A_493 = tpu.memref_slice %arg6[%dma_start3A_482, %dma_start3A_491, %dma_start3A_492] : memref<2x1024x32xf32, #tpu.memory_space<vmem>> -> memref<1x1024x32xf32, #tpu.memory_space<vmem>>
    %dma_start3A_494 = tpu.memref_squeeze %dma_start3A_493 : memref<1x1024x32xf32, #tpu.memory_space<vmem>> -> memref<1024x32xf32, #tpu.memory_space<vmem>>
    tpu.enqueue_dma source(%dma_start3A_494 : memref<1024x32xf32, #tpu.memory_space<vmem>>) target(%dma_start3A_490 : memref<1024x32xf32, #tpu.memory_space<hbm>>) target_semaphore(%arg9 : memref<!tpu.dma_semaphore, #tpu.memory_space<semaphore_mem>>)
    %dma_wait3A_495 = arith.constant 0 : i32
    %dma_wait3A_496 = arith.constant 0 : i32
    %dma_wait3A_497 = arith.constant 0 : i32
    %dma_wait3A_498 = tpu.memref_slice %arg6[%dma_wait3A_495, %dma_wait3A_496, %dma_wait3A_497] : memref<2x1024x32xf32, #tpu.memory_space<vmem>> -> memref<1x1024x32xf32, #tpu.memory_space<vmem>>
    %dma_wait3A_499 = tpu.memref_squeeze %dma_wait3A_498 : memref<1x1024x32xf32, #tpu.memory_space<vmem>> -> memref<1024x32xf32, #tpu.memory_space<vmem>>
    %dma_wait3A_500 = arith.constant 0 : i32
    %dma_wait3A_501 = tpu.memref_slice %arg4[%mul3A_2, %dma_wait3A_500] : memref<425984x32xf32, #tpu.memory_space<hbm>> -> memref<1024x32xf32, #tpu.memory_space<hbm>>
    %dma_wait3A_502 = arith.constant 0 : i32
    %dma_wait3A_503 = tpu.memref_slice %arg4[%mul3A_2, %dma_wait3A_502] : memref<425984x32xf32, #tpu.memory_space<hbm>> -> memref<1024x32xf32, #tpu.memory_space<hbm>>
    %dma_wait3A_504 = arith.constant 0 : i32
    %dma_wait3A_505 = arith.constant 0 : i32
    %dma_wait3A_506 = tpu.memref_slice %arg6[%dma_wait3A_495, %dma_wait3A_504, %dma_wait3A_505] : memref<2x1024x32xf32, #tpu.memory_space<vmem>> -> memref<1x1024x32xf32, #tpu.memory_space<vmem>>
    %dma_wait3A_507 = tpu.memref_squeeze %dma_wait3A_506 : memref<1x1024x32xf32, #tpu.memory_space<vmem>> -> memref<1024x32xf32, #tpu.memory_space<vmem>>
    tpu.wait_dma2 semaphore(%arg9 : memref<!tpu.dma_semaphore, #tpu.memory_space<semaphore_mem>>) src(%dma_wait3A_507 : memref<1024x32xf32, #tpu.memory_space<vmem>>) dst(%dma_wait3A_503 : memref<1024x32xf32, #tpu.memory_space<hbm>>)
    %dma_start3A_508 = arith.constant 32 : i32
    %dma_start3A_509 = arith.constant 0 : i32
    %dma_start3A_510 = arith.constant 0 : i32
    %dma_start3A_511 = arith.constant 0 : i32
    %dma_start3A_512 = tpu.memref_slice %arg6[%dma_start3A_509, %dma_start3A_510, %dma_start3A_511] : memref<2x1024x32xf32, #tpu.memory_space<vmem>> -> memref<1x128x32xf32, #tpu.memory_space<vmem>>
    %dma_start3A_513 = tpu.memref_squeeze %dma_start3A_512 : memref<1x128x32xf32, #tpu.memory_space<vmem>> -> memref<128x32xf32, #tpu.memory_space<vmem>>
    %dma_start3A_514 = arith.constant 0 : i32
    %dma_start3A_515 = tpu.memref_slice %arg5[%dma_start3A_508, %dma_start3A_514] : memref<104x128xi32, #tpu.memory_space<vmem>> -> memref<1x128xi32, #tpu.memory_space<vmem>>
    %dma_start3A_516 = tpu.memref_squeeze %dma_start3A_515 : memref<1x128xi32, #tpu.memory_space<vmem>> -> memref<128xi32, #tpu.memory_space<vmem>>
    %dma_start3A_517 = arith.constant 0 : i32
    %dma_start3A_518 = arith.constant 0 : i32
    %dma_start3A_519 = tpu.memref_slice %arg2[%dma_start3A_517, %dma_start3A_518] : memref<1000000x32xf32, #tpu.memory_space<hbm>> -> memref<1000000x32xf32, #tpu.memory_space<hbm>>
    tpu.enqueue_indirect_dma source(%dma_start3A_519 : memref<1000000x32xf32, #tpu.memory_space<hbm>>) target(%dma_start3A_513 : memref<128x32xf32, #tpu.memory_space<vmem>>) offsets(%dma_start3A_516 : memref<128xi32, #tpu.memory_space<vmem>>) semaphore(%arg7 : memref<!tpu.dma_semaphore, #tpu.memory_space<semaphore_mem>>)
    %dma_start3A_520 = arith.constant 33 : i32
    %dma_start3A_521 = arith.constant 0 : i32
    %dma_start3A_522 = arith.constant 128 : i32
    %dma_start3A_523 = arith.constant 0 : i32
    %dma_start3A_524 = tpu.memref_slice %arg6[%dma_start3A_521, %dma_start3A_522, %dma_start3A_523] : memref<2x1024x32xf32, #tpu.memory_space<vmem>> -> memref<1x128x32xf32, #tpu.memory_space<vmem>>
    %dma_start3A_525 = tpu.memref_squeeze %dma_start3A_524 : memref<1x128x32xf32, #tpu.memory_space<vmem>> -> memref<128x32xf32, #tpu.memory_space<vmem>>
    %dma_start3A_526 = arith.constant 0 : i32
    %dma_start3A_527 = tpu.memref_slice %arg5[%dma_start3A_520, %dma_start3A_526] : memref<104x128xi32, #tpu.memory_space<vmem>> -> memref<1x128xi32, #tpu.memory_space<vmem>>
    %dma_start3A_528 = tpu.memref_squeeze %dma_start3A_527 : memref<1x128xi32, #tpu.memory_space<vmem>> -> memref<128xi32, #tpu.memory_space<vmem>>
    %dma_start3A_529 = arith.constant 0 : i32
    %dma_start3A_530 = arith.constant 0 : i32
    %dma_start3A_531 = tpu.memref_slice %arg2[%dma_start3A_529, %dma_start3A_530] : memref<1000000x32xf32, #tpu.memory_space<hbm>> -> memref<1000000x32xf32, #tpu.memory_space<hbm>>
    tpu.enqueue_indirect_dma source(%dma_start3A_531 : memref<1000000x32xf32, #tpu.memory_space<hbm>>) target(%dma_start3A_525 : memref<128x32xf32, #tpu.memory_space<vmem>>) offsets(%dma_start3A_528 : memref<128xi32, #tpu.memory_space<vmem>>) semaphore(%arg7 : memref<!tpu.dma_semaphore, #tpu.memory_space<semaphore_mem>>)
    %dma_start3A_532 = arith.constant 34 : i32
    %dma_start3A_533 = arith.constant 0 : i32
    %dma_start3A_534 = arith.constant 256 : i32
    %dma_start3A_535 = arith.constant 0 : i32
    %dma_start3A_536 = tpu.memref_slice %arg6[%dma_start3A_533, %dma_start3A_534, %dma_start3A_535] : memref<2x1024x32xf32, #tpu.memory_space<vmem>> -> memref<1x128x32xf32, #tpu.memory_space<vmem>>
    %dma_start3A_537 = tpu.memref_squeeze %dma_start3A_536 : memref<1x128x32xf32, #tpu.memory_space<vmem>> -> memref<128x32xf32, #tpu.memory_space<vmem>>
    %dma_start3A_538 = arith.constant 0 : i32
    %dma_start3A_539 = tpu.memref_slice %arg5[%dma_start3A_532, %dma_start3A_538] : memref<104x128xi32, #tpu.memory_space<vmem>> -> memref<1x128xi32, #tpu.memory_space<vmem>>
    %dma_start3A_540 = tpu.memref_squeeze %dma_start3A_539 : memref<1x128xi32, #tpu.memory_space<vmem>> -> memref<128xi32, #tpu.memory_space<vmem>>
    %dma_start3A_541 = arith.constant 0 : i32
    %dma_start3A_542 = arith.constant 0 : i32
    %dma_start3A_543 = tpu.memref_slice %arg2[%dma_start3A_541, %dma_start3A_542] : memref<1000000x32xf32, #tpu.memory_space<hbm>> -> memref<1000000x32xf32, #tpu.memory_space<hbm>>
    tpu.enqueue_indirect_dma source(%dma_start3A_543 : memref<1000000x32xf32, #tpu.memory_space<hbm>>) target(%dma_start3A_537 : memref<128x32xf32, #tpu.memory_space<vmem>>) offsets(%dma_start3A_540 : memref<128xi32, #tpu.memory_space<vmem>>) semaphore(%arg7 : memref<!tpu.dma_semaphore, #tpu.memory_space<semaphore_mem>>)
    %dma_start3A_544 = arith.constant 35 : i32
    %dma_start3A_545 = arith.constant 0 : i32
    %dma_start3A_546 = arith.constant 384 : i32
    %dma_start3A_547 = arith.constant 0 : i32
    %dma_start3A_548 = tpu.memref_slice %arg6[%dma_start3A_545, %dma_start3A_546, %dma_start3A_547] : memref<2x1024x32xf32, #tpu.memory_space<vmem>> -> memref<1x128x32xf32, #tpu.memory_space<vmem>>
    %dma_start3A_549 = tpu.memref_squeeze %dma_start3A_548 : memref<1x128x32xf32, #tpu.memory_space<vmem>> -> memref<128x32xf32, #tpu.memory_space<vmem>>
    %dma_start3A_550 = arith.constant 0 : i32
    %dma_start3A_551 = tpu.memref_slice %arg5[%dma_start3A_544, %dma_start3A_550] : memref<104x128xi32, #tpu.memory_space<vmem>> -> memref<1x128xi32, #tpu.memory_space<vmem>>
    %dma_start3A_552 = tpu.memref_squeeze %dma_start3A_551 : memref<1x128xi32, #tpu.memory_space<vmem>> -> memref<128xi32, #tpu.memory_space<vmem>>
    %dma_start3A_553 = arith.constant 0 : i32
    %dma_start3A_554 = arith.constant 0 : i32
    %dma_start3A_555 = tpu.memref_slice %arg2[%dma_start3A_553, %dma_start3A_554] : memref<1000000x32xf32, #tpu.memory_space<hbm>> -> memref<1000000x32xf32, #tpu.memory_space<hbm>>
    tpu.enqueue_indirect_dma source(%dma_start3A_555 : memref<1000000x32xf32, #tpu.memory_space<hbm>>) target(%dma_start3A_549 : memref<128x32xf32, #tpu.memory_space<vmem>>) offsets(%dma_start3A_552 : memref<128xi32, #tpu.memory_space<vmem>>) semaphore(%arg7 : memref<!tpu.dma_semaphore, #tpu.memory_space<semaphore_mem>>)
    %dma_start3A_556 = arith.constant 36 : i32
    %dma_start3A_557 = arith.constant 0 : i32
    %dma_start3A_558 = arith.constant 512 : i32
    %dma_start3A_559 = arith.constant 0 : i32
    %dma_start3A_560 = tpu.memref_slice %arg6[%dma_start3A_557, %dma_start3A_558, %dma_start3A_559] : memref<2x1024x32xf32, #tpu.memory_space<vmem>> -> memref<1x128x32xf32, #tpu.memory_space<vmem>>
    %dma_start3A_561 = tpu.memref_squeeze %dma_start3A_560 : memref<1x128x32xf32, #tpu.memory_space<vmem>> -> memref<128x32xf32, #tpu.memory_space<vmem>>
    %dma_start3A_562 = arith.constant 0 : i32
    %dma_start3A_563 = tpu.memref_slice %arg5[%dma_start3A_556, %dma_start3A_562] : memref<104x128xi32, #tpu.memory_space<vmem>> -> memref<1x128xi32, #tpu.memory_space<vmem>>
    %dma_start3A_564 = tpu.memref_squeeze %dma_start3A_563 : memref<1x128xi32, #tpu.memory_space<vmem>> -> memref<128xi32, #tpu.memory_space<vmem>>
    %dma_start3A_565 = arith.constant 0 : i32
    %dma_start3A_566 = arith.constant 0 : i32
    %dma_start3A_567 = tpu.memref_slice %arg2[%dma_start3A_565, %dma_start3A_566] : memref<1000000x32xf32, #tpu.memory_space<hbm>> -> memref<1000000x32xf32, #tpu.memory_space<hbm>>
    tpu.enqueue_indirect_dma source(%dma_start3A_567 : memref<1000000x32xf32, #tpu.memory_space<hbm>>) target(%dma_start3A_561 : memref<128x32xf32, #tpu.memory_space<vmem>>) offsets(%dma_start3A_564 : memref<128xi32, #tpu.memory_space<vmem>>) semaphore(%arg7 : memref<!tpu.dma_semaphore, #tpu.memory_space<semaphore_mem>>)
    %dma_start3A_568 = arith.constant 37 : i32
    %dma_start3A_569 = arith.constant 0 : i32
    %dma_start3A_570 = arith.constant 640 : i32
    %dma_start3A_571 = arith.constant 0 : i32
    %dma_start3A_572 = tpu.memref_slice %arg6[%dma_start3A_569, %dma_start3A_570, %dma_start3A_571] : memref<2x1024x32xf32, #tpu.memory_space<vmem>> -> memref<1x128x32xf32, #tpu.memory_space<vmem>>
    %dma_start3A_573 = tpu.memref_squeeze %dma_start3A_572 : memref<1x128x32xf32, #tpu.memory_space<vmem>> -> memref<128x32xf32, #tpu.memory_space<vmem>>
    %dma_start3A_574 = arith.constant 0 : i32
    %dma_start3A_575 = tpu.memref_slice %arg5[%dma_start3A_568, %dma_start3A_574] : memref<104x128xi32, #tpu.memory_space<vmem>> -> memref<1x128xi32, #tpu.memory_space<vmem>>
    %dma_start3A_576 = tpu.memref_squeeze %dma_start3A_575 : memref<1x128xi32, #tpu.memory_space<vmem>> -> memref<128xi32, #tpu.memory_space<vmem>>
    %dma_start3A_577 = arith.constant 0 : i32
    %dma_start3A_578 = arith.constant 0 : i32
    %dma_start3A_579 = tpu.memref_slice %arg2[%dma_start3A_577, %dma_start3A_578] : memref<1000000x32xf32, #tpu.memory_space<hbm>> -> memref<1000000x32xf32, #tpu.memory_space<hbm>>
    tpu.enqueue_indirect_dma source(%dma_start3A_579 : memref<1000000x32xf32, #tpu.memory_space<hbm>>) target(%dma_start3A_573 : memref<128x32xf32, #tpu.memory_space<vmem>>) offsets(%dma_start3A_576 : memref<128xi32, #tpu.memory_space<vmem>>) semaphore(%arg7 : memref<!tpu.dma_semaphore, #tpu.memory_space<semaphore_mem>>)
    %dma_start3A_580 = arith.constant 38 : i32
    %dma_start3A_581 = arith.constant 0 : i32
    %dma_start3A_582 = arith.constant 768 : i32
    %dma_start3A_583 = arith.constant 0 : i32
    %dma_start3A_584 = tpu.memref_slice %arg6[%dma_start3A_581, %dma_start3A_582, %dma_start3A_583] : memref<2x1024x32xf32, #tpu.memory_space<vmem>> -> memref<1x128x32xf32, #tpu.memory_space<vmem>>
    %dma_start3A_585 = tpu.memref_squeeze %dma_start3A_584 : memref<1x128x32xf32, #tpu.memory_space<vmem>> -> memref<128x32xf32, #tpu.memory_space<vmem>>
    %dma_start3A_586 = arith.constant 0 : i32
    %dma_start3A_587 = tpu.memref_slice %arg5[%dma_start3A_580, %dma_start3A_586] : memref<104x128xi32, #tpu.memory_space<vmem>> -> memref<1x128xi32, #tpu.memory_space<vmem>>
    %dma_start3A_588 = tpu.memref_squeeze %dma_start3A_587 : memref<1x128xi32, #tpu.memory_space<vmem>> -> memref<128xi32, #tpu.memory_space<vmem>>
    %dma_start3A_589 = arith.constant 0 : i32
    %dma_start3A_590 = arith.constant 0 : i32
    %dma_start3A_591 = tpu.memref_slice %arg2[%dma_start3A_589, %dma_start3A_590] : memref<1000000x32xf32, #tpu.memory_space<hbm>> -> memref<1000000x32xf32, #tpu.memory_space<hbm>>
    tpu.enqueue_indirect_dma source(%dma_start3A_591 : memref<1000000x32xf32, #tpu.memory_space<hbm>>) target(%dma_start3A_585 : memref<128x32xf32, #tpu.memory_space<vmem>>) offsets(%dma_start3A_588 : memref<128xi32, #tpu.memory_space<vmem>>) semaphore(%arg7 : memref<!tpu.dma_semaphore, #tpu.memory_space<semaphore_mem>>)
    %dma_start3A_592 = arith.constant 39 : i32
    %dma_start3A_593 = arith.constant 0 : i32
    %dma_start3A_594 = arith.constant 896 : i32
    %dma_start3A_595 = arith.constant 0 : i32
    %dma_start3A_596 = tpu.memref_slice %arg6[%dma_start3A_593, %dma_start3A_594, %dma_start3A_595] : memref<2x1024x32xf32, #tpu.memory_space<vmem>> -> memref<1x128x32xf32, #tpu.memory_space<vmem>>
    %dma_start3A_597 = tpu.memref_squeeze %dma_start3A_596 : memref<1x128x32xf32, #tpu.memory_space<vmem>> -> memref<128x32xf32, #tpu.memory_space<vmem>>
    %dma_start3A_598 = arith.constant 0 : i32
    %dma_start3A_599 = tpu.memref_slice %arg5[%dma_start3A_592, %dma_start3A_598] : memref<104x128xi32, #tpu.memory_space<vmem>> -> memref<1x128xi32, #tpu.memory_space<vmem>>
    %dma_start3A_600 = tpu.memref_squeeze %dma_start3A_599 : memref<1x128xi32, #tpu.memory_space<vmem>> -> memref<128xi32, #tpu.memory_space<vmem>>
    %dma_start3A_601 = arith.constant 0 : i32
    %dma_start3A_602 = arith.constant 0 : i32
    %dma_start3A_603 = tpu.memref_slice %arg2[%dma_start3A_601, %dma_start3A_602] : memref<1000000x32xf32, #tpu.memory_space<hbm>> -> memref<1000000x32xf32, #tpu.memory_space<hbm>>
    tpu.enqueue_indirect_dma source(%dma_start3A_603 : memref<1000000x32xf32, #tpu.memory_space<hbm>>) target(%dma_start3A_597 : memref<128x32xf32, #tpu.memory_space<vmem>>) offsets(%dma_start3A_600 : memref<128xi32, #tpu.memory_space<vmem>>) semaphore(%arg7 : memref<!tpu.dma_semaphore, #tpu.memory_space<semaphore_mem>>)
    %dma_wait3A_604 = arith.constant 1 : i32
    %dma_wait3A_605 = arith.constant 0 : i32
    %dma_wait3A_606 = arith.constant 0 : i32
    %dma_wait3A_607 = tpu.memref_slice %arg6[%dma_wait3A_604, %dma_wait3A_605, %dma_wait3A_606] : memref<2x1024x32xf32, #tpu.memory_space<vmem>> -> memref<1x1024x32xf32, #tpu.memory_space<vmem>>
    %dma_wait3A_608 = tpu.memref_squeeze %dma_wait3A_607 : memref<1x1024x32xf32, #tpu.memory_space<vmem>> -> memref<1024x32xf32, #tpu.memory_space<vmem>>
    %dma_wait3A_609 = arith.constant 0 : i32
    %dma_wait3A_610 = tpu.memref_slice %arg4[%mul3A_2, %dma_wait3A_609] : memref<425984x32xf32, #tpu.memory_space<hbm>> -> memref<1024x32xf32, #tpu.memory_space<hbm>>
    %dma_wait3A_611 = arith.constant 0 : i32
    %dma_wait3A_612 = tpu.memref_slice %arg4[%mul3A_2, %dma_wait3A_611] : memref<425984x32xf32, #tpu.memory_space<hbm>> -> memref<1024x32xf32, #tpu.memory_space<hbm>>
    %dma_wait3A_613 = arith.constant 0 : i32
    %dma_wait3A_614 = arith.constant 0 : i32
    %dma_wait3A_615 = tpu.memref_slice %arg6[%dma_wait3A_604, %dma_wait3A_613, %dma_wait3A_614] : memref<2x1024x32xf32, #tpu.memory_space<vmem>> -> memref<1x1024x32xf32, #tpu.memory_space<vmem>>
    %dma_wait3A_616 = tpu.memref_squeeze %dma_wait3A_615 : memref<1x1024x32xf32, #tpu.memory_space<vmem>> -> memref<1024x32xf32, #tpu.memory_space<vmem>>
    tpu.wait_dma2 semaphore(%arg8 : memref<!tpu.dma_semaphore, #tpu.memory_space<semaphore_mem>>) src(%dma_wait3A_616 : memref<1024x32xf32, #tpu.memory_space<vmem>>) dst(%dma_wait3A_612 : memref<1024x32xf32, #tpu.memory_space<hbm>>)
    %add3A_617 = arith.constant 3072 : i32
    %add3A_618 = arith.addi %mul3A_2, %add3A_617 : i32
    %dma_start3A_619 = arith.constant 1 : i32
    %dma_start3A_620 = arith.constant 0 : i32
    %dma_start3A_621 = arith.constant 0 : i32
    %dma_start3A_622 = tpu.memref_slice %arg6[%dma_start3A_619, %dma_start3A_620, %dma_start3A_621] : memref<2x1024x32xf32, #tpu.memory_space<vmem>> -> memref<1x1024x32xf32, #tpu.memory_space<vmem>>
    %dma_start3A_623 = tpu.memref_squeeze %dma_start3A_622 : memref<1x1024x32xf32, #tpu.memory_space<vmem>> -> memref<1024x32xf32, #tpu.memory_space<vmem>>
    %dma_start3A_624 = arith.constant 0 : i32
    %dma_start3A_625 = tpu.memref_slice %arg4[%add3A_618, %dma_start3A_624] : memref<425984x32xf32, #tpu.memory_space<hbm>> -> memref<1024x32xf32, #tpu.memory_space<hbm>>
    %dma_start3A_626 = arith.constant 0 : i32
    %dma_start3A_627 = tpu.memref_slice %arg4[%add3A_618, %dma_start3A_626] : memref<425984x32xf32, #tpu.memory_space<hbm>> -> memref<1024x32xf32, #tpu.memory_space<hbm>>
    %dma_start3A_628 = arith.constant 0 : i32
    %dma_start3A_629 = arith.constant 0 : i32
    %dma_start3A_630 = tpu.memref_slice %arg6[%dma_start3A_619, %dma_start3A_628, %dma_start3A_629] : memref<2x1024x32xf32, #tpu.memory_space<vmem>> -> memref<1x1024x32xf32, #tpu.memory_space<vmem>>
    %dma_start3A_631 = tpu.memref_squeeze %dma_start3A_630 : memref<1x1024x32xf32, #tpu.memory_space<vmem>> -> memref<1024x32xf32, #tpu.memory_space<vmem>>
    tpu.enqueue_dma source(%dma_start3A_631 : memref<1024x32xf32, #tpu.memory_space<vmem>>) target(%dma_start3A_627 : memref<1024x32xf32, #tpu.memory_space<hbm>>) target_semaphore(%arg10 : memref<!tpu.dma_semaphore, #tpu.memory_space<semaphore_mem>>)
    %dma_wait3A_632 = arith.constant 1 : i32
    %dma_wait3A_633 = arith.constant 0 : i32
    %dma_wait3A_634 = arith.constant 0 : i32
    %dma_wait3A_635 = tpu.memref_slice %arg6[%dma_wait3A_632, %dma_wait3A_633, %dma_wait3A_634] : memref<2x1024x32xf32, #tpu.memory_space<vmem>> -> memref<1x1024x32xf32, #tpu.memory_space<vmem>>
    %dma_wait3A_636 = tpu.memref_squeeze %dma_wait3A_635 : memref<1x1024x32xf32, #tpu.memory_space<vmem>> -> memref<1024x32xf32, #tpu.memory_space<vmem>>
    %dma_wait3A_637 = arith.constant 0 : i32
    %dma_wait3A_638 = tpu.memref_slice %arg4[%mul3A_2, %dma_wait3A_637] : memref<425984x32xf32, #tpu.memory_space<hbm>> -> memref<1024x32xf32, #tpu.memory_space<hbm>>
    %dma_wait3A_639 = arith.constant 0 : i32
    %dma_wait3A_640 = tpu.memref_slice %arg4[%mul3A_2, %dma_wait3A_639] : memref<425984x32xf32, #tpu.memory_space<hbm>> -> memref<1024x32xf32, #tpu.memory_space<hbm>>
    %dma_wait3A_641 = arith.constant 0 : i32
    %dma_wait3A_642 = arith.constant 0 : i32
    %dma_wait3A_643 = tpu.memref_slice %arg6[%dma_wait3A_632, %dma_wait3A_641, %dma_wait3A_642] : memref<2x1024x32xf32, #tpu.memory_space<vmem>> -> memref<1x1024x32xf32, #tpu.memory_space<vmem>>
    %dma_wait3A_644 = tpu.memref_squeeze %dma_wait3A_643 : memref<1x1024x32xf32, #tpu.memory_space<vmem>> -> memref<1024x32xf32, #tpu.memory_space<vmem>>
    tpu.wait_dma2 semaphore(%arg10 : memref<!tpu.dma_semaphore, #tpu.memory_space<semaphore_mem>>) src(%dma_wait3A_644 : memref<1024x32xf32, #tpu.memory_space<vmem>>) dst(%dma_wait3A_640 : memref<1024x32xf32, #tpu.memory_space<hbm>>)
    %dma_start3A_645 = arith.constant 40 : i32
    %dma_start3A_646 = arith.constant 1 : i32
    %dma_start3A_647 = arith.constant 0 : i32
    %dma_start3A_648 = arith.constant 0 : i32
    %dma_start3A_649 = tpu.memref_slice %arg6[%dma_start3A_646, %dma_start3A_647, %dma_start3A_648] : memref<2x1024x32xf32, #tpu.memory_space<vmem>> -> memref<1x128x32xf32, #tpu.memory_space<vmem>>
    %dma_start3A_650 = tpu.memref_squeeze %dma_start3A_649 : memref<1x128x32xf32, #tpu.memory_space<vmem>> -> memref<128x32xf32, #tpu.memory_space<vmem>>
    %dma_start3A_651 = arith.constant 0 : i32
    %dma_start3A_652 = tpu.memref_slice %arg5[%dma_start3A_645, %dma_start3A_651] : memref<104x128xi32, #tpu.memory_space<vmem>> -> memref<1x128xi32, #tpu.memory_space<vmem>>
    %dma_start3A_653 = tpu.memref_squeeze %dma_start3A_652 : memref<1x128xi32, #tpu.memory_space<vmem>> -> memref<128xi32, #tpu.memory_space<vmem>>
    %dma_start3A_654 = arith.constant 0 : i32
    %dma_start3A_655 = arith.constant 0 : i32
    %dma_start3A_656 = tpu.memref_slice %arg2[%dma_start3A_654, %dma_start3A_655] : memref<1000000x32xf32, #tpu.memory_space<hbm>> -> memref<1000000x32xf32, #tpu.memory_space<hbm>>
    tpu.enqueue_indirect_dma source(%dma_start3A_656 : memref<1000000x32xf32, #tpu.memory_space<hbm>>) target(%dma_start3A_650 : memref<128x32xf32, #tpu.memory_space<vmem>>) offsets(%dma_start3A_653 : memref<128xi32, #tpu.memory_space<vmem>>) semaphore(%arg8 : memref<!tpu.dma_semaphore, #tpu.memory_space<semaphore_mem>>)
    %dma_start3A_657 = arith.constant 41 : i32
    %dma_start3A_658 = arith.constant 1 : i32
    %dma_start3A_659 = arith.constant 128 : i32
    %dma_start3A_660 = arith.constant 0 : i32
    %dma_start3A_661 = tpu.memref_slice %arg6[%dma_start3A_658, %dma_start3A_659, %dma_start3A_660] : memref<2x1024x32xf32, #tpu.memory_space<vmem>> -> memref<1x128x32xf32, #tpu.memory_space<vmem>>
    %dma_start3A_662 = tpu.memref_squeeze %dma_start3A_661 : memref<1x128x32xf32, #tpu.memory_space<vmem>> -> memref<128x32xf32, #tpu.memory_space<vmem>>
    %dma_start3A_663 = arith.constant 0 : i32
    %dma_start3A_664 = tpu.memref_slice %arg5[%dma_start3A_657, %dma_start3A_663] : memref<104x128xi32, #tpu.memory_space<vmem>> -> memref<1x128xi32, #tpu.memory_space<vmem>>
    %dma_start3A_665 = tpu.memref_squeeze %dma_start3A_664 : memref<1x128xi32, #tpu.memory_space<vmem>> -> memref<128xi32, #tpu.memory_space<vmem>>
    %dma_start3A_666 = arith.constant 0 : i32
    %dma_start3A_667 = arith.constant 0 : i32
    %dma_start3A_668 = tpu.memref_slice %arg2[%dma_start3A_666, %dma_start3A_667] : memref<1000000x32xf32, #tpu.memory_space<hbm>> -> memref<1000000x32xf32, #tpu.memory_space<hbm>>
    tpu.enqueue_indirect_dma source(%dma_start3A_668 : memref<1000000x32xf32, #tpu.memory_space<hbm>>) target(%dma_start3A_662 : memref<128x32xf32, #tpu.memory_space<vmem>>) offsets(%dma_start3A_665 : memref<128xi32, #tpu.memory_space<vmem>>) semaphore(%arg8 : memref<!tpu.dma_semaphore, #tpu.memory_space<semaphore_mem>>)
    %dma_start3A_669 = arith.constant 42 : i32
    %dma_start3A_670 = arith.constant 1 : i32
    %dma_start3A_671 = arith.constant 256 : i32
    %dma_start3A_672 = arith.constant 0 : i32
    %dma_start3A_673 = tpu.memref_slice %arg6[%dma_start3A_670, %dma_start3A_671, %dma_start3A_672] : memref<2x1024x32xf32, #tpu.memory_space<vmem>> -> memref<1x128x32xf32, #tpu.memory_space<vmem>>
    %dma_start3A_674 = tpu.memref_squeeze %dma_start3A_673 : memref<1x128x32xf32, #tpu.memory_space<vmem>> -> memref<128x32xf32, #tpu.memory_space<vmem>>
    %dma_start3A_675 = arith.constant 0 : i32
    %dma_start3A_676 = tpu.memref_slice %arg5[%dma_start3A_669, %dma_start3A_675] : memref<104x128xi32, #tpu.memory_space<vmem>> -> memref<1x128xi32, #tpu.memory_space<vmem>>
    %dma_start3A_677 = tpu.memref_squeeze %dma_start3A_676 : memref<1x128xi32, #tpu.memory_space<vmem>> -> memref<128xi32, #tpu.memory_space<vmem>>
    %dma_start3A_678 = arith.constant 0 : i32
    %dma_start3A_679 = arith.constant 0 : i32
    %dma_start3A_680 = tpu.memref_slice %arg2[%dma_start3A_678, %dma_start3A_679] : memref<1000000x32xf32, #tpu.memory_space<hbm>> -> memref<1000000x32xf32, #tpu.memory_space<hbm>>
    tpu.enqueue_indirect_dma source(%dma_start3A_680 : memref<1000000x32xf32, #tpu.memory_space<hbm>>) target(%dma_start3A_674 : memref<128x32xf32, #tpu.memory_space<vmem>>) offsets(%dma_start3A_677 : memref<128xi32, #tpu.memory_space<vmem>>) semaphore(%arg8 : memref<!tpu.dma_semaphore, #tpu.memory_space<semaphore_mem>>)
    %dma_start3A_681 = arith.constant 43 : i32
    %dma_start3A_682 = arith.constant 1 : i32
    %dma_start3A_683 = arith.constant 384 : i32
    %dma_start3A_684 = arith.constant 0 : i32
    %dma_start3A_685 = tpu.memref_slice %arg6[%dma_start3A_682, %dma_start3A_683, %dma_start3A_684] : memref<2x1024x32xf32, #tpu.memory_space<vmem>> -> memref<1x128x32xf32, #tpu.memory_space<vmem>>
    %dma_start3A_686 = tpu.memref_squeeze %dma_start3A_685 : memref<1x128x32xf32, #tpu.memory_space<vmem>> -> memref<128x32xf32, #tpu.memory_space<vmem>>
    %dma_start3A_687 = arith.constant 0 : i32
    %dma_start3A_688 = tpu.memref_slice %arg5[%dma_start3A_681, %dma_start3A_687] : memref<104x128xi32, #tpu.memory_space<vmem>> -> memref<1x128xi32, #tpu.memory_space<vmem>>
    %dma_start3A_689 = tpu.memref_squeeze %dma_start3A_688 : memref<1x128xi32, #tpu.memory_space<vmem>> -> memref<128xi32, #tpu.memory_space<vmem>>
    %dma_start3A_690 = arith.constant 0 : i32
    %dma_start3A_691 = arith.constant 0 : i32
    %dma_start3A_692 = tpu.memref_slice %arg2[%dma_start3A_690, %dma_start3A_691] : memref<1000000x32xf32, #tpu.memory_space<hbm>> -> memref<1000000x32xf32, #tpu.memory_space<hbm>>
    tpu.enqueue_indirect_dma source(%dma_start3A_692 : memref<1000000x32xf32, #tpu.memory_space<hbm>>) target(%dma_start3A_686 : memref<128x32xf32, #tpu.memory_space<vmem>>) offsets(%dma_start3A_689 : memref<128xi32, #tpu.memory_space<vmem>>) semaphore(%arg8 : memref<!tpu.dma_semaphore, #tpu.memory_space<semaphore_mem>>)
    %dma_start3A_693 = arith.constant 44 : i32
    %dma_start3A_694 = arith.constant 1 : i32
    %dma_start3A_695 = arith.constant 512 : i32
    %dma_start3A_696 = arith.constant 0 : i32
    %dma_start3A_697 = tpu.memref_slice %arg6[%dma_start3A_694, %dma_start3A_695, %dma_start3A_696] : memref<2x1024x32xf32, #tpu.memory_space<vmem>> -> memref<1x128x32xf32, #tpu.memory_space<vmem>>
    %dma_start3A_698 = tpu.memref_squeeze %dma_start3A_697 : memref<1x128x32xf32, #tpu.memory_space<vmem>> -> memref<128x32xf32, #tpu.memory_space<vmem>>
    %dma_start3A_699 = arith.constant 0 : i32
    %dma_start3A_700 = tpu.memref_slice %arg5[%dma_start3A_693, %dma_start3A_699] : memref<104x128xi32, #tpu.memory_space<vmem>> -> memref<1x128xi32, #tpu.memory_space<vmem>>
    %dma_start3A_701 = tpu.memref_squeeze %dma_start3A_700 : memref<1x128xi32, #tpu.memory_space<vmem>> -> memref<128xi32, #tpu.memory_space<vmem>>
    %dma_start3A_702 = arith.constant 0 : i32
    %dma_start3A_703 = arith.constant 0 : i32
    %dma_start3A_704 = tpu.memref_slice %arg2[%dma_start3A_702, %dma_start3A_703] : memref<1000000x32xf32, #tpu.memory_space<hbm>> -> memref<1000000x32xf32, #tpu.memory_space<hbm>>
    tpu.enqueue_indirect_dma source(%dma_start3A_704 : memref<1000000x32xf32, #tpu.memory_space<hbm>>) target(%dma_start3A_698 : memref<128x32xf32, #tpu.memory_space<vmem>>) offsets(%dma_start3A_701 : memref<128xi32, #tpu.memory_space<vmem>>) semaphore(%arg8 : memref<!tpu.dma_semaphore, #tpu.memory_space<semaphore_mem>>)
    %dma_start3A_705 = arith.constant 45 : i32
    %dma_start3A_706 = arith.constant 1 : i32
    %dma_start3A_707 = arith.constant 640 : i32
    %dma_start3A_708 = arith.constant 0 : i32
    %dma_start3A_709 = tpu.memref_slice %arg6[%dma_start3A_706, %dma_start3A_707, %dma_start3A_708] : memref<2x1024x32xf32, #tpu.memory_space<vmem>> -> memref<1x128x32xf32, #tpu.memory_space<vmem>>
    %dma_start3A_710 = tpu.memref_squeeze %dma_start3A_709 : memref<1x128x32xf32, #tpu.memory_space<vmem>> -> memref<128x32xf32, #tpu.memory_space<vmem>>
    %dma_start3A_711 = arith.constant 0 : i32
    %dma_start3A_712 = tpu.memref_slice %arg5[%dma_start3A_705, %dma_start3A_711] : memref<104x128xi32, #tpu.memory_space<vmem>> -> memref<1x128xi32, #tpu.memory_space<vmem>>
    %dma_start3A_713 = tpu.memref_squeeze %dma_start3A_712 : memref<1x128xi32, #tpu.memory_space<vmem>> -> memref<128xi32, #tpu.memory_space<vmem>>
    %dma_start3A_714 = arith.constant 0 : i32
    %dma_start3A_715 = arith.constant 0 : i32
    %dma_start3A_716 = tpu.memref_slice %arg2[%dma_start3A_714, %dma_start3A_715] : memref<1000000x32xf32, #tpu.memory_space<hbm>> -> memref<1000000x32xf32, #tpu.memory_space<hbm>>
    tpu.enqueue_indirect_dma source(%dma_start3A_716 : memref<1000000x32xf32, #tpu.memory_space<hbm>>) target(%dma_start3A_710 : memref<128x32xf32, #tpu.memory_space<vmem>>) offsets(%dma_start3A_713 : memref<128xi32, #tpu.memory_space<vmem>>) semaphore(%arg8 : memref<!tpu.dma_semaphore, #tpu.memory_space<semaphore_mem>>)
    %dma_start3A_717 = arith.constant 46 : i32
    %dma_start3A_718 = arith.constant 1 : i32
    %dma_start3A_719 = arith.constant 768 : i32
    %dma_start3A_720 = arith.constant 0 : i32
    %dma_start3A_721 = tpu.memref_slice %arg6[%dma_start3A_718, %dma_start3A_719, %dma_start3A_720] : memref<2x1024x32xf32, #tpu.memory_space<vmem>> -> memref<1x128x32xf32, #tpu.memory_space<vmem>>
    %dma_start3A_722 = tpu.memref_squeeze %dma_start3A_721 : memref<1x128x32xf32, #tpu.memory_space<vmem>> -> memref<128x32xf32, #tpu.memory_space<vmem>>
    %dma_start3A_723 = arith.constant 0 : i32
    %dma_start3A_724 = tpu.memref_slice %arg5[%dma_start3A_717, %dma_start3A_723] : memref<104x128xi32, #tpu.memory_space<vmem>> -> memref<1x128xi32, #tpu.memory_space<vmem>>
    %dma_start3A_725 = tpu.memref_squeeze %dma_start3A_724 : memref<1x128xi32, #tpu.memory_space<vmem>> -> memref<128xi32, #tpu.memory_space<vmem>>
    %dma_start3A_726 = arith.constant 0 : i32
    %dma_start3A_727 = arith.constant 0 : i32
    %dma_start3A_728 = tpu.memref_slice %arg2[%dma_start3A_726, %dma_start3A_727] : memref<1000000x32xf32, #tpu.memory_space<hbm>> -> memref<1000000x32xf32, #tpu.memory_space<hbm>>
    tpu.enqueue_indirect_dma source(%dma_start3A_728 : memref<1000000x32xf32, #tpu.memory_space<hbm>>) target(%dma_start3A_722 : memref<128x32xf32, #tpu.memory_space<vmem>>) offsets(%dma_start3A_725 : memref<128xi32, #tpu.memory_space<vmem>>) semaphore(%arg8 : memref<!tpu.dma_semaphore, #tpu.memory_space<semaphore_mem>>)
    %dma_start3A_729 = arith.constant 47 : i32
    %dma_start3A_730 = arith.constant 1 : i32
    %dma_start3A_731 = arith.constant 896 : i32
    %dma_start3A_732 = arith.constant 0 : i32
    %dma_start3A_733 = tpu.memref_slice %arg6[%dma_start3A_730, %dma_start3A_731, %dma_start3A_732] : memref<2x1024x32xf32, #tpu.memory_space<vmem>> -> memref<1x128x32xf32, #tpu.memory_space<vmem>>
    %dma_start3A_734 = tpu.memref_squeeze %dma_start3A_733 : memref<1x128x32xf32, #tpu.memory_space<vmem>> -> memref<128x32xf32, #tpu.memory_space<vmem>>
    %dma_start3A_735 = arith.constant 0 : i32
    %dma_start3A_736 = tpu.memref_slice %arg5[%dma_start3A_729, %dma_start3A_735] : memref<104x128xi32, #tpu.memory_space<vmem>> -> memref<1x128xi32, #tpu.memory_space<vmem>>
    %dma_start3A_737 = tpu.memref_squeeze %dma_start3A_736 : memref<1x128xi32, #tpu.memory_space<vmem>> -> memref<128xi32, #tpu.memory_space<vmem>>
    %dma_start3A_738 = arith.constant 0 : i32
    %dma_start3A_739 = arith.constant 0 : i32
    %dma_start3A_740 = tpu.memref_slice %arg2[%dma_start3A_738, %dma_start3A_739] : memref<1000000x32xf32, #tpu.memory_space<hbm>> -> memref<1000000x32xf32, #tpu.memory_space<hbm>>
    tpu.enqueue_indirect_dma source(%dma_start3A_740 : memref<1000000x32xf32, #tpu.memory_space<hbm>>) target(%dma_start3A_734 : memref<128x32xf32, #tpu.memory_space<vmem>>) offsets(%dma_start3A_737 : memref<128xi32, #tpu.memory_space<vmem>>) semaphore(%arg8 : memref<!tpu.dma_semaphore, #tpu.memory_space<semaphore_mem>>)
    %dma_wait3A_741 = arith.constant 0 : i32
    %dma_wait3A_742 = arith.constant 0 : i32
    %dma_wait3A_743 = arith.constant 0 : i32
    %dma_wait3A_744 = tpu.memref_slice %arg6[%dma_wait3A_741, %dma_wait3A_742, %dma_wait3A_743] : memref<2x1024x32xf32, #tpu.memory_space<vmem>> -> memref<1x1024x32xf32, #tpu.memory_space<vmem>>
    %dma_wait3A_745 = tpu.memref_squeeze %dma_wait3A_744 : memref<1x1024x32xf32, #tpu.memory_space<vmem>> -> memref<1024x32xf32, #tpu.memory_space<vmem>>
    %dma_wait3A_746 = arith.constant 0 : i32
    %dma_wait3A_747 = tpu.memref_slice %arg4[%mul3A_2, %dma_wait3A_746] : memref<425984x32xf32, #tpu.memory_space<hbm>> -> memref<1024x32xf32, #tpu.memory_space<hbm>>
    %dma_wait3A_748 = arith.constant 0 : i32
    %dma_wait3A_749 = tpu.memref_slice %arg4[%mul3A_2, %dma_wait3A_748] : memref<425984x32xf32, #tpu.memory_space<hbm>> -> memref<1024x32xf32, #tpu.memory_space<hbm>>
    %dma_wait3A_750 = arith.constant 0 : i32
    %dma_wait3A_751 = arith.constant 0 : i32
    %dma_wait3A_752 = tpu.memref_slice %arg6[%dma_wait3A_741, %dma_wait3A_750, %dma_wait3A_751] : memref<2x1024x32xf32, #tpu.memory_space<vmem>> -> memref<1x1024x32xf32, #tpu.memory_space<vmem>>
    %dma_wait3A_753 = tpu.memref_squeeze %dma_wait3A_752 : memref<1x1024x32xf32, #tpu.memory_space<vmem>> -> memref<1024x32xf32, #tpu.memory_space<vmem>>
    tpu.wait_dma2 semaphore(%arg7 : memref<!tpu.dma_semaphore, #tpu.memory_space<semaphore_mem>>) src(%dma_wait3A_753 : memref<1024x32xf32, #tpu.memory_space<vmem>>) dst(%dma_wait3A_749 : memref<1024x32xf32, #tpu.memory_space<hbm>>)
    %add3A_754 = arith.constant 4096 : i32
    %add3A_755 = arith.addi %mul3A_2, %add3A_754 : i32
    %dma_start3A_756 = arith.constant 0 : i32
    %dma_start3A_757 = arith.constant 0 : i32
    %dma_start3A_758 = arith.constant 0 : i32
    %dma_start3A_759 = tpu.memref_slice %arg6[%dma_start3A_756, %dma_start3A_757, %dma_start3A_758] : memref<2x1024x32xf32, #tpu.memory_space<vmem>> -> memref<1x1024x32xf32, #tpu.memory_space<vmem>>
    %dma_start3A_760 = tpu.memref_squeeze %dma_start3A_759 : memref<1x1024x32xf32, #tpu.memory_space<vmem>> -> memref<1024x32xf32, #tpu.memory_space<vmem>>
    %dma_start3A_761 = arith.constant 0 : i32
    %dma_start3A_762 = tpu.memref_slice %arg4[%add3A_755, %dma_start3A_761] : memref<425984x32xf32, #tpu.memory_space<hbm>> -> memref<1024x32xf32, #tpu.memory_space<hbm>>
    %dma_start3A_763 = arith.constant 0 : i32
    %dma_start3A_764 = tpu.memref_slice %arg4[%add3A_755, %dma_start3A_763] : memref<425984x32xf32, #tpu.memory_space<hbm>> -> memref<1024x32xf32, #tpu.memory_space<hbm>>
    %dma_start3A_765 = arith.constant 0 : i32
    %dma_start3A_766 = arith.constant 0 : i32
    %dma_start3A_767 = tpu.memref_slice %arg6[%dma_start3A_756, %dma_start3A_765, %dma_start3A_766] : memref<2x1024x32xf32, #tpu.memory_space<vmem>> -> memref<1x1024x32xf32, #tpu.memory_space<vmem>>
    %dma_start3A_768 = tpu.memref_squeeze %dma_start3A_767 : memref<1x1024x32xf32, #tpu.memory_space<vmem>> -> memref<1024x32xf32, #tpu.memory_space<vmem>>
    tpu.enqueue_dma source(%dma_start3A_768 : memref<1024x32xf32, #tpu.memory_space<vmem>>) target(%dma_start3A_764 : memref<1024x32xf32, #tpu.memory_space<hbm>>) target_semaphore(%arg9 : memref<!tpu.dma_semaphore, #tpu.memory_space<semaphore_mem>>)
    %dma_wait3A_769 = arith.constant 0 : i32
    %dma_wait3A_770 = arith.constant 0 : i32
    %dma_wait3A_771 = arith.constant 0 : i32
    %dma_wait3A_772 = tpu.memref_slice %arg6[%dma_wait3A_769, %dma_wait3A_770, %dma_wait3A_771] : memref<2x1024x32xf32, #tpu.memory_space<vmem>> -> memref<1x1024x32xf32, #tpu.memory_space<vmem>>
    %dma_wait3A_773 = tpu.memref_squeeze %dma_wait3A_772 : memref<1x1024x32xf32, #tpu.memory_space<vmem>> -> memref<1024x32xf32, #tpu.memory_space<vmem>>
    %dma_wait3A_774 = arith.constant 0 : i32
    %dma_wait3A_775 = tpu.memref_slice %arg4[%mul3A_2, %dma_wait3A_774] : memref<425984x32xf32, #tpu.memory_space<hbm>> -> memref<1024x32xf32, #tpu.memory_space<hbm>>
    %dma_wait3A_776 = arith.constant 0 : i32
    %dma_wait3A_777 = tpu.memref_slice %arg4[%mul3A_2, %dma_wait3A_776] : memref<425984x32xf32, #tpu.memory_space<hbm>> -> memref<1024x32xf32, #tpu.memory_space<hbm>>
    %dma_wait3A_778 = arith.constant 0 : i32
    %dma_wait3A_779 = arith.constant 0 : i32
    %dma_wait3A_780 = tpu.memref_slice %arg6[%dma_wait3A_769, %dma_wait3A_778, %dma_wait3A_779] : memref<2x1024x32xf32, #tpu.memory_space<vmem>> -> memref<1x1024x32xf32, #tpu.memory_space<vmem>>
    %dma_wait3A_781 = tpu.memref_squeeze %dma_wait3A_780 : memref<1x1024x32xf32, #tpu.memory_space<vmem>> -> memref<1024x32xf32, #tpu.memory_space<vmem>>
    tpu.wait_dma2 semaphore(%arg9 : memref<!tpu.dma_semaphore, #tpu.memory_space<semaphore_mem>>) src(%dma_wait3A_781 : memref<1024x32xf32, #tpu.memory_space<vmem>>) dst(%dma_wait3A_777 : memref<1024x32xf32, #tpu.memory_space<hbm>>)
    %dma_start3A_782 = arith.constant 48 : i32
    %dma_start3A_783 = arith.constant 0 : i32
    %dma_start3A_784 = arith.constant 0 : i32
    %dma_start3A_785 = arith.constant 0 : i32
    %dma_start3A_786 = tpu.memref_slice %arg6[%dma_start3A_783, %dma_start3A_784, %dma_start3A_785] : memref<2x1024x32xf32, #tpu.memory_space<vmem>> -> memref<1x128x32xf32, #tpu.memory_space<vmem>>
    %dma_start3A_787 = tpu.memref_squeeze %dma_start3A_786 : memref<1x128x32xf32, #tpu.memory_space<vmem>> -> memref<128x32xf32, #tpu.memory_space<vmem>>
    %dma_start3A_788 = arith.constant 0 : i32
    %dma_start3A_789 = tpu.memref_slice %arg5[%dma_start3A_782, %dma_start3A_788] : memref<104x128xi32, #tpu.memory_space<vmem>> -> memref<1x128xi32, #tpu.memory_space<vmem>>
    %dma_start3A_790 = tpu.memref_squeeze %dma_start3A_789 : memref<1x128xi32, #tpu.memory_space<vmem>> -> memref<128xi32, #tpu.memory_space<vmem>>
    %dma_start3A_791 = arith.constant 0 : i32
    %dma_start3A_792 = arith.constant 0 : i32
    %dma_start3A_793 = tpu.memref_slice %arg2[%dma_start3A_791, %dma_start3A_792] : memref<1000000x32xf32, #tpu.memory_space<hbm>> -> memref<1000000x32xf32, #tpu.memory_space<hbm>>
    tpu.enqueue_indirect_dma source(%dma_start3A_793 : memref<1000000x32xf32, #tpu.memory_space<hbm>>) target(%dma_start3A_787 : memref<128x32xf32, #tpu.memory_space<vmem>>) offsets(%dma_start3A_790 : memref<128xi32, #tpu.memory_space<vmem>>) semaphore(%arg7 : memref<!tpu.dma_semaphore, #tpu.memory_space<semaphore_mem>>)
    %dma_start3A_794 = arith.constant 49 : i32
    %dma_start3A_795 = arith.constant 0 : i32
    %dma_start3A_796 = arith.constant 128 : i32
    %dma_start3A_797 = arith.constant 0 : i32
    %dma_start3A_798 = tpu.memref_slice %arg6[%dma_start3A_795, %dma_start3A_796, %dma_start3A_797] : memref<2x1024x32xf32, #tpu.memory_space<vmem>> -> memref<1x128x32xf32, #tpu.memory_space<vmem>>
    %dma_start3A_799 = tpu.memref_squeeze %dma_start3A_798 : memref<1x128x32xf32, #tpu.memory_space<vmem>> -> memref<128x32xf32, #tpu.memory_space<vmem>>
    %dma_start3A_800 = arith.constant 0 : i32
    %dma_start3A_801 = tpu.memref_slice %arg5[%dma_start3A_794, %dma_start3A_800] : memref<104x128xi32, #tpu.memory_space<vmem>> -> memref<1x128xi32, #tpu.memory_space<vmem>>
    %dma_start3A_802 = tpu.memref_squeeze %dma_start3A_801 : memref<1x128xi32, #tpu.memory_space<vmem>> -> memref<128xi32, #tpu.memory_space<vmem>>
    %dma_start3A_803 = arith.constant 0 : i32
    %dma_start3A_804 = arith.constant 0 : i32
    %dma_start3A_805 = tpu.memref_slice %arg2[%dma_start3A_803, %dma_start3A_804] : memref<1000000x32xf32, #tpu.memory_space<hbm>> -> memref<1000000x32xf32, #tpu.memory_space<hbm>>
    tpu.enqueue_indirect_dma source(%dma_start3A_805 : memref<1000000x32xf32, #tpu.memory_space<hbm>>) target(%dma_start3A_799 : memref<128x32xf32, #tpu.memory_space<vmem>>) offsets(%dma_start3A_802 : memref<128xi32, #tpu.memory_space<vmem>>) semaphore(%arg7 : memref<!tpu.dma_semaphore, #tpu.memory_space<semaphore_mem>>)
    %dma_start3A_806 = arith.constant 50 : i32
    %dma_start3A_807 = arith.constant 0 : i32
    %dma_start3A_808 = arith.constant 256 : i32
    %dma_start3A_809 = arith.constant 0 : i32
    %dma_start3A_810 = tpu.memref_slice %arg6[%dma_start3A_807, %dma_start3A_808, %dma_start3A_809] : memref<2x1024x32xf32, #tpu.memory_space<vmem>> -> memref<1x128x32xf32, #tpu.memory_space<vmem>>
    %dma_start3A_811 = tpu.memref_squeeze %dma_start3A_810 : memref<1x128x32xf32, #tpu.memory_space<vmem>> -> memref<128x32xf32, #tpu.memory_space<vmem>>
    %dma_start3A_812 = arith.constant 0 : i32
    %dma_start3A_813 = tpu.memref_slice %arg5[%dma_start3A_806, %dma_start3A_812] : memref<104x128xi32, #tpu.memory_space<vmem>> -> memref<1x128xi32, #tpu.memory_space<vmem>>
    %dma_start3A_814 = tpu.memref_squeeze %dma_start3A_813 : memref<1x128xi32, #tpu.memory_space<vmem>> -> memref<128xi32, #tpu.memory_space<vmem>>
    %dma_start3A_815 = arith.constant 0 : i32
    %dma_start3A_816 = arith.constant 0 : i32
    %dma_start3A_817 = tpu.memref_slice %arg2[%dma_start3A_815, %dma_start3A_816] : memref<1000000x32xf32, #tpu.memory_space<hbm>> -> memref<1000000x32xf32, #tpu.memory_space<hbm>>
    tpu.enqueue_indirect_dma source(%dma_start3A_817 : memref<1000000x32xf32, #tpu.memory_space<hbm>>) target(%dma_start3A_811 : memref<128x32xf32, #tpu.memory_space<vmem>>) offsets(%dma_start3A_814 : memref<128xi32, #tpu.memory_space<vmem>>) semaphore(%arg7 : memref<!tpu.dma_semaphore, #tpu.memory_space<semaphore_mem>>)
    %dma_start3A_818 = arith.constant 51 : i32
    %dma_start3A_819 = arith.constant 0 : i32
    %dma_start3A_820 = arith.constant 384 : i32
    %dma_start3A_821 = arith.constant 0 : i32
    %dma_start3A_822 = tpu.memref_slice %arg6[%dma_start3A_819, %dma_start3A_820, %dma_start3A_821] : memref<2x1024x32xf32, #tpu.memory_space<vmem>> -> memref<1x128x32xf32, #tpu.memory_space<vmem>>
    %dma_start3A_823 = tpu.memref_squeeze %dma_start3A_822 : memref<1x128x32xf32, #tpu.memory_space<vmem>> -> memref<128x32xf32, #tpu.memory_space<vmem>>
    %dma_start3A_824 = arith.constant 0 : i32
    %dma_start3A_825 = tpu.memref_slice %arg5[%dma_start3A_818, %dma_start3A_824] : memref<104x128xi32, #tpu.memory_space<vmem>> -> memref<1x128xi32, #tpu.memory_space<vmem>>
    %dma_start3A_826 = tpu.memref_squeeze %dma_start3A_825 : memref<1x128xi32, #tpu.memory_space<vmem>> -> memref<128xi32, #tpu.memory_space<vmem>>
    %dma_start3A_827 = arith.constant 0 : i32
    %dma_start3A_828 = arith.constant 0 : i32
    %dma_start3A_829 = tpu.memref_slice %arg2[%dma_start3A_827, %dma_start3A_828] : memref<1000000x32xf32, #tpu.memory_space<hbm>> -> memref<1000000x32xf32, #tpu.memory_space<hbm>>
    tpu.enqueue_indirect_dma source(%dma_start3A_829 : memref<1000000x32xf32, #tpu.memory_space<hbm>>) target(%dma_start3A_823 : memref<128x32xf32, #tpu.memory_space<vmem>>) offsets(%dma_start3A_826 : memref<128xi32, #tpu.memory_space<vmem>>) semaphore(%arg7 : memref<!tpu.dma_semaphore, #tpu.memory_space<semaphore_mem>>)
    %dma_start3A_830 = arith.constant 52 : i32
    %dma_start3A_831 = arith.constant 0 : i32
    %dma_start3A_832 = arith.constant 512 : i32
    %dma_start3A_833 = arith.constant 0 : i32
    %dma_start3A_834 = tpu.memref_slice %arg6[%dma_start3A_831, %dma_start3A_832, %dma_start3A_833] : memref<2x1024x32xf32, #tpu.memory_space<vmem>> -> memref<1x128x32xf32, #tpu.memory_space<vmem>>
    %dma_start3A_835 = tpu.memref_squeeze %dma_start3A_834 : memref<1x128x32xf32, #tpu.memory_space<vmem>> -> memref<128x32xf32, #tpu.memory_space<vmem>>
    %dma_start3A_836 = arith.constant 0 : i32
    %dma_start3A_837 = tpu.memref_slice %arg5[%dma_start3A_830, %dma_start3A_836] : memref<104x128xi32, #tpu.memory_space<vmem>> -> memref<1x128xi32, #tpu.memory_space<vmem>>
    %dma_start3A_838 = tpu.memref_squeeze %dma_start3A_837 : memref<1x128xi32, #tpu.memory_space<vmem>> -> memref<128xi32, #tpu.memory_space<vmem>>
    %dma_start3A_839 = arith.constant 0 : i32
    %dma_start3A_840 = arith.constant 0 : i32
    %dma_start3A_841 = tpu.memref_slice %arg2[%dma_start3A_839, %dma_start3A_840] : memref<1000000x32xf32, #tpu.memory_space<hbm>> -> memref<1000000x32xf32, #tpu.memory_space<hbm>>
    tpu.enqueue_indirect_dma source(%dma_start3A_841 : memref<1000000x32xf32, #tpu.memory_space<hbm>>) target(%dma_start3A_835 : memref<128x32xf32, #tpu.memory_space<vmem>>) offsets(%dma_start3A_838 : memref<128xi32, #tpu.memory_space<vmem>>) semaphore(%arg7 : memref<!tpu.dma_semaphore, #tpu.memory_space<semaphore_mem>>)
    %dma_start3A_842 = arith.constant 53 : i32
    %dma_start3A_843 = arith.constant 0 : i32
    %dma_start3A_844 = arith.constant 640 : i32
    %dma_start3A_845 = arith.constant 0 : i32
    %dma_start3A_846 = tpu.memref_slice %arg6[%dma_start3A_843, %dma_start3A_844, %dma_start3A_845] : memref<2x1024x32xf32, #tpu.memory_space<vmem>> -> memref<1x128x32xf32, #tpu.memory_space<vmem>>
    %dma_start3A_847 = tpu.memref_squeeze %dma_start3A_846 : memref<1x128x32xf32, #tpu.memory_space<vmem>> -> memref<128x32xf32, #tpu.memory_space<vmem>>
    %dma_start3A_848 = arith.constant 0 : i32
    %dma_start3A_849 = tpu.memref_slice %arg5[%dma_start3A_842, %dma_start3A_848] : memref<104x128xi32, #tpu.memory_space<vmem>> -> memref<1x128xi32, #tpu.memory_space<vmem>>
    %dma_start3A_850 = tpu.memref_squeeze %dma_start3A_849 : memref<1x128xi32, #tpu.memory_space<vmem>> -> memref<128xi32, #tpu.memory_space<vmem>>
    %dma_start3A_851 = arith.constant 0 : i32
    %dma_start3A_852 = arith.constant 0 : i32
    %dma_start3A_853 = tpu.memref_slice %arg2[%dma_start3A_851, %dma_start3A_852] : memref<1000000x32xf32, #tpu.memory_space<hbm>> -> memref<1000000x32xf32, #tpu.memory_space<hbm>>
    tpu.enqueue_indirect_dma source(%dma_start3A_853 : memref<1000000x32xf32, #tpu.memory_space<hbm>>) target(%dma_start3A_847 : memref<128x32xf32, #tpu.memory_space<vmem>>) offsets(%dma_start3A_850 : memref<128xi32, #tpu.memory_space<vmem>>) semaphore(%arg7 : memref<!tpu.dma_semaphore, #tpu.memory_space<semaphore_mem>>)
    %dma_start3A_854 = arith.constant 54 : i32
    %dma_start3A_855 = arith.constant 0 : i32
    %dma_start3A_856 = arith.constant 768 : i32
    %dma_start3A_857 = arith.constant 0 : i32
    %dma_start3A_858 = tpu.memref_slice %arg6[%dma_start3A_855, %dma_start3A_856, %dma_start3A_857] : memref<2x1024x32xf32, #tpu.memory_space<vmem>> -> memref<1x128x32xf32, #tpu.memory_space<vmem>>
    %dma_start3A_859 = tpu.memref_squeeze %dma_start3A_858 : memref<1x128x32xf32, #tpu.memory_space<vmem>> -> memref<128x32xf32, #tpu.memory_space<vmem>>
    %dma_start3A_860 = arith.constant 0 : i32
    %dma_start3A_861 = tpu.memref_slice %arg5[%dma_start3A_854, %dma_start3A_860] : memref<104x128xi32, #tpu.memory_space<vmem>> -> memref<1x128xi32, #tpu.memory_space<vmem>>
    %dma_start3A_862 = tpu.memref_squeeze %dma_start3A_861 : memref<1x128xi32, #tpu.memory_space<vmem>> -> memref<128xi32, #tpu.memory_space<vmem>>
    %dma_start3A_863 = arith.constant 0 : i32
    %dma_start3A_864 = arith.constant 0 : i32
    %dma_start3A_865 = tpu.memref_slice %arg2[%dma_start3A_863, %dma_start3A_864] : memref<1000000x32xf32, #tpu.memory_space<hbm>> -> memref<1000000x32xf32, #tpu.memory_space<hbm>>
    tpu.enqueue_indirect_dma source(%dma_start3A_865 : memref<1000000x32xf32, #tpu.memory_space<hbm>>) target(%dma_start3A_859 : memref<128x32xf32, #tpu.memory_space<vmem>>) offsets(%dma_start3A_862 : memref<128xi32, #tpu.memory_space<vmem>>) semaphore(%arg7 : memref<!tpu.dma_semaphore, #tpu.memory_space<semaphore_mem>>)
    %dma_start3A_866 = arith.constant 55 : i32
    %dma_start3A_867 = arith.constant 0 : i32
    %dma_start3A_868 = arith.constant 896 : i32
    %dma_start3A_869 = arith.constant 0 : i32
    %dma_start3A_870 = tpu.memref_slice %arg6[%dma_start3A_867, %dma_start3A_868, %dma_start3A_869] : memref<2x1024x32xf32, #tpu.memory_space<vmem>> -> memref<1x128x32xf32, #tpu.memory_space<vmem>>
    %dma_start3A_871 = tpu.memref_squeeze %dma_start3A_870 : memref<1x128x32xf32, #tpu.memory_space<vmem>> -> memref<128x32xf32, #tpu.memory_space<vmem>>
    %dma_start3A_872 = arith.constant 0 : i32
    %dma_start3A_873 = tpu.memref_slice %arg5[%dma_start3A_866, %dma_start3A_872] : memref<104x128xi32, #tpu.memory_space<vmem>> -> memref<1x128xi32, #tpu.memory_space<vmem>>
    %dma_start3A_874 = tpu.memref_squeeze %dma_start3A_873 : memref<1x128xi32, #tpu.memory_space<vmem>> -> memref<128xi32, #tpu.memory_space<vmem>>
    %dma_start3A_875 = arith.constant 0 : i32
    %dma_start3A_876 = arith.constant 0 : i32
    %dma_start3A_877 = tpu.memref_slice %arg2[%dma_start3A_875, %dma_start3A_876] : memref<1000000x32xf32, #tpu.memory_space<hbm>> -> memref<1000000x32xf32, #tpu.memory_space<hbm>>
    tpu.enqueue_indirect_dma source(%dma_start3A_877 : memref<1000000x32xf32, #tpu.memory_space<hbm>>) target(%dma_start3A_871 : memref<128x32xf32, #tpu.memory_space<vmem>>) offsets(%dma_start3A_874 : memref<128xi32, #tpu.memory_space<vmem>>) semaphore(%arg7 : memref<!tpu.dma_semaphore, #tpu.memory_space<semaphore_mem>>)
    %dma_wait3A_878 = arith.constant 1 : i32
    %dma_wait3A_879 = arith.constant 0 : i32
    %dma_wait3A_880 = arith.constant 0 : i32
    %dma_wait3A_881 = tpu.memref_slice %arg6[%dma_wait3A_878, %dma_wait3A_879, %dma_wait3A_880] : memref<2x1024x32xf32, #tpu.memory_space<vmem>> -> memref<1x1024x32xf32, #tpu.memory_space<vmem>>
    %dma_wait3A_882 = tpu.memref_squeeze %dma_wait3A_881 : memref<1x1024x32xf32, #tpu.memory_space<vmem>> -> memref<1024x32xf32, #tpu.memory_space<vmem>>
    %dma_wait3A_883 = arith.constant 0 : i32
    %dma_wait3A_884 = tpu.memref_slice %arg4[%mul3A_2, %dma_wait3A_883] : memref<425984x32xf32, #tpu.memory_space<hbm>> -> memref<1024x32xf32, #tpu.memory_space<hbm>>
    %dma_wait3A_885 = arith.constant 0 : i32
    %dma_wait3A_886 = tpu.memref_slice %arg4[%mul3A_2, %dma_wait3A_885] : memref<425984x32xf32, #tpu.memory_space<hbm>> -> memref<1024x32xf32, #tpu.memory_space<hbm>>
    %dma_wait3A_887 = arith.constant 0 : i32
    %dma_wait3A_888 = arith.constant 0 : i32
    %dma_wait3A_889 = tpu.memref_slice %arg6[%dma_wait3A_878, %dma_wait3A_887, %dma_wait3A_888] : memref<2x1024x32xf32, #tpu.memory_space<vmem>> -> memref<1x1024x32xf32, #tpu.memory_space<vmem>>
    %dma_wait3A_890 = tpu.memref_squeeze %dma_wait3A_889 : memref<1x1024x32xf32, #tpu.memory_space<vmem>> -> memref<1024x32xf32, #tpu.memory_space<vmem>>
    tpu.wait_dma2 semaphore(%arg8 : memref<!tpu.dma_semaphore, #tpu.memory_space<semaphore_mem>>) src(%dma_wait3A_890 : memref<1024x32xf32, #tpu.memory_space<vmem>>) dst(%dma_wait3A_886 : memref<1024x32xf32, #tpu.memory_space<hbm>>)
    %add3A_891 = arith.constant 5120 : i32
    %add3A_892 = arith.addi %mul3A_2, %add3A_891 : i32
    %dma_start3A_893 = arith.constant 1 : i32
    %dma_start3A_894 = arith.constant 0 : i32
    %dma_start3A_895 = arith.constant 0 : i32
    %dma_start3A_896 = tpu.memref_slice %arg6[%dma_start3A_893, %dma_start3A_894, %dma_start3A_895] : memref<2x1024x32xf32, #tpu.memory_space<vmem>> -> memref<1x1024x32xf32, #tpu.memory_space<vmem>>
    %dma_start3A_897 = tpu.memref_squeeze %dma_start3A_896 : memref<1x1024x32xf32, #tpu.memory_space<vmem>> -> memref<1024x32xf32, #tpu.memory_space<vmem>>
    %dma_start3A_898 = arith.constant 0 : i32
    %dma_start3A_899 = tpu.memref_slice %arg4[%add3A_892, %dma_start3A_898] : memref<425984x32xf32, #tpu.memory_space<hbm>> -> memref<1024x32xf32, #tpu.memory_space<hbm>>
    %dma_start3A_900 = arith.constant 0 : i32
    %dma_start3A_901 = tpu.memref_slice %arg4[%add3A_892, %dma_start3A_900] : memref<425984x32xf32, #tpu.memory_space<hbm>> -> memref<1024x32xf32, #tpu.memory_space<hbm>>
    %dma_start3A_902 = arith.constant 0 : i32
    %dma_start3A_903 = arith.constant 0 : i32
    %dma_start3A_904 = tpu.memref_slice %arg6[%dma_start3A_893, %dma_start3A_902, %dma_start3A_903] : memref<2x1024x32xf32, #tpu.memory_space<vmem>> -> memref<1x1024x32xf32, #tpu.memory_space<vmem>>
    %dma_start3A_905 = tpu.memref_squeeze %dma_start3A_904 : memref<1x1024x32xf32, #tpu.memory_space<vmem>> -> memref<1024x32xf32, #tpu.memory_space<vmem>>
    tpu.enqueue_dma source(%dma_start3A_905 : memref<1024x32xf32, #tpu.memory_space<vmem>>) target(%dma_start3A_901 : memref<1024x32xf32, #tpu.memory_space<hbm>>) target_semaphore(%arg10 : memref<!tpu.dma_semaphore, #tpu.memory_space<semaphore_mem>>)
    %dma_wait3A_906 = arith.constant 1 : i32
    %dma_wait3A_907 = arith.constant 0 : i32
    %dma_wait3A_908 = arith.constant 0 : i32
    %dma_wait3A_909 = tpu.memref_slice %arg6[%dma_wait3A_906, %dma_wait3A_907, %dma_wait3A_908] : memref<2x1024x32xf32, #tpu.memory_space<vmem>> -> memref<1x1024x32xf32, #tpu.memory_space<vmem>>
    %dma_wait3A_910 = tpu.memref_squeeze %dma_wait3A_909 : memref<1x1024x32xf32, #tpu.memory_space<vmem>> -> memref<1024x32xf32, #tpu.memory_space<vmem>>
    %dma_wait3A_911 = arith.constant 0 : i32
    %dma_wait3A_912 = tpu.memref_slice %arg4[%mul3A_2, %dma_wait3A_911] : memref<425984x32xf32, #tpu.memory_space<hbm>> -> memref<1024x32xf32, #tpu.memory_space<hbm>>
    %dma_wait3A_913 = arith.constant 0 : i32
    %dma_wait3A_914 = tpu.memref_slice %arg4[%mul3A_2, %dma_wait3A_913] : memref<425984x32xf32, #tpu.memory_space<hbm>> -> memref<1024x32xf32, #tpu.memory_space<hbm>>
    %dma_wait3A_915 = arith.constant 0 : i32
    %dma_wait3A_916 = arith.constant 0 : i32
    %dma_wait3A_917 = tpu.memref_slice %arg6[%dma_wait3A_906, %dma_wait3A_915, %dma_wait3A_916] : memref<2x1024x32xf32, #tpu.memory_space<vmem>> -> memref<1x1024x32xf32, #tpu.memory_space<vmem>>
    %dma_wait3A_918 = tpu.memref_squeeze %dma_wait3A_917 : memref<1x1024x32xf32, #tpu.memory_space<vmem>> -> memref<1024x32xf32, #tpu.memory_space<vmem>>
    tpu.wait_dma2 semaphore(%arg10 : memref<!tpu.dma_semaphore, #tpu.memory_space<semaphore_mem>>) src(%dma_wait3A_918 : memref<1024x32xf32, #tpu.memory_space<vmem>>) dst(%dma_wait3A_914 : memref<1024x32xf32, #tpu.memory_space<hbm>>)
    %dma_start3A_919 = arith.constant 56 : i32
    %dma_start3A_920 = arith.constant 1 : i32
    %dma_start3A_921 = arith.constant 0 : i32
    %dma_start3A_922 = arith.constant 0 : i32
    %dma_start3A_923 = tpu.memref_slice %arg6[%dma_start3A_920, %dma_start3A_921, %dma_start3A_922] : memref<2x1024x32xf32, #tpu.memory_space<vmem>> -> memref<1x128x32xf32, #tpu.memory_space<vmem>>
    %dma_start3A_924 = tpu.memref_squeeze %dma_start3A_923 : memref<1x128x32xf32, #tpu.memory_space<vmem>> -> memref<128x32xf32, #tpu.memory_space<vmem>>
    %dma_start3A_925 = arith.constant 0 : i32
    %dma_start3A_926 = tpu.memref_slice %arg5[%dma_start3A_919, %dma_start3A_925] : memref<104x128xi32, #tpu.memory_space<vmem>> -> memref<1x128xi32, #tpu.memory_space<vmem>>
    %dma_start3A_927 = tpu.memref_squeeze %dma_start3A_926 : memref<1x128xi32, #tpu.memory_space<vmem>> -> memref<128xi32, #tpu.memory_space<vmem>>
    %dma_start3A_928 = arith.constant 0 : i32
    %dma_start3A_929 = arith.constant 0 : i32
    %dma_start3A_930 = tpu.memref_slice %arg2[%dma_start3A_928, %dma_start3A_929] : memref<1000000x32xf32, #tpu.memory_space<hbm>> -> memref<1000000x32xf32, #tpu.memory_space<hbm>>
    tpu.enqueue_indirect_dma source(%dma_start3A_930 : memref<1000000x32xf32, #tpu.memory_space<hbm>>) target(%dma_start3A_924 : memref<128x32xf32, #tpu.memory_space<vmem>>) offsets(%dma_start3A_927 : memref<128xi32, #tpu.memory_space<vmem>>) semaphore(%arg8 : memref<!tpu.dma_semaphore, #tpu.memory_space<semaphore_mem>>)
    %dma_start3A_931 = arith.constant 57 : i32
    %dma_start3A_932 = arith.constant 1 : i32
    %dma_start3A_933 = arith.constant 128 : i32
    %dma_start3A_934 = arith.constant 0 : i32
    %dma_start3A_935 = tpu.memref_slice %arg6[%dma_start3A_932, %dma_start3A_933, %dma_start3A_934] : memref<2x1024x32xf32, #tpu.memory_space<vmem>> -> memref<1x128x32xf32, #tpu.memory_space<vmem>>
    %dma_start3A_936 = tpu.memref_squeeze %dma_start3A_935 : memref<1x128x32xf32, #tpu.memory_space<vmem>> -> memref<128x32xf32, #tpu.memory_space<vmem>>
    %dma_start3A_937 = arith.constant 0 : i32
    %dma_start3A_938 = tpu.memref_slice %arg5[%dma_start3A_931, %dma_start3A_937] : memref<104x128xi32, #tpu.memory_space<vmem>> -> memref<1x128xi32, #tpu.memory_space<vmem>>
    %dma_start3A_939 = tpu.memref_squeeze %dma_start3A_938 : memref<1x128xi32, #tpu.memory_space<vmem>> -> memref<128xi32, #tpu.memory_space<vmem>>
    %dma_start3A_940 = arith.constant 0 : i32
    %dma_start3A_941 = arith.constant 0 : i32
    %dma_start3A_942 = tpu.memref_slice %arg2[%dma_start3A_940, %dma_start3A_941] : memref<1000000x32xf32, #tpu.memory_space<hbm>> -> memref<1000000x32xf32, #tpu.memory_space<hbm>>
    tpu.enqueue_indirect_dma source(%dma_start3A_942 : memref<1000000x32xf32, #tpu.memory_space<hbm>>) target(%dma_start3A_936 : memref<128x32xf32, #tpu.memory_space<vmem>>) offsets(%dma_start3A_939 : memref<128xi32, #tpu.memory_space<vmem>>) semaphore(%arg8 : memref<!tpu.dma_semaphore, #tpu.memory_space<semaphore_mem>>)
    %dma_start3A_943 = arith.constant 58 : i32
    %dma_start3A_944 = arith.constant 1 : i32
    %dma_start3A_945 = arith.constant 256 : i32
    %dma_start3A_946 = arith.constant 0 : i32
    %dma_start3A_947 = tpu.memref_slice %arg6[%dma_start3A_944, %dma_start3A_945, %dma_start3A_946] : memref<2x1024x32xf32, #tpu.memory_space<vmem>> -> memref<1x128x32xf32, #tpu.memory_space<vmem>>
    %dma_start3A_948 = tpu.memref_squeeze %dma_start3A_947 : memref<1x128x32xf32, #tpu.memory_space<vmem>> -> memref<128x32xf32, #tpu.memory_space<vmem>>
    %dma_start3A_949 = arith.constant 0 : i32
    %dma_start3A_950 = tpu.memref_slice %arg5[%dma_start3A_943, %dma_start3A_949] : memref<104x128xi32, #tpu.memory_space<vmem>> -> memref<1x128xi32, #tpu.memory_space<vmem>>
    %dma_start3A_951 = tpu.memref_squeeze %dma_start3A_950 : memref<1x128xi32, #tpu.memory_space<vmem>> -> memref<128xi32, #tpu.memory_space<vmem>>
    %dma_start3A_952 = arith.constant 0 : i32
    %dma_start3A_953 = arith.constant 0 : i32
    %dma_start3A_954 = tpu.memref_slice %arg2[%dma_start3A_952, %dma_start3A_953] : memref<1000000x32xf32, #tpu.memory_space<hbm>> -> memref<1000000x32xf32, #tpu.memory_space<hbm>>
    tpu.enqueue_indirect_dma source(%dma_start3A_954 : memref<1000000x32xf32, #tpu.memory_space<hbm>>) target(%dma_start3A_948 : memref<128x32xf32, #tpu.memory_space<vmem>>) offsets(%dma_start3A_951 : memref<128xi32, #tpu.memory_space<vmem>>) semaphore(%arg8 : memref<!tpu.dma_semaphore, #tpu.memory_space<semaphore_mem>>)
    %dma_start3A_955 = arith.constant 59 : i32
    %dma_start3A_956 = arith.constant 1 : i32
    %dma_start3A_957 = arith.constant 384 : i32
    %dma_start3A_958 = arith.constant 0 : i32
    %dma_start3A_959 = tpu.memref_slice %arg6[%dma_start3A_956, %dma_start3A_957, %dma_start3A_958] : memref<2x1024x32xf32, #tpu.memory_space<vmem>> -> memref<1x128x32xf32, #tpu.memory_space<vmem>>
    %dma_start3A_960 = tpu.memref_squeeze %dma_start3A_959 : memref<1x128x32xf32, #tpu.memory_space<vmem>> -> memref<128x32xf32, #tpu.memory_space<vmem>>
    %dma_start3A_961 = arith.constant 0 : i32
    %dma_start3A_962 = tpu.memref_slice %arg5[%dma_start3A_955, %dma_start3A_961] : memref<104x128xi32, #tpu.memory_space<vmem>> -> memref<1x128xi32, #tpu.memory_space<vmem>>
    %dma_start3A_963 = tpu.memref_squeeze %dma_start3A_962 : memref<1x128xi32, #tpu.memory_space<vmem>> -> memref<128xi32, #tpu.memory_space<vmem>>
    %dma_start3A_964 = arith.constant 0 : i32
    %dma_start3A_965 = arith.constant 0 : i32
    %dma_start3A_966 = tpu.memref_slice %arg2[%dma_start3A_964, %dma_start3A_965] : memref<1000000x32xf32, #tpu.memory_space<hbm>> -> memref<1000000x32xf32, #tpu.memory_space<hbm>>
    tpu.enqueue_indirect_dma source(%dma_start3A_966 : memref<1000000x32xf32, #tpu.memory_space<hbm>>) target(%dma_start3A_960 : memref<128x32xf32, #tpu.memory_space<vmem>>) offsets(%dma_start3A_963 : memref<128xi32, #tpu.memory_space<vmem>>) semaphore(%arg8 : memref<!tpu.dma_semaphore, #tpu.memory_space<semaphore_mem>>)
    %dma_start3A_967 = arith.constant 60 : i32
    %dma_start3A_968 = arith.constant 1 : i32
    %dma_start3A_969 = arith.constant 512 : i32
    %dma_start3A_970 = arith.constant 0 : i32
    %dma_start3A_971 = tpu.memref_slice %arg6[%dma_start3A_968, %dma_start3A_969, %dma_start3A_970] : memref<2x1024x32xf32, #tpu.memory_space<vmem>> -> memref<1x128x32xf32, #tpu.memory_space<vmem>>
    %dma_start3A_972 = tpu.memref_squeeze %dma_start3A_971 : memref<1x128x32xf32, #tpu.memory_space<vmem>> -> memref<128x32xf32, #tpu.memory_space<vmem>>
    %dma_start3A_973 = arith.constant 0 : i32
    %dma_start3A_974 = tpu.memref_slice %arg5[%dma_start3A_967, %dma_start3A_973] : memref<104x128xi32, #tpu.memory_space<vmem>> -> memref<1x128xi32, #tpu.memory_space<vmem>>
    %dma_start3A_975 = tpu.memref_squeeze %dma_start3A_974 : memref<1x128xi32, #tpu.memory_space<vmem>> -> memref<128xi32, #tpu.memory_space<vmem>>
    %dma_start3A_976 = arith.constant 0 : i32
    %dma_start3A_977 = arith.constant 0 : i32
    %dma_start3A_978 = tpu.memref_slice %arg2[%dma_start3A_976, %dma_start3A_977] : memref<1000000x32xf32, #tpu.memory_space<hbm>> -> memref<1000000x32xf32, #tpu.memory_space<hbm>>
    tpu.enqueue_indirect_dma source(%dma_start3A_978 : memref<1000000x32xf32, #tpu.memory_space<hbm>>) target(%dma_start3A_972 : memref<128x32xf32, #tpu.memory_space<vmem>>) offsets(%dma_start3A_975 : memref<128xi32, #tpu.memory_space<vmem>>) semaphore(%arg8 : memref<!tpu.dma_semaphore, #tpu.memory_space<semaphore_mem>>)
    %dma_start3A_979 = arith.constant 61 : i32
    %dma_start3A_980 = arith.constant 1 : i32
    %dma_start3A_981 = arith.constant 640 : i32
    %dma_start3A_982 = arith.constant 0 : i32
    %dma_start3A_983 = tpu.memref_slice %arg6[%dma_start3A_980, %dma_start3A_981, %dma_start3A_982] : memref<2x1024x32xf32, #tpu.memory_space<vmem>> -> memref<1x128x32xf32, #tpu.memory_space<vmem>>
    %dma_start3A_984 = tpu.memref_squeeze %dma_start3A_983 : memref<1x128x32xf32, #tpu.memory_space<vmem>> -> memref<128x32xf32, #tpu.memory_space<vmem>>
    %dma_start3A_985 = arith.constant 0 : i32
    %dma_start3A_986 = tpu.memref_slice %arg5[%dma_start3A_979, %dma_start3A_985] : memref<104x128xi32, #tpu.memory_space<vmem>> -> memref<1x128xi32, #tpu.memory_space<vmem>>
    %dma_start3A_987 = tpu.memref_squeeze %dma_start3A_986 : memref<1x128xi32, #tpu.memory_space<vmem>> -> memref<128xi32, #tpu.memory_space<vmem>>
    %dma_start3A_988 = arith.constant 0 : i32
    %dma_start3A_989 = arith.constant 0 : i32
    %dma_start3A_990 = tpu.memref_slice %arg2[%dma_start3A_988, %dma_start3A_989] : memref<1000000x32xf32, #tpu.memory_space<hbm>> -> memref<1000000x32xf32, #tpu.memory_space<hbm>>
    tpu.enqueue_indirect_dma source(%dma_start3A_990 : memref<1000000x32xf32, #tpu.memory_space<hbm>>) target(%dma_start3A_984 : memref<128x32xf32, #tpu.memory_space<vmem>>) offsets(%dma_start3A_987 : memref<128xi32, #tpu.memory_space<vmem>>) semaphore(%arg8 : memref<!tpu.dma_semaphore, #tpu.memory_space<semaphore_mem>>)
    %dma_start3A_991 = arith.constant 62 : i32
    %dma_start3A_992 = arith.constant 1 : i32
    %dma_start3A_993 = arith.constant 768 : i32
    %dma_start3A_994 = arith.constant 0 : i32
    %dma_start3A_995 = tpu.memref_slice %arg6[%dma_start3A_992, %dma_start3A_993, %dma_start3A_994] : memref<2x1024x32xf32, #tpu.memory_space<vmem>> -> memref<1x128x32xf32, #tpu.memory_space<vmem>>
    %dma_start3A_996 = tpu.memref_squeeze %dma_start3A_995 : memref<1x128x32xf32, #tpu.memory_space<vmem>> -> memref<128x32xf32, #tpu.memory_space<vmem>>
    %dma_start3A_997 = arith.constant 0 : i32
    %dma_start3A_998 = tpu.memref_slice %arg5[%dma_start3A_991, %dma_start3A_997] : memref<104x128xi32, #tpu.memory_space<vmem>> -> memref<1x128xi32, #tpu.memory_space<vmem>>
    %dma_start3A_999 = tpu.memref_squeeze %dma_start3A_998 : memref<1x128xi32, #tpu.memory_space<vmem>> -> memref<128xi32, #tpu.memory_space<vmem>>
    %dma_start3A_1000 = arith.constant 0 : i32
    %dma_start3A_1001 = arith.constant 0 : i32
    %dma_start3A_1002 = tpu.memref_slice %arg2[%dma_start3A_1000, %dma_start3A_1001] : memref<1000000x32xf32, #tpu.memory_space<hbm>> -> memref<1000000x32xf32, #tpu.memory_space<hbm>>
    tpu.enqueue_indirect_dma source(%dma_start3A_1002 : memref<1000000x32xf32, #tpu.memory_space<hbm>>) target(%dma_start3A_996 : memref<128x32xf32, #tpu.memory_space<vmem>>) offsets(%dma_start3A_999 : memref<128xi32, #tpu.memory_space<vmem>>) semaphore(%arg8 : memref<!tpu.dma_semaphore, #tpu.memory_space<semaphore_mem>>)
    %dma_start3A_1003 = arith.constant 63 : i32
    %dma_start3A_1004 = arith.constant 1 : i32
    %dma_start3A_1005 = arith.constant 896 : i32
    %dma_start3A_1006 = arith.constant 0 : i32
    %dma_start3A_1007 = tpu.memref_slice %arg6[%dma_start3A_1004, %dma_start3A_1005, %dma_start3A_1006] : memref<2x1024x32xf32, #tpu.memory_space<vmem>> -> memref<1x128x32xf32, #tpu.memory_space<vmem>>
    %dma_start3A_1008 = tpu.memref_squeeze %dma_start3A_1007 : memref<1x128x32xf32, #tpu.memory_space<vmem>> -> memref<128x32xf32, #tpu.memory_space<vmem>>
    %dma_start3A_1009 = arith.constant 0 : i32
    %dma_start3A_1010 = tpu.memref_slice %arg5[%dma_start3A_1003, %dma_start3A_1009] : memref<104x128xi32, #tpu.memory_space<vmem>> -> memref<1x128xi32, #tpu.memory_space<vmem>>
    %dma_start3A_1011 = tpu.memref_squeeze %dma_start3A_1010 : memref<1x128xi32, #tpu.memory_space<vmem>> -> memref<128xi32, #tpu.memory_space<vmem>>
    %dma_start3A_1012 = arith.constant 0 : i32
    %dma_start3A_1013 = arith.constant 0 : i32
    %dma_start3A_1014 = tpu.memref_slice %arg2[%dma_start3A_1012, %dma_start3A_1013] : memref<1000000x32xf32, #tpu.memory_space<hbm>> -> memref<1000000x32xf32, #tpu.memory_space<hbm>>
    tpu.enqueue_indirect_dma source(%dma_start3A_1014 : memref<1000000x32xf32, #tpu.memory_space<hbm>>) target(%dma_start3A_1008 : memref<128x32xf32, #tpu.memory_space<vmem>>) offsets(%dma_start3A_1011 : memref<128xi32, #tpu.memory_space<vmem>>) semaphore(%arg8 : memref<!tpu.dma_semaphore, #tpu.memory_space<semaphore_mem>>)
    %dma_wait3A_1015 = arith.constant 0 : i32
    %dma_wait3A_1016 = arith.constant 0 : i32
    %dma_wait3A_1017 = arith.constant 0 : i32
    %dma_wait3A_1018 = tpu.memref_slice %arg6[%dma_wait3A_1015, %dma_wait3A_1016, %dma_wait3A_1017] : memref<2x1024x32xf32, #tpu.memory_space<vmem>> -> memref<1x1024x32xf32, #tpu.memory_space<vmem>>
    %dma_wait3A_1019 = tpu.memref_squeeze %dma_wait3A_1018 : memref<1x1024x32xf32, #tpu.memory_space<vmem>> -> memref<1024x32xf32, #tpu.memory_space<vmem>>
    %dma_wait3A_1020 = arith.constant 0 : i32
    %dma_wait3A_1021 = tpu.memref_slice %arg4[%mul3A_2, %dma_wait3A_1020] : memref<425984x32xf32, #tpu.memory_space<hbm>> -> memref<1024x32xf32, #tpu.memory_space<hbm>>
    %dma_wait3A_1022 = arith.constant 0 : i32
    %dma_wait3A_1023 = tpu.memref_slice %arg4[%mul3A_2, %dma_wait3A_1022] : memref<425984x32xf32, #tpu.memory_space<hbm>> -> memref<1024x32xf32, #tpu.memory_space<hbm>>
    %dma_wait3A_1024 = arith.constant 0 : i32
    %dma_wait3A_1025 = arith.constant 0 : i32
    %dma_wait3A_1026 = tpu.memref_slice %arg6[%dma_wait3A_1015, %dma_wait3A_1024, %dma_wait3A_1025] : memref<2x1024x32xf32, #tpu.memory_space<vmem>> -> memref<1x1024x32xf32, #tpu.memory_space<vmem>>
    %dma_wait3A_1027 = tpu.memref_squeeze %dma_wait3A_1026 : memref<1x1024x32xf32, #tpu.memory_space<vmem>> -> memref<1024x32xf32, #tpu.memory_space<vmem>>
    tpu.wait_dma2 semaphore(%arg7 : memref<!tpu.dma_semaphore, #tpu.memory_space<semaphore_mem>>) src(%dma_wait3A_1027 : memref<1024x32xf32, #tpu.memory_space<vmem>>) dst(%dma_wait3A_1023 : memref<1024x32xf32, #tpu.memory_space<hbm>>)
    %add3A_1028 = arith.constant 6144 : i32
    %add3A_1029 = arith.addi %mul3A_2, %add3A_1028 : i32
    %dma_start3A_1030 = arith.constant 0 : i32
    %dma_start3A_1031 = arith.constant 0 : i32
    %dma_start3A_1032 = arith.constant 0 : i32
    %dma_start3A_1033 = tpu.memref_slice %arg6[%dma_start3A_1030, %dma_start3A_1031, %dma_start3A_1032] : memref<2x1024x32xf32, #tpu.memory_space<vmem>> -> memref<1x1024x32xf32, #tpu.memory_space<vmem>>
    %dma_start3A_1034 = tpu.memref_squeeze %dma_start3A_1033 : memref<1x1024x32xf32, #tpu.memory_space<vmem>> -> memref<1024x32xf32, #tpu.memory_space<vmem>>
    %dma_start3A_1035 = arith.constant 0 : i32
    %dma_start3A_1036 = tpu.memref_slice %arg4[%add3A_1029, %dma_start3A_1035] : memref<425984x32xf32, #tpu.memory_space<hbm>> -> memref<1024x32xf32, #tpu.memory_space<hbm>>
    %dma_start3A_1037 = arith.constant 0 : i32
    %dma_start3A_1038 = tpu.memref_slice %arg4[%add3A_1029, %dma_start3A_1037] : memref<425984x32xf32, #tpu.memory_space<hbm>> -> memref<1024x32xf32, #tpu.memory_space<hbm>>
    %dma_start3A_1039 = arith.constant 0 : i32
    %dma_start3A_1040 = arith.constant 0 : i32
    %dma_start3A_1041 = tpu.memref_slice %arg6[%dma_start3A_1030, %dma_start3A_1039, %dma_start3A_1040] : memref<2x1024x32xf32, #tpu.memory_space<vmem>> -> memref<1x1024x32xf32, #tpu.memory_space<vmem>>
    %dma_start3A_1042 = tpu.memref_squeeze %dma_start3A_1041 : memref<1x1024x32xf32, #tpu.memory_space<vmem>> -> memref<1024x32xf32, #tpu.memory_space<vmem>>
    tpu.enqueue_dma source(%dma_start3A_1042 : memref<1024x32xf32, #tpu.memory_space<vmem>>) target(%dma_start3A_1038 : memref<1024x32xf32, #tpu.memory_space<hbm>>) target_semaphore(%arg9 : memref<!tpu.dma_semaphore, #tpu.memory_space<semaphore_mem>>)
    %dma_wait3A_1043 = arith.constant 0 : i32
    %dma_wait3A_1044 = arith.constant 0 : i32
    %dma_wait3A_1045 = arith.constant 0 : i32
    %dma_wait3A_1046 = tpu.memref_slice %arg6[%dma_wait3A_1043, %dma_wait3A_1044, %dma_wait3A_1045] : memref<2x1024x32xf32, #tpu.memory_space<vmem>> -> memref<1x1024x32xf32, #tpu.memory_space<vmem>>
    %dma_wait3A_1047 = tpu.memref_squeeze %dma_wait3A_1046 : memref<1x1024x32xf32, #tpu.memory_space<vmem>> -> memref<1024x32xf32, #tpu.memory_space<vmem>>
    %dma_wait3A_1048 = arith.constant 0 : i32
    %dma_wait3A_1049 = tpu.memref_slice %arg4[%mul3A_2, %dma_wait3A_1048] : memref<425984x32xf32, #tpu.memory_space<hbm>> -> memref<1024x32xf32, #tpu.memory_space<hbm>>
    %dma_wait3A_1050 = arith.constant 0 : i32
    %dma_wait3A_1051 = tpu.memref_slice %arg4[%mul3A_2, %dma_wait3A_1050] : memref<425984x32xf32, #tpu.memory_space<hbm>> -> memref<1024x32xf32, #tpu.memory_space<hbm>>
    %dma_wait3A_1052 = arith.constant 0 : i32
    %dma_wait3A_1053 = arith.constant 0 : i32
    %dma_wait3A_1054 = tpu.memref_slice %arg6[%dma_wait3A_1043, %dma_wait3A_1052, %dma_wait3A_1053] : memref<2x1024x32xf32, #tpu.memory_space<vmem>> -> memref<1x1024x32xf32, #tpu.memory_space<vmem>>
    %dma_wait3A_1055 = tpu.memref_squeeze %dma_wait3A_1054 : memref<1x1024x32xf32, #tpu.memory_space<vmem>> -> memref<1024x32xf32, #tpu.memory_space<vmem>>
    tpu.wait_dma2 semaphore(%arg9 : memref<!tpu.dma_semaphore, #tpu.memory_space<semaphore_mem>>) src(%dma_wait3A_1055 : memref<1024x32xf32, #tpu.memory_space<vmem>>) dst(%dma_wait3A_1051 : memref<1024x32xf32, #tpu.memory_space<hbm>>)
    %dma_start3A_1056 = arith.constant 64 : i32
    %dma_start3A_1057 = arith.constant 0 : i32
    %dma_start3A_1058 = arith.constant 0 : i32
    %dma_start3A_1059 = arith.constant 0 : i32
    %dma_start3A_1060 = tpu.memref_slice %arg6[%dma_start3A_1057, %dma_start3A_1058, %dma_start3A_1059] : memref<2x1024x32xf32, #tpu.memory_space<vmem>> -> memref<1x128x32xf32, #tpu.memory_space<vmem>>
    %dma_start3A_1061 = tpu.memref_squeeze %dma_start3A_1060 : memref<1x128x32xf32, #tpu.memory_space<vmem>> -> memref<128x32xf32, #tpu.memory_space<vmem>>
    %dma_start3A_1062 = arith.constant 0 : i32
    %dma_start3A_1063 = tpu.memref_slice %arg5[%dma_start3A_1056, %dma_start3A_1062] : memref<104x128xi32, #tpu.memory_space<vmem>> -> memref<1x128xi32, #tpu.memory_space<vmem>>
    %dma_start3A_1064 = tpu.memref_squeeze %dma_start3A_1063 : memref<1x128xi32, #tpu.memory_space<vmem>> -> memref<128xi32, #tpu.memory_space<vmem>>
    %dma_start3A_1065 = arith.constant 0 : i32
    %dma_start3A_1066 = arith.constant 0 : i32
    %dma_start3A_1067 = tpu.memref_slice %arg2[%dma_start3A_1065, %dma_start3A_1066] : memref<1000000x32xf32, #tpu.memory_space<hbm>> -> memref<1000000x32xf32, #tpu.memory_space<hbm>>
    tpu.enqueue_indirect_dma source(%dma_start3A_1067 : memref<1000000x32xf32, #tpu.memory_space<hbm>>) target(%dma_start3A_1061 : memref<128x32xf32, #tpu.memory_space<vmem>>) offsets(%dma_start3A_1064 : memref<128xi32, #tpu.memory_space<vmem>>) semaphore(%arg7 : memref<!tpu.dma_semaphore, #tpu.memory_space<semaphore_mem>>)
    %dma_start3A_1068 = arith.constant 65 : i32
    %dma_start3A_1069 = arith.constant 0 : i32
    %dma_start3A_1070 = arith.constant 128 : i32
    %dma_start3A_1071 = arith.constant 0 : i32
    %dma_start3A_1072 = tpu.memref_slice %arg6[%dma_start3A_1069, %dma_start3A_1070, %dma_start3A_1071] : memref<2x1024x32xf32, #tpu.memory_space<vmem>> -> memref<1x128x32xf32, #tpu.memory_space<vmem>>
    %dma_start3A_1073 = tpu.memref_squeeze %dma_start3A_1072 : memref<1x128x32xf32, #tpu.memory_space<vmem>> -> memref<128x32xf32, #tpu.memory_space<vmem>>
    %dma_start3A_1074 = arith.constant 0 : i32
    %dma_start3A_1075 = tpu.memref_slice %arg5[%dma_start3A_1068, %dma_start3A_1074] : memref<104x128xi32, #tpu.memory_space<vmem>> -> memref<1x128xi32, #tpu.memory_space<vmem>>
    %dma_start3A_1076 = tpu.memref_squeeze %dma_start3A_1075 : memref<1x128xi32, #tpu.memory_space<vmem>> -> memref<128xi32, #tpu.memory_space<vmem>>
    %dma_start3A_1077 = arith.constant 0 : i32
    %dma_start3A_1078 = arith.constant 0 : i32
    %dma_start3A_1079 = tpu.memref_slice %arg2[%dma_start3A_1077, %dma_start3A_1078] : memref<1000000x32xf32, #tpu.memory_space<hbm>> -> memref<1000000x32xf32, #tpu.memory_space<hbm>>
    tpu.enqueue_indirect_dma source(%dma_start3A_1079 : memref<1000000x32xf32, #tpu.memory_space<hbm>>) target(%dma_start3A_1073 : memref<128x32xf32, #tpu.memory_space<vmem>>) offsets(%dma_start3A_1076 : memref<128xi32, #tpu.memory_space<vmem>>) semaphore(%arg7 : memref<!tpu.dma_semaphore, #tpu.memory_space<semaphore_mem>>)
    %dma_start3A_1080 = arith.constant 66 : i32
    %dma_start3A_1081 = arith.constant 0 : i32
    %dma_start3A_1082 = arith.constant 256 : i32
    %dma_start3A_1083 = arith.constant 0 : i32
    %dma_start3A_1084 = tpu.memref_slice %arg6[%dma_start3A_1081, %dma_start3A_1082, %dma_start3A_1083] : memref<2x1024x32xf32, #tpu.memory_space<vmem>> -> memref<1x128x32xf32, #tpu.memory_space<vmem>>
    %dma_start3A_1085 = tpu.memref_squeeze %dma_start3A_1084 : memref<1x128x32xf32, #tpu.memory_space<vmem>> -> memref<128x32xf32, #tpu.memory_space<vmem>>
    %dma_start3A_1086 = arith.constant 0 : i32
    %dma_start3A_1087 = tpu.memref_slice %arg5[%dma_start3A_1080, %dma_start3A_1086] : memref<104x128xi32, #tpu.memory_space<vmem>> -> memref<1x128xi32, #tpu.memory_space<vmem>>
    %dma_start3A_1088 = tpu.memref_squeeze %dma_start3A_1087 : memref<1x128xi32, #tpu.memory_space<vmem>> -> memref<128xi32, #tpu.memory_space<vmem>>
    %dma_start3A_1089 = arith.constant 0 : i32
    %dma_start3A_1090 = arith.constant 0 : i32
    %dma_start3A_1091 = tpu.memref_slice %arg2[%dma_start3A_1089, %dma_start3A_1090] : memref<1000000x32xf32, #tpu.memory_space<hbm>> -> memref<1000000x32xf32, #tpu.memory_space<hbm>>
    tpu.enqueue_indirect_dma source(%dma_start3A_1091 : memref<1000000x32xf32, #tpu.memory_space<hbm>>) target(%dma_start3A_1085 : memref<128x32xf32, #tpu.memory_space<vmem>>) offsets(%dma_start3A_1088 : memref<128xi32, #tpu.memory_space<vmem>>) semaphore(%arg7 : memref<!tpu.dma_semaphore, #tpu.memory_space<semaphore_mem>>)
    %dma_start3A_1092 = arith.constant 67 : i32
    %dma_start3A_1093 = arith.constant 0 : i32
    %dma_start3A_1094 = arith.constant 384 : i32
    %dma_start3A_1095 = arith.constant 0 : i32
    %dma_start3A_1096 = tpu.memref_slice %arg6[%dma_start3A_1093, %dma_start3A_1094, %dma_start3A_1095] : memref<2x1024x32xf32, #tpu.memory_space<vmem>> -> memref<1x128x32xf32, #tpu.memory_space<vmem>>
    %dma_start3A_1097 = tpu.memref_squeeze %dma_start3A_1096 : memref<1x128x32xf32, #tpu.memory_space<vmem>> -> memref<128x32xf32, #tpu.memory_space<vmem>>
    %dma_start3A_1098 = arith.constant 0 : i32
    %dma_start3A_1099 = tpu.memref_slice %arg5[%dma_start3A_1092, %dma_start3A_1098] : memref<104x128xi32, #tpu.memory_space<vmem>> -> memref<1x128xi32, #tpu.memory_space<vmem>>
    %dma_start3A_1100 = tpu.memref_squeeze %dma_start3A_1099 : memref<1x128xi32, #tpu.memory_space<vmem>> -> memref<128xi32, #tpu.memory_space<vmem>>
    %dma_start3A_1101 = arith.constant 0 : i32
    %dma_start3A_1102 = arith.constant 0 : i32
    %dma_start3A_1103 = tpu.memref_slice %arg2[%dma_start3A_1101, %dma_start3A_1102] : memref<1000000x32xf32, #tpu.memory_space<hbm>> -> memref<1000000x32xf32, #tpu.memory_space<hbm>>
    tpu.enqueue_indirect_dma source(%dma_start3A_1103 : memref<1000000x32xf32, #tpu.memory_space<hbm>>) target(%dma_start3A_1097 : memref<128x32xf32, #tpu.memory_space<vmem>>) offsets(%dma_start3A_1100 : memref<128xi32, #tpu.memory_space<vmem>>) semaphore(%arg7 : memref<!tpu.dma_semaphore, #tpu.memory_space<semaphore_mem>>)
    %dma_start3A_1104 = arith.constant 68 : i32
    %dma_start3A_1105 = arith.constant 0 : i32
    %dma_start3A_1106 = arith.constant 512 : i32
    %dma_start3A_1107 = arith.constant 0 : i32
    %dma_start3A_1108 = tpu.memref_slice %arg6[%dma_start3A_1105, %dma_start3A_1106, %dma_start3A_1107] : memref<2x1024x32xf32, #tpu.memory_space<vmem>> -> memref<1x128x32xf32, #tpu.memory_space<vmem>>
    %dma_start3A_1109 = tpu.memref_squeeze %dma_start3A_1108 : memref<1x128x32xf32, #tpu.memory_space<vmem>> -> memref<128x32xf32, #tpu.memory_space<vmem>>
    %dma_start3A_1110 = arith.constant 0 : i32
    %dma_start3A_1111 = tpu.memref_slice %arg5[%dma_start3A_1104, %dma_start3A_1110] : memref<104x128xi32, #tpu.memory_space<vmem>> -> memref<1x128xi32, #tpu.memory_space<vmem>>
    %dma_start3A_1112 = tpu.memref_squeeze %dma_start3A_1111 : memref<1x128xi32, #tpu.memory_space<vmem>> -> memref<128xi32, #tpu.memory_space<vmem>>
    %dma_start3A_1113 = arith.constant 0 : i32
    %dma_start3A_1114 = arith.constant 0 : i32
    %dma_start3A_1115 = tpu.memref_slice %arg2[%dma_start3A_1113, %dma_start3A_1114] : memref<1000000x32xf32, #tpu.memory_space<hbm>> -> memref<1000000x32xf32, #tpu.memory_space<hbm>>
    tpu.enqueue_indirect_dma source(%dma_start3A_1115 : memref<1000000x32xf32, #tpu.memory_space<hbm>>) target(%dma_start3A_1109 : memref<128x32xf32, #tpu.memory_space<vmem>>) offsets(%dma_start3A_1112 : memref<128xi32, #tpu.memory_space<vmem>>) semaphore(%arg7 : memref<!tpu.dma_semaphore, #tpu.memory_space<semaphore_mem>>)
    %dma_start3A_1116 = arith.constant 69 : i32
    %dma_start3A_1117 = arith.constant 0 : i32
    %dma_start3A_1118 = arith.constant 640 : i32
    %dma_start3A_1119 = arith.constant 0 : i32
    %dma_start3A_1120 = tpu.memref_slice %arg6[%dma_start3A_1117, %dma_start3A_1118, %dma_start3A_1119] : memref<2x1024x32xf32, #tpu.memory_space<vmem>> -> memref<1x128x32xf32, #tpu.memory_space<vmem>>
    %dma_start3A_1121 = tpu.memref_squeeze %dma_start3A_1120 : memref<1x128x32xf32, #tpu.memory_space<vmem>> -> memref<128x32xf32, #tpu.memory_space<vmem>>
    %dma_start3A_1122 = arith.constant 0 : i32
    %dma_start3A_1123 = tpu.memref_slice %arg5[%dma_start3A_1116, %dma_start3A_1122] : memref<104x128xi32, #tpu.memory_space<vmem>> -> memref<1x128xi32, #tpu.memory_space<vmem>>
    %dma_start3A_1124 = tpu.memref_squeeze %dma_start3A_1123 : memref<1x128xi32, #tpu.memory_space<vmem>> -> memref<128xi32, #tpu.memory_space<vmem>>
    %dma_start3A_1125 = arith.constant 0 : i32
    %dma_start3A_1126 = arith.constant 0 : i32
    %dma_start3A_1127 = tpu.memref_slice %arg2[%dma_start3A_1125, %dma_start3A_1126] : memref<1000000x32xf32, #tpu.memory_space<hbm>> -> memref<1000000x32xf32, #tpu.memory_space<hbm>>
    tpu.enqueue_indirect_dma source(%dma_start3A_1127 : memref<1000000x32xf32, #tpu.memory_space<hbm>>) target(%dma_start3A_1121 : memref<128x32xf32, #tpu.memory_space<vmem>>) offsets(%dma_start3A_1124 : memref<128xi32, #tpu.memory_space<vmem>>) semaphore(%arg7 : memref<!tpu.dma_semaphore, #tpu.memory_space<semaphore_mem>>)
    %dma_start3A_1128 = arith.constant 70 : i32
    %dma_start3A_1129 = arith.constant 0 : i32
    %dma_start3A_1130 = arith.constant 768 : i32
    %dma_start3A_1131 = arith.constant 0 : i32
    %dma_start3A_1132 = tpu.memref_slice %arg6[%dma_start3A_1129, %dma_start3A_1130, %dma_start3A_1131] : memref<2x1024x32xf32, #tpu.memory_space<vmem>> -> memref<1x128x32xf32, #tpu.memory_space<vmem>>
    %dma_start3A_1133 = tpu.memref_squeeze %dma_start3A_1132 : memref<1x128x32xf32, #tpu.memory_space<vmem>> -> memref<128x32xf32, #tpu.memory_space<vmem>>
    %dma_start3A_1134 = arith.constant 0 : i32
    %dma_start3A_1135 = tpu.memref_slice %arg5[%dma_start3A_1128, %dma_start3A_1134] : memref<104x128xi32, #tpu.memory_space<vmem>> -> memref<1x128xi32, #tpu.memory_space<vmem>>
    %dma_start3A_1136 = tpu.memref_squeeze %dma_start3A_1135 : memref<1x128xi32, #tpu.memory_space<vmem>> -> memref<128xi32, #tpu.memory_space<vmem>>
    %dma_start3A_1137 = arith.constant 0 : i32
    %dma_start3A_1138 = arith.constant 0 : i32
    %dma_start3A_1139 = tpu.memref_slice %arg2[%dma_start3A_1137, %dma_start3A_1138] : memref<1000000x32xf32, #tpu.memory_space<hbm>> -> memref<1000000x32xf32, #tpu.memory_space<hbm>>
    tpu.enqueue_indirect_dma source(%dma_start3A_1139 : memref<1000000x32xf32, #tpu.memory_space<hbm>>) target(%dma_start3A_1133 : memref<128x32xf32, #tpu.memory_space<vmem>>) offsets(%dma_start3A_1136 : memref<128xi32, #tpu.memory_space<vmem>>) semaphore(%arg7 : memref<!tpu.dma_semaphore, #tpu.memory_space<semaphore_mem>>)
    %dma_start3A_1140 = arith.constant 71 : i32
    %dma_start3A_1141 = arith.constant 0 : i32
    %dma_start3A_1142 = arith.constant 896 : i32
    %dma_start3A_1143 = arith.constant 0 : i32
    %dma_start3A_1144 = tpu.memref_slice %arg6[%dma_start3A_1141, %dma_start3A_1142, %dma_start3A_1143] : memref<2x1024x32xf32, #tpu.memory_space<vmem>> -> memref<1x128x32xf32, #tpu.memory_space<vmem>>
    %dma_start3A_1145 = tpu.memref_squeeze %dma_start3A_1144 : memref<1x128x32xf32, #tpu.memory_space<vmem>> -> memref<128x32xf32, #tpu.memory_space<vmem>>
    %dma_start3A_1146 = arith.constant 0 : i32
    %dma_start3A_1147 = tpu.memref_slice %arg5[%dma_start3A_1140, %dma_start3A_1146] : memref<104x128xi32, #tpu.memory_space<vmem>> -> memref<1x128xi32, #tpu.memory_space<vmem>>
    %dma_start3A_1148 = tpu.memref_squeeze %dma_start3A_1147 : memref<1x128xi32, #tpu.memory_space<vmem>> -> memref<128xi32, #tpu.memory_space<vmem>>
    %dma_start3A_1149 = arith.constant 0 : i32
    %dma_start3A_1150 = arith.constant 0 : i32
    %dma_start3A_1151 = tpu.memref_slice %arg2[%dma_start3A_1149, %dma_start3A_1150] : memref<1000000x32xf32, #tpu.memory_space<hbm>> -> memref<1000000x32xf32, #tpu.memory_space<hbm>>
    tpu.enqueue_indirect_dma source(%dma_start3A_1151 : memref<1000000x32xf32, #tpu.memory_space<hbm>>) target(%dma_start3A_1145 : memref<128x32xf32, #tpu.memory_space<vmem>>) offsets(%dma_start3A_1148 : memref<128xi32, #tpu.memory_space<vmem>>) semaphore(%arg7 : memref<!tpu.dma_semaphore, #tpu.memory_space<semaphore_mem>>)
    %dma_wait3A_1152 = arith.constant 1 : i32
    %dma_wait3A_1153 = arith.constant 0 : i32
    %dma_wait3A_1154 = arith.constant 0 : i32
    %dma_wait3A_1155 = tpu.memref_slice %arg6[%dma_wait3A_1152, %dma_wait3A_1153, %dma_wait3A_1154] : memref<2x1024x32xf32, #tpu.memory_space<vmem>> -> memref<1x1024x32xf32, #tpu.memory_space<vmem>>
    %dma_wait3A_1156 = tpu.memref_squeeze %dma_wait3A_1155 : memref<1x1024x32xf32, #tpu.memory_space<vmem>> -> memref<1024x32xf32, #tpu.memory_space<vmem>>
    %dma_wait3A_1157 = arith.constant 0 : i32
    %dma_wait3A_1158 = tpu.memref_slice %arg4[%mul3A_2, %dma_wait3A_1157] : memref<425984x32xf32, #tpu.memory_space<hbm>> -> memref<1024x32xf32, #tpu.memory_space<hbm>>
    %dma_wait3A_1159 = arith.constant 0 : i32
    %dma_wait3A_1160 = tpu.memref_slice %arg4[%mul3A_2, %dma_wait3A_1159] : memref<425984x32xf32, #tpu.memory_space<hbm>> -> memref<1024x32xf32, #tpu.memory_space<hbm>>
    %dma_wait3A_1161 = arith.constant 0 : i32
    %dma_wait3A_1162 = arith.constant 0 : i32
    %dma_wait3A_1163 = tpu.memref_slice %arg6[%dma_wait3A_1152, %dma_wait3A_1161, %dma_wait3A_1162] : memref<2x1024x32xf32, #tpu.memory_space<vmem>> -> memref<1x1024x32xf32, #tpu.memory_space<vmem>>
    %dma_wait3A_1164 = tpu.memref_squeeze %dma_wait3A_1163 : memref<1x1024x32xf32, #tpu.memory_space<vmem>> -> memref<1024x32xf32, #tpu.memory_space<vmem>>
    tpu.wait_dma2 semaphore(%arg8 : memref<!tpu.dma_semaphore, #tpu.memory_space<semaphore_mem>>) src(%dma_wait3A_1164 : memref<1024x32xf32, #tpu.memory_space<vmem>>) dst(%dma_wait3A_1160 : memref<1024x32xf32, #tpu.memory_space<hbm>>)
    %add3A_1165 = arith.constant 7168 : i32
    %add3A_1166 = arith.addi %mul3A_2, %add3A_1165 : i32
    %dma_start3A_1167 = arith.constant 1 : i32
    %dma_start3A_1168 = arith.constant 0 : i32
    %dma_start3A_1169 = arith.constant 0 : i32
    %dma_start3A_1170 = tpu.memref_slice %arg6[%dma_start3A_1167, %dma_start3A_1168, %dma_start3A_1169] : memref<2x1024x32xf32, #tpu.memory_space<vmem>> -> memref<1x1024x32xf32, #tpu.memory_space<vmem>>
    %dma_start3A_1171 = tpu.memref_squeeze %dma_start3A_1170 : memref<1x1024x32xf32, #tpu.memory_space<vmem>> -> memref<1024x32xf32, #tpu.memory_space<vmem>>
    %dma_start3A_1172 = arith.constant 0 : i32
    %dma_start3A_1173 = tpu.memref_slice %arg4[%add3A_1166, %dma_start3A_1172] : memref<425984x32xf32, #tpu.memory_space<hbm>> -> memref<1024x32xf32, #tpu.memory_space<hbm>>
    %dma_start3A_1174 = arith.constant 0 : i32
    %dma_start3A_1175 = tpu.memref_slice %arg4[%add3A_1166, %dma_start3A_1174] : memref<425984x32xf32, #tpu.memory_space<hbm>> -> memref<1024x32xf32, #tpu.memory_space<hbm>>
    %dma_start3A_1176 = arith.constant 0 : i32
    %dma_start3A_1177 = arith.constant 0 : i32
    %dma_start3A_1178 = tpu.memref_slice %arg6[%dma_start3A_1167, %dma_start3A_1176, %dma_start3A_1177] : memref<2x1024x32xf32, #tpu.memory_space<vmem>> -> memref<1x1024x32xf32, #tpu.memory_space<vmem>>
    %dma_start3A_1179 = tpu.memref_squeeze %dma_start3A_1178 : memref<1x1024x32xf32, #tpu.memory_space<vmem>> -> memref<1024x32xf32, #tpu.memory_space<vmem>>
    tpu.enqueue_dma source(%dma_start3A_1179 : memref<1024x32xf32, #tpu.memory_space<vmem>>) target(%dma_start3A_1175 : memref<1024x32xf32, #tpu.memory_space<hbm>>) target_semaphore(%arg10 : memref<!tpu.dma_semaphore, #tpu.memory_space<semaphore_mem>>)
    %dma_wait3A_1180 = arith.constant 1 : i32
    %dma_wait3A_1181 = arith.constant 0 : i32
    %dma_wait3A_1182 = arith.constant 0 : i32
    %dma_wait3A_1183 = tpu.memref_slice %arg6[%dma_wait3A_1180, %dma_wait3A_1181, %dma_wait3A_1182] : memref<2x1024x32xf32, #tpu.memory_space<vmem>> -> memref<1x1024x32xf32, #tpu.memory_space<vmem>>
    %dma_wait3A_1184 = tpu.memref_squeeze %dma_wait3A_1183 : memref<1x1024x32xf32, #tpu.memory_space<vmem>> -> memref<1024x32xf32, #tpu.memory_space<vmem>>
    %dma_wait3A_1185 = arith.constant 0 : i32
    %dma_wait3A_1186 = tpu.memref_slice %arg4[%mul3A_2, %dma_wait3A_1185] : memref<425984x32xf32, #tpu.memory_space<hbm>> -> memref<1024x32xf32, #tpu.memory_space<hbm>>
    %dma_wait3A_1187 = arith.constant 0 : i32
    %dma_wait3A_1188 = tpu.memref_slice %arg4[%mul3A_2, %dma_wait3A_1187] : memref<425984x32xf32, #tpu.memory_space<hbm>> -> memref<1024x32xf32, #tpu.memory_space<hbm>>
    %dma_wait3A_1189 = arith.constant 0 : i32
    %dma_wait3A_1190 = arith.constant 0 : i32
    %dma_wait3A_1191 = tpu.memref_slice %arg6[%dma_wait3A_1180, %dma_wait3A_1189, %dma_wait3A_1190] : memref<2x1024x32xf32, #tpu.memory_space<vmem>> -> memref<1x1024x32xf32, #tpu.memory_space<vmem>>
    %dma_wait3A_1192 = tpu.memref_squeeze %dma_wait3A_1191 : memref<1x1024x32xf32, #tpu.memory_space<vmem>> -> memref<1024x32xf32, #tpu.memory_space<vmem>>
    tpu.wait_dma2 semaphore(%arg10 : memref<!tpu.dma_semaphore, #tpu.memory_space<semaphore_mem>>) src(%dma_wait3A_1192 : memref<1024x32xf32, #tpu.memory_space<vmem>>) dst(%dma_wait3A_1188 : memref<1024x32xf32, #tpu.memory_space<hbm>>)
    %dma_start3A_1193 = arith.constant 72 : i32
    %dma_start3A_1194 = arith.constant 1 : i32
    %dma_start3A_1195 = arith.constant 0 : i32
    %dma_start3A_1196 = arith.constant 0 : i32
    %dma_start3A_1197 = tpu.memref_slice %arg6[%dma_start3A_1194, %dma_start3A_1195, %dma_start3A_1196] : memref<2x1024x32xf32, #tpu.memory_space<vmem>> -> memref<1x128x32xf32, #tpu.memory_space<vmem>>
    %dma_start3A_1198 = tpu.memref_squeeze %dma_start3A_1197 : memref<1x128x32xf32, #tpu.memory_space<vmem>> -> memref<128x32xf32, #tpu.memory_space<vmem>>
    %dma_start3A_1199 = arith.constant 0 : i32
    %dma_start3A_1200 = tpu.memref_slice %arg5[%dma_start3A_1193, %dma_start3A_1199] : memref<104x128xi32, #tpu.memory_space<vmem>> -> memref<1x128xi32, #tpu.memory_space<vmem>>
    %dma_start3A_1201 = tpu.memref_squeeze %dma_start3A_1200 : memref<1x128xi32, #tpu.memory_space<vmem>> -> memref<128xi32, #tpu.memory_space<vmem>>
    %dma_start3A_1202 = arith.constant 0 : i32
    %dma_start3A_1203 = arith.constant 0 : i32
    %dma_start3A_1204 = tpu.memref_slice %arg2[%dma_start3A_1202, %dma_start3A_1203] : memref<1000000x32xf32, #tpu.memory_space<hbm>> -> memref<1000000x32xf32, #tpu.memory_space<hbm>>
    tpu.enqueue_indirect_dma source(%dma_start3A_1204 : memref<1000000x32xf32, #tpu.memory_space<hbm>>) target(%dma_start3A_1198 : memref<128x32xf32, #tpu.memory_space<vmem>>) offsets(%dma_start3A_1201 : memref<128xi32, #tpu.memory_space<vmem>>) semaphore(%arg8 : memref<!tpu.dma_semaphore, #tpu.memory_space<semaphore_mem>>)
    %dma_start3A_1205 = arith.constant 73 : i32
    %dma_start3A_1206 = arith.constant 1 : i32
    %dma_start3A_1207 = arith.constant 128 : i32
    %dma_start3A_1208 = arith.constant 0 : i32
    %dma_start3A_1209 = tpu.memref_slice %arg6[%dma_start3A_1206, %dma_start3A_1207, %dma_start3A_1208] : memref<2x1024x32xf32, #tpu.memory_space<vmem>> -> memref<1x128x32xf32, #tpu.memory_space<vmem>>
    %dma_start3A_1210 = tpu.memref_squeeze %dma_start3A_1209 : memref<1x128x32xf32, #tpu.memory_space<vmem>> -> memref<128x32xf32, #tpu.memory_space<vmem>>
    %dma_start3A_1211 = arith.constant 0 : i32
    %dma_start3A_1212 = tpu.memref_slice %arg5[%dma_start3A_1205, %dma_start3A_1211] : memref<104x128xi32, #tpu.memory_space<vmem>> -> memref<1x128xi32, #tpu.memory_space<vmem>>
    %dma_start3A_1213 = tpu.memref_squeeze %dma_start3A_1212 : memref<1x128xi32, #tpu.memory_space<vmem>> -> memref<128xi32, #tpu.memory_space<vmem>>
    %dma_start3A_1214 = arith.constant 0 : i32
    %dma_start3A_1215 = arith.constant 0 : i32
    %dma_start3A_1216 = tpu.memref_slice %arg2[%dma_start3A_1214, %dma_start3A_1215] : memref<1000000x32xf32, #tpu.memory_space<hbm>> -> memref<1000000x32xf32, #tpu.memory_space<hbm>>
    tpu.enqueue_indirect_dma source(%dma_start3A_1216 : memref<1000000x32xf32, #tpu.memory_space<hbm>>) target(%dma_start3A_1210 : memref<128x32xf32, #tpu.memory_space<vmem>>) offsets(%dma_start3A_1213 : memref<128xi32, #tpu.memory_space<vmem>>) semaphore(%arg8 : memref<!tpu.dma_semaphore, #tpu.memory_space<semaphore_mem>>)
    %dma_start3A_1217 = arith.constant 74 : i32
    %dma_start3A_1218 = arith.constant 1 : i32
    %dma_start3A_1219 = arith.constant 256 : i32
    %dma_start3A_1220 = arith.constant 0 : i32
    %dma_start3A_1221 = tpu.memref_slice %arg6[%dma_start3A_1218, %dma_start3A_1219, %dma_start3A_1220] : memref<2x1024x32xf32, #tpu.memory_space<vmem>> -> memref<1x128x32xf32, #tpu.memory_space<vmem>>
    %dma_start3A_1222 = tpu.memref_squeeze %dma_start3A_1221 : memref<1x128x32xf32, #tpu.memory_space<vmem>> -> memref<128x32xf32, #tpu.memory_space<vmem>>
    %dma_start3A_1223 = arith.constant 0 : i32
    %dma_start3A_1224 = tpu.memref_slice %arg5[%dma_start3A_1217, %dma_start3A_1223] : memref<104x128xi32, #tpu.memory_space<vmem>> -> memref<1x128xi32, #tpu.memory_space<vmem>>
    %dma_start3A_1225 = tpu.memref_squeeze %dma_start3A_1224 : memref<1x128xi32, #tpu.memory_space<vmem>> -> memref<128xi32, #tpu.memory_space<vmem>>
    %dma_start3A_1226 = arith.constant 0 : i32
    %dma_start3A_1227 = arith.constant 0 : i32
    %dma_start3A_1228 = tpu.memref_slice %arg2[%dma_start3A_1226, %dma_start3A_1227] : memref<1000000x32xf32, #tpu.memory_space<hbm>> -> memref<1000000x32xf32, #tpu.memory_space<hbm>>
    tpu.enqueue_indirect_dma source(%dma_start3A_1228 : memref<1000000x32xf32, #tpu.memory_space<hbm>>) target(%dma_start3A_1222 : memref<128x32xf32, #tpu.memory_space<vmem>>) offsets(%dma_start3A_1225 : memref<128xi32, #tpu.memory_space<vmem>>) semaphore(%arg8 : memref<!tpu.dma_semaphore, #tpu.memory_space<semaphore_mem>>)
    %dma_start3A_1229 = arith.constant 75 : i32
    %dma_start3A_1230 = arith.constant 1 : i32
    %dma_start3A_1231 = arith.constant 384 : i32
    %dma_start3A_1232 = arith.constant 0 : i32
    %dma_start3A_1233 = tpu.memref_slice %arg6[%dma_start3A_1230, %dma_start3A_1231, %dma_start3A_1232] : memref<2x1024x32xf32, #tpu.memory_space<vmem>> -> memref<1x128x32xf32, #tpu.memory_space<vmem>>
    %dma_start3A_1234 = tpu.memref_squeeze %dma_start3A_1233 : memref<1x128x32xf32, #tpu.memory_space<vmem>> -> memref<128x32xf32, #tpu.memory_space<vmem>>
    %dma_start3A_1235 = arith.constant 0 : i32
    %dma_start3A_1236 = tpu.memref_slice %arg5[%dma_start3A_1229, %dma_start3A_1235] : memref<104x128xi32, #tpu.memory_space<vmem>> -> memref<1x128xi32, #tpu.memory_space<vmem>>
    %dma_start3A_1237 = tpu.memref_squeeze %dma_start3A_1236 : memref<1x128xi32, #tpu.memory_space<vmem>> -> memref<128xi32, #tpu.memory_space<vmem>>
    %dma_start3A_1238 = arith.constant 0 : i32
    %dma_start3A_1239 = arith.constant 0 : i32
    %dma_start3A_1240 = tpu.memref_slice %arg2[%dma_start3A_1238, %dma_start3A_1239] : memref<1000000x32xf32, #tpu.memory_space<hbm>> -> memref<1000000x32xf32, #tpu.memory_space<hbm>>
    tpu.enqueue_indirect_dma source(%dma_start3A_1240 : memref<1000000x32xf32, #tpu.memory_space<hbm>>) target(%dma_start3A_1234 : memref<128x32xf32, #tpu.memory_space<vmem>>) offsets(%dma_start3A_1237 : memref<128xi32, #tpu.memory_space<vmem>>) semaphore(%arg8 : memref<!tpu.dma_semaphore, #tpu.memory_space<semaphore_mem>>)
    %dma_start3A_1241 = arith.constant 76 : i32
    %dma_start3A_1242 = arith.constant 1 : i32
    %dma_start3A_1243 = arith.constant 512 : i32
    %dma_start3A_1244 = arith.constant 0 : i32
    %dma_start3A_1245 = tpu.memref_slice %arg6[%dma_start3A_1242, %dma_start3A_1243, %dma_start3A_1244] : memref<2x1024x32xf32, #tpu.memory_space<vmem>> -> memref<1x128x32xf32, #tpu.memory_space<vmem>>
    %dma_start3A_1246 = tpu.memref_squeeze %dma_start3A_1245 : memref<1x128x32xf32, #tpu.memory_space<vmem>> -> memref<128x32xf32, #tpu.memory_space<vmem>>
    %dma_start3A_1247 = arith.constant 0 : i32
    %dma_start3A_1248 = tpu.memref_slice %arg5[%dma_start3A_1241, %dma_start3A_1247] : memref<104x128xi32, #tpu.memory_space<vmem>> -> memref<1x128xi32, #tpu.memory_space<vmem>>
    %dma_start3A_1249 = tpu.memref_squeeze %dma_start3A_1248 : memref<1x128xi32, #tpu.memory_space<vmem>> -> memref<128xi32, #tpu.memory_space<vmem>>
    %dma_start3A_1250 = arith.constant 0 : i32
    %dma_start3A_1251 = arith.constant 0 : i32
    %dma_start3A_1252 = tpu.memref_slice %arg2[%dma_start3A_1250, %dma_start3A_1251] : memref<1000000x32xf32, #tpu.memory_space<hbm>> -> memref<1000000x32xf32, #tpu.memory_space<hbm>>
    tpu.enqueue_indirect_dma source(%dma_start3A_1252 : memref<1000000x32xf32, #tpu.memory_space<hbm>>) target(%dma_start3A_1246 : memref<128x32xf32, #tpu.memory_space<vmem>>) offsets(%dma_start3A_1249 : memref<128xi32, #tpu.memory_space<vmem>>) semaphore(%arg8 : memref<!tpu.dma_semaphore, #tpu.memory_space<semaphore_mem>>)
    %dma_start3A_1253 = arith.constant 77 : i32
    %dma_start3A_1254 = arith.constant 1 : i32
    %dma_start3A_1255 = arith.constant 640 : i32
    %dma_start3A_1256 = arith.constant 0 : i32
    %dma_start3A_1257 = tpu.memref_slice %arg6[%dma_start3A_1254, %dma_start3A_1255, %dma_start3A_1256] : memref<2x1024x32xf32, #tpu.memory_space<vmem>> -> memref<1x128x32xf32, #tpu.memory_space<vmem>>
    %dma_start3A_1258 = tpu.memref_squeeze %dma_start3A_1257 : memref<1x128x32xf32, #tpu.memory_space<vmem>> -> memref<128x32xf32, #tpu.memory_space<vmem>>
    %dma_start3A_1259 = arith.constant 0 : i32
    %dma_start3A_1260 = tpu.memref_slice %arg5[%dma_start3A_1253, %dma_start3A_1259] : memref<104x128xi32, #tpu.memory_space<vmem>> -> memref<1x128xi32, #tpu.memory_space<vmem>>
    %dma_start3A_1261 = tpu.memref_squeeze %dma_start3A_1260 : memref<1x128xi32, #tpu.memory_space<vmem>> -> memref<128xi32, #tpu.memory_space<vmem>>
    %dma_start3A_1262 = arith.constant 0 : i32
    %dma_start3A_1263 = arith.constant 0 : i32
    %dma_start3A_1264 = tpu.memref_slice %arg2[%dma_start3A_1262, %dma_start3A_1263] : memref<1000000x32xf32, #tpu.memory_space<hbm>> -> memref<1000000x32xf32, #tpu.memory_space<hbm>>
    tpu.enqueue_indirect_dma source(%dma_start3A_1264 : memref<1000000x32xf32, #tpu.memory_space<hbm>>) target(%dma_start3A_1258 : memref<128x32xf32, #tpu.memory_space<vmem>>) offsets(%dma_start3A_1261 : memref<128xi32, #tpu.memory_space<vmem>>) semaphore(%arg8 : memref<!tpu.dma_semaphore, #tpu.memory_space<semaphore_mem>>)
    %dma_start3A_1265 = arith.constant 78 : i32
    %dma_start3A_1266 = arith.constant 1 : i32
    %dma_start3A_1267 = arith.constant 768 : i32
    %dma_start3A_1268 = arith.constant 0 : i32
    %dma_start3A_1269 = tpu.memref_slice %arg6[%dma_start3A_1266, %dma_start3A_1267, %dma_start3A_1268] : memref<2x1024x32xf32, #tpu.memory_space<vmem>> -> memref<1x128x32xf32, #tpu.memory_space<vmem>>
    %dma_start3A_1270 = tpu.memref_squeeze %dma_start3A_1269 : memref<1x128x32xf32, #tpu.memory_space<vmem>> -> memref<128x32xf32, #tpu.memory_space<vmem>>
    %dma_start3A_1271 = arith.constant 0 : i32
    %dma_start3A_1272 = tpu.memref_slice %arg5[%dma_start3A_1265, %dma_start3A_1271] : memref<104x128xi32, #tpu.memory_space<vmem>> -> memref<1x128xi32, #tpu.memory_space<vmem>>
    %dma_start3A_1273 = tpu.memref_squeeze %dma_start3A_1272 : memref<1x128xi32, #tpu.memory_space<vmem>> -> memref<128xi32, #tpu.memory_space<vmem>>
    %dma_start3A_1274 = arith.constant 0 : i32
    %dma_start3A_1275 = arith.constant 0 : i32
    %dma_start3A_1276 = tpu.memref_slice %arg2[%dma_start3A_1274, %dma_start3A_1275] : memref<1000000x32xf32, #tpu.memory_space<hbm>> -> memref<1000000x32xf32, #tpu.memory_space<hbm>>
    tpu.enqueue_indirect_dma source(%dma_start3A_1276 : memref<1000000x32xf32, #tpu.memory_space<hbm>>) target(%dma_start3A_1270 : memref<128x32xf32, #tpu.memory_space<vmem>>) offsets(%dma_start3A_1273 : memref<128xi32, #tpu.memory_space<vmem>>) semaphore(%arg8 : memref<!tpu.dma_semaphore, #tpu.memory_space<semaphore_mem>>)
    %dma_start3A_1277 = arith.constant 79 : i32
    %dma_start3A_1278 = arith.constant 1 : i32
    %dma_start3A_1279 = arith.constant 896 : i32
    %dma_start3A_1280 = arith.constant 0 : i32
    %dma_start3A_1281 = tpu.memref_slice %arg6[%dma_start3A_1278, %dma_start3A_1279, %dma_start3A_1280] : memref<2x1024x32xf32, #tpu.memory_space<vmem>> -> memref<1x128x32xf32, #tpu.memory_space<vmem>>
    %dma_start3A_1282 = tpu.memref_squeeze %dma_start3A_1281 : memref<1x128x32xf32, #tpu.memory_space<vmem>> -> memref<128x32xf32, #tpu.memory_space<vmem>>
    %dma_start3A_1283 = arith.constant 0 : i32
    %dma_start3A_1284 = tpu.memref_slice %arg5[%dma_start3A_1277, %dma_start3A_1283] : memref<104x128xi32, #tpu.memory_space<vmem>> -> memref<1x128xi32, #tpu.memory_space<vmem>>
    %dma_start3A_1285 = tpu.memref_squeeze %dma_start3A_1284 : memref<1x128xi32, #tpu.memory_space<vmem>> -> memref<128xi32, #tpu.memory_space<vmem>>
    %dma_start3A_1286 = arith.constant 0 : i32
    %dma_start3A_1287 = arith.constant 0 : i32
    %dma_start3A_1288 = tpu.memref_slice %arg2[%dma_start3A_1286, %dma_start3A_1287] : memref<1000000x32xf32, #tpu.memory_space<hbm>> -> memref<1000000x32xf32, #tpu.memory_space<hbm>>
    tpu.enqueue_indirect_dma source(%dma_start3A_1288 : memref<1000000x32xf32, #tpu.memory_space<hbm>>) target(%dma_start3A_1282 : memref<128x32xf32, #tpu.memory_space<vmem>>) offsets(%dma_start3A_1285 : memref<128xi32, #tpu.memory_space<vmem>>) semaphore(%arg8 : memref<!tpu.dma_semaphore, #tpu.memory_space<semaphore_mem>>)
    %dma_wait3A_1289 = arith.constant 0 : i32
    %dma_wait3A_1290 = arith.constant 0 : i32
    %dma_wait3A_1291 = arith.constant 0 : i32
    %dma_wait3A_1292 = tpu.memref_slice %arg6[%dma_wait3A_1289, %dma_wait3A_1290, %dma_wait3A_1291] : memref<2x1024x32xf32, #tpu.memory_space<vmem>> -> memref<1x1024x32xf32, #tpu.memory_space<vmem>>
    %dma_wait3A_1293 = tpu.memref_squeeze %dma_wait3A_1292 : memref<1x1024x32xf32, #tpu.memory_space<vmem>> -> memref<1024x32xf32, #tpu.memory_space<vmem>>
    %dma_wait3A_1294 = arith.constant 0 : i32
    %dma_wait3A_1295 = tpu.memref_slice %arg4[%mul3A_2, %dma_wait3A_1294] : memref<425984x32xf32, #tpu.memory_space<hbm>> -> memref<1024x32xf32, #tpu.memory_space<hbm>>
    %dma_wait3A_1296 = arith.constant 0 : i32
    %dma_wait3A_1297 = tpu.memref_slice %arg4[%mul3A_2, %dma_wait3A_1296] : memref<425984x32xf32, #tpu.memory_space<hbm>> -> memref<1024x32xf32, #tpu.memory_space<hbm>>
    %dma_wait3A_1298 = arith.constant 0 : i32
    %dma_wait3A_1299 = arith.constant 0 : i32
    %dma_wait3A_1300 = tpu.memref_slice %arg6[%dma_wait3A_1289, %dma_wait3A_1298, %dma_wait3A_1299] : memref<2x1024x32xf32, #tpu.memory_space<vmem>> -> memref<1x1024x32xf32, #tpu.memory_space<vmem>>
    %dma_wait3A_1301 = tpu.memref_squeeze %dma_wait3A_1300 : memref<1x1024x32xf32, #tpu.memory_space<vmem>> -> memref<1024x32xf32, #tpu.memory_space<vmem>>
    tpu.wait_dma2 semaphore(%arg7 : memref<!tpu.dma_semaphore, #tpu.memory_space<semaphore_mem>>) src(%dma_wait3A_1301 : memref<1024x32xf32, #tpu.memory_space<vmem>>) dst(%dma_wait3A_1297 : memref<1024x32xf32, #tpu.memory_space<hbm>>)
    %add3A_1302 = arith.constant 8192 : i32
    %add3A_1303 = arith.addi %mul3A_2, %add3A_1302 : i32
    %dma_start3A_1304 = arith.constant 0 : i32
    %dma_start3A_1305 = arith.constant 0 : i32
    %dma_start3A_1306 = arith.constant 0 : i32
    %dma_start3A_1307 = tpu.memref_slice %arg6[%dma_start3A_1304, %dma_start3A_1305, %dma_start3A_1306] : memref<2x1024x32xf32, #tpu.memory_space<vmem>> -> memref<1x1024x32xf32, #tpu.memory_space<vmem>>
    %dma_start3A_1308 = tpu.memref_squeeze %dma_start3A_1307 : memref<1x1024x32xf32, #tpu.memory_space<vmem>> -> memref<1024x32xf32, #tpu.memory_space<vmem>>
    %dma_start3A_1309 = arith.constant 0 : i32
    %dma_start3A_1310 = tpu.memref_slice %arg4[%add3A_1303, %dma_start3A_1309] : memref<425984x32xf32, #tpu.memory_space<hbm>> -> memref<1024x32xf32, #tpu.memory_space<hbm>>
    %dma_start3A_1311 = arith.constant 0 : i32
    %dma_start3A_1312 = tpu.memref_slice %arg4[%add3A_1303, %dma_start3A_1311] : memref<425984x32xf32, #tpu.memory_space<hbm>> -> memref<1024x32xf32, #tpu.memory_space<hbm>>
    %dma_start3A_1313 = arith.constant 0 : i32
    %dma_start3A_1314 = arith.constant 0 : i32
    %dma_start3A_1315 = tpu.memref_slice %arg6[%dma_start3A_1304, %dma_start3A_1313, %dma_start3A_1314] : memref<2x1024x32xf32, #tpu.memory_space<vmem>> -> memref<1x1024x32xf32, #tpu.memory_space<vmem>>
    %dma_start3A_1316 = tpu.memref_squeeze %dma_start3A_1315 : memref<1x1024x32xf32, #tpu.memory_space<vmem>> -> memref<1024x32xf32, #tpu.memory_space<vmem>>
    tpu.enqueue_dma source(%dma_start3A_1316 : memref<1024x32xf32, #tpu.memory_space<vmem>>) target(%dma_start3A_1312 : memref<1024x32xf32, #tpu.memory_space<hbm>>) target_semaphore(%arg9 : memref<!tpu.dma_semaphore, #tpu.memory_space<semaphore_mem>>)
    %dma_wait3A_1317 = arith.constant 0 : i32
    %dma_wait3A_1318 = arith.constant 0 : i32
    %dma_wait3A_1319 = arith.constant 0 : i32
    %dma_wait3A_1320 = tpu.memref_slice %arg6[%dma_wait3A_1317, %dma_wait3A_1318, %dma_wait3A_1319] : memref<2x1024x32xf32, #tpu.memory_space<vmem>> -> memref<1x1024x32xf32, #tpu.memory_space<vmem>>
    %dma_wait3A_1321 = tpu.memref_squeeze %dma_wait3A_1320 : memref<1x1024x32xf32, #tpu.memory_space<vmem>> -> memref<1024x32xf32, #tpu.memory_space<vmem>>
    %dma_wait3A_1322 = arith.constant 0 : i32
    %dma_wait3A_1323 = tpu.memref_slice %arg4[%mul3A_2, %dma_wait3A_1322] : memref<425984x32xf32, #tpu.memory_space<hbm>> -> memref<1024x32xf32, #tpu.memory_space<hbm>>
    %dma_wait3A_1324 = arith.constant 0 : i32
    %dma_wait3A_1325 = tpu.memref_slice %arg4[%mul3A_2, %dma_wait3A_1324] : memref<425984x32xf32, #tpu.memory_space<hbm>> -> memref<1024x32xf32, #tpu.memory_space<hbm>>
    %dma_wait3A_1326 = arith.constant 0 : i32
    %dma_wait3A_1327 = arith.constant 0 : i32
    %dma_wait3A_1328 = tpu.memref_slice %arg6[%dma_wait3A_1317, %dma_wait3A_1326, %dma_wait3A_1327] : memref<2x1024x32xf32, #tpu.memory_space<vmem>> -> memref<1x1024x32xf32, #tpu.memory_space<vmem>>
    %dma_wait3A_1329 = tpu.memref_squeeze %dma_wait3A_1328 : memref<1x1024x32xf32, #tpu.memory_space<vmem>> -> memref<1024x32xf32, #tpu.memory_space<vmem>>
    tpu.wait_dma2 semaphore(%arg9 : memref<!tpu.dma_semaphore, #tpu.memory_space<semaphore_mem>>) src(%dma_wait3A_1329 : memref<1024x32xf32, #tpu.memory_space<vmem>>) dst(%dma_wait3A_1325 : memref<1024x32xf32, #tpu.memory_space<hbm>>)
    %dma_start3A_1330 = arith.constant 80 : i32
    %dma_start3A_1331 = arith.constant 0 : i32
    %dma_start3A_1332 = arith.constant 0 : i32
    %dma_start3A_1333 = arith.constant 0 : i32
    %dma_start3A_1334 = tpu.memref_slice %arg6[%dma_start3A_1331, %dma_start3A_1332, %dma_start3A_1333] : memref<2x1024x32xf32, #tpu.memory_space<vmem>> -> memref<1x128x32xf32, #tpu.memory_space<vmem>>
    %dma_start3A_1335 = tpu.memref_squeeze %dma_start3A_1334 : memref<1x128x32xf32, #tpu.memory_space<vmem>> -> memref<128x32xf32, #tpu.memory_space<vmem>>
    %dma_start3A_1336 = arith.constant 0 : i32
    %dma_start3A_1337 = tpu.memref_slice %arg5[%dma_start3A_1330, %dma_start3A_1336] : memref<104x128xi32, #tpu.memory_space<vmem>> -> memref<1x128xi32, #tpu.memory_space<vmem>>
    %dma_start3A_1338 = tpu.memref_squeeze %dma_start3A_1337 : memref<1x128xi32, #tpu.memory_space<vmem>> -> memref<128xi32, #tpu.memory_space<vmem>>
    %dma_start3A_1339 = arith.constant 0 : i32
    %dma_start3A_1340 = arith.constant 0 : i32
    %dma_start3A_1341 = tpu.memref_slice %arg2[%dma_start3A_1339, %dma_start3A_1340] : memref<1000000x32xf32, #tpu.memory_space<hbm>> -> memref<1000000x32xf32, #tpu.memory_space<hbm>>
    tpu.enqueue_indirect_dma source(%dma_start3A_1341 : memref<1000000x32xf32, #tpu.memory_space<hbm>>) target(%dma_start3A_1335 : memref<128x32xf32, #tpu.memory_space<vmem>>) offsets(%dma_start3A_1338 : memref<128xi32, #tpu.memory_space<vmem>>) semaphore(%arg7 : memref<!tpu.dma_semaphore, #tpu.memory_space<semaphore_mem>>)
    %dma_start3A_1342 = arith.constant 81 : i32
    %dma_start3A_1343 = arith.constant 0 : i32
    %dma_start3A_1344 = arith.constant 128 : i32
    %dma_start3A_1345 = arith.constant 0 : i32
    %dma_start3A_1346 = tpu.memref_slice %arg6[%dma_start3A_1343, %dma_start3A_1344, %dma_start3A_1345] : memref<2x1024x32xf32, #tpu.memory_space<vmem>> -> memref<1x128x32xf32, #tpu.memory_space<vmem>>
    %dma_start3A_1347 = tpu.memref_squeeze %dma_start3A_1346 : memref<1x128x32xf32, #tpu.memory_space<vmem>> -> memref<128x32xf32, #tpu.memory_space<vmem>>
    %dma_start3A_1348 = arith.constant 0 : i32
    %dma_start3A_1349 = tpu.memref_slice %arg5[%dma_start3A_1342, %dma_start3A_1348] : memref<104x128xi32, #tpu.memory_space<vmem>> -> memref<1x128xi32, #tpu.memory_space<vmem>>
    %dma_start3A_1350 = tpu.memref_squeeze %dma_start3A_1349 : memref<1x128xi32, #tpu.memory_space<vmem>> -> memref<128xi32, #tpu.memory_space<vmem>>
    %dma_start3A_1351 = arith.constant 0 : i32
    %dma_start3A_1352 = arith.constant 0 : i32
    %dma_start3A_1353 = tpu.memref_slice %arg2[%dma_start3A_1351, %dma_start3A_1352] : memref<1000000x32xf32, #tpu.memory_space<hbm>> -> memref<1000000x32xf32, #tpu.memory_space<hbm>>
    tpu.enqueue_indirect_dma source(%dma_start3A_1353 : memref<1000000x32xf32, #tpu.memory_space<hbm>>) target(%dma_start3A_1347 : memref<128x32xf32, #tpu.memory_space<vmem>>) offsets(%dma_start3A_1350 : memref<128xi32, #tpu.memory_space<vmem>>) semaphore(%arg7 : memref<!tpu.dma_semaphore, #tpu.memory_space<semaphore_mem>>)
    %dma_start3A_1354 = arith.constant 82 : i32
    %dma_start3A_1355 = arith.constant 0 : i32
    %dma_start3A_1356 = arith.constant 256 : i32
    %dma_start3A_1357 = arith.constant 0 : i32
    %dma_start3A_1358 = tpu.memref_slice %arg6[%dma_start3A_1355, %dma_start3A_1356, %dma_start3A_1357] : memref<2x1024x32xf32, #tpu.memory_space<vmem>> -> memref<1x128x32xf32, #tpu.memory_space<vmem>>
    %dma_start3A_1359 = tpu.memref_squeeze %dma_start3A_1358 : memref<1x128x32xf32, #tpu.memory_space<vmem>> -> memref<128x32xf32, #tpu.memory_space<vmem>>
    %dma_start3A_1360 = arith.constant 0 : i32
    %dma_start3A_1361 = tpu.memref_slice %arg5[%dma_start3A_1354, %dma_start3A_1360] : memref<104x128xi32, #tpu.memory_space<vmem>> -> memref<1x128xi32, #tpu.memory_space<vmem>>
    %dma_start3A_1362 = tpu.memref_squeeze %dma_start3A_1361 : memref<1x128xi32, #tpu.memory_space<vmem>> -> memref<128xi32, #tpu.memory_space<vmem>>
    %dma_start3A_1363 = arith.constant 0 : i32
    %dma_start3A_1364 = arith.constant 0 : i32
    %dma_start3A_1365 = tpu.memref_slice %arg2[%dma_start3A_1363, %dma_start3A_1364] : memref<1000000x32xf32, #tpu.memory_space<hbm>> -> memref<1000000x32xf32, #tpu.memory_space<hbm>>
    tpu.enqueue_indirect_dma source(%dma_start3A_1365 : memref<1000000x32xf32, #tpu.memory_space<hbm>>) target(%dma_start3A_1359 : memref<128x32xf32, #tpu.memory_space<vmem>>) offsets(%dma_start3A_1362 : memref<128xi32, #tpu.memory_space<vmem>>) semaphore(%arg7 : memref<!tpu.dma_semaphore, #tpu.memory_space<semaphore_mem>>)
    %dma_start3A_1366 = arith.constant 83 : i32
    %dma_start3A_1367 = arith.constant 0 : i32
    %dma_start3A_1368 = arith.constant 384 : i32
    %dma_start3A_1369 = arith.constant 0 : i32
    %dma_start3A_1370 = tpu.memref_slice %arg6[%dma_start3A_1367, %dma_start3A_1368, %dma_start3A_1369] : memref<2x1024x32xf32, #tpu.memory_space<vmem>> -> memref<1x128x32xf32, #tpu.memory_space<vmem>>
    %dma_start3A_1371 = tpu.memref_squeeze %dma_start3A_1370 : memref<1x128x32xf32, #tpu.memory_space<vmem>> -> memref<128x32xf32, #tpu.memory_space<vmem>>
    %dma_start3A_1372 = arith.constant 0 : i32
    %dma_start3A_1373 = tpu.memref_slice %arg5[%dma_start3A_1366, %dma_start3A_1372] : memref<104x128xi32, #tpu.memory_space<vmem>> -> memref<1x128xi32, #tpu.memory_space<vmem>>
    %dma_start3A_1374 = tpu.memref_squeeze %dma_start3A_1373 : memref<1x128xi32, #tpu.memory_space<vmem>> -> memref<128xi32, #tpu.memory_space<vmem>>
    %dma_start3A_1375 = arith.constant 0 : i32
    %dma_start3A_1376 = arith.constant 0 : i32
    %dma_start3A_1377 = tpu.memref_slice %arg2[%dma_start3A_1375, %dma_start3A_1376] : memref<1000000x32xf32, #tpu.memory_space<hbm>> -> memref<1000000x32xf32, #tpu.memory_space<hbm>>
    tpu.enqueue_indirect_dma source(%dma_start3A_1377 : memref<1000000x32xf32, #tpu.memory_space<hbm>>) target(%dma_start3A_1371 : memref<128x32xf32, #tpu.memory_space<vmem>>) offsets(%dma_start3A_1374 : memref<128xi32, #tpu.memory_space<vmem>>) semaphore(%arg7 : memref<!tpu.dma_semaphore, #tpu.memory_space<semaphore_mem>>)
    %dma_start3A_1378 = arith.constant 84 : i32
    %dma_start3A_1379 = arith.constant 0 : i32
    %dma_start3A_1380 = arith.constant 512 : i32
    %dma_start3A_1381 = arith.constant 0 : i32
    %dma_start3A_1382 = tpu.memref_slice %arg6[%dma_start3A_1379, %dma_start3A_1380, %dma_start3A_1381] : memref<2x1024x32xf32, #tpu.memory_space<vmem>> -> memref<1x128x32xf32, #tpu.memory_space<vmem>>
    %dma_start3A_1383 = tpu.memref_squeeze %dma_start3A_1382 : memref<1x128x32xf32, #tpu.memory_space<vmem>> -> memref<128x32xf32, #tpu.memory_space<vmem>>
    %dma_start3A_1384 = arith.constant 0 : i32
    %dma_start3A_1385 = tpu.memref_slice %arg5[%dma_start3A_1378, %dma_start3A_1384] : memref<104x128xi32, #tpu.memory_space<vmem>> -> memref<1x128xi32, #tpu.memory_space<vmem>>
    %dma_start3A_1386 = tpu.memref_squeeze %dma_start3A_1385 : memref<1x128xi32, #tpu.memory_space<vmem>> -> memref<128xi32, #tpu.memory_space<vmem>>
    %dma_start3A_1387 = arith.constant 0 : i32
    %dma_start3A_1388 = arith.constant 0 : i32
    %dma_start3A_1389 = tpu.memref_slice %arg2[%dma_start3A_1387, %dma_start3A_1388] : memref<1000000x32xf32, #tpu.memory_space<hbm>> -> memref<1000000x32xf32, #tpu.memory_space<hbm>>
    tpu.enqueue_indirect_dma source(%dma_start3A_1389 : memref<1000000x32xf32, #tpu.memory_space<hbm>>) target(%dma_start3A_1383 : memref<128x32xf32, #tpu.memory_space<vmem>>) offsets(%dma_start3A_1386 : memref<128xi32, #tpu.memory_space<vmem>>) semaphore(%arg7 : memref<!tpu.dma_semaphore, #tpu.memory_space<semaphore_mem>>)
    %dma_start3A_1390 = arith.constant 85 : i32
    %dma_start3A_1391 = arith.constant 0 : i32
    %dma_start3A_1392 = arith.constant 640 : i32
    %dma_start3A_1393 = arith.constant 0 : i32
    %dma_start3A_1394 = tpu.memref_slice %arg6[%dma_start3A_1391, %dma_start3A_1392, %dma_start3A_1393] : memref<2x1024x32xf32, #tpu.memory_space<vmem>> -> memref<1x128x32xf32, #tpu.memory_space<vmem>>
    %dma_start3A_1395 = tpu.memref_squeeze %dma_start3A_1394 : memref<1x128x32xf32, #tpu.memory_space<vmem>> -> memref<128x32xf32, #tpu.memory_space<vmem>>
    %dma_start3A_1396 = arith.constant 0 : i32
    %dma_start3A_1397 = tpu.memref_slice %arg5[%dma_start3A_1390, %dma_start3A_1396] : memref<104x128xi32, #tpu.memory_space<vmem>> -> memref<1x128xi32, #tpu.memory_space<vmem>>
    %dma_start3A_1398 = tpu.memref_squeeze %dma_start3A_1397 : memref<1x128xi32, #tpu.memory_space<vmem>> -> memref<128xi32, #tpu.memory_space<vmem>>
    %dma_start3A_1399 = arith.constant 0 : i32
    %dma_start3A_1400 = arith.constant 0 : i32
    %dma_start3A_1401 = tpu.memref_slice %arg2[%dma_start3A_1399, %dma_start3A_1400] : memref<1000000x32xf32, #tpu.memory_space<hbm>> -> memref<1000000x32xf32, #tpu.memory_space<hbm>>
    tpu.enqueue_indirect_dma source(%dma_start3A_1401 : memref<1000000x32xf32, #tpu.memory_space<hbm>>) target(%dma_start3A_1395 : memref<128x32xf32, #tpu.memory_space<vmem>>) offsets(%dma_start3A_1398 : memref<128xi32, #tpu.memory_space<vmem>>) semaphore(%arg7 : memref<!tpu.dma_semaphore, #tpu.memory_space<semaphore_mem>>)
    %dma_start3A_1402 = arith.constant 86 : i32
    %dma_start3A_1403 = arith.constant 0 : i32
    %dma_start3A_1404 = arith.constant 768 : i32
    %dma_start3A_1405 = arith.constant 0 : i32
    %dma_start3A_1406 = tpu.memref_slice %arg6[%dma_start3A_1403, %dma_start3A_1404, %dma_start3A_1405] : memref<2x1024x32xf32, #tpu.memory_space<vmem>> -> memref<1x128x32xf32, #tpu.memory_space<vmem>>
    %dma_start3A_1407 = tpu.memref_squeeze %dma_start3A_1406 : memref<1x128x32xf32, #tpu.memory_space<vmem>> -> memref<128x32xf32, #tpu.memory_space<vmem>>
    %dma_start3A_1408 = arith.constant 0 : i32
    %dma_start3A_1409 = tpu.memref_slice %arg5[%dma_start3A_1402, %dma_start3A_1408] : memref<104x128xi32, #tpu.memory_space<vmem>> -> memref<1x128xi32, #tpu.memory_space<vmem>>
    %dma_start3A_1410 = tpu.memref_squeeze %dma_start3A_1409 : memref<1x128xi32, #tpu.memory_space<vmem>> -> memref<128xi32, #tpu.memory_space<vmem>>
    %dma_start3A_1411 = arith.constant 0 : i32
    %dma_start3A_1412 = arith.constant 0 : i32
    %dma_start3A_1413 = tpu.memref_slice %arg2[%dma_start3A_1411, %dma_start3A_1412] : memref<1000000x32xf32, #tpu.memory_space<hbm>> -> memref<1000000x32xf32, #tpu.memory_space<hbm>>
    tpu.enqueue_indirect_dma source(%dma_start3A_1413 : memref<1000000x32xf32, #tpu.memory_space<hbm>>) target(%dma_start3A_1407 : memref<128x32xf32, #tpu.memory_space<vmem>>) offsets(%dma_start3A_1410 : memref<128xi32, #tpu.memory_space<vmem>>) semaphore(%arg7 : memref<!tpu.dma_semaphore, #tpu.memory_space<semaphore_mem>>)
    %dma_start3A_1414 = arith.constant 87 : i32
    %dma_start3A_1415 = arith.constant 0 : i32
    %dma_start3A_1416 = arith.constant 896 : i32
    %dma_start3A_1417 = arith.constant 0 : i32
    %dma_start3A_1418 = tpu.memref_slice %arg6[%dma_start3A_1415, %dma_start3A_1416, %dma_start3A_1417] : memref<2x1024x32xf32, #tpu.memory_space<vmem>> -> memref<1x128x32xf32, #tpu.memory_space<vmem>>
    %dma_start3A_1419 = tpu.memref_squeeze %dma_start3A_1418 : memref<1x128x32xf32, #tpu.memory_space<vmem>> -> memref<128x32xf32, #tpu.memory_space<vmem>>
    %dma_start3A_1420 = arith.constant 0 : i32
    %dma_start3A_1421 = tpu.memref_slice %arg5[%dma_start3A_1414, %dma_start3A_1420] : memref<104x128xi32, #tpu.memory_space<vmem>> -> memref<1x128xi32, #tpu.memory_space<vmem>>
    %dma_start3A_1422 = tpu.memref_squeeze %dma_start3A_1421 : memref<1x128xi32, #tpu.memory_space<vmem>> -> memref<128xi32, #tpu.memory_space<vmem>>
    %dma_start3A_1423 = arith.constant 0 : i32
    %dma_start3A_1424 = arith.constant 0 : i32
    %dma_start3A_1425 = tpu.memref_slice %arg2[%dma_start3A_1423, %dma_start3A_1424] : memref<1000000x32xf32, #tpu.memory_space<hbm>> -> memref<1000000x32xf32, #tpu.memory_space<hbm>>
    tpu.enqueue_indirect_dma source(%dma_start3A_1425 : memref<1000000x32xf32, #tpu.memory_space<hbm>>) target(%dma_start3A_1419 : memref<128x32xf32, #tpu.memory_space<vmem>>) offsets(%dma_start3A_1422 : memref<128xi32, #tpu.memory_space<vmem>>) semaphore(%arg7 : memref<!tpu.dma_semaphore, #tpu.memory_space<semaphore_mem>>)
    %dma_wait3A_1426 = arith.constant 1 : i32
    %dma_wait3A_1427 = arith.constant 0 : i32
    %dma_wait3A_1428 = arith.constant 0 : i32
    %dma_wait3A_1429 = tpu.memref_slice %arg6[%dma_wait3A_1426, %dma_wait3A_1427, %dma_wait3A_1428] : memref<2x1024x32xf32, #tpu.memory_space<vmem>> -> memref<1x1024x32xf32, #tpu.memory_space<vmem>>
    %dma_wait3A_1430 = tpu.memref_squeeze %dma_wait3A_1429 : memref<1x1024x32xf32, #tpu.memory_space<vmem>> -> memref<1024x32xf32, #tpu.memory_space<vmem>>
    %dma_wait3A_1431 = arith.constant 0 : i32
    %dma_wait3A_1432 = tpu.memref_slice %arg4[%mul3A_2, %dma_wait3A_1431] : memref<425984x32xf32, #tpu.memory_space<hbm>> -> memref<1024x32xf32, #tpu.memory_space<hbm>>
    %dma_wait3A_1433 = arith.constant 0 : i32
    %dma_wait3A_1434 = tpu.memref_slice %arg4[%mul3A_2, %dma_wait3A_1433] : memref<425984x32xf32, #tpu.memory_space<hbm>> -> memref<1024x32xf32, #tpu.memory_space<hbm>>
    %dma_wait3A_1435 = arith.constant 0 : i32
    %dma_wait3A_1436 = arith.constant 0 : i32
    %dma_wait3A_1437 = tpu.memref_slice %arg6[%dma_wait3A_1426, %dma_wait3A_1435, %dma_wait3A_1436] : memref<2x1024x32xf32, #tpu.memory_space<vmem>> -> memref<1x1024x32xf32, #tpu.memory_space<vmem>>
    %dma_wait3A_1438 = tpu.memref_squeeze %dma_wait3A_1437 : memref<1x1024x32xf32, #tpu.memory_space<vmem>> -> memref<1024x32xf32, #tpu.memory_space<vmem>>
    tpu.wait_dma2 semaphore(%arg8 : memref<!tpu.dma_semaphore, #tpu.memory_space<semaphore_mem>>) src(%dma_wait3A_1438 : memref<1024x32xf32, #tpu.memory_space<vmem>>) dst(%dma_wait3A_1434 : memref<1024x32xf32, #tpu.memory_space<hbm>>)
    %add3A_1439 = arith.constant 9216 : i32
    %add3A_1440 = arith.addi %mul3A_2, %add3A_1439 : i32
    %dma_start3A_1441 = arith.constant 1 : i32
    %dma_start3A_1442 = arith.constant 0 : i32
    %dma_start3A_1443 = arith.constant 0 : i32
    %dma_start3A_1444 = tpu.memref_slice %arg6[%dma_start3A_1441, %dma_start3A_1442, %dma_start3A_1443] : memref<2x1024x32xf32, #tpu.memory_space<vmem>> -> memref<1x1024x32xf32, #tpu.memory_space<vmem>>
    %dma_start3A_1445 = tpu.memref_squeeze %dma_start3A_1444 : memref<1x1024x32xf32, #tpu.memory_space<vmem>> -> memref<1024x32xf32, #tpu.memory_space<vmem>>
    %dma_start3A_1446 = arith.constant 0 : i32
    %dma_start3A_1447 = tpu.memref_slice %arg4[%add3A_1440, %dma_start3A_1446] : memref<425984x32xf32, #tpu.memory_space<hbm>> -> memref<1024x32xf32, #tpu.memory_space<hbm>>
    %dma_start3A_1448 = arith.constant 0 : i32
    %dma_start3A_1449 = tpu.memref_slice %arg4[%add3A_1440, %dma_start3A_1448] : memref<425984x32xf32, #tpu.memory_space<hbm>> -> memref<1024x32xf32, #tpu.memory_space<hbm>>
    %dma_start3A_1450 = arith.constant 0 : i32
    %dma_start3A_1451 = arith.constant 0 : i32
    %dma_start3A_1452 = tpu.memref_slice %arg6[%dma_start3A_1441, %dma_start3A_1450, %dma_start3A_1451] : memref<2x1024x32xf32, #tpu.memory_space<vmem>> -> memref<1x1024x32xf32, #tpu.memory_space<vmem>>
    %dma_start3A_1453 = tpu.memref_squeeze %dma_start3A_1452 : memref<1x1024x32xf32, #tpu.memory_space<vmem>> -> memref<1024x32xf32, #tpu.memory_space<vmem>>
    tpu.enqueue_dma source(%dma_start3A_1453 : memref<1024x32xf32, #tpu.memory_space<vmem>>) target(%dma_start3A_1449 : memref<1024x32xf32, #tpu.memory_space<hbm>>) target_semaphore(%arg10 : memref<!tpu.dma_semaphore, #tpu.memory_space<semaphore_mem>>)
    %dma_wait3A_1454 = arith.constant 1 : i32
    %dma_wait3A_1455 = arith.constant 0 : i32
    %dma_wait3A_1456 = arith.constant 0 : i32
    %dma_wait3A_1457 = tpu.memref_slice %arg6[%dma_wait3A_1454, %dma_wait3A_1455, %dma_wait3A_1456] : memref<2x1024x32xf32, #tpu.memory_space<vmem>> -> memref<1x1024x32xf32, #tpu.memory_space<vmem>>
    %dma_wait3A_1458 = tpu.memref_squeeze %dma_wait3A_1457 : memref<1x1024x32xf32, #tpu.memory_space<vmem>> -> memref<1024x32xf32, #tpu.memory_space<vmem>>
    %dma_wait3A_1459 = arith.constant 0 : i32
    %dma_wait3A_1460 = tpu.memref_slice %arg4[%mul3A_2, %dma_wait3A_1459] : memref<425984x32xf32, #tpu.memory_space<hbm>> -> memref<1024x32xf32, #tpu.memory_space<hbm>>
    %dma_wait3A_1461 = arith.constant 0 : i32
    %dma_wait3A_1462 = tpu.memref_slice %arg4[%mul3A_2, %dma_wait3A_1461] : memref<425984x32xf32, #tpu.memory_space<hbm>> -> memref<1024x32xf32, #tpu.memory_space<hbm>>
    %dma_wait3A_1463 = arith.constant 0 : i32
    %dma_wait3A_1464 = arith.constant 0 : i32
    %dma_wait3A_1465 = tpu.memref_slice %arg6[%dma_wait3A_1454, %dma_wait3A_1463, %dma_wait3A_1464] : memref<2x1024x32xf32, #tpu.memory_space<vmem>> -> memref<1x1024x32xf32, #tpu.memory_space<vmem>>
    %dma_wait3A_1466 = tpu.memref_squeeze %dma_wait3A_1465 : memref<1x1024x32xf32, #tpu.memory_space<vmem>> -> memref<1024x32xf32, #tpu.memory_space<vmem>>
    tpu.wait_dma2 semaphore(%arg10 : memref<!tpu.dma_semaphore, #tpu.memory_space<semaphore_mem>>) src(%dma_wait3A_1466 : memref<1024x32xf32, #tpu.memory_space<vmem>>) dst(%dma_wait3A_1462 : memref<1024x32xf32, #tpu.memory_space<hbm>>)
    %dma_start3A_1467 = arith.constant 88 : i32
    %dma_start3A_1468 = arith.constant 1 : i32
    %dma_start3A_1469 = arith.constant 0 : i32
    %dma_start3A_1470 = arith.constant 0 : i32
    %dma_start3A_1471 = tpu.memref_slice %arg6[%dma_start3A_1468, %dma_start3A_1469, %dma_start3A_1470] : memref<2x1024x32xf32, #tpu.memory_space<vmem>> -> memref<1x128x32xf32, #tpu.memory_space<vmem>>
    %dma_start3A_1472 = tpu.memref_squeeze %dma_start3A_1471 : memref<1x128x32xf32, #tpu.memory_space<vmem>> -> memref<128x32xf32, #tpu.memory_space<vmem>>
    %dma_start3A_1473 = arith.constant 0 : i32
    %dma_start3A_1474 = tpu.memref_slice %arg5[%dma_start3A_1467, %dma_start3A_1473] : memref<104x128xi32, #tpu.memory_space<vmem>> -> memref<1x128xi32, #tpu.memory_space<vmem>>
    %dma_start3A_1475 = tpu.memref_squeeze %dma_start3A_1474 : memref<1x128xi32, #tpu.memory_space<vmem>> -> memref<128xi32, #tpu.memory_space<vmem>>
    %dma_start3A_1476 = arith.constant 0 : i32
    %dma_start3A_1477 = arith.constant 0 : i32
    %dma_start3A_1478 = tpu.memref_slice %arg2[%dma_start3A_1476, %dma_start3A_1477] : memref<1000000x32xf32, #tpu.memory_space<hbm>> -> memref<1000000x32xf32, #tpu.memory_space<hbm>>
    tpu.enqueue_indirect_dma source(%dma_start3A_1478 : memref<1000000x32xf32, #tpu.memory_space<hbm>>) target(%dma_start3A_1472 : memref<128x32xf32, #tpu.memory_space<vmem>>) offsets(%dma_start3A_1475 : memref<128xi32, #tpu.memory_space<vmem>>) semaphore(%arg8 : memref<!tpu.dma_semaphore, #tpu.memory_space<semaphore_mem>>)
    %dma_start3A_1479 = arith.constant 89 : i32
    %dma_start3A_1480 = arith.constant 1 : i32
    %dma_start3A_1481 = arith.constant 128 : i32
    %dma_start3A_1482 = arith.constant 0 : i32
    %dma_start3A_1483 = tpu.memref_slice %arg6[%dma_start3A_1480, %dma_start3A_1481, %dma_start3A_1482] : memref<2x1024x32xf32, #tpu.memory_space<vmem>> -> memref<1x128x32xf32, #tpu.memory_space<vmem>>
    %dma_start3A_1484 = tpu.memref_squeeze %dma_start3A_1483 : memref<1x128x32xf32, #tpu.memory_space<vmem>> -> memref<128x32xf32, #tpu.memory_space<vmem>>
    %dma_start3A_1485 = arith.constant 0 : i32
    %dma_start3A_1486 = tpu.memref_slice %arg5[%dma_start3A_1479, %dma_start3A_1485] : memref<104x128xi32, #tpu.memory_space<vmem>> -> memref<1x128xi32, #tpu.memory_space<vmem>>
    %dma_start3A_1487 = tpu.memref_squeeze %dma_start3A_1486 : memref<1x128xi32, #tpu.memory_space<vmem>> -> memref<128xi32, #tpu.memory_space<vmem>>
    %dma_start3A_1488 = arith.constant 0 : i32
    %dma_start3A_1489 = arith.constant 0 : i32
    %dma_start3A_1490 = tpu.memref_slice %arg2[%dma_start3A_1488, %dma_start3A_1489] : memref<1000000x32xf32, #tpu.memory_space<hbm>> -> memref<1000000x32xf32, #tpu.memory_space<hbm>>
    tpu.enqueue_indirect_dma source(%dma_start3A_1490 : memref<1000000x32xf32, #tpu.memory_space<hbm>>) target(%dma_start3A_1484 : memref<128x32xf32, #tpu.memory_space<vmem>>) offsets(%dma_start3A_1487 : memref<128xi32, #tpu.memory_space<vmem>>) semaphore(%arg8 : memref<!tpu.dma_semaphore, #tpu.memory_space<semaphore_mem>>)
    %dma_start3A_1491 = arith.constant 90 : i32
    %dma_start3A_1492 = arith.constant 1 : i32
    %dma_start3A_1493 = arith.constant 256 : i32
    %dma_start3A_1494 = arith.constant 0 : i32
    %dma_start3A_1495 = tpu.memref_slice %arg6[%dma_start3A_1492, %dma_start3A_1493, %dma_start3A_1494] : memref<2x1024x32xf32, #tpu.memory_space<vmem>> -> memref<1x128x32xf32, #tpu.memory_space<vmem>>
    %dma_start3A_1496 = tpu.memref_squeeze %dma_start3A_1495 : memref<1x128x32xf32, #tpu.memory_space<vmem>> -> memref<128x32xf32, #tpu.memory_space<vmem>>
    %dma_start3A_1497 = arith.constant 0 : i32
    %dma_start3A_1498 = tpu.memref_slice %arg5[%dma_start3A_1491, %dma_start3A_1497] : memref<104x128xi32, #tpu.memory_space<vmem>> -> memref<1x128xi32, #tpu.memory_space<vmem>>
    %dma_start3A_1499 = tpu.memref_squeeze %dma_start3A_1498 : memref<1x128xi32, #tpu.memory_space<vmem>> -> memref<128xi32, #tpu.memory_space<vmem>>
    %dma_start3A_1500 = arith.constant 0 : i32
    %dma_start3A_1501 = arith.constant 0 : i32
    %dma_start3A_1502 = tpu.memref_slice %arg2[%dma_start3A_1500, %dma_start3A_1501] : memref<1000000x32xf32, #tpu.memory_space<hbm>> -> memref<1000000x32xf32, #tpu.memory_space<hbm>>
    tpu.enqueue_indirect_dma source(%dma_start3A_1502 : memref<1000000x32xf32, #tpu.memory_space<hbm>>) target(%dma_start3A_1496 : memref<128x32xf32, #tpu.memory_space<vmem>>) offsets(%dma_start3A_1499 : memref<128xi32, #tpu.memory_space<vmem>>) semaphore(%arg8 : memref<!tpu.dma_semaphore, #tpu.memory_space<semaphore_mem>>)
    %dma_start3A_1503 = arith.constant 91 : i32
    %dma_start3A_1504 = arith.constant 1 : i32
    %dma_start3A_1505 = arith.constant 384 : i32
    %dma_start3A_1506 = arith.constant 0 : i32
    %dma_start3A_1507 = tpu.memref_slice %arg6[%dma_start3A_1504, %dma_start3A_1505, %dma_start3A_1506] : memref<2x1024x32xf32, #tpu.memory_space<vmem>> -> memref<1x128x32xf32, #tpu.memory_space<vmem>>
    %dma_start3A_1508 = tpu.memref_squeeze %dma_start3A_1507 : memref<1x128x32xf32, #tpu.memory_space<vmem>> -> memref<128x32xf32, #tpu.memory_space<vmem>>
    %dma_start3A_1509 = arith.constant 0 : i32
    %dma_start3A_1510 = tpu.memref_slice %arg5[%dma_start3A_1503, %dma_start3A_1509] : memref<104x128xi32, #tpu.memory_space<vmem>> -> memref<1x128xi32, #tpu.memory_space<vmem>>
    %dma_start3A_1511 = tpu.memref_squeeze %dma_start3A_1510 : memref<1x128xi32, #tpu.memory_space<vmem>> -> memref<128xi32, #tpu.memory_space<vmem>>
    %dma_start3A_1512 = arith.constant 0 : i32
    %dma_start3A_1513 = arith.constant 0 : i32
    %dma_start3A_1514 = tpu.memref_slice %arg2[%dma_start3A_1512, %dma_start3A_1513] : memref<1000000x32xf32, #tpu.memory_space<hbm>> -> memref<1000000x32xf32, #tpu.memory_space<hbm>>
    tpu.enqueue_indirect_dma source(%dma_start3A_1514 : memref<1000000x32xf32, #tpu.memory_space<hbm>>) target(%dma_start3A_1508 : memref<128x32xf32, #tpu.memory_space<vmem>>) offsets(%dma_start3A_1511 : memref<128xi32, #tpu.memory_space<vmem>>) semaphore(%arg8 : memref<!tpu.dma_semaphore, #tpu.memory_space<semaphore_mem>>)
    %dma_start3A_1515 = arith.constant 92 : i32
    %dma_start3A_1516 = arith.constant 1 : i32
    %dma_start3A_1517 = arith.constant 512 : i32
    %dma_start3A_1518 = arith.constant 0 : i32
    %dma_start3A_1519 = tpu.memref_slice %arg6[%dma_start3A_1516, %dma_start3A_1517, %dma_start3A_1518] : memref<2x1024x32xf32, #tpu.memory_space<vmem>> -> memref<1x128x32xf32, #tpu.memory_space<vmem>>
    %dma_start3A_1520 = tpu.memref_squeeze %dma_start3A_1519 : memref<1x128x32xf32, #tpu.memory_space<vmem>> -> memref<128x32xf32, #tpu.memory_space<vmem>>
    %dma_start3A_1521 = arith.constant 0 : i32
    %dma_start3A_1522 = tpu.memref_slice %arg5[%dma_start3A_1515, %dma_start3A_1521] : memref<104x128xi32, #tpu.memory_space<vmem>> -> memref<1x128xi32, #tpu.memory_space<vmem>>
    %dma_start3A_1523 = tpu.memref_squeeze %dma_start3A_1522 : memref<1x128xi32, #tpu.memory_space<vmem>> -> memref<128xi32, #tpu.memory_space<vmem>>
    %dma_start3A_1524 = arith.constant 0 : i32
    %dma_start3A_1525 = arith.constant 0 : i32
    %dma_start3A_1526 = tpu.memref_slice %arg2[%dma_start3A_1524, %dma_start3A_1525] : memref<1000000x32xf32, #tpu.memory_space<hbm>> -> memref<1000000x32xf32, #tpu.memory_space<hbm>>
    tpu.enqueue_indirect_dma source(%dma_start3A_1526 : memref<1000000x32xf32, #tpu.memory_space<hbm>>) target(%dma_start3A_1520 : memref<128x32xf32, #tpu.memory_space<vmem>>) offsets(%dma_start3A_1523 : memref<128xi32, #tpu.memory_space<vmem>>) semaphore(%arg8 : memref<!tpu.dma_semaphore, #tpu.memory_space<semaphore_mem>>)
    %dma_start3A_1527 = arith.constant 93 : i32
    %dma_start3A_1528 = arith.constant 1 : i32
    %dma_start3A_1529 = arith.constant 640 : i32
    %dma_start3A_1530 = arith.constant 0 : i32
    %dma_start3A_1531 = tpu.memref_slice %arg6[%dma_start3A_1528, %dma_start3A_1529, %dma_start3A_1530] : memref<2x1024x32xf32, #tpu.memory_space<vmem>> -> memref<1x128x32xf32, #tpu.memory_space<vmem>>
    %dma_start3A_1532 = tpu.memref_squeeze %dma_start3A_1531 : memref<1x128x32xf32, #tpu.memory_space<vmem>> -> memref<128x32xf32, #tpu.memory_space<vmem>>
    %dma_start3A_1533 = arith.constant 0 : i32
    %dma_start3A_1534 = tpu.memref_slice %arg5[%dma_start3A_1527, %dma_start3A_1533] : memref<104x128xi32, #tpu.memory_space<vmem>> -> memref<1x128xi32, #tpu.memory_space<vmem>>
    %dma_start3A_1535 = tpu.memref_squeeze %dma_start3A_1534 : memref<1x128xi32, #tpu.memory_space<vmem>> -> memref<128xi32, #tpu.memory_space<vmem>>
    %dma_start3A_1536 = arith.constant 0 : i32
    %dma_start3A_1537 = arith.constant 0 : i32
    %dma_start3A_1538 = tpu.memref_slice %arg2[%dma_start3A_1536, %dma_start3A_1537] : memref<1000000x32xf32, #tpu.memory_space<hbm>> -> memref<1000000x32xf32, #tpu.memory_space<hbm>>
    tpu.enqueue_indirect_dma source(%dma_start3A_1538 : memref<1000000x32xf32, #tpu.memory_space<hbm>>) target(%dma_start3A_1532 : memref<128x32xf32, #tpu.memory_space<vmem>>) offsets(%dma_start3A_1535 : memref<128xi32, #tpu.memory_space<vmem>>) semaphore(%arg8 : memref<!tpu.dma_semaphore, #tpu.memory_space<semaphore_mem>>)
    %dma_start3A_1539 = arith.constant 94 : i32
    %dma_start3A_1540 = arith.constant 1 : i32
    %dma_start3A_1541 = arith.constant 768 : i32
    %dma_start3A_1542 = arith.constant 0 : i32
    %dma_start3A_1543 = tpu.memref_slice %arg6[%dma_start3A_1540, %dma_start3A_1541, %dma_start3A_1542] : memref<2x1024x32xf32, #tpu.memory_space<vmem>> -> memref<1x128x32xf32, #tpu.memory_space<vmem>>
    %dma_start3A_1544 = tpu.memref_squeeze %dma_start3A_1543 : memref<1x128x32xf32, #tpu.memory_space<vmem>> -> memref<128x32xf32, #tpu.memory_space<vmem>>
    %dma_start3A_1545 = arith.constant 0 : i32
    %dma_start3A_1546 = tpu.memref_slice %arg5[%dma_start3A_1539, %dma_start3A_1545] : memref<104x128xi32, #tpu.memory_space<vmem>> -> memref<1x128xi32, #tpu.memory_space<vmem>>
    %dma_start3A_1547 = tpu.memref_squeeze %dma_start3A_1546 : memref<1x128xi32, #tpu.memory_space<vmem>> -> memref<128xi32, #tpu.memory_space<vmem>>
    %dma_start3A_1548 = arith.constant 0 : i32
    %dma_start3A_1549 = arith.constant 0 : i32
    %dma_start3A_1550 = tpu.memref_slice %arg2[%dma_start3A_1548, %dma_start3A_1549] : memref<1000000x32xf32, #tpu.memory_space<hbm>> -> memref<1000000x32xf32, #tpu.memory_space<hbm>>
    tpu.enqueue_indirect_dma source(%dma_start3A_1550 : memref<1000000x32xf32, #tpu.memory_space<hbm>>) target(%dma_start3A_1544 : memref<128x32xf32, #tpu.memory_space<vmem>>) offsets(%dma_start3A_1547 : memref<128xi32, #tpu.memory_space<vmem>>) semaphore(%arg8 : memref<!tpu.dma_semaphore, #tpu.memory_space<semaphore_mem>>)
    %dma_start3A_1551 = arith.constant 95 : i32
    %dma_start3A_1552 = arith.constant 1 : i32
    %dma_start3A_1553 = arith.constant 896 : i32
    %dma_start3A_1554 = arith.constant 0 : i32
    %dma_start3A_1555 = tpu.memref_slice %arg6[%dma_start3A_1552, %dma_start3A_1553, %dma_start3A_1554] : memref<2x1024x32xf32, #tpu.memory_space<vmem>> -> memref<1x128x32xf32, #tpu.memory_space<vmem>>
    %dma_start3A_1556 = tpu.memref_squeeze %dma_start3A_1555 : memref<1x128x32xf32, #tpu.memory_space<vmem>> -> memref<128x32xf32, #tpu.memory_space<vmem>>
    %dma_start3A_1557 = arith.constant 0 : i32
    %dma_start3A_1558 = tpu.memref_slice %arg5[%dma_start3A_1551, %dma_start3A_1557] : memref<104x128xi32, #tpu.memory_space<vmem>> -> memref<1x128xi32, #tpu.memory_space<vmem>>
    %dma_start3A_1559 = tpu.memref_squeeze %dma_start3A_1558 : memref<1x128xi32, #tpu.memory_space<vmem>> -> memref<128xi32, #tpu.memory_space<vmem>>
    %dma_start3A_1560 = arith.constant 0 : i32
    %dma_start3A_1561 = arith.constant 0 : i32
    %dma_start3A_1562 = tpu.memref_slice %arg2[%dma_start3A_1560, %dma_start3A_1561] : memref<1000000x32xf32, #tpu.memory_space<hbm>> -> memref<1000000x32xf32, #tpu.memory_space<hbm>>
    tpu.enqueue_indirect_dma source(%dma_start3A_1562 : memref<1000000x32xf32, #tpu.memory_space<hbm>>) target(%dma_start3A_1556 : memref<128x32xf32, #tpu.memory_space<vmem>>) offsets(%dma_start3A_1559 : memref<128xi32, #tpu.memory_space<vmem>>) semaphore(%arg8 : memref<!tpu.dma_semaphore, #tpu.memory_space<semaphore_mem>>)
    %dma_wait3A_1563 = arith.constant 0 : i32
    %dma_wait3A_1564 = arith.constant 0 : i32
    %dma_wait3A_1565 = arith.constant 0 : i32
    %dma_wait3A_1566 = tpu.memref_slice %arg6[%dma_wait3A_1563, %dma_wait3A_1564, %dma_wait3A_1565] : memref<2x1024x32xf32, #tpu.memory_space<vmem>> -> memref<1x1024x32xf32, #tpu.memory_space<vmem>>
    %dma_wait3A_1567 = tpu.memref_squeeze %dma_wait3A_1566 : memref<1x1024x32xf32, #tpu.memory_space<vmem>> -> memref<1024x32xf32, #tpu.memory_space<vmem>>
    %dma_wait3A_1568 = arith.constant 0 : i32
    %dma_wait3A_1569 = tpu.memref_slice %arg4[%mul3A_2, %dma_wait3A_1568] : memref<425984x32xf32, #tpu.memory_space<hbm>> -> memref<1024x32xf32, #tpu.memory_space<hbm>>
    %dma_wait3A_1570 = arith.constant 0 : i32
    %dma_wait3A_1571 = tpu.memref_slice %arg4[%mul3A_2, %dma_wait3A_1570] : memref<425984x32xf32, #tpu.memory_space<hbm>> -> memref<1024x32xf32, #tpu.memory_space<hbm>>
    %dma_wait3A_1572 = arith.constant 0 : i32
    %dma_wait3A_1573 = arith.constant 0 : i32
    %dma_wait3A_1574 = tpu.memref_slice %arg6[%dma_wait3A_1563, %dma_wait3A_1572, %dma_wait3A_1573] : memref<2x1024x32xf32, #tpu.memory_space<vmem>> -> memref<1x1024x32xf32, #tpu.memory_space<vmem>>
    %dma_wait3A_1575 = tpu.memref_squeeze %dma_wait3A_1574 : memref<1x1024x32xf32, #tpu.memory_space<vmem>> -> memref<1024x32xf32, #tpu.memory_space<vmem>>
    tpu.wait_dma2 semaphore(%arg7 : memref<!tpu.dma_semaphore, #tpu.memory_space<semaphore_mem>>) src(%dma_wait3A_1575 : memref<1024x32xf32, #tpu.memory_space<vmem>>) dst(%dma_wait3A_1571 : memref<1024x32xf32, #tpu.memory_space<hbm>>)
    %add3A_1576 = arith.constant 10240 : i32
    %add3A_1577 = arith.addi %mul3A_2, %add3A_1576 : i32
    %dma_start3A_1578 = arith.constant 0 : i32
    %dma_start3A_1579 = arith.constant 0 : i32
    %dma_start3A_1580 = arith.constant 0 : i32
    %dma_start3A_1581 = tpu.memref_slice %arg6[%dma_start3A_1578, %dma_start3A_1579, %dma_start3A_1580] : memref<2x1024x32xf32, #tpu.memory_space<vmem>> -> memref<1x1024x32xf32, #tpu.memory_space<vmem>>
    %dma_start3A_1582 = tpu.memref_squeeze %dma_start3A_1581 : memref<1x1024x32xf32, #tpu.memory_space<vmem>> -> memref<1024x32xf32, #tpu.memory_space<vmem>>
    %dma_start3A_1583 = arith.constant 0 : i32
    %dma_start3A_1584 = tpu.memref_slice %arg4[%add3A_1577, %dma_start3A_1583] : memref<425984x32xf32, #tpu.memory_space<hbm>> -> memref<1024x32xf32, #tpu.memory_space<hbm>>
    %dma_start3A_1585 = arith.constant 0 : i32
    %dma_start3A_1586 = tpu.memref_slice %arg4[%add3A_1577, %dma_start3A_1585] : memref<425984x32xf32, #tpu.memory_space<hbm>> -> memref<1024x32xf32, #tpu.memory_space<hbm>>
    %dma_start3A_1587 = arith.constant 0 : i32
    %dma_start3A_1588 = arith.constant 0 : i32
    %dma_start3A_1589 = tpu.memref_slice %arg6[%dma_start3A_1578, %dma_start3A_1587, %dma_start3A_1588] : memref<2x1024x32xf32, #tpu.memory_space<vmem>> -> memref<1x1024x32xf32, #tpu.memory_space<vmem>>
    %dma_start3A_1590 = tpu.memref_squeeze %dma_start3A_1589 : memref<1x1024x32xf32, #tpu.memory_space<vmem>> -> memref<1024x32xf32, #tpu.memory_space<vmem>>
    tpu.enqueue_dma source(%dma_start3A_1590 : memref<1024x32xf32, #tpu.memory_space<vmem>>) target(%dma_start3A_1586 : memref<1024x32xf32, #tpu.memory_space<hbm>>) target_semaphore(%arg9 : memref<!tpu.dma_semaphore, #tpu.memory_space<semaphore_mem>>)
    %dma_wait3A_1591 = arith.constant 0 : i32
    %dma_wait3A_1592 = arith.constant 0 : i32
    %dma_wait3A_1593 = arith.constant 0 : i32
    %dma_wait3A_1594 = tpu.memref_slice %arg6[%dma_wait3A_1591, %dma_wait3A_1592, %dma_wait3A_1593] : memref<2x1024x32xf32, #tpu.memory_space<vmem>> -> memref<1x1024x32xf32, #tpu.memory_space<vmem>>
    %dma_wait3A_1595 = tpu.memref_squeeze %dma_wait3A_1594 : memref<1x1024x32xf32, #tpu.memory_space<vmem>> -> memref<1024x32xf32, #tpu.memory_space<vmem>>
    %dma_wait3A_1596 = arith.constant 0 : i32
    %dma_wait3A_1597 = tpu.memref_slice %arg4[%mul3A_2, %dma_wait3A_1596] : memref<425984x32xf32, #tpu.memory_space<hbm>> -> memref<1024x32xf32, #tpu.memory_space<hbm>>
    %dma_wait3A_1598 = arith.constant 0 : i32
    %dma_wait3A_1599 = tpu.memref_slice %arg4[%mul3A_2, %dma_wait3A_1598] : memref<425984x32xf32, #tpu.memory_space<hbm>> -> memref<1024x32xf32, #tpu.memory_space<hbm>>
    %dma_wait3A_1600 = arith.constant 0 : i32
    %dma_wait3A_1601 = arith.constant 0 : i32
    %dma_wait3A_1602 = tpu.memref_slice %arg6[%dma_wait3A_1591, %dma_wait3A_1600, %dma_wait3A_1601] : memref<2x1024x32xf32, #tpu.memory_space<vmem>> -> memref<1x1024x32xf32, #tpu.memory_space<vmem>>
    %dma_wait3A_1603 = tpu.memref_squeeze %dma_wait3A_1602 : memref<1x1024x32xf32, #tpu.memory_space<vmem>> -> memref<1024x32xf32, #tpu.memory_space<vmem>>
    tpu.wait_dma2 semaphore(%arg9 : memref<!tpu.dma_semaphore, #tpu.memory_space<semaphore_mem>>) src(%dma_wait3A_1603 : memref<1024x32xf32, #tpu.memory_space<vmem>>) dst(%dma_wait3A_1599 : memref<1024x32xf32, #tpu.memory_space<hbm>>)
    %dma_start3A_1604 = arith.constant 96 : i32
    %dma_start3A_1605 = arith.constant 0 : i32
    %dma_start3A_1606 = arith.constant 0 : i32
    %dma_start3A_1607 = arith.constant 0 : i32
    %dma_start3A_1608 = tpu.memref_slice %arg6[%dma_start3A_1605, %dma_start3A_1606, %dma_start3A_1607] : memref<2x1024x32xf32, #tpu.memory_space<vmem>> -> memref<1x128x32xf32, #tpu.memory_space<vmem>>
    %dma_start3A_1609 = tpu.memref_squeeze %dma_start3A_1608 : memref<1x128x32xf32, #tpu.memory_space<vmem>> -> memref<128x32xf32, #tpu.memory_space<vmem>>
    %dma_start3A_1610 = arith.constant 0 : i32
    %dma_start3A_1611 = tpu.memref_slice %arg5[%dma_start3A_1604, %dma_start3A_1610] : memref<104x128xi32, #tpu.memory_space<vmem>> -> memref<1x128xi32, #tpu.memory_space<vmem>>
    %dma_start3A_1612 = tpu.memref_squeeze %dma_start3A_1611 : memref<1x128xi32, #tpu.memory_space<vmem>> -> memref<128xi32, #tpu.memory_space<vmem>>
    %dma_start3A_1613 = arith.constant 0 : i32
    %dma_start3A_1614 = arith.constant 0 : i32
    %dma_start3A_1615 = tpu.memref_slice %arg2[%dma_start3A_1613, %dma_start3A_1614] : memref<1000000x32xf32, #tpu.memory_space<hbm>> -> memref<1000000x32xf32, #tpu.memory_space<hbm>>
    tpu.enqueue_indirect_dma source(%dma_start3A_1615 : memref<1000000x32xf32, #tpu.memory_space<hbm>>) target(%dma_start3A_1609 : memref<128x32xf32, #tpu.memory_space<vmem>>) offsets(%dma_start3A_1612 : memref<128xi32, #tpu.memory_space<vmem>>) semaphore(%arg7 : memref<!tpu.dma_semaphore, #tpu.memory_space<semaphore_mem>>)
    %dma_start3A_1616 = arith.constant 97 : i32
    %dma_start3A_1617 = arith.constant 0 : i32
    %dma_start3A_1618 = arith.constant 128 : i32
    %dma_start3A_1619 = arith.constant 0 : i32
    %dma_start3A_1620 = tpu.memref_slice %arg6[%dma_start3A_1617, %dma_start3A_1618, %dma_start3A_1619] : memref<2x1024x32xf32, #tpu.memory_space<vmem>> -> memref<1x128x32xf32, #tpu.memory_space<vmem>>
    %dma_start3A_1621 = tpu.memref_squeeze %dma_start3A_1620 : memref<1x128x32xf32, #tpu.memory_space<vmem>> -> memref<128x32xf32, #tpu.memory_space<vmem>>
    %dma_start3A_1622 = arith.constant 0 : i32
    %dma_start3A_1623 = tpu.memref_slice %arg5[%dma_start3A_1616, %dma_start3A_1622] : memref<104x128xi32, #tpu.memory_space<vmem>> -> memref<1x128xi32, #tpu.memory_space<vmem>>
    %dma_start3A_1624 = tpu.memref_squeeze %dma_start3A_1623 : memref<1x128xi32, #tpu.memory_space<vmem>> -> memref<128xi32, #tpu.memory_space<vmem>>
    %dma_start3A_1625 = arith.constant 0 : i32
    %dma_start3A_1626 = arith.constant 0 : i32
    %dma_start3A_1627 = tpu.memref_slice %arg2[%dma_start3A_1625, %dma_start3A_1626] : memref<1000000x32xf32, #tpu.memory_space<hbm>> -> memref<1000000x32xf32, #tpu.memory_space<hbm>>
    tpu.enqueue_indirect_dma source(%dma_start3A_1627 : memref<1000000x32xf32, #tpu.memory_space<hbm>>) target(%dma_start3A_1621 : memref<128x32xf32, #tpu.memory_space<vmem>>) offsets(%dma_start3A_1624 : memref<128xi32, #tpu.memory_space<vmem>>) semaphore(%arg7 : memref<!tpu.dma_semaphore, #tpu.memory_space<semaphore_mem>>)
    %dma_start3A_1628 = arith.constant 98 : i32
    %dma_start3A_1629 = arith.constant 0 : i32
    %dma_start3A_1630 = arith.constant 256 : i32
    %dma_start3A_1631 = arith.constant 0 : i32
    %dma_start3A_1632 = tpu.memref_slice %arg6[%dma_start3A_1629, %dma_start3A_1630, %dma_start3A_1631] : memref<2x1024x32xf32, #tpu.memory_space<vmem>> -> memref<1x128x32xf32, #tpu.memory_space<vmem>>
    %dma_start3A_1633 = tpu.memref_squeeze %dma_start3A_1632 : memref<1x128x32xf32, #tpu.memory_space<vmem>> -> memref<128x32xf32, #tpu.memory_space<vmem>>
    %dma_start3A_1634 = arith.constant 0 : i32
    %dma_start3A_1635 = tpu.memref_slice %arg5[%dma_start3A_1628, %dma_start3A_1634] : memref<104x128xi32, #tpu.memory_space<vmem>> -> memref<1x128xi32, #tpu.memory_space<vmem>>
    %dma_start3A_1636 = tpu.memref_squeeze %dma_start3A_1635 : memref<1x128xi32, #tpu.memory_space<vmem>> -> memref<128xi32, #tpu.memory_space<vmem>>
    %dma_start3A_1637 = arith.constant 0 : i32
    %dma_start3A_1638 = arith.constant 0 : i32
    %dma_start3A_1639 = tpu.memref_slice %arg2[%dma_start3A_1637, %dma_start3A_1638] : memref<1000000x32xf32, #tpu.memory_space<hbm>> -> memref<1000000x32xf32, #tpu.memory_space<hbm>>
    tpu.enqueue_indirect_dma source(%dma_start3A_1639 : memref<1000000x32xf32, #tpu.memory_space<hbm>>) target(%dma_start3A_1633 : memref<128x32xf32, #tpu.memory_space<vmem>>) offsets(%dma_start3A_1636 : memref<128xi32, #tpu.memory_space<vmem>>) semaphore(%arg7 : memref<!tpu.dma_semaphore, #tpu.memory_space<semaphore_mem>>)
    %dma_start3A_1640 = arith.constant 99 : i32
    %dma_start3A_1641 = arith.constant 0 : i32
    %dma_start3A_1642 = arith.constant 384 : i32
    %dma_start3A_1643 = arith.constant 0 : i32
    %dma_start3A_1644 = tpu.memref_slice %arg6[%dma_start3A_1641, %dma_start3A_1642, %dma_start3A_1643] : memref<2x1024x32xf32, #tpu.memory_space<vmem>> -> memref<1x128x32xf32, #tpu.memory_space<vmem>>
    %dma_start3A_1645 = tpu.memref_squeeze %dma_start3A_1644 : memref<1x128x32xf32, #tpu.memory_space<vmem>> -> memref<128x32xf32, #tpu.memory_space<vmem>>
    %dma_start3A_1646 = arith.constant 0 : i32
    %dma_start3A_1647 = tpu.memref_slice %arg5[%dma_start3A_1640, %dma_start3A_1646] : memref<104x128xi32, #tpu.memory_space<vmem>> -> memref<1x128xi32, #tpu.memory_space<vmem>>
    %dma_start3A_1648 = tpu.memref_squeeze %dma_start3A_1647 : memref<1x128xi32, #tpu.memory_space<vmem>> -> memref<128xi32, #tpu.memory_space<vmem>>
    %dma_start3A_1649 = arith.constant 0 : i32
    %dma_start3A_1650 = arith.constant 0 : i32
    %dma_start3A_1651 = tpu.memref_slice %arg2[%dma_start3A_1649, %dma_start3A_1650] : memref<1000000x32xf32, #tpu.memory_space<hbm>> -> memref<1000000x32xf32, #tpu.memory_space<hbm>>
    tpu.enqueue_indirect_dma source(%dma_start3A_1651 : memref<1000000x32xf32, #tpu.memory_space<hbm>>) target(%dma_start3A_1645 : memref<128x32xf32, #tpu.memory_space<vmem>>) offsets(%dma_start3A_1648 : memref<128xi32, #tpu.memory_space<vmem>>) semaphore(%arg7 : memref<!tpu.dma_semaphore, #tpu.memory_space<semaphore_mem>>)
    %dma_start3A_1652 = arith.constant 100 : i32
    %dma_start3A_1653 = arith.constant 0 : i32
    %dma_start3A_1654 = arith.constant 512 : i32
    %dma_start3A_1655 = arith.constant 0 : i32
    %dma_start3A_1656 = tpu.memref_slice %arg6[%dma_start3A_1653, %dma_start3A_1654, %dma_start3A_1655] : memref<2x1024x32xf32, #tpu.memory_space<vmem>> -> memref<1x128x32xf32, #tpu.memory_space<vmem>>
    %dma_start3A_1657 = tpu.memref_squeeze %dma_start3A_1656 : memref<1x128x32xf32, #tpu.memory_space<vmem>> -> memref<128x32xf32, #tpu.memory_space<vmem>>
    %dma_start3A_1658 = arith.constant 0 : i32
    %dma_start3A_1659 = tpu.memref_slice %arg5[%dma_start3A_1652, %dma_start3A_1658] : memref<104x128xi32, #tpu.memory_space<vmem>> -> memref<1x128xi32, #tpu.memory_space<vmem>>
    %dma_start3A_1660 = tpu.memref_squeeze %dma_start3A_1659 : memref<1x128xi32, #tpu.memory_space<vmem>> -> memref<128xi32, #tpu.memory_space<vmem>>
    %dma_start3A_1661 = arith.constant 0 : i32
    %dma_start3A_1662 = arith.constant 0 : i32
    %dma_start3A_1663 = tpu.memref_slice %arg2[%dma_start3A_1661, %dma_start3A_1662] : memref<1000000x32xf32, #tpu.memory_space<hbm>> -> memref<1000000x32xf32, #tpu.memory_space<hbm>>
    tpu.enqueue_indirect_dma source(%dma_start3A_1663 : memref<1000000x32xf32, #tpu.memory_space<hbm>>) target(%dma_start3A_1657 : memref<128x32xf32, #tpu.memory_space<vmem>>) offsets(%dma_start3A_1660 : memref<128xi32, #tpu.memory_space<vmem>>) semaphore(%arg7 : memref<!tpu.dma_semaphore, #tpu.memory_space<semaphore_mem>>)
    %dma_start3A_1664 = arith.constant 101 : i32
    %dma_start3A_1665 = arith.constant 0 : i32
    %dma_start3A_1666 = arith.constant 640 : i32
    %dma_start3A_1667 = arith.constant 0 : i32
    %dma_start3A_1668 = tpu.memref_slice %arg6[%dma_start3A_1665, %dma_start3A_1666, %dma_start3A_1667] : memref<2x1024x32xf32, #tpu.memory_space<vmem>> -> memref<1x128x32xf32, #tpu.memory_space<vmem>>
    %dma_start3A_1669 = tpu.memref_squeeze %dma_start3A_1668 : memref<1x128x32xf32, #tpu.memory_space<vmem>> -> memref<128x32xf32, #tpu.memory_space<vmem>>
    %dma_start3A_1670 = arith.constant 0 : i32
    %dma_start3A_1671 = tpu.memref_slice %arg5[%dma_start3A_1664, %dma_start3A_1670] : memref<104x128xi32, #tpu.memory_space<vmem>> -> memref<1x128xi32, #tpu.memory_space<vmem>>
    %dma_start3A_1672 = tpu.memref_squeeze %dma_start3A_1671 : memref<1x128xi32, #tpu.memory_space<vmem>> -> memref<128xi32, #tpu.memory_space<vmem>>
    %dma_start3A_1673 = arith.constant 0 : i32
    %dma_start3A_1674 = arith.constant 0 : i32
    %dma_start3A_1675 = tpu.memref_slice %arg2[%dma_start3A_1673, %dma_start3A_1674] : memref<1000000x32xf32, #tpu.memory_space<hbm>> -> memref<1000000x32xf32, #tpu.memory_space<hbm>>
    tpu.enqueue_indirect_dma source(%dma_start3A_1675 : memref<1000000x32xf32, #tpu.memory_space<hbm>>) target(%dma_start3A_1669 : memref<128x32xf32, #tpu.memory_space<vmem>>) offsets(%dma_start3A_1672 : memref<128xi32, #tpu.memory_space<vmem>>) semaphore(%arg7 : memref<!tpu.dma_semaphore, #tpu.memory_space<semaphore_mem>>)
    %dma_start3A_1676 = arith.constant 102 : i32
    %dma_start3A_1677 = arith.constant 0 : i32
    %dma_start3A_1678 = arith.constant 768 : i32
    %dma_start3A_1679 = arith.constant 0 : i32
    %dma_start3A_1680 = tpu.memref_slice %arg6[%dma_start3A_1677, %dma_start3A_1678, %dma_start3A_1679] : memref<2x1024x32xf32, #tpu.memory_space<vmem>> -> memref<1x128x32xf32, #tpu.memory_space<vmem>>
    %dma_start3A_1681 = tpu.memref_squeeze %dma_start3A_1680 : memref<1x128x32xf32, #tpu.memory_space<vmem>> -> memref<128x32xf32, #tpu.memory_space<vmem>>
    %dma_start3A_1682 = arith.constant 0 : i32
    %dma_start3A_1683 = tpu.memref_slice %arg5[%dma_start3A_1676, %dma_start3A_1682] : memref<104x128xi32, #tpu.memory_space<vmem>> -> memref<1x128xi32, #tpu.memory_space<vmem>>
    %dma_start3A_1684 = tpu.memref_squeeze %dma_start3A_1683 : memref<1x128xi32, #tpu.memory_space<vmem>> -> memref<128xi32, #tpu.memory_space<vmem>>
    %dma_start3A_1685 = arith.constant 0 : i32
    %dma_start3A_1686 = arith.constant 0 : i32
    %dma_start3A_1687 = tpu.memref_slice %arg2[%dma_start3A_1685, %dma_start3A_1686] : memref<1000000x32xf32, #tpu.memory_space<hbm>> -> memref<1000000x32xf32, #tpu.memory_space<hbm>>
    tpu.enqueue_indirect_dma source(%dma_start3A_1687 : memref<1000000x32xf32, #tpu.memory_space<hbm>>) target(%dma_start3A_1681 : memref<128x32xf32, #tpu.memory_space<vmem>>) offsets(%dma_start3A_1684 : memref<128xi32, #tpu.memory_space<vmem>>) semaphore(%arg7 : memref<!tpu.dma_semaphore, #tpu.memory_space<semaphore_mem>>)
    %dma_start3A_1688 = arith.constant 103 : i32
    %dma_start3A_1689 = arith.constant 0 : i32
    %dma_start3A_1690 = arith.constant 896 : i32
    %dma_start3A_1691 = arith.constant 0 : i32
    %dma_start3A_1692 = tpu.memref_slice %arg6[%dma_start3A_1689, %dma_start3A_1690, %dma_start3A_1691] : memref<2x1024x32xf32, #tpu.memory_space<vmem>> -> memref<1x128x32xf32, #tpu.memory_space<vmem>>
    %dma_start3A_1693 = tpu.memref_squeeze %dma_start3A_1692 : memref<1x128x32xf32, #tpu.memory_space<vmem>> -> memref<128x32xf32, #tpu.memory_space<vmem>>
    %dma_start3A_1694 = arith.constant 0 : i32
    %dma_start3A_1695 = tpu.memref_slice %arg5[%dma_start3A_1688, %dma_start3A_1694] : memref<104x128xi32, #tpu.memory_space<vmem>> -> memref<1x128xi32, #tpu.memory_space<vmem>>
    %dma_start3A_1696 = tpu.memref_squeeze %dma_start3A_1695 : memref<1x128xi32, #tpu.memory_space<vmem>> -> memref<128xi32, #tpu.memory_space<vmem>>
    %dma_start3A_1697 = arith.constant 0 : i32
    %dma_start3A_1698 = arith.constant 0 : i32
    %dma_start3A_1699 = tpu.memref_slice %arg2[%dma_start3A_1697, %dma_start3A_1698] : memref<1000000x32xf32, #tpu.memory_space<hbm>> -> memref<1000000x32xf32, #tpu.memory_space<hbm>>
    tpu.enqueue_indirect_dma source(%dma_start3A_1699 : memref<1000000x32xf32, #tpu.memory_space<hbm>>) target(%dma_start3A_1693 : memref<128x32xf32, #tpu.memory_space<vmem>>) offsets(%dma_start3A_1696 : memref<128xi32, #tpu.memory_space<vmem>>) semaphore(%arg7 : memref<!tpu.dma_semaphore, #tpu.memory_space<semaphore_mem>>)
    %dma_wait3A_1700 = arith.constant 1 : i32
    %dma_wait3A_1701 = arith.constant 0 : i32
    %dma_wait3A_1702 = arith.constant 0 : i32
    %dma_wait3A_1703 = tpu.memref_slice %arg6[%dma_wait3A_1700, %dma_wait3A_1701, %dma_wait3A_1702] : memref<2x1024x32xf32, #tpu.memory_space<vmem>> -> memref<1x1024x32xf32, #tpu.memory_space<vmem>>
    %dma_wait3A_1704 = tpu.memref_squeeze %dma_wait3A_1703 : memref<1x1024x32xf32, #tpu.memory_space<vmem>> -> memref<1024x32xf32, #tpu.memory_space<vmem>>
    %dma_wait3A_1705 = arith.constant 0 : i32
    %dma_wait3A_1706 = tpu.memref_slice %arg4[%mul3A_2, %dma_wait3A_1705] : memref<425984x32xf32, #tpu.memory_space<hbm>> -> memref<1024x32xf32, #tpu.memory_space<hbm>>
    %dma_wait3A_1707 = arith.constant 0 : i32
    %dma_wait3A_1708 = tpu.memref_slice %arg4[%mul3A_2, %dma_wait3A_1707] : memref<425984x32xf32, #tpu.memory_space<hbm>> -> memref<1024x32xf32, #tpu.memory_space<hbm>>
    %dma_wait3A_1709 = arith.constant 0 : i32
    %dma_wait3A_1710 = arith.constant 0 : i32
    %dma_wait3A_1711 = tpu.memref_slice %arg6[%dma_wait3A_1700, %dma_wait3A_1709, %dma_wait3A_1710] : memref<2x1024x32xf32, #tpu.memory_space<vmem>> -> memref<1x1024x32xf32, #tpu.memory_space<vmem>>
    %dma_wait3A_1712 = tpu.memref_squeeze %dma_wait3A_1711 : memref<1x1024x32xf32, #tpu.memory_space<vmem>> -> memref<1024x32xf32, #tpu.memory_space<vmem>>
    tpu.wait_dma2 semaphore(%arg8 : memref<!tpu.dma_semaphore, #tpu.memory_space<semaphore_mem>>) src(%dma_wait3A_1712 : memref<1024x32xf32, #tpu.memory_space<vmem>>) dst(%dma_wait3A_1708 : memref<1024x32xf32, #tpu.memory_space<hbm>>)
    %add3A_1713 = arith.constant 11264 : i32
    %add3A_1714 = arith.addi %mul3A_2, %add3A_1713 : i32
    %dma_start3A_1715 = arith.constant 1 : i32
    %dma_start3A_1716 = arith.constant 0 : i32
    %dma_start3A_1717 = arith.constant 0 : i32
    %dma_start3A_1718 = tpu.memref_slice %arg6[%dma_start3A_1715, %dma_start3A_1716, %dma_start3A_1717] : memref<2x1024x32xf32, #tpu.memory_space<vmem>> -> memref<1x1024x32xf32, #tpu.memory_space<vmem>>
    %dma_start3A_1719 = tpu.memref_squeeze %dma_start3A_1718 : memref<1x1024x32xf32, #tpu.memory_space<vmem>> -> memref<1024x32xf32, #tpu.memory_space<vmem>>
    %dma_start3A_1720 = arith.constant 0 : i32
    %dma_start3A_1721 = tpu.memref_slice %arg4[%add3A_1714, %dma_start3A_1720] : memref<425984x32xf32, #tpu.memory_space<hbm>> -> memref<1024x32xf32, #tpu.memory_space<hbm>>
    %dma_start3A_1722 = arith.constant 0 : i32
    %dma_start3A_1723 = tpu.memref_slice %arg4[%add3A_1714, %dma_start3A_1722] : memref<425984x32xf32, #tpu.memory_space<hbm>> -> memref<1024x32xf32, #tpu.memory_space<hbm>>
    %dma_start3A_1724 = arith.constant 0 : i32
    %dma_start3A_1725 = arith.constant 0 : i32
    %dma_start3A_1726 = tpu.memref_slice %arg6[%dma_start3A_1715, %dma_start3A_1724, %dma_start3A_1725] : memref<2x1024x32xf32, #tpu.memory_space<vmem>> -> memref<1x1024x32xf32, #tpu.memory_space<vmem>>
    %dma_start3A_1727 = tpu.memref_squeeze %dma_start3A_1726 : memref<1x1024x32xf32, #tpu.memory_space<vmem>> -> memref<1024x32xf32, #tpu.memory_space<vmem>>
    tpu.enqueue_dma source(%dma_start3A_1727 : memref<1024x32xf32, #tpu.memory_space<vmem>>) target(%dma_start3A_1723 : memref<1024x32xf32, #tpu.memory_space<hbm>>) target_semaphore(%arg10 : memref<!tpu.dma_semaphore, #tpu.memory_space<semaphore_mem>>)
    %dma_wait3A_1728 = arith.constant 0 : i32
    %dma_wait3A_1729 = arith.constant 0 : i32
    %dma_wait3A_1730 = arith.constant 0 : i32
    %dma_wait3A_1731 = tpu.memref_slice %arg6[%dma_wait3A_1728, %dma_wait3A_1729, %dma_wait3A_1730] : memref<2x1024x32xf32, #tpu.memory_space<vmem>> -> memref<1x1024x32xf32, #tpu.memory_space<vmem>>
    %dma_wait3A_1732 = tpu.memref_squeeze %dma_wait3A_1731 : memref<1x1024x32xf32, #tpu.memory_space<vmem>> -> memref<1024x32xf32, #tpu.memory_space<vmem>>
    %dma_wait3A_1733 = arith.constant 0 : i32
    %dma_wait3A_1734 = tpu.memref_slice %arg4[%mul3A_2, %dma_wait3A_1733] : memref<425984x32xf32, #tpu.memory_space<hbm>> -> memref<1024x32xf32, #tpu.memory_space<hbm>>
    %dma_wait3A_1735 = arith.constant 0 : i32
    %dma_wait3A_1736 = tpu.memref_slice %arg4[%mul3A_2, %dma_wait3A_1735] : memref<425984x32xf32, #tpu.memory_space<hbm>> -> memref<1024x32xf32, #tpu.memory_space<hbm>>
    %dma_wait3A_1737 = arith.constant 0 : i32
    %dma_wait3A_1738 = arith.constant 0 : i32
    %dma_wait3A_1739 = tpu.memref_slice %arg6[%dma_wait3A_1728, %dma_wait3A_1737, %dma_wait3A_1738] : memref<2x1024x32xf32, #tpu.memory_space<vmem>> -> memref<1x1024x32xf32, #tpu.memory_space<vmem>>
    %dma_wait3A_1740 = tpu.memref_squeeze %dma_wait3A_1739 : memref<1x1024x32xf32, #tpu.memory_space<vmem>> -> memref<1024x32xf32, #tpu.memory_space<vmem>>
    tpu.wait_dma2 semaphore(%arg7 : memref<!tpu.dma_semaphore, #tpu.memory_space<semaphore_mem>>) src(%dma_wait3A_1740 : memref<1024x32xf32, #tpu.memory_space<vmem>>) dst(%dma_wait3A_1736 : memref<1024x32xf32, #tpu.memory_space<hbm>>)
    %add3A_1741 = arith.constant 12288 : i32
    %add3A_1742 = arith.addi %mul3A_2, %add3A_1741 : i32
    %dma_start3A_1743 = arith.constant 0 : i32
    %dma_start3A_1744 = arith.constant 0 : i32
    %dma_start3A_1745 = arith.constant 0 : i32
    %dma_start3A_1746 = tpu.memref_slice %arg6[%dma_start3A_1743, %dma_start3A_1744, %dma_start3A_1745] : memref<2x1024x32xf32, #tpu.memory_space<vmem>> -> memref<1x1024x32xf32, #tpu.memory_space<vmem>>
    %dma_start3A_1747 = tpu.memref_squeeze %dma_start3A_1746 : memref<1x1024x32xf32, #tpu.memory_space<vmem>> -> memref<1024x32xf32, #tpu.memory_space<vmem>>
    %dma_start3A_1748 = arith.constant 0 : i32
    %dma_start3A_1749 = tpu.memref_slice %arg4[%add3A_1742, %dma_start3A_1748] : memref<425984x32xf32, #tpu.memory_space<hbm>> -> memref<1024x32xf32, #tpu.memory_space<hbm>>
    %dma_start3A_1750 = arith.constant 0 : i32
    %dma_start3A_1751 = tpu.memref_slice %arg4[%add3A_1742, %dma_start3A_1750] : memref<425984x32xf32, #tpu.memory_space<hbm>> -> memref<1024x32xf32, #tpu.memory_space<hbm>>
    %dma_start3A_1752 = arith.constant 0 : i32
    %dma_start3A_1753 = arith.constant 0 : i32
    %dma_start3A_1754 = tpu.memref_slice %arg6[%dma_start3A_1743, %dma_start3A_1752, %dma_start3A_1753] : memref<2x1024x32xf32, #tpu.memory_space<vmem>> -> memref<1x1024x32xf32, #tpu.memory_space<vmem>>
    %dma_start3A_1755 = tpu.memref_squeeze %dma_start3A_1754 : memref<1x1024x32xf32, #tpu.memory_space<vmem>> -> memref<1024x32xf32, #tpu.memory_space<vmem>>
    tpu.enqueue_dma source(%dma_start3A_1755 : memref<1024x32xf32, #tpu.memory_space<vmem>>) target(%dma_start3A_1751 : memref<1024x32xf32, #tpu.memory_space<hbm>>) target_semaphore(%arg9 : memref<!tpu.dma_semaphore, #tpu.memory_space<semaphore_mem>>)
    %dma_wait3A_1756 = arith.constant 0 : i32
    %dma_wait3A_1757 = arith.constant 0 : i32
    %dma_wait3A_1758 = arith.constant 0 : i32
    %dma_wait3A_1759 = tpu.memref_slice %arg6[%dma_wait3A_1756, %dma_wait3A_1757, %dma_wait3A_1758] : memref<2x1024x32xf32, #tpu.memory_space<vmem>> -> memref<1x1024x32xf32, #tpu.memory_space<vmem>>
    %dma_wait3A_1760 = tpu.memref_squeeze %dma_wait3A_1759 : memref<1x1024x32xf32, #tpu.memory_space<vmem>> -> memref<1024x32xf32, #tpu.memory_space<vmem>>
    %dma_wait3A_1761 = arith.constant 0 : i32
    %dma_wait3A_1762 = tpu.memref_slice %arg4[%mul3A_2, %dma_wait3A_1761] : memref<425984x32xf32, #tpu.memory_space<hbm>> -> memref<1024x32xf32, #tpu.memory_space<hbm>>
    %dma_wait3A_1763 = arith.constant 0 : i32
    %dma_wait3A_1764 = tpu.memref_slice %arg4[%mul3A_2, %dma_wait3A_1763] : memref<425984x32xf32, #tpu.memory_space<hbm>> -> memref<1024x32xf32, #tpu.memory_space<hbm>>
    %dma_wait3A_1765 = arith.constant 0 : i32
    %dma_wait3A_1766 = arith.constant 0 : i32
    %dma_wait3A_1767 = tpu.memref_slice %arg6[%dma_wait3A_1756, %dma_wait3A_1765, %dma_wait3A_1766] : memref<2x1024x32xf32, #tpu.memory_space<vmem>> -> memref<1x1024x32xf32, #tpu.memory_space<vmem>>
    %dma_wait3A_1768 = tpu.memref_squeeze %dma_wait3A_1767 : memref<1x1024x32xf32, #tpu.memory_space<vmem>> -> memref<1024x32xf32, #tpu.memory_space<vmem>>
    tpu.wait_dma2 semaphore(%arg9 : memref<!tpu.dma_semaphore, #tpu.memory_space<semaphore_mem>>) src(%dma_wait3A_1768 : memref<1024x32xf32, #tpu.memory_space<vmem>>) dst(%dma_wait3A_1764 : memref<1024x32xf32, #tpu.memory_space<hbm>>)
    %dma_wait3A_1769 = arith.constant 1 : i32
    %dma_wait3A_1770 = arith.constant 0 : i32
    %dma_wait3A_1771 = arith.constant 0 : i32
    %dma_wait3A_1772 = tpu.memref_slice %arg6[%dma_wait3A_1769, %dma_wait3A_1770, %dma_wait3A_1771] : memref<2x1024x32xf32, #tpu.memory_space<vmem>> -> memref<1x1024x32xf32, #tpu.memory_space<vmem>>
    %dma_wait3A_1773 = tpu.memref_squeeze %dma_wait3A_1772 : memref<1x1024x32xf32, #tpu.memory_space<vmem>> -> memref<1024x32xf32, #tpu.memory_space<vmem>>
    %dma_wait3A_1774 = arith.constant 0 : i32
    %dma_wait3A_1775 = tpu.memref_slice %arg4[%mul3A_2, %dma_wait3A_1774] : memref<425984x32xf32, #tpu.memory_space<hbm>> -> memref<1024x32xf32, #tpu.memory_space<hbm>>
    %dma_wait3A_1776 = arith.constant 0 : i32
    %dma_wait3A_1777 = tpu.memref_slice %arg4[%mul3A_2, %dma_wait3A_1776] : memref<425984x32xf32, #tpu.memory_space<hbm>> -> memref<1024x32xf32, #tpu.memory_space<hbm>>
    %dma_wait3A_1778 = arith.constant 0 : i32
    %dma_wait3A_1779 = arith.constant 0 : i32
    %dma_wait3A_1780 = tpu.memref_slice %arg6[%dma_wait3A_1769, %dma_wait3A_1778, %dma_wait3A_1779] : memref<2x1024x32xf32, #tpu.memory_space<vmem>> -> memref<1x1024x32xf32, #tpu.memory_space<vmem>>
    %dma_wait3A_1781 = tpu.memref_squeeze %dma_wait3A_1780 : memref<1x1024x32xf32, #tpu.memory_space<vmem>> -> memref<1024x32xf32, #tpu.memory_space<vmem>>
    tpu.wait_dma2 semaphore(%arg10 : memref<!tpu.dma_semaphore, #tpu.memory_space<semaphore_mem>>) src(%dma_wait3A_1781 : memref<1024x32xf32, #tpu.memory_space<vmem>>) dst(%dma_wait3A_1777 : memref<1024x32xf32, #tpu.memory_space<hbm>>)
    return
  }
}

module attributes {stable_mosaic.version = 14 : i64} {
  func.func @_mlp_body(%arg0: i32, %arg1: memref<1024x832xf32, #tpu.memory_space<vmem>>, %arg2: memref<832x256xf32, #tpu.memory_space<vmem>>, %arg3: memref<1x256xf32, #tpu.memory_space<vmem>>, %arg4: memref<256x128xf32, #tpu.memory_space<vmem>>, %arg5: memref<1x128xf32, #tpu.memory_space<vmem>>, %arg6: memref<128x64xf32, #tpu.memory_space<vmem>>, %arg7: memref<1x64xf32, #tpu.memory_space<vmem>>, %arg8: memref<1024x64xf32, #tpu.memory_space<vmem>>) attributes {dimension_semantics = [#tpu.dimension_semantics<arbitrary>], iteration_bounds = array<i64: 16>, scalar_prefetch = 0 : i64, scratch_operands = 0 : i64, tpu.core_type = #tpu.core_type<tc>, window_params = [{transform_indices = @transform_0, window_bounds = array<i64: 1024, 832>}, {pipeline_mode = #tpu.pipeline_mode<synchronous>, transform_indices = @transform_1, window_bounds = array<i64: 832, 256>}, {pipeline_mode = #tpu.pipeline_mode<synchronous>, transform_indices = @transform_2, window_bounds = array<i64: 1, 256>}, {pipeline_mode = #tpu.pipeline_mode<synchronous>, transform_indices = @transform_3, window_bounds = array<i64: 256, 128>}, {pipeline_mode = #tpu.pipeline_mode<synchronous>, transform_indices = @transform_4, window_bounds = array<i64: 1, 128>}, {pipeline_mode = #tpu.pipeline_mode<synchronous>, transform_indices = @transform_5, window_bounds = array<i64: 128, 64>}, {pipeline_mode = #tpu.pipeline_mode<synchronous>, transform_indices = @transform_6, window_bounds = array<i64: 1, 64>}, {transform_indices = @transform_7, window_bounds = array<i64: 1024, 64>}]} {
    %get3A = arith.constant 0 : index
    %get3A_0 = arith.constant 0 : index
    %get3A_1 = vector.load %arg1[%get3A, %get3A_0] : memref<1024x832xf32, #tpu.memory_space<vmem>>, vector<1024x832xf32>
    %get3A_2 = arith.constant 0 : index
    %get3A_3 = arith.constant 0 : index
    %get3A_4 = vector.load %arg2[%get3A_2, %get3A_3] : memref<832x256xf32, #tpu.memory_space<vmem>>, vector<832x256xf32>
    %dot_general3A = arith.constant dense<0.000000e+00> : vector<1024x256xf32>
    %dot_general3A_5 = tpu.matmul %get3A_1, %get3A_4, %dot_general3A {dimension_numbers = #tpu.dot_dimension_numbers<[1], [0], [0], [1], [0, 0, 1, 1], [], []>, transpose_lhs_hint = false} : vector<1024x832xf32>, vector<832x256xf32>, vector<1024x256xf32> -> vector<1024x256xf32>
    %get3A_6 = arith.constant 0 : index
    %get3A_7 = arith.constant 0 : index
    %get3A_8 = vector.load %arg3[%get3A_6, %get3A_7] : memref<1x256xf32, #tpu.memory_space<vmem>>, vector<1x256xf32>
    %add3A = vector.broadcast %get3A_8 : vector<1x256xf32> to vector<1024x256xf32>
    %add3A_9 = arith.addf %dot_general3A_5, %add3A : vector<1024x256xf32>
    %max3A = arith.constant 0.000000e+00 : f32
    %max3A_10 = vector.broadcast %max3A : f32 to vector<1024x256xf32>
    %max3A_11 = arith.maximumf %add3A_9, %max3A_10 : vector<1024x256xf32>
    %get3A_12 = arith.constant 0 : index
    %get3A_13 = arith.constant 0 : index
    %get3A_14 = vector.load %arg4[%get3A_12, %get3A_13] : memref<256x128xf32, #tpu.memory_space<vmem>>, vector<256x128xf32>
    %dot_general3A_15 = arith.constant dense<0.000000e+00> : vector<1024x128xf32>
    %dot_general3A_16 = tpu.matmul %max3A_11, %get3A_14, %dot_general3A_15 {dimension_numbers = #tpu.dot_dimension_numbers<[1], [0], [0], [1], [0, 0, 1, 1], [], []>, transpose_lhs_hint = false} : vector<1024x256xf32>, vector<256x128xf32>, vector<1024x128xf32> -> vector<1024x128xf32>
    %get3A_17 = arith.constant 0 : index
    %get3A_18 = arith.constant 0 : index
    %get3A_19 = vector.load %arg5[%get3A_17, %get3A_18] : memref<1x128xf32, #tpu.memory_space<vmem>>, vector<1x128xf32>
    %add3A_20 = vector.broadcast %get3A_19 : vector<1x128xf32> to vector<1024x128xf32>
    %add3A_21 = arith.addf %dot_general3A_16, %add3A_20 : vector<1024x128xf32>
    %max3A_22 = arith.constant 0.000000e+00 : f32
    %max3A_23 = vector.broadcast %max3A_22 : f32 to vector<1024x128xf32>
    %max3A_24 = arith.maximumf %add3A_21, %max3A_23 : vector<1024x128xf32>
    %get3A_25 = arith.constant 0 : index
    %get3A_26 = arith.constant 0 : index
    %get3A_27 = vector.load %arg6[%get3A_25, %get3A_26] : memref<128x64xf32, #tpu.memory_space<vmem>>, vector<128x64xf32>
    %dot_general3A_28 = arith.constant dense<0.000000e+00> : vector<1024x64xf32>
    %dot_general3A_29 = tpu.matmul %max3A_24, %get3A_27, %dot_general3A_28 {dimension_numbers = #tpu.dot_dimension_numbers<[1], [0], [0], [1], [0, 0, 1, 1], [], []>, transpose_lhs_hint = false} : vector<1024x128xf32>, vector<128x64xf32>, vector<1024x64xf32> -> vector<1024x64xf32>
    %get3A_30 = arith.constant 0 : index
    %get3A_31 = arith.constant 0 : index
    %get3A_32 = vector.load %arg7[%get3A_30, %get3A_31] : memref<1x64xf32, #tpu.memory_space<vmem>>, vector<1x64xf32>
    %add3A_33 = vector.broadcast %get3A_32 : vector<1x64xf32> to vector<1024x64xf32>
    %add3A_34 = arith.addf %dot_general3A_29, %add3A_33 : vector<1024x64xf32>
    %swap3A = arith.constant 0 : index
    %swap3A_35 = arith.constant 0 : index
    %swap3A_36 = vector.load %arg8[%swap3A, %swap3A_35] : memref<1024x64xf32, #tpu.memory_space<vmem>>, vector<1024x64xf32>
    tpu.vector_store %arg8[%swap3A, %swap3A_35], %add3A_34 {strides = array<i32>} : memref<1024x64xf32, #tpu.memory_space<vmem>>, vector<1024x64xf32>,
    return
  }
  func.func @transform_0(%arg0: i32) -> (i32, i32) {
    %c0_i32 = arith.constant 0 : i32
    %c0_i32_0 = arith.constant 0 : i32
    return %arg0, %c0_i32 : i32, i32
  }
  func.func @transform_1(%arg0: i32) -> (i32, i32) {
    %c0_i32 = arith.constant 0 : i32
    %c0_i32_0 = arith.constant 0 : i32
    %c0_i32_1 = arith.constant 0 : i32
    return %c0_i32, %c0_i32_0 : i32, i32
  }
  func.func @transform_2(%arg0: i32) -> (i32, i32) {
    %c0_i32 = arith.constant 0 : i32
    %c0_i32_0 = arith.constant 0 : i32
    %c0_i32_1 = arith.constant 0 : i32
    return %c0_i32, %c0_i32_0 : i32, i32
  }
  func.func @transform_3(%arg0: i32) -> (i32, i32) {
    %c0_i32 = arith.constant 0 : i32
    %c0_i32_0 = arith.constant 0 : i32
    %c0_i32_1 = arith.constant 0 : i32
    return %c0_i32, %c0_i32_0 : i32, i32
  }
  func.func @transform_4(%arg0: i32) -> (i32, i32) {
    %c0_i32 = arith.constant 0 : i32
    %c0_i32_0 = arith.constant 0 : i32
    %c0_i32_1 = arith.constant 0 : i32
    return %c0_i32, %c0_i32_0 : i32, i32
  }
  func.func @transform_5(%arg0: i32) -> (i32, i32) {
    %c0_i32 = arith.constant 0 : i32
    %c0_i32_0 = arith.constant 0 : i32
    %c0_i32_1 = arith.constant 0 : i32
    return %c0_i32, %c0_i32_0 : i32, i32
  }
  func.func @transform_6(%arg0: i32) -> (i32, i32) {
    %c0_i32 = arith.constant 0 : i32
    %c0_i32_0 = arith.constant 0 : i32
    %c0_i32_1 = arith.constant 0 : i32
    return %c0_i32, %c0_i32_0 : i32, i32
  }
  func.func @transform_7(%arg0: i32) -> (i32, i32) {
    %c0_i32 = arith.constant 0 : i32
    %c0_i32_0 = arith.constant 0 : i32
    return %arg0, %c0_i32 : i32, i32
  }
}

</mosaic_0001>

<sc_bundles>
// kernel: kernel.4.cloned.1.call-start
scs
__scs_entry_jumppad:
0x0: {  	(pc) =	sbr.rel $0x88, $3  }
0x1: {  	(tag) =	ssettag $0x0;
	lr =	simm.s32 $0x1  }
0x2: {  	[smem:$0x3F99] =	sst lr;
	_ =	strace $0xD0000000  }
0x3: {  	_ = 	snop  }
0x4: {  	_ = 	snop  }
0x5: {  	_ = 	snop  }
0x6: {  	_ = 	snop  }
0x7: {  	_ = 	snop  }
__scs_overlays_trampoline_lowered:
0x8: {  	[smem:$0x3FA8] =	sst s0  }
0x9: {  	[smem:$0x3FA9] =	sst s1  }
0xa: {  	[smem:$0x3FAA] =	sst s2  }
0xb: {  	[smem:$0x3FAB] =	sst s3  }
0xc: {  	[smem:$0x3FAC] =	sst s4  }
0xd: {  	[smem:$0x3FAD] =	sst s5  }
0xe: {  	[smem:$0x3FAE] =	sst s6  }
0xf: {  	[smem:$0x3FAF] =	sst s7  }
0x10: {  	[smem:$0x3FB0] =	sst s8  }
0x11: {  	[smem:$0x3FB1] =	sst s9;
	s0 =	simm.s32 @!p0 $0x0  }
0x12: {  	s1 =	sld [smem:$0x3F97];
	s0 =	simm.s32 @p0 $0x1  }
0x13: {  	[smem:$0x3FB2] =	sst s0;
	s0 =	simm.s32 @!p1 $0x0  }
0x14: {  	s2 =	sld [smem:$0x3F96];
	s0 =	simm.s32 @p1 $0x1  }
0x15: {  	[smem:$0x3FB3] =	sst s0;
	s0 =	simm.s32 @!p2 $0x0  }
0x16: {  	s3 =	sld [smem:$0x3FDB];
	s0 =	simm.s32 @p2 $0x1  }
0x17: {  	s4 =	simm.s32 $0x1BF5;
	[smem:$0x3FB5] =	sst s0  }
0x18: {  	s0 =	sld [smem:$0x3F98];
	_ =	swait.ge [sflag:s4], $0x0  }
0x19: {  	s7 =	sld [smem:$0x3F99]  }
0x1a: {  	s8 =	sadd.s32 $0xFFFFE003, lr  }
0x1b: {  	s9 =	sadd.s32 $0xFFFFFEF7, lr;
	s5 =	simm.s32 $0xFFFFFFFF;
	p2 =	slt.u32 s8, $0xFFFFF086  }
0x1c: {  	p1 =	slt.u32 s9, $0xF7A;
	s5 =	simm.s32 @!p2 $0x0  }
0x1d: {  	s5 =	simm.s32 @p1 $0x1;
	p0 =	seq.s32 s7, s2  }
0x1e: {  	s7 =	smul.u32 @!p0 $0xF7A, s2;
	p2 =	seq.s32 @!p0 s5, $0x0  }
0x1f: {  	s9 =	smul.u32 $0xF7A, s1;
	s8 =	simm.s32 @!p0 $0x1BF5;
	p2 =	por !p2, p0  }
0x20: {  	[sflag:s8] =	ssyncset.s32 @!p0 $0xFFFFF086;
	s6 =	sadd.s32 @!p0 s3, s7;
	s7 =	simm.s32 @!p0 $0x108  }
0x21: {  	s3 =	sadd.s32 s3, s9;
	s6 =	sadd.s32 @!p0 $0x88, s6;
	s7 =	simm.s32 @p2 $0x1082  }
0x22: {  	[simem:s7], [sflag:s8] =	dma.local @!p0 [hbm:s6], $0xF7A  }
0x23: {  	s9 =	sor.u32 $0xD0000000, s2;
	s6 =	simm.s32 $0x108;
	_ =	swait.ge @!p0 [sflag:s8], $0x0  }
0x24: {  	s3 =	sadd.s32 $0x88, s3;
	s6 =	simm.s32 @!p1 $0x1082;
	[sflag:s4] =	ssyncset.s32 $0xFFFFF086  }
0x25: {  	[simem:s6], [sflag:s4] =	dma.local [hbm:s3], $0xF7A  }
0x26: {  	[smem:$0x3F99] =	sst s1;
	(tag) =	ssettag s2;
	_ =	strace s9  }
0x27: {  	s1 =	sld [smem:$0x3FA9]  }
0x28: {  	s2 =	sld [smem:$0x3FAA]  }
0x29: {  	s4 =	sld [smem:$0x3FAC]  }
0x2a: {  	p0 =	seq.s32 s5, $0x0;
	s5 =	sld [smem:$0x3FAD]  }
0x2b: {  	s6 =	sld [smem:$0x3FAE]  }
0x2c: {  	s7 =	sld [smem:$0x3FAF]  }
0x2d: {  	s3 =	simm.s32 $0x108;
	s8 =	sld [smem:$0x3FB0]  }
0x2e: {  	s3 =	simm.s32 @!p0 $0x1082;
	s9 =	sld [smem:$0x3FB1]  }
0x2f: {  	lr =	sadd.s32 s0, s3;
	s0 =	sld [smem:$0x3FA8]  }
0x30: {  	s3 =	sld [smem:$0x3FAB]  }
0x31: {  	[smem:$0x3FB4] =	sst s10  }
0x32: {  	s10 =	sld [smem:$0x3FB2];
	_ =	sdelay $0x3  }
0x33: {  	p0 =	seq.s32 s10, $0x1;
	s10 =	sld [smem:$0x3FB4];
	_ =	sdelay $0x3  }
0x34: {  	[smem:$0x3FB4] =	sst s10  }
0x35: {  	s10 =	sld [smem:$0x3FB3];
	_ =	sdelay $0x3  }
0x36: {  	p1 =	seq.s32 s10, $0x1;
	s10 =	sld [smem:$0x3FB4];
	_ =	sdelay $0x3  }
0x37: {  	[smem:$0x3FB4] =	sst s10  }
0x38: {  	s10 =	sld [smem:$0x3FB5]  }
0x39: {  	_ = 	snop;
	(pc) =	sbr.ind lr, $3  }
0x3a: {  	_ = 	snop  }
0x3b: {  	_ = 	snop  }
0x3c: {  	p2 =	seq.s32 s10, $0x1;
	s10 =	sld [smem:$0x3FB4]  }
0x3d: {  	_ =	shalt  }
0x3e: {  	_ =	shalt  }
0x3f: {  	_ =	shalt  }
0x40: {  	_ =	shalt  }
0x41: {  	_ =	shalt  }
0x42: {  	_ =	shalt  }
0x43: {  	_ =	shalt  }
0x44: {  	_ =	shalt  }
0x45: {  	_ =	shalt  }
0x46: {  	_ =	shalt  }
0x47: {  	_ =	shalt  }
0x48: {  	_ =	shalt  }
0x49: {  	_ =	shalt  }
0x4a: {  	_ =	shalt  }
0x4b: {  	_ =	shalt  }
0x4c: {  	_ =	shalt  }
0x4d: {  	_ =	shalt  }
0x4e: {  	_ =	shalt  }
0x4f: {  	_ =	shalt  }
0x50: {  	_ =	shalt  }
0x51: {  	_ =	shalt  }
0x52: {  	_ =	shalt  }
0x53: {  	_ =	shalt  }
0x54: {  	_ =	shalt  }
0x55: {  	_ =	shalt  }
0x56: {  	_ =	shalt  }
0x57: {  	_ =	shalt  }
0x58: {  	_ =	shalt  }
0x59: {  	_ =	shalt  }
0x5a: {  	_ =	shalt  }
0x5b: {  	_ =	shalt  }
0x5c: {  	_ =	shalt  }
0x5d: {  	_ =	shalt  }
0x5e: {  	_ =	shalt  }
0x5f: {  	_ =	shalt  }
0x60: {  	_ =	shalt  }
0x61: {  	_ =	shalt  }
0x62: {  	_ =	shalt  }
0x63: {  	_ =	shalt  }
0x64: {  	_ =	shalt  }
0x65: {  	_ =	shalt  }
0x66: {  	_ =	shalt  }
0x67: {  	_ =	shalt  }
0x68: {  	_ =	shalt  }
0x69: {  	_ =	shalt  }
0x6a: {  	_ =	shalt  }
0x6b: {  	_ =	shalt  }
0x6c: {  	_ =	shalt  }
0x6d: {  	_ =	shalt  }
0x6e: {  	_ =	shalt  }
0x6f: {  	_ =	shalt  }
0x70: {  	_ =	shalt  }
0x71: {  	_ =	shalt  }
0x72: {  	_ =	shalt  }
0x73: {  	_ =	shalt  }
0x74: {  	_ =	shalt  }
0x75: {  	_ =	shalt  }
0x76: {  	_ =	shalt  }
0x77: {  	_ =	shalt  }
0x78: {  	_ =	shalt  }
0x79: {  	_ =	shalt  }
0x7a: {  	_ =	shalt  }
0x7b: {  	_ =	shalt  }
0x7c: {  	_ =	shalt  }
0x7d: {  	_ =	shalt  }
0x7e: {  	_ =	shalt  }
0x7f: {  	_ =	shalt  }
0x80: {  	_ =	shalt  }
0x81: {  	_ =	shalt  }
0x82: {  	_ =	shalt  }
0x83: {  	_ =	shalt  }
0x84: {  	_ =	shalt  }
0x85: {  	_ =	shalt  }
0x86: {  	_ =	shalt  }
0x87: {  	_ =	shalt  }
.Lfunc_end0:
.L_simem_size_0:
called_computation_lowered:
.L_overlay_start_0:
0x88: {  	s2 =	sld [smem:$0x3FD9]  }
0x89: {  	s3 =	sld [smem:$0x3FFE];
	_ =	sdelay $0x1  }
0x8a: {  	s1 =	srdreg.scid  }
0x8b: {  	s0 =	sand.u32 $0x1, s1  }
0x8c: {  	s17 =	sshll.u32 s0, $0xA;
	s2 =	sadd.s32 s3, s2  }
0x8d: {  	s2 =	sadd.s32 s2, s17  }
0x8e: {  	[smem:$0x3FC0] =	sst s2  }
0x8f: {  	_ = 	snop  }
0x90: {  	s2 =	sld [smem:$0x3FD0];
	(tm) =	ssettm $0x1  }
0x91: {  	s18 =	sld [smem:$0x3FFB];
	_ =	sdelay $0x3  }
0x92: {  	_ =	strace s18  }
0x93: {  	s3 =	sld [smem:$0x3FFC];
	_ =	sdelay $0x3  }
0x94: {  	_ =	strace s3  }
0x95: {  	s3 =	sld [smem:$0x3FFD];
	_ =	sdelay $0x3  }
0x96: {  	_ =	strace s3  }
0x97: {  	_ =	strace $0x8FFFFFFF  }
0x98: {  	s19 =	sld [smem:$0x3FDB];
	_ =	sdelay $0x1  }
0x99: {  	s4 =	simm.s32 $_scs_section_size  }
0x9a: {  	s5 =	simm.s32 $_size__tile_overlayer_lowered;
	s6 =	simm.s32 $_tile_overlayer_lowered  }
0x9b: {  	s22 =	simm.s32 $0x1BFF;
	s21 =	sshll.u32 s6, $0x1;
	s3 =	sadd.s32 s4, s19  }
0x9c: {  	s7 =	simm.s32 $0x0;
	s20 =	sshll.u32 s5, $0x1;
	s5 =	sadd.s32 s21, s3  }
0x9d: {  	[timem:s7], [sflag:s22] =	dma.local [hbm:s5], s20  }
0x9e: {  	_ =	swait.ge [sflag:s22], s20  }
0x9f: {  	s4 =	ssub.s32 $0x0, s20;
	[sflag:s22] =	ssyncset.done $0x0  }
0xa0: {  	[sflag:s22] =	ssyncadd.s32 s4;
	_ =	sdelay $0x1  }
0xa1: {  	s23 =	simm.s32 $0x1B8B  }
0xa2: {  	_ =	swait.ge [sflag:s23], $0x1  }
0xa3: {  	[sflag:s23] =	ssyncset.done $0x0  }
0xa4: {  	s25 =	simm.s32 $0x1B8E;
	s24 =	sld [smem:$0x3FFE];
	[sflag:s23] =	ssyncadd.s32 $0xFFFFFFFF  }
0xa5: {  	s26 =	simm.s32 $execute0_lowered;
	[smem:$0x3FD2] =	sst s25  }
0xa6: {  	s5 =	sshll.u32 s26, $0x1;
	_ =	strace $0x80000046;
	[dreg:$0x1] =	wrdreg $0xFFFFFFFF  }
0xa7: {  	s28 =	simm.s32 $_size_execute0_lowered;
	s3 =	sadd.s32 s3, s5;
	[dreg:$0x0] =	wrdreg $0x0  }
0xa8: {  	s5 =	sshll.u32 s28, $0x1;
	[dreg:$0x2] =	wrdreg s3  }
0xa9: {  	[dreg:$0x3] =	wrdreg s5  }
0xaa: {  	[dreg:$0x4] =	wrdreg $0xC0  }
0xab: {  	_ =	task [dreg:s7], $0x5FFFF  }
0xac: {  	[dreg:$0x1] =	wrdreg $0xFFFFFFFF  }
0xad: {  	[dreg:$0x0] =	wrdreg $0x60  }
0xae: {  	[dreg:$0x2] =	wrdreg s24  }
0xaf: {  	[dreg:$0x3] =	wrdreg s2  }
0xb0: {  	[dreg:$0x4] =	wrdreg $0x9  }
0xb1: {  	_ =	task.clear_ibuf [dreg:s7], $0x5FFFF;
	_ =	strace $0x90000046  }
0xb2: {  	s29 =	simm.s32 $0x9;
	_ =	strace $0x80000048  }
0xb3: {  	_ =	swait.ge [sflag:s29], $0x1  }
0xb4: {  	[sflag:s29] =	ssyncadd.s32 $0xFFFFFFFF  }
0xb5: {  	_ =	strace $0x90000048  }
0xb6: {  	_ =	sfence  }
0xb7: {  	s30 =	sld [smem:$0x0];
	_ =	sdelay $0x2  }
0xb8: {  	s31 =	sshll.u32 s1, $0xD;
	s1 =	sshrl.u32 s1, $0x2  }
0xb9: {  	s3 =	sand.u32 $0x4000, s31;
	s1 =	sadd.s32 s1, s30  }
0xba: {  	s0 =	sor.u32 s3, s0;
	s1 =	sshll.u32 s1, $0x11  }
0xbb: {  	s0 =	sor.u32 s1, s0  }
0xbc: {  	s0 =	sadd.s32 $0x8F2B, s0  }
0xbd: {  	[sflag:s0] =	ssyncadd.remote.s32 $0x1  }
0xbe: {  	_ =	sfence.sel $0xFFFF  }
0xbf: {  	[dreg:$0x0] =	wrdreg $0xFFFFFFFF;
	(pc) =	sbr.abs _section_cstart, $3  }
0xc0: {  	[dreg:$0x1] =	wrdreg $0xFFFFFFFF  }
0xc1: {  	_ =	task.clear_ibuf [dreg:s7], $0x2FFFF;
	_ =	strace $0x9FFFFFFF  }
0xc2: {  	(tm) =	ssettm $0x7FFFFFFF  }
0xc3: {  	_ =	shalt  }
tec
execute0_lowered:
.L_overlay_start_1:
0x0: {  	(tag) =	ssettag $0x1  }
0x1: {  	s3 =	rddreg [dreg:$0x0]  }
0x2: {  	s4 =	rddreg [dreg:$0x1];
	s2 =	simm.s32 $0x0  }
0x3: {  	s21 =	simm.s32 $0x100;
	[smem:$0x7FF] =	sst s2  }
0x4: {  	s22 =	simm.s32 $0x180;
	_ =	strace $0x80000047;
	[dreg:$0x11] =	wrdreg s21  }
0x5: {  	s23 =	simm.s32 $0x200;
	[dreg:$0x12] =	wrdreg s22  }
0x6: {  	s24 =	simm.s32 $0x280;
	[dreg:$0x13] =	wrdreg s23  }
0x7: {  	s26 =	simm.s32 $0x300;
	[dreg:$0x14] =	wrdreg s24  }
0x8: {  	[dreg:$0x15] =	wrdreg s26;
	s21 =	simm.s32 $0xC00  }
0x9: {  	s22 =	simm.s32 $0xC80;
	[smem:$0x7B3] =	sst s21  }
0xa: {  	s23 =	simm.s32 $0xD00;
	[smem:$0x7B4] =	sst s22  }
0xb: {  	s24 =	simm.s32 $0xD80;
	[smem:$0x7B5] =	sst s23  }
0xc: {  	s26 =	simm.s32 $0xE00;
	[smem:$0x7B6] =	sst s24  }
0xd: {  	[smem:$0x7B7] =	sst s26;
	s21 =	simm.s32 $0x1700  }
0xe: {  	s22 =	simm.s32 $0x1780;
	[smem:$0x7C9] =	sst s21  }
0xf: {  	s0 =	srdreg.scid;
	s23 =	simm.s32 $0x1800;
	[smem:$0x7CA] =	sst s22  }
0x10: {  	s25 =	stileid.u32;
	s24 =	simm.s32 $0x1880;
	[smem:$0x7CB] =	sst s23  }
0x11: {  	s1 =	sand.u32 $0x1, s0;
	s26 =	simm.s32 $0x1900;
	[smem:$0x7CC] =	sst s24  }
0x12: {  	s5 =	sshll.u32 s25, $0x1;
	[smem:$0x7CD] =	sst s26;
	s21 =	simm.s32 $0x2200  }
0x13: {  	s0 =	sor.u32 s1, s5;
	s22 =	simm.s32 $0x2280;
	[smem:$0x7DF] =	sst s21  }
0x14: {  	s5 =	smul.u32 $0x680, s0;
	s23 =	simm.s32 $0x2300;
	[smem:$0x7E0] =	sst s22  }
0x15: {  	s6 =	smul.u32 $0x68000, s0;
	s24 =	simm.s32 $0x2380;
	[smem:$0x7E1] =	sst s23  }
0x16: {  	s0 =	smul.u32 $0xD000, s0;
	s26 =	simm.s32 $0x2400;
	[smem:$0x7E2] =	sst s24  }
0x17: {  	s7 =	sadd.s32 $0x1200, s3;
	s4 =	sadd.s32 s4, s5;
	[smem:$0x7E3] =	sst s26  }
0x18: {  	s0 =	sadd.s32 s7, s0;
	[dreg:$0x3] =	wrdreg s4  }
0x19: {  	s5 =	simm.s32 $0x400;
	[dreg:$0x4] =	wrdreg s0  }
0x1a: {  	s21 =	simm.s32 $0x2C80;
	[dreg:$0x17] =	wrdreg s5  }
0x1b: {  	s22 =	simm.s32 $0x2D00;
	[smem:$0x7F4] =	sst s21  }
0x1c: {  	s23 =	simm.s32 $0x2D80;
	[smem:$0x7F5] =	sst s22  }
0x1d: {  	s24 =	simm.s32 $0x2E00;
	[smem:$0x7F6] =	sst s23  }
0x1e: {  	s26 =	simm.s32 $0x2E80;
	[smem:$0x7F7] =	sst s24  }
0x1f: {  	s6 =	sshrl.u32 s6, $0x3;
	s4 =	simm.s32 $0x380;
	[smem:$0x7F8] =	sst s26  }
0x20: {  	s8 =	sadd.s32 s7, s6;
	s6 =	simm.s32 $0x480;
	[dreg:$0x16] =	wrdreg s4  }
0x21: {  	s7 =	simm.s32 $0x500;
	[dreg:$0x18] =	wrdreg s6  }
0x22: {  	s5 =	simm.s32 $0xF00;
	[dreg:$0x19] =	wrdreg s7  }
0x23: {  	s26 =	simm.s32 $0x3100;
	[smem:$0x7B9] =	sst s5  }
0x24: {  	[smem:$0x7FD] =	sst s26  }
0x25: {  	s9 =	sadd.s32 $0x1000, s8;
	s0 =	rddreg [dreg:$0x3]  }
0x26: {  	s10 =	sadd.s32 $0x2000, s8;
	[dreg:$0x5] =	wrdreg s9  }
0x27: {  	s11 =	sadd.s32 $0x3000, s8;
	[dreg:$0x6] =	wrdreg s10  }
0x28: {  	s12 =	sadd.s32 $0x4000, s8;
	[dreg:$0x7] =	wrdreg s11  }
0x29: {  	s13 =	sadd.s32 $0x5000, s8;
	[dreg:$0x8] =	wrdreg s12  }
0x2a: {  	s14 =	sadd.s32 $0x6000, s8;
	[dreg:$0x9] =	wrdreg s13  }
0x2b: {  	s15 =	sadd.s32 $0x7000, s8;
	[dreg:$0xa] =	wrdreg s14  }
0x2c: {  	s16 =	sadd.s32 $0x8000, s8;
	[dreg:$0xb] =	wrdreg s15  }
0x2d: {  	s17 =	sadd.s32 $0x9000, s8;
	[dreg:$0xc] =	wrdreg s16  }
0x2e: {  	s18 =	sadd.s32 $0xA000, s8;
	[dreg:$0xd] =	wrdreg s17  }
0x2f: {  	s19 =	sadd.s32 $0xB000, s8;
	[dreg:$0xe] =	wrdreg s18  }
0x30: {  	s20 =	sadd.s32 $0xC000, s8;
	[dreg:$0xf] =	wrdreg s19  }
0x31: {  	s8 =	simm.s32 $0x580;
	[dreg:$0x10] =	wrdreg s20  }
0x32: {  	s4 =	simm.s32 $0xE80;
	[dreg:$0x1a] =	wrdreg s8  }
0x33: {  	s6 =	simm.s32 $0xF80;
	[smem:$0x7B8] =	sst s4  }
0x34: {  	s7 =	simm.s32 $0x1000;
	[smem:$0x7BA] =	sst s6  }
0x35: {  	s5 =	simm.s32 $0x1A00;
	[smem:$0x7BB] =	sst s7  }
0x36: {  	s9 =	simm.s32 $0x600;
	[smem:$0x7CF] =	sst s5  }
0x37: {  	s10 =	simm.s32 $0x680;
	[dreg:$0x1b] =	wrdreg s9  }
0x38: {  	s11 =	simm.s32 $0x700;
	[dreg:$0x1c] =	wrdreg s10  }
0x39: {  	s12 =	simm.s32 $0x780;
	[dreg:$0x1d] =	wrdreg s11  }
0x3a: {  	s13 =	simm.s32 $0x800;
	[dreg:$0x1e] =	wrdreg s12  }
0x3b: {  	s14 =	simm.s32 $0x880;
	[dreg:$0x1f] =	wrdreg s13  }
0x3c: {  	s15 =	simm.s32 $0x900;
	[smem:$0x7AC] =	sst s14  }
0x3d: {  	s16 =	simm.s32 $0x980;
	[smem:$0x7AD] =	sst s15  }
0x3e: {  	s17 =	simm.s32 $0xA00;
	[smem:$0x7AE] =	sst s16  }
0x3f: {  	s18 =	simm.s32 $0xA80;
	[smem:$0x7AF] =	sst s17  }
0x40: {  	s19 =	simm.s32 $0xB00;
	[smem:$0x7B0] =	sst s18  }
0x41: {  	s20 =	simm.s32 $0xB80;
	[smem:$0x7B1] =	sst s19  }
0x42: {  	s8 =	simm.s32 $0x1080;
	[smem:$0x7B2] =	sst s20  }
0x43: {  	s4 =	simm.s32 $0x1980;
	[smem:$0x7BC] =	sst s8  }
0x44: {  	s6 =	simm.s32 $0x1A80;
	[smem:$0x7CE] =	sst s4  }
0x45: {  	s7 =	simm.s32 $0x1B00;
	[smem:$0x7D0] =	sst s6  }
0x46: {  	s5 =	simm.s32 $0x2500;
	[smem:$0x7D1] =	sst s7  }
0x47: {  	s9 =	simm.s32 $0x1100;
	[smem:$0x7E5] =	sst s5  }
0x48: {  	s10 =	simm.s32 $0x1180;
	[smem:$0x7BD] =	sst s9  }
0x49: {  	s11 =	simm.s32 $0x1200;
	[smem:$0x7BE] =	sst s10  }
0x4a: {  	s12 =	simm.s32 $0x1280;
	[smem:$0x7BF] =	sst s11  }
0x4b: {  	s13 =	simm.s32 $0x1300;
	[smem:$0x7C0] =	sst s12  }
0x4c: {  	s14 =	simm.s32 $0x1380;
	[smem:$0x7C1] =	sst s13  }
0x4d: {  	s15 =	simm.s32 $0x1400;
	[smem:$0x7C2] =	sst s14  }
0x4e: {  	s16 =	simm.s32 $0x1480;
	[smem:$0x7C3] =	sst s15  }
0x4f: {  	s17 =	simm.s32 $0x1500;
	[smem:$0x7C4] =	sst s16  }
0x50: {  	s18 =	simm.s32 $0x1580;
	[smem:$0x7C5] =	sst s17  }
0x51: {  	s19 =	simm.s32 $0x1600;
	[smem:$0x7C6] =	sst s18  }
0x52: {  	s20 =	simm.s32 $0x1680;
	[smem:$0x7C7] =	sst s19  }
0x53: {  	s8 =	simm.s32 $0x1B80;
	[smem:$0x7C8] =	sst s20  }
0x54: {  	s4 =	simm.s32 $0x2480;
	[smem:$0x7D2] =	sst s8  }
0x55: {  	s6 =	simm.s32 $0x2580;
	[smem:$0x7E4] =	sst s4  }
0x56: {  	s9 =	simm.s32 $0x1C00;
	[smem:$0x7E6] =	sst s6  }
0x57: {  	s10 =	simm.s32 $0x1C80;
	[smem:$0x7D3] =	sst s9  }
0x58: {  	s31 =	simm.s32 $0x5;
	s11 =	simm.s32 $0x1D00;
	[smem:$0x7D4] =	sst s10  }
0x59: {  	p0 =	por $0x0, $0x0;
	s12 =	simm.s32 $0x1D80;
	[smem:$0x7D5] =	sst s11  }
0x5a: {  	s28 =	simm.s32 $0x3200;
	s13 =	simm.s32 $0x1E00;
	[smem:$0x7D6] =	sst s12  }
0x5b: {  	s29 =	simm.s32 $0x3280;
	s14 =	simm.s32 $0x1E80;
	[smem:$0x7D7] =	sst s13  }
0x5c: {  	s30 =	simm.s32 $0x3300;
	s15 =	simm.s32 $0x1F00;
	[smem:$0x7D8] =	sst s14  }
0x5d: {  	s3 =	sadd.s32 $0xF43600, s3;
	s16 =	simm.s32 $0x1F80;
	[smem:$0x7D9] =	sst s15  }
0x5e: {  	s1 =	ssub.s32 $0x2, s1;
	s17 =	simm.s32 $0x2000;
	[smem:$0x7DA] =	sst s16  }
0x5f: {  	s21 =	simm.s32 $0xF400;
	s18 =	simm.s32 $0x2080;
	[smem:$0x7DB] =	sst s17  }
0x60: {  	s22 =	simm.s32 $0x10400;
	s19 =	simm.s32 $0x2100;
	[smem:$0x7DC] =	sst s18  }
0x61: {  	s23 =	simm.s32 $0x11400;
	s20 =	simm.s32 $0x2180;
	[smem:$0x7DD] =	sst s19  }
0x62: {  	s24 =	simm.s32 $0x12400;
	s8 =	simm.s32 $0x2600;
	[smem:$0x7DE] =	sst s20  }
0x63: {  	s26 =	simm.s32 $0x3380;
	[smem:$0x7E7] =	sst s8;
	s9 =	simm.s32 $0x2680  }
0x64: {  	s7 =	sshrl.u32 s1, $0x1;
	s10 =	simm.s32 $0x2700;
	[smem:$0x7E8] =	sst s9  }
0x65: {  	s5 =	simm.s32 $0x80;
	s11 =	simm.s32 $0x2780;
	[smem:$0x7E9] =	sst s10  }
0x66: {  	s1 =	ssub.s32 s1, s7;
	s12 =	simm.s32 $0x2800;
	[smem:$0x7EA] =	sst s11  }
0x67: {  	s4 =	simm.s32 $0x3400;
	s13 =	simm.s32 $0x2880;
	[smem:$0x7EB] =	sst s12  }
0x68: {  	s6 =	simm.s32 $0x4400;
	s14 =	simm.s32 $0x2900;
	[smem:$0x7EC] =	sst s13  }
0x69: {  	s7 =	simm.s32 $0x5400;
	s15 =	simm.s32 $0x2980;
	[smem:$0x7ED] =	sst s14  }
0x6a: {  	s1 =	smax.u32 s1, $0x1;
	s16 =	simm.s32 $0x2A00;
	[smem:$0x7EE] =	sst s15  }
0x6b: {  	s8 =	simm.s32 $0x6400;
	s17 =	simm.s32 $0x2A80;
	[smem:$0x7EF] =	sst s16  }
0x6c: {  	s18 =	simm.s32 $0x2B00;
	s19 =	simm.s32 $0x2B80;
	[smem:$0x7F0] =	sst s17  }
0x6d: {  	s20 =	simm.s32 $0x2C00;
	s9 =	simm.s32 $0x7400;
	[smem:$0x7F1] =	sst s18  }
0x6e: {  	s10 =	simm.s32 $0x8400;
	s11 =	simm.s32 $0x9400;
	[smem:$0x7F2] =	sst s19  }
0x6f: {  	s13 =	simm.s32 $0xA400;
	s12 =	simm.s32 $0xB400;
	[smem:$0x7F3] =	sst s20  }
0x70: {  	s18 =	simm.s32 $0xC400;
	s19 =	simm.s32 $0xD400;
	p1 =	sne.s32 s1, $0x1  }
.Ltmp0:
0x71: {  	s20 =	simm.s32 $0xE400;
	s14 =	simm.s32 $0x2F00;
	(pc) =	sbr.rel @!p1 .LBB2_1-.Ltmp0, $4  }
0x72: {  	s15 =	simm.s32 $0x2F80;
	s16 =	simm.s32 $0x3000;
	[smem:$0x7F9] =	sst s14  }
0x73: {  	s17 =	simm.s32 $0x3080;
	s1 =	sadd.s32 $0xFFFFFFFF, s1;
	[smem:$0x7FA] =	sst s15  }
0x74: {  	s15 =	simm.s32 $0x1;
	[smem:$0x7FB] =	sst s16;
	s14 =	simm.s32 $0x3  }
0x75: {  	[smem:$0x7FC] =	sst s17;
	s17 =	simm.s32 $0x2;
	s16 =	simm.s32 $0x4  }
0x76: {  	[tilespmem:s2], [sflag:$0x5] =	stream.linear.gather [hbm4b:s0+s2], $0x3400, $0x38;
	[tilespmem:$0x13400] =	vst v63  }
0x77: {  	_ =	swait.ge [sflag:s31], $0x3400  }
0x78: {  	[sflag:s31] =	ssyncset.done $0x0  }
0x79: {  	[sflag:s31] =	ssyncadd.s32 $0xFFFFCC00  }
0x7a: {  	[tilespmem:s4], [sflag:$0x1] =	stream.indirect.gather [hbm4b:s3+s5], $0x20, s2, s5, $0xb8;
	[tilespmem:$0x13400] =	vst v63  }
0x7b: {  	_ = 	snop  }
0x7c: {  	[tilespmem:s6], [sflag:$0x1] =	stream.indirect.gather [hbm4b:s3+s5], $0x20, s5, s5, $0xb8;
	[tilespmem:$0x13400] =	vst v63  }
0x7d: {  	s0 =	rddreg [dreg:$0x11]  }
0x7e: {  	[tilespmem:s7], [sflag:$0x1] =	stream.indirect.gather [hbm4b:s3+s5], $0x20, s0, s5, $0xb8;
	[tilespmem:$0x13400] =	vst v63  }
0x7f: {  	s25 =	smov.u32 s1;
	s1 =	rddreg [dreg:$0x12]  }
0x80: {  	[tilespmem:s8], [sflag:$0x1] =	stream.indirect.gather [hbm4b:s3+s5], $0x20, s1, s5, $0xb8;
	[tilespmem:$0x13400] =	vst v63  }
0x81: {  	s0 =	rddreg [dreg:$0x13]  }
0x82: {  	[tilespmem:s9], [sflag:$0x1] =	stream.indirect.gather [hbm4b:s3+s5], $0x20, s0, s5, $0xb8;
	[tilespmem:$0x13400] =	vst v63  }
0x83: {  	s1 =	rddreg [dreg:$0x14]  }
0x84: {  	[tilespmem:s10], [sflag:$0x1] =	stream.indirect.gather [hbm4b:s3+s5], $0x20, s1, s5, $0xb8;
	[tilespmem:$0x13400] =	vst v63  }
0x85: {  	s0 =	rddreg [dreg:$0x15]  }
0x86: {  	[tilespmem:s11], [sflag:$0x1] =	stream.indirect.gather [hbm4b:s3+s5], $0x20, s0, s5, $0xb8;
	[tilespmem:$0x13400] =	vst v63  }
0x87: {  	s1 =	rddreg [dreg:$0x16]  }
0x88: {  	[tilespmem:s13], [sflag:$0x1] =	stream.indirect.gather [hbm4b:s3+s5], $0x20, s1, s5, $0xb8;
	[tilespmem:$0x13400] =	vst v63  }
0x89: {  	s0 =	rddreg [dreg:$0x17]  }
0x8a: {  	[tilespmem:s12], [sflag:$0x2] =	stream.indirect.gather [hbm4b:s3+s5], $0x20, s0, s5, $0xb8;
	[tilespmem:$0x13400] =	vst v63  }
0x8b: {  	s1 =	rddreg [dreg:$0x18]  }
0x8c: {  	[tilespmem:s18], [sflag:$0x2] =	stream.indirect.gather [hbm4b:s3+s5], $0x20, s1, s5, $0xb8;
	[tilespmem:$0x13400] =	vst v63  }
0x8d: {  	s0 =	rddreg [dreg:$0x19]  }
0x8e: {  	[tilespmem:s19], [sflag:$0x2] =	stream.indirect.gather [hbm4b:s3+s5], $0x20, s0, s5, $0xb8;
	[tilespmem:$0x13400] =	vst v63  }
0x8f: {  	s1 =	rddreg [dreg:$0x1a]  }
0x90: {  	[tilespmem:s20], [sflag:$0x2] =	stream.indirect.gather [hbm4b:s3+s5], $0x20, s1, s5, $0xb8;
	[tilespmem:$0x13400] =	vst v63  }
0x91: {  	s0 =	rddreg [dreg:$0x1b]  }
0x92: {  	[tilespmem:s21], [sflag:$0x2] =	stream.indirect.gather [hbm4b:s3+s5], $0x20, s0, s5, $0xb8;
	[tilespmem:$0x13400] =	vst v63  }
0x93: {  	s1 =	rddreg [dreg:$0x1c]  }
0x94: {  	[tilespmem:s22], [sflag:$0x2] =	stream.indirect.gather [hbm4b:s3+s5], $0x20, s1, s5, $0xb8;
	[tilespmem:$0x13400] =	vst v63  }
0x95: {  	s0 =	rddreg [dreg:$0x1d]  }
0x96: {  	[tilespmem:s23], [sflag:$0x2] =	stream.indirect.gather [hbm4b:s3+s5], $0x20, s0, s5, $0xb8;
	[tilespmem:$0x13400] =	vst v63  }
0x97: {  	s1 =	rddreg [dreg:$0x1e]  }
0x98: {  	[tilespmem:s24], [sflag:$0x2] =	stream.indirect.gather [hbm4b:s3+s5], $0x20, s1, s5, $0xb8;
	[tilespmem:$0x13400] =	vst v63  }
0x99: {  	_ =	swait.ge [sflag:s15], $0x8000  }
0x9a: {  	[sflag:s15] =	ssyncset.done $0x0  }
0x9b: {  	s1 =	rddreg [dreg:$0x4];
	[sflag:s15] =	ssyncadd.s32 $0xFFFF8000  }
0x9c: {  	[hbm4b:s1+s2] =	stream.linear.scatter [tilespmem:s4], [sflag:$0x3], $0x8000, $0x38;
	[tilespmem:$0x13400] =	vst v63  }
0x9d: {  	_ =	swait.ge [sflag:s14], $0x8000  }
0x9e: {  	s0 =	rddreg [dreg:$0x1f];
	[sflag:s14] =	ssyncset.done $0x0  }
0x9f: {  	s1 =	sld [smem:$0x7AC];
	[sflag:s14] =	ssyncadd.s32 $0xFFFF8000  }
0xa0: {  	[tilespmem:s4], [sflag:$0x1] =	stream.indirect.gather [hbm4b:s3+s5], $0x20, s0, s5, $0xb8;
	[tilespmem:$0x13400] =	vst v63  }
0xa1: {  	s0 =	sld [smem:$0x7AD]  }
0xa2: {  	[tilespmem:s6], [sflag:$0x1] =	stream.indirect.gather [hbm4b:s3+s5], $0x20, s1, s5, $0xb8;
	[tilespmem:$0x13400] =	vst v63  }
0xa3: {  	s1 =	sld [smem:$0x7AE]  }
0xa4: {  	[tilespmem:s7], [sflag:$0x1] =	stream.indirect.gather [hbm4b:s3+s5], $0x20, s0, s5, $0xb8;
	[tilespmem:$0x13400] =	vst v63  }
0xa5: {  	s0 =	sld [smem:$0x7AF]  }
0xa6: {  	[tilespmem:s8], [sflag:$0x1] =	stream.indirect.gather [hbm4b:s3+s5], $0x20, s1, s5, $0xb8;
	[tilespmem:$0x13400] =	vst v63  }
0xa7: {  	s1 =	sld [smem:$0x7B0]  }
0xa8: {  	[tilespmem:s9], [sflag:$0x1] =	stream.indirect.gather [hbm4b:s3+s5], $0x20, s0, s5, $0xb8;
	[tilespmem:$0x13400] =	vst v63  }
0xa9: {  	s0 =	sld [smem:$0x7B1]  }
0xaa: {  	[tilespmem:s10], [sflag:$0x1] =	stream.indirect.gather [hbm4b:s3+s5], $0x20, s1, s5, $0xb8;
	[tilespmem:$0x13400] =	vst v63  }
0xab: {  	s1 =	sld [smem:$0x7B2]  }
0xac: {  	[tilespmem:s11], [sflag:$0x1] =	stream.indirect.gather [hbm4b:s3+s5], $0x20, s0, s5, $0xb8;
	[tilespmem:$0x13400] =	vst v63  }
0xad: {  	_ = 	snop  }
0xae: {  	[tilespmem:s13], [sflag:$0x1] =	stream.indirect.gather [hbm4b:s3+s5], $0x20, s1, s5, $0xb8;
	[tilespmem:$0x13400] =	vst v63  }
0xaf: {  	_ =	swait.ge [sflag:s17], $0x8000  }
0xb0: {  	[sflag:s17] =	ssyncset.done $0x0  }
0xb1: {  	s1 =	rddreg [dreg:$0x5];
	[sflag:s17] =	ssyncadd.s32 $0xFFFF8000  }
0xb2: {  	[hbm4b:s1+s2] =	stream.linear.scatter [tilespmem:s12], [sflag:$0x4], $0x8000, $0x38;
	[tilespmem:$0x13400] =	vst v63  }
0xb3: {  	_ =	swait.ge [sflag:s16], $0x8000  }
0xb4: {  	s0 =	sld [smem:$0x7B3]  }
0xb5: {  	[sflag:s16] =	ssyncset.done $0x0  }
0xb6: {  	s1 =	sld [smem:$0x7B4];
	[sflag:s16] =	ssyncadd.s32 $0xFFFF8000  }
0xb7: {  	[tilespmem:s12], [sflag:$0x2] =	stream.indirect.gather [hbm4b:s3+s5], $0x20, s0, s5, $0xb8;
	[tilespmem:$0x13400] =	vst v63  }
0xb8: {  	s0 =	sld [smem:$0x7B5]  }
0xb9: {  	[tilespmem:s18], [sflag:$0x2] =	stream.indirect.gather [hbm4b:s3+s5], $0x20, s1, s5, $0xb8;
	[tilespmem:$0x13400] =	vst v63  }
0xba: {  	s1 =	sld [smem:$0x7B6]  }
0xbb: {  	[tilespmem:s19], [sflag:$0x2] =	stream.indirect.gather [hbm4b:s3+s5], $0x20, s0, s5, $0xb8;
	[tilespmem:$0x13400] =	vst v63  }
0xbc: {  	s0 =	sld [smem:$0x7B7]  }
0xbd: {  	[tilespmem:s20], [sflag:$0x2] =	stream.indirect.gather [hbm4b:s3+s5], $0x20, s1, s5, $0xb8;
	[tilespmem:$0x13400] =	vst v63  }
0xbe: {  	s1 =	sld [smem:$0x7B8]  }
0xbf: {  	[tilespmem:s21], [sflag:$0x2] =	stream.indirect.gather [hbm4b:s3+s5], $0x20, s0, s5, $0xb8;
	[tilespmem:$0x13400] =	vst v63  }
0xc0: {  	s0 =	sld [smem:$0x7B9]  }
0xc1: {  	[tilespmem:s22], [sflag:$0x2] =	stream.indirect.gather [hbm4b:s3+s5], $0x20, s1, s5, $0xb8;
	[tilespmem:$0x13400] =	vst v63  }
0xc2: {  	s1 =	sld [smem:$0x7BA]  }
0xc3: {  	[tilespmem:s23], [sflag:$0x2] =	stream.indirect.gather [hbm4b:s3+s5], $0x20, s0, s5, $0xb8;
	[tilespmem:$0x13400] =	vst v63  }
0xc4: {  	_ = 	snop  }
0xc5: {  	[tilespmem:s24], [sflag:$0x2] =	stream.indirect.gather [hbm4b:s3+s5], $0x20, s1, s5, $0xb8;
	[tilespmem:$0x13400] =	vst v63  }
0xc6: {  	_ =	swait.ge [sflag:s15], $0x8000  }
0xc7: {  	[sflag:s15] =	ssyncset.done $0x0  }
0xc8: {  	s1 =	rddreg [dreg:$0x6];
	[sflag:s15] =	ssyncadd.s32 $0xFFFF8000  }
0xc9: {  	[hbm4b:s1+s2] =	stream.linear.scatter [tilespmem:s4], [sflag:$0x3], $0x8000, $0x38;
	[tilespmem:$0x13400] =	vst v63  }
0xca: {  	_ =	swait.ge [sflag:s14], $0x8000  }
0xcb: {  	s0 =	sld [smem:$0x7BB]  }
0xcc: {  	[sflag:s14] =	ssyncset.done $0x0  }
0xcd: {  	s1 =	sld [smem:$0x7BC];
	[sflag:s14] =	ssyncadd.s32 $0xFFFF8000  }
0xce: {  	[tilespmem:s4], [sflag:$0x1] =	stream.indirect.gather [hbm4b:s3+s5], $0x20, s0, s5, $0xb8;
	[tilespmem:$0x13400] =	vst v63  }
0xcf: {  	s0 =	sld [smem:$0x7BD]  }
0xd0: {  	[tilespmem:s6], [sflag:$0x1] =	stream.indirect.gather [hbm4b:s3+s5], $0x20, s1, s5, $0xb8;
	[tilespmem:$0x13400] =	vst v63  }
0xd1: {  	s1 =	sld [smem:$0x7BE]  }
0xd2: {  	[tilespmem:s7], [sflag:$0x1] =	stream.indirect.gather [hbm4b:s3+s5], $0x20, s0, s5, $0xb8;
	[tilespmem:$0x13400] =	vst v63  }
0xd3: {  	s0 =	sld [smem:$0x7BF]  }
0xd4: {  	[tilespmem:s8], [sflag:$0x1] =	stream.indirect.gather [hbm4b:s3+s5], $0x20, s1, s5, $0xb8;
	[tilespmem:$0x13400] =	vst v63  }
0xd5: {  	s1 =	sld [smem:$0x7C0]  }
0xd6: {  	[tilespmem:s9], [sflag:$0x1] =	stream.indirect.gather [hbm4b:s3+s5], $0x20, s0, s5, $0xb8;
	[tilespmem:$0x13400] =	vst v63  }
0xd7: {  	s0 =	sld [smem:$0x7C1]  }
0xd8: {  	[tilespmem:s10], [sflag:$0x1] =	stream.indirect.gather [hbm4b:s3+s5], $0x20, s1, s5, $0xb8;
	[tilespmem:$0x13400] =	vst v63  }
0xd9: {  	s1 =	sld [smem:$0x7C2]  }
0xda: {  	[tilespmem:s11], [sflag:$0x1] =	stream.indirect.gather [hbm4b:s3+s5], $0x20, s0, s5, $0xb8;
	[tilespmem:$0x13400] =	vst v63  }
0xdb: {  	_ = 	snop  }
0xdc: {  	[tilespmem:s13], [sflag:$0x1] =	stream.indirect.gather [hbm4b:s3+s5], $0x20, s1, s5, $0xb8;
	[tilespmem:$0x13400] =	vst v63  }
0xdd: {  	_ =	swait.ge [sflag:s17], $0x8000  }
0xde: {  	[sflag:s17] =	ssyncset.done $0x0  }
0xdf: {  	s1 =	rddreg [dreg:$0x7];
	[sflag:s17] =	ssyncadd.s32 $0xFFFF8000  }
0xe0: {  	[hbm4b:s1+s2] =	stream.linear.scatter [tilespmem:s12], [sflag:$0x4], $0x8000, $0x38;
	[tilespmem:$0x13400] =	vst v63  }
0xe1: {  	_ =	swait.ge [sflag:s16], $0x8000  }
0xe2: {  	s0 =	sld [smem:$0x7C3]  }
0xe3: {  	[sflag:s16] =	ssyncset.done $0x0  }
0xe4: {  	s1 =	sld [smem:$0x7C4];
	[sflag:s16] =	ssyncadd.s32 $0xFFFF8000  }
0xe5: {  	[tilespmem:s12], [sflag:$0x2] =	stream.indirect.gather [hbm4b:s3+s5], $0x20, s0, s5, $0xb8;
	[tilespmem:$0x13400] =	vst v63  }
0xe6: {  	s0 =	sld [smem:$0x7C5]  }
0xe7: {  	[tilespmem:s18], [sflag:$0x2] =	stream.indirect.gather [hbm4b:s3+s5], $0x20, s1, s5, $0xb8;
	[tilespmem:$0x13400] =	vst v63  }
0xe8: {  	s1 =	sld [smem:$0x7C6]  }
0xe9: {  	[tilespmem:s19], [sflag:$0x2] =	stream.indirect.gather [hbm4b:s3+s5], $0x20, s0, s5, $0xb8;
	[tilespmem:$0x13400] =	vst v63  }
0xea: {  	s0 =	sld [smem:$0x7C7]  }
0xeb: {  	[tilespmem:s20], [sflag:$0x2] =	stream.indirect.gather [hbm4b:s3+s5], $0x20, s1, s5, $0xb8;
	[tilespmem:$0x13400] =	vst v63  }
0xec: {  	s1 =	sld [smem:$0x7C8]  }
0xed: {  	[tilespmem:s21], [sflag:$0x2] =	stream.indirect.gather [hbm4b:s3+s5], $0x20, s0, s5, $0xb8;
	[tilespmem:$0x13400] =	vst v63  }
0xee: {  	s0 =	sld [smem:$0x7C9]  }
0xef: {  	[tilespmem:s22], [sflag:$0x2] =	stream.indirect.gather [hbm4b:s3+s5], $0x20, s1, s5, $0xb8;
	[tilespmem:$0x13400] =	vst v63  }
0xf0: {  	s1 =	sld [smem:$0x7CA]  }
0xf1: {  	[tilespmem:s23], [sflag:$0x2] =	stream.indirect.gather [hbm4b:s3+s5], $0x20, s0, s5, $0xb8;
	[tilespmem:$0x13400] =	vst v63  }
0xf2: {  	_ = 	snop  }
0xf3: {  	[tilespmem:s24], [sflag:$0x2] =	stream.indirect.gather [hbm4b:s3+s5], $0x20, s1, s5, $0xb8;
	[tilespmem:$0x13400] =	vst v63  }
0xf4: {  	_ =	swait.ge [sflag:s15], $0x8000  }
0xf5: {  	[sflag:s15] =	ssyncset.done $0x0  }
0xf6: {  	s1 =	rddreg [dreg:$0x8];
	[sflag:s15] =	ssyncadd.s32 $0xFFFF8000  }
0xf7: {  	[hbm4b:s1+s2] =	stream.linear.scatter [tilespmem:s4], [sflag:$0x3], $0x8000, $0x38;
	[tilespmem:$0x13400] =	vst v63  }
0xf8: {  	_ =	swait.ge [sflag:s14], $0x8000  }
0xf9: {  	s0 =	sld [smem:$0x7CB]  }
0xfa: {  	[sflag:s14] =	ssyncset.done $0x0  }
0xfb: {  	s1 =	sld [smem:$0x7CC];
	[sflag:s14] =	ssyncadd.s32 $0xFFFF8000  }
0xfc: {  	[tilespmem:s4], [sflag:$0x1] =	stream.indirect.gather [hbm4b:s3+s5], $0x20, s0, s5, $0xb8;
	[tilespmem:$0x13400] =	vst v63  }
0xfd: {  	s0 =	sld [smem:$0x7CD]  }
0xfe: {  	[tilespmem:s6], [sflag:$0x1] =	stream.indirect.gather [hbm4b:s3+s5], $0x20, s1, s5, $0xb8;
	[tilespmem:$0x13400] =	vst v63  }
0xff: {  	s1 =	sld [smem:$0x7CE]  }
0x100: {  	[tilespmem:s7], [sflag:$0x1] =	stream.indirect.gather [hbm4b:s3+s5], $0x20, s0, s5, $0xb8;
	[tilespmem:$0x13400] =	vst v63  }
0x101: {  	s0 =	sld [smem:$0x7CF]  }
0x102: {  	[tilespmem:s8], [sflag:$0x1] =	stream.indirect.gather [hbm4b:s3+s5], $0x20, s1, s5, $0xb8;
	[tilespmem:$0x13400] =	vst v63  }
0x103: {  	s1 =	sld [smem:$0x7D0]  }
0x104: {  	[tilespmem:s9], [sflag:$0x1] =	stream.indirect.gather [hbm4b:s3+s5], $0x20, s0, s5, $0xb8;
	[tilespmem:$0x13400] =	vst v63  }
0x105: {  	s0 =	sld [smem:$0x7D1]  }
0x106: {  	[tilespmem:s10], [sflag:$0x1] =	stream.indirect.gather [hbm4b:s3+s5], $0x20, s1, s5, $0xb8;
	[tilespmem:$0x13400] =	vst v63  }
0x107: {  	s1 =	sld [smem:$0x7D2]  }
0x108: {  	[tilespmem:s11], [sflag:$0x1] =	stream.indirect.gather [hbm4b:s3+s5], $0x20, s0, s5, $0xb8;
	[tilespmem:$0x13400] =	vst v63  }
0x109: {  	_ = 	snop  }
0x10a: {  	[tilespmem:s13], [sflag:$0x1] =	stream.indirect.gather [hbm4b:s3+s5], $0x20, s1, s5, $0xb8;
	[tilespmem:$0x13400] =	vst v63  }
0x10b: {  	_ =	swait.ge [sflag:s17], $0x8000  }
0x10c: {  	[sflag:s17] =	ssyncset.done $0x0  }
0x10d: {  	s1 =	rddreg [dreg:$0x9];
	[sflag:s17] =	ssyncadd.s32 $0xFFFF8000  }
0x10e: {  	[hbm4b:s1+s2] =	stream.linear.scatter [tilespmem:s12], [sflag:$0x4], $0x8000, $0x38;
	[tilespmem:$0x13400] =	vst v63  }
0x10f: {  	_ =	swait.ge [sflag:s16], $0x8000  }
0x110: {  	s0 =	sld [smem:$0x7D3]  }
0x111: {  	[sflag:s16] =	ssyncset.done $0x0  }
0x112: {  	s1 =	sld [smem:$0x7D4];
	[sflag:s16] =	ssyncadd.s32 $0xFFFF8000  }
0x113: {  	[tilespmem:s12], [sflag:$0x2] =	stream.indirect.gather [hbm4b:s3+s5], $0x20, s0, s5, $0xb8;
	[tilespmem:$0x13400] =	vst v63  }
0x114: {  	s0 =	sld [smem:$0x7D5]  }
0x115: {  	[tilespmem:s18], [sflag:$0x2] =	stream.indirect.gather [hbm4b:s3+s5], $0x20, s1, s5, $0xb8;
	[tilespmem:$0x13400] =	vst v63  }
0x116: {  	s1 =	sld [smem:$0x7D6]  }
0x117: {  	[tilespmem:s19], [sflag:$0x2] =	stream.indirect.gather [hbm4b:s3+s5], $0x20, s0, s5, $0xb8;
	[tilespmem:$0x13400] =	vst v63  }
0x118: {  	s0 =	sld [smem:$0x7D7]  }
0x119: {  	[tilespmem:s20], [sflag:$0x2] =	stream.indirect.gather [hbm4b:s3+s5], $0x20, s1, s5, $0xb8;
	[tilespmem:$0x13400] =	vst v63  }
0x11a: {  	s1 =	sld [smem:$0x7D8]  }
0x11b: {  	[tilespmem:s21], [sflag:$0x2] =	stream.indirect.gather [hbm4b:s3+s5], $0x20, s0, s5, $0xb8;
	[tilespmem:$0x13400] =	vst v63  }
0x11c: {  	s0 =	sld [smem:$0x7D9]  }
0x11d: {  	[tilespmem:s22], [sflag:$0x2] =	stream.indirect.gather [hbm4b:s3+s5], $0x20, s1, s5, $0xb8;
	[tilespmem:$0x13400] =	vst v63  }
0x11e: {  	s1 =	sld [smem:$0x7DA]  }
0x11f: {  	[tilespmem:s23], [sflag:$0x2] =	stream.indirect.gather [hbm4b:s3+s5], $0x20, s0, s5, $0xb8;
	[tilespmem:$0x13400] =	vst v63  }
0x120: {  	_ = 	snop  }
0x121: {  	[tilespmem:s24], [sflag:$0x2] =	stream.indirect.gather [hbm4b:s3+s5], $0x20, s1, s5, $0xb8;
	[tilespmem:$0x13400] =	vst v63  }
0x122: {  	_ =	swait.ge [sflag:s15], $0x8000  }
0x123: {  	[sflag:s15] =	ssyncset.done $0x0  }
0x124: {  	s1 =	rddreg [dreg:$0xa];
	[sflag:s15] =	ssyncadd.s32 $0xFFFF8000  }
0x125: {  	[hbm4b:s1+s2] =	stream.linear.scatter [tilespmem:s4], [sflag:$0x3], $0x8000, $0x38;
	[tilespmem:$0x13400] =	vst v63  }
0x126: {  	_ =	swait.ge [sflag:s14], $0x8000  }
0x127: {  	s0 =	sld [smem:$0x7DB]  }
0x128: {  	[sflag:s14] =	ssyncset.done $0x0  }
0x129: {  	s1 =	sld [smem:$0x7DC];
	[sflag:s14] =	ssyncadd.s32 $0xFFFF8000  }
0x12a: {  	[tilespmem:s4], [sflag:$0x1] =	stream.indirect.gather [hbm4b:s3+s5], $0x20, s0, s5, $0xb8;
	[tilespmem:$0x13400] =	vst v63  }
0x12b: {  	s0 =	sld [smem:$0x7DD]  }
0x12c: {  	[tilespmem:s6], [sflag:$0x1] =	stream.indirect.gather [hbm4b:s3+s5], $0x20, s1, s5, $0xb8;
	[tilespmem:$0x13400] =	vst v63  }
0x12d: {  	s1 =	sld [smem:$0x7DE]  }
0x12e: {  	[tilespmem:s7], [sflag:$0x1] =	stream.indirect.gather [hbm4b:s3+s5], $0x20, s0, s5, $0xb8;
	[tilespmem:$0x13400] =	vst v63  }
0x12f: {  	s0 =	sld [smem:$0x7DF]  }
0x130: {  	[tilespmem:s8], [sflag:$0x1] =	stream.indirect.gather [hbm4b:s3+s5], $0x20, s1, s5, $0xb8;
	[tilespmem:$0x13400] =	vst v63  }
0x131: {  	s1 =	sld [smem:$0x7E0]  }
0x132: {  	[tilespmem:s9], [sflag:$0x1] =	stream.indirect.gather [hbm4b:s3+s5], $0x20, s0, s5, $0xb8;
	[tilespmem:$0x13400] =	vst v63  }
0x133: {  	s0 =	sld [smem:$0x7E1]  }
0x134: {  	[tilespmem:s10], [sflag:$0x1] =	stream.indirect.gather [hbm4b:s3+s5], $0x20, s1, s5, $0xb8;
	[tilespmem:$0x13400] =	vst v63  }
0x135: {  	s1 =	sld [smem:$0x7E2]  }
0x136: {  	[tilespmem:s11], [sflag:$0x1] =	stream.indirect.gather [hbm4b:s3+s5], $0x20, s0, s5, $0xb8;
	[tilespmem:$0x13400] =	vst v63  }
0x137: {  	_ = 	snop  }
0x138: {  	[tilespmem:s13], [sflag:$0x1] =	stream.indirect.gather [hbm4b:s3+s5], $0x20, s1, s5, $0xb8;
	[tilespmem:$0x13400] =	vst v63  }
0x139: {  	_ =	swait.ge [sflag:s17], $0x8000  }
0x13a: {  	[sflag:s17] =	ssyncset.done $0x0  }
0x13b: {  	s1 =	rddreg [dreg:$0xb];
	[sflag:s17] =	ssyncadd.s32 $0xFFFF8000  }
0x13c: {  	[hbm4b:s1+s2] =	stream.linear.scatter [tilespmem:s12], [sflag:$0x4], $0x8000, $0x38;
	[tilespmem:$0x13400] =	vst v63  }
0x13d: {  	_ =	swait.ge [sflag:s16], $0x8000  }
0x13e: {  	s0 =	sld [smem:$0x7E3]  }
0x13f: {  	[sflag:s16] =	ssyncset.done $0x0  }
0x140: {  	s1 =	sld [smem:$0x7E4];
	[sflag:s16] =	ssyncadd.s32 $0xFFFF8000  }
0x141: {  	[tilespmem:s12], [sflag:$0x2] =	stream.indirect.gather [hbm4b:s3+s5], $0x20, s0, s5, $0xb8;
	[tilespmem:$0x13400] =	vst v63  }
0x142: {  	s0 =	sld [smem:$0x7E5]  }
0x143: {  	[tilespmem:s18], [sflag:$0x2] =	stream.indirect.gather [hbm4b:s3+s5], $0x20, s1, s5, $0xb8;
	[tilespmem:$0x13400] =	vst v63  }
0x144: {  	s1 =	sld [smem:$0x7E6]  }
0x145: {  	[tilespmem:s19], [sflag:$0x2] =	stream.indirect.gather [hbm4b:s3+s5], $0x20, s0, s5, $0xb8;
	[tilespmem:$0x13400] =	vst v63  }
0x146: {  	s0 =	sld [smem:$0x7E7]  }
0x147: {  	[tilespmem:s20], [sflag:$0x2] =	stream.indirect.gather [hbm4b:s3+s5], $0x20, s1, s5, $0xb8;
	[tilespmem:$0x13400] =	vst v63  }
0x148: {  	s1 =	sld [smem:$0x7E8]  }
0x149: {  	[tilespmem:s21], [sflag:$0x2] =	stream.indirect.gather [hbm4b:s3+s5], $0x20, s0, s5, $0xb8;
	[tilespmem:$0x13400] =	vst v63  }
0x14a: {  	s0 =	sld [smem:$0x7E9]  }
0x14b: {  	[tilespmem:s22], [sflag:$0x2] =	stream.indirect.gather [hbm4b:s3+s5], $0x20, s1, s5, $0xb8;
	[tilespmem:$0x13400] =	vst v63  }
0x14c: {  	s1 =	sld [smem:$0x7EA]  }
0x14d: {  	[tilespmem:s23], [sflag:$0x2] =	stream.indirect.gather [hbm4b:s3+s5], $0x20, s0, s5, $0xb8;
	[tilespmem:$0x13400] =	vst v63  }
0x14e: {  	_ = 	snop  }
0x14f: {  	[tilespmem:s24], [sflag:$0x2] =	stream.indirect.gather [hbm4b:s3+s5], $0x20, s1, s5, $0xb8;
	[tilespmem:$0x13400] =	vst v63  }
0x150: {  	_ =	swait.ge [sflag:s15], $0x8000  }
0x151: {  	[sflag:s15] =	ssyncset.done $0x0  }
0x152: {  	s1 =	rddreg [dreg:$0xc];
	[sflag:s15] =	ssyncadd.s32 $0xFFFF8000  }
0x153: {  	[hbm4b:s1+s2] =	stream.linear.scatter [tilespmem:s4], [sflag:$0x3], $0x8000, $0x38;
	[tilespmem:$0x13400] =	vst v63  }
0x154: {  	_ =	swait.ge [sflag:s14], $0x8000  }
0x155: {  	s0 =	sld [smem:$0x7EB]  }
0x156: {  	[sflag:s14] =	ssyncset.done $0x0  }
0x157: {  	s1 =	sld [smem:$0x7EC];
	[sflag:s14] =	ssyncadd.s32 $0xFFFF8000  }
0x158: {  	[tilespmem:s4], [sflag:$0x1] =	stream.indirect.gather [hbm4b:s3+s5], $0x20, s0, s5, $0xb8;
	[tilespmem:$0x13400] =	vst v63  }
0x159: {  	s0 =	sld [smem:$0x7ED]  }
0x15a: {  	[tilespmem:s6], [sflag:$0x1] =	stream.indirect.gather [hbm4b:s3+s5], $0x20, s1, s5, $0xb8;
	[tilespmem:$0x13400] =	vst v63  }
0x15b: {  	s1 =	sld [smem:$0x7EE]  }
0x15c: {  	[tilespmem:s7], [sflag:$0x1] =	stream.indirect.gather [hbm4b:s3+s5], $0x20, s0, s5, $0xb8;
	[tilespmem:$0x13400] =	vst v63  }
0x15d: {  	s0 =	sld [smem:$0x7EF]  }
0x15e: {  	[tilespmem:s8], [sflag:$0x1] =	stream.indirect.gather [hbm4b:s3+s5], $0x20, s1, s5, $0xb8;
	[tilespmem:$0x13400] =	vst v63  }
0x15f: {  	s1 =	sld [smem:$0x7F0]  }
0x160: {  	[tilespmem:s9], [sflag:$0x1] =	stream.indirect.gather [hbm4b:s3+s5], $0x20, s0, s5, $0xb8;
	[tilespmem:$0x13400] =	vst v63  }
0x161: {  	s0 =	sld [smem:$0x7F1]  }
0x162: {  	[tilespmem:s10], [sflag:$0x1] =	stream.indirect.gather [hbm4b:s3+s5], $0x20, s1, s5, $0xb8;
	[tilespmem:$0x13400] =	vst v63  }
0x163: {  	s1 =	sld [smem:$0x7F2]  }
0x164: {  	[tilespmem:s11], [sflag:$0x1] =	stream.indirect.gather [hbm4b:s3+s5], $0x20, s0, s5, $0xb8;
	[tilespmem:$0x13400] =	vst v63  }
0x165: {  	_ = 	snop  }
0x166: {  	[tilespmem:s13], [sflag:$0x1] =	stream.indirect.gather [hbm4b:s3+s5], $0x20, s1, s5, $0xb8;
	[tilespmem:$0x13400] =	vst v63  }
0x167: {  	_ =	swait.ge [sflag:s17], $0x8000  }
0x168: {  	[sflag:s17] =	ssyncset.done $0x0  }
0x169: {  	s1 =	rddreg [dreg:$0xd];
	[sflag:s17] =	ssyncadd.s32 $0xFFFF8000  }
0x16a: {  	[hbm4b:s1+s2] =	stream.linear.scatter [tilespmem:s12], [sflag:$0x4], $0x8000, $0x38;
	[tilespmem:$0x13400] =	vst v63  }
0x16b: {  	_ =	swait.ge [sflag:s16], $0x8000  }
0x16c: {  	s0 =	sld [smem:$0x7F3]  }
0x16d: {  	[sflag:s16] =	ssyncset.done $0x0  }
0x16e: {  	s1 =	sld [smem:$0x7F4];
	[sflag:s16] =	ssyncadd.s32 $0xFFFF8000  }
0x16f: {  	[tilespmem:s12], [sflag:$0x2] =	stream.indirect.gather [hbm4b:s3+s5], $0x20, s0, s5, $0xb8;
	[tilespmem:$0x13400] =	vst v63  }
0x170: {  	s0 =	sld [smem:$0x7F5]  }
0x171: {  	[tilespmem:s18], [sflag:$0x2] =	stream.indirect.gather [hbm4b:s3+s5], $0x20, s1, s5, $0xb8;
	[tilespmem:$0x13400] =	vst v63  }
0x172: {  	s1 =	sld [smem:$0x7F6]  }
0x173: {  	[tilespmem:s19], [sflag:$0x2] =	stream.indirect.gather [hbm4b:s3+s5], $0x20, s0, s5, $0xb8;
	[tilespmem:$0x13400] =	vst v63  }
0x174: {  	s0 =	sld [smem:$0x7F7]  }
0x175: {  	[tilespmem:s20], [sflag:$0x2] =	stream.indirect.gather [hbm4b:s3+s5], $0x20, s1, s5, $0xb8;
	[tilespmem:$0x13400] =	vst v63  }
0x176: {  	s1 =	sld [smem:$0x7F8]  }
0x177: {  	[tilespmem:s21], [sflag:$0x2] =	stream.indirect.gather [hbm4b:s3+s5], $0x20, s0, s5, $0xb8;
	[tilespmem:$0x13400] =	vst v63  }
0x178: {  	s0 =	sld [smem:$0x7F9]  }
0x179: {  	[tilespmem:s22], [sflag:$0x2] =	stream.indirect.gather [hbm4b:s3+s5], $0x20, s1, s5, $0xb8;
	[tilespmem:$0x13400] =	vst v63  }
0x17a: {  	s1 =	sld [smem:$0x7FA]  }
0x17b: {  	[tilespmem:s23], [sflag:$0x2] =	stream.indirect.gather [hbm4b:s3+s5], $0x20, s0, s5, $0xb8;
	[tilespmem:$0x13400] =	vst v63  }
0x17c: {  	_ = 	snop  }
0x17d: {  	[tilespmem:s24], [sflag:$0x2] =	stream.indirect.gather [hbm4b:s3+s5], $0x20, s1, s5, $0xb8;
	[tilespmem:$0x13400] =	vst v63  }
0x17e: {  	_ =	swait.ge [sflag:s15], $0x8000  }
0x17f: {  	[sflag:s15] =	ssyncset.done $0x0  }
0x180: {  	s1 =	rddreg [dreg:$0xe];
	[sflag:s15] =	ssyncadd.s32 $0xFFFF8000  }
0x181: {  	[hbm4b:s1+s2] =	stream.linear.scatter [tilespmem:s4], [sflag:$0x3], $0x8000, $0x38;
	[tilespmem:$0x13400] =	vst v63  }
0x182: {  	_ =	swait.ge [sflag:s14], $0x8000  }
0x183: {  	s0 =	sld [smem:$0x7FB]  }
0x184: {  	[sflag:s14] =	ssyncset.done $0x0  }
0x185: {  	s1 =	sld [smem:$0x7FC];
	[sflag:s14] =	ssyncadd.s32 $0xFFFF8000  }
0x186: {  	[tilespmem:s4], [sflag:$0x1] =	stream.indirect.gather [hbm4b:s3+s5], $0x20, s0, s5, $0xb8;
	[tilespmem:$0x13400] =	vst v63  }
0x187: {  	s0 =	sld [smem:$0x7FD]  }
0x188: {  	[tilespmem:s6], [sflag:$0x1] =	stream.indirect.gather [hbm4b:s3+s5], $0x20, s1, s5, $0xb8;
	[tilespmem:$0x13400] =	vst v63  }
0x189: {  	_ = 	snop  }
0x18a: {  	[tilespmem:s7], [sflag:$0x1] =	stream.indirect.gather [hbm4b:s3+s5], $0x20, s0, s5, $0xb8;
	[tilespmem:$0x13400] =	vst v63  }
0x18b: {  	s1 =	simm.s32 $0x3180  }
0x18c: {  	[tilespmem:s8], [sflag:$0x1] =	stream.indirect.gather [hbm4b:s3+s5], $0x20, s1, s5, $0xb8;
	[tilespmem:$0x13400] =	vst v63  }
0x18d: {  	_ = 	snop  }
0x18e: {  	[tilespmem:s9], [sflag:$0x1] =	stream.indirect.gather [hbm4b:s3+s5], $0x20, s28, s5, $0xb8;
	[tilespmem:$0x13400] =	vst v63  }
0x18f: {  	_ = 	snop  }
0x190: {  	[tilespmem:s10], [sflag:$0x1] =	stream.indirect.gather [hbm4b:s3+s5], $0x20, s29, s5, $0xb8;
	[tilespmem:$0x13400] =	vst v63  }
0x191: {  	_ = 	snop  }
0x192: {  	[tilespmem:s11], [sflag:$0x1] =	stream.indirect.gather [hbm4b:s3+s5], $0x20, s30, s5, $0xb8;
	[tilespmem:$0x13400] =	vst v63  }
0x193: {  	_ = 	snop  }
0x194: {  	[tilespmem:s13], [sflag:$0x1] =	stream.indirect.gather [hbm4b:s3+s5], $0x20, s26, s5, $0xb8;
	[tilespmem:$0x13400] =	vst v63  }
0x195: {  	_ =	swait.ge [sflag:s17], $0x8000  }
0x196: {  	[sflag:s17] =	ssyncset.done $0x0  }
0x197: {  	s1 =	rddreg [dreg:$0xf];
	[sflag:s17] =	ssyncadd.s32 $0xFFFF8000  }
0x198: {  	[hbm4b:s1+s2] =	stream.linear.scatter [tilespmem:s12], [sflag:$0x4], $0x8000, $0x38;
	[tilespmem:$0x13400] =	vst v63  }
0x199: {  	_ =	swait.ge [sflag:s15], $0x8000  }
0x19a: {  	[sflag:s15] =	ssyncset.done $0x0  }
0x19b: {  	p1 =	sne.s32 s25, $0x1;
	s1 =	rddreg [dreg:$0x10];
	[sflag:s15] =	ssyncadd.s32 $0xFFFF8000  }
0x19c: {  	[hbm4b:s1+s2] =	stream.linear.scatter [tilespmem:s4], [sflag:$0x3], $0x8000, $0x38;
	[tilespmem:$0x13400] =	vst v63  }
.Ltmp1:
0x19d: {  	_ =	swait.ge [sflag:s14], $0x8000;
	(pc) =	sbr.rel @!p1 .LBB2_3-.Ltmp1, $4  }
0x19e: {  	[sflag:s14] =	ssyncset.done $0x0  }
0x19f: {  	[sflag:s14] =	ssyncadd.s32 $0xFFFF8000  }
0x1a0: {  	p0 =	por $0x1, $0x1;
	_ =	swait.ge [sflag:s16], $0x8000  }
0x1a1: {  	s1 =	sadd.s32 $0xFFFFFFFF, s25;
	s0 =	rddreg [dreg:$0x3];
	[sflag:s16] =	ssyncset.done $0x0  }
.LBB2_4:
0x1a2: {  	[sflag:s16] =	ssyncadd.s32 $0xFFFF8000  }
0x1a3: {  	[tilespmem:s2], [sflag:$0x5] =	stream.linear.gather [hbm4b:s0+s2], $0x3400, $0x38;
	[tilespmem:$0x13400] =	vst v63  }
0x1a4: {  	_ =	swait.ge [sflag:s31], $0x3400  }
0x1a5: {  	[sflag:s31] =	ssyncset.done $0x0  }
0x1a6: {  	[sflag:s31] =	ssyncadd.s32 $0xFFFFCC00  }
0x1a7: {  	[tilespmem:s4], [sflag:$0x1] =	stream.indirect.gather [hbm4b:s3+s5], $0x20, s2, s5, $0xb8;
	[tilespmem:$0x13400] =	vst v63  }
0x1a8: {  	_ = 	snop  }
0x1a9: {  	[tilespmem:s6], [sflag:$0x1] =	stream.indirect.gather [hbm4b:s3+s5], $0x20, s5, s5, $0xb8;
	[tilespmem:$0x13400] =	vst v63  }
0x1aa: {  	s0 =	rddreg [dreg:$0x11]  }
0x1ab: {  	[tilespmem:s7], [sflag:$0x1] =	stream.indirect.gather [hbm4b:s3+s5], $0x20, s0, s5, $0xb8;
	[tilespmem:$0x13400] =	vst v63  }
0x1ac: {  	s25 =	rddreg [dreg:$0x12]  }
0x1ad: {  	[tilespmem:s8], [sflag:$0x1] =	stream.indirect.gather [hbm4b:s3+s5], $0x20, s25, s5, $0xb8;
	[tilespmem:$0x13400] =	vst v63  }
0x1ae: {  	s0 =	rddreg [dreg:$0x13]  }
0x1af: {  	[tilespmem:s9], [sflag:$0x1] =	stream.indirect.gather [hbm4b:s3+s5], $0x20, s0, s5, $0xb8;
	[tilespmem:$0x13400] =	vst v63  }
0x1b0: {  	s25 =	rddreg [dreg:$0x14]  }
0x1b1: {  	[tilespmem:s10], [sflag:$0x1] =	stream.indirect.gather [hbm4b:s3+s5], $0x20, s25, s5, $0xb8;
	[tilespmem:$0x13400] =	vst v63  }
0x1b2: {  	s0 =	rddreg [dreg:$0x15]  }
0x1b3: {  	[tilespmem:s11], [sflag:$0x1] =	stream.indirect.gather [hbm4b:s3+s5], $0x20, s0, s5, $0xb8;
	[tilespmem:$0x13400] =	vst v63  }
0x1b4: {  	s25 =	rddreg [dreg:$0x16]  }
0x1b5: {  	[tilespmem:s13], [sflag:$0x1] =	stream.indirect.gather [hbm4b:s3+s5], $0x20, s25, s5, $0xb8;
	[tilespmem:$0x13400] =	vst v63  }
0x1b6: {  	s0 =	rddreg [dreg:$0x17]  }
0x1b7: {  	[tilespmem:s12], [sflag:$0x2] =	stream.indirect.gather [hbm4b:s3+s5], $0x20, s0, s5, $0xb8;
	[tilespmem:$0x13400] =	vst v63  }
0x1b8: {  	s25 =	rddreg [dreg:$0x18]  }
0x1b9: {  	[tilespmem:s18], [sflag:$0x2] =	stream.indirect.gather [hbm4b:s3+s5], $0x20, s25, s5, $0xb8;
	[tilespmem:$0x13400] =	vst v63  }
0x1ba: {  	s0 =	rddreg [dreg:$0x19]  }
0x1bb: {  	[tilespmem:s19], [sflag:$0x2] =	stream.indirect.gather [hbm4b:s3+s5], $0x20, s0, s5, $0xb8;
	[tilespmem:$0x13400] =	vst v63  }
0x1bc: {  	s25 =	rddreg [dreg:$0x1a]  }
0x1bd: {  	[tilespmem:s20], [sflag:$0x2] =	stream.indirect.gather [hbm4b:s3+s5], $0x20, s25, s5, $0xb8;
	[tilespmem:$0x13400] =	vst v63  }
0x1be: {  	s0 =	rddreg [dreg:$0x1b]  }
0x1bf: {  	[tilespmem:s21], [sflag:$0x2] =	stream.indirect.gather [hbm4b:s3+s5], $0x20, s0, s5, $0xb8;
	[tilespmem:$0x13400] =	vst v63  }
0x1c0: {  	s25 =	rddreg [dreg:$0x1c]  }
0x1c1: {  	[tilespmem:s22], [sflag:$0x2] =	stream.indirect.gather [hbm4b:s3+s5], $0x20, s25, s5, $0xb8;
	[tilespmem:$0x13400] =	vst v63  }
0x1c2: {  	s0 =	rddreg [dreg:$0x1d]  }
0x1c3: {  	[tilespmem:s23], [sflag:$0x2] =	stream.indirect.gather [hbm4b:s3+s5], $0x20, s0, s5, $0xb8;
	[tilespmem:$0x13400] =	vst v63  }
0x1c4: {  	s25 =	rddreg [dreg:$0x1e]  }
0x1c5: {  	[tilespmem:s24], [sflag:$0x2] =	stream.indirect.gather [hbm4b:s3+s5], $0x20, s25, s5, $0xb8;
	[tilespmem:$0x13400] =	vst v63  }
0x1c6: {  	_ =	swait.ge [sflag:s15], $0x8000  }
0x1c7: {  	[sflag:s15] =	ssyncset.done $0x0  }
0x1c8: {  	s25 =	rddreg [dreg:$0x4];
	[sflag:s15] =	ssyncadd.s32 $0xFFFF8000  }
0x1c9: {  	[hbm4b:s25+s2] =	stream.linear.scatter [tilespmem:s4], [sflag:$0x3], $0x8000, $0x38;
	[tilespmem:$0x13400] =	vst v63  }
0x1ca: {  	_ =	swait.ge [sflag:s14], $0x8000  }
0x1cb: {  	s0 =	rddreg [dreg:$0x1f];
	[sflag:s14] =	ssyncset.done $0x0  }
0x1cc: {  	s25 =	sld [smem:$0x7AC];
	[sflag:s14] =	ssyncadd.s32 $0xFFFF8000  }
0x1cd: {  	[tilespmem:s4], [sflag:$0x1] =	stream.indirect.gather [hbm4b:s3+s5], $0x20, s0, s5, $0xb8;
	[tilespmem:$0x13400] =	vst v63  }
0x1ce: {  	s0 =	sld [smem:$0x7AD]  }
0x1cf: {  	[tilespmem:s6], [sflag:$0x1] =	stream.indirect.gather [hbm4b:s3+s5], $0x20, s25, s5, $0xb8;
	[tilespmem:$0x13400] =	vst v63  }
0x1d0: {  	s25 =	sld [smem:$0x7AE]  }
0x1d1: {  	[tilespmem:s7], [sflag:$0x1] =	stream.indirect.gather [hbm4b:s3+s5], $0x20, s0, s5, $0xb8;
	[tilespmem:$0x13400] =	vst v63  }
0x1d2: {  	s0 =	sld [smem:$0x7AF]  }
0x1d3: {  	[tilespmem:s8], [sflag:$0x1] =	stream.indirect.gather [hbm4b:s3+s5], $0x20, s25, s5, $0xb8;
	[tilespmem:$0x13400] =	vst v63  }
0x1d4: {  	s25 =	sld [smem:$0x7B0]  }
0x1d5: {  	[tilespmem:s9], [sflag:$0x1] =	stream.indirect.gather [hbm4b:s3+s5], $0x20, s0, s5, $0xb8;
	[tilespmem:$0x13400] =	vst v63  }
0x1d6: {  	s0 =	sld [smem:$0x7B1]  }
0x1d7: {  	[tilespmem:s10], [sflag:$0x1] =	stream.indirect.gather [hbm4b:s3+s5], $0x20, s25, s5, $0xb8;
	[tilespmem:$0x13400] =	vst v63  }
0x1d8: {  	s25 =	sld [smem:$0x7B2]  }
0x1d9: {  	[tilespmem:s11], [sflag:$0x1] =	stream.indirect.gather [hbm4b:s3+s5], $0x20, s0, s5, $0xb8;
	[tilespmem:$0x13400] =	vst v63  }
0x1da: {  	_ = 	snop  }
0x1db: {  	[tilespmem:s13], [sflag:$0x1] =	stream.indirect.gather [hbm4b:s3+s5], $0x20, s25, s5, $0xb8;
	[tilespmem:$0x13400] =	vst v63  }
0x1dc: {  	_ =	swait.ge [sflag:s17], $0x8000  }
0x1dd: {  	[sflag:s17] =	ssyncset.done $0x0  }
0x1de: {  	s25 =	rddreg [dreg:$0x5];
	[sflag:s17] =	ssyncadd.s32 $0xFFFF8000  }
0x1df: {  	[hbm4b:s25+s2] =	stream.linear.scatter [tilespmem:s12], [sflag:$0x4], $0x8000, $0x38;
	[tilespmem:$0x13400] =	vst v63  }
0x1e0: {  	_ =	swait.ge [sflag:s16], $0x8000  }
0x1e1: {  	s0 =	sld [smem:$0x7B3]  }
0x1e2: {  	[sflag:s16] =	ssyncset.done $0x0  }
0x1e3: {  	s25 =	sld [smem:$0x7B4];
	[sflag:s16] =	ssyncadd.s32 $0xFFFF8000  }
0x1e4: {  	[tilespmem:s12], [sflag:$0x2] =	stream.indirect.gather [hbm4b:s3+s5], $0x20, s0, s5, $0xb8;
	[tilespmem:$0x13400] =	vst v63  }
0x1e5: {  	s0 =	sld [smem:$0x7B5]  }
0x1e6: {  	[tilespmem:s18], [sflag:$0x2] =	stream.indirect.gather [hbm4b:s3+s5], $0x20, s25, s5, $0xb8;
	[tilespmem:$0x13400] =	vst v63  }
0x1e7: {  	s25 =	sld [smem:$0x7B6]  }
0x1e8: {  	[tilespmem:s19], [sflag:$0x2] =	stream.indirect.gather [hbm4b:s3+s5], $0x20, s0, s5, $0xb8;
	[tilespmem:$0x13400] =	vst v63  }
0x1e9: {  	s0 =	sld [smem:$0x7B7]  }
0x1ea: {  	[tilespmem:s20], [sflag:$0x2] =	stream.indirect.gather [hbm4b:s3+s5], $0x20, s25, s5, $0xb8;
	[tilespmem:$0x13400] =	vst v63  }
0x1eb: {  	s25 =	sld [smem:$0x7B8]  }
0x1ec: {  	[tilespmem:s21], [sflag:$0x2] =	stream.indirect.gather [hbm4b:s3+s5], $0x20, s0, s5, $0xb8;
	[tilespmem:$0x13400] =	vst v63  }
0x1ed: {  	s0 =	sld [smem:$0x7B9]  }
0x1ee: {  	[tilespmem:s22], [sflag:$0x2] =	stream.indirect.gather [hbm4b:s3+s5], $0x20, s25, s5, $0xb8;
	[tilespmem:$0x13400] =	vst v63  }
0x1ef: {  	s25 =	sld [smem:$0x7BA]  }
0x1f0: {  	[tilespmem:s23], [sflag:$0x2] =	stream.indirect.gather [hbm4b:s3+s5], $0x20, s0, s5, $0xb8;
	[tilespmem:$0x13400] =	vst v63  }
0x1f1: {  	_ = 	snop  }
0x1f2: {  	[tilespmem:s24], [sflag:$0x2] =	stream.indirect.gather [hbm4b:s3+s5], $0x20, s25, s5, $0xb8;
	[tilespmem:$0x13400] =	vst v63  }
0x1f3: {  	_ =	swait.ge [sflag:s15], $0x8000  }
0x1f4: {  	[sflag:s15] =	ssyncset.done $0x0  }
0x1f5: {  	s25 =	rddreg [dreg:$0x6];
	[sflag:s15] =	ssyncadd.s32 $0xFFFF8000  }
0x1f6: {  	[hbm4b:s25+s2] =	stream.linear.scatter [tilespmem:s4], [sflag:$0x3], $0x8000, $0x38;
	[tilespmem:$0x13400] =	vst v63  }
0x1f7: {  	_ =	swait.ge [sflag:s14], $0x8000  }
0x1f8: {  	s0 =	sld [smem:$0x7BB]  }
0x1f9: {  	[sflag:s14] =	ssyncset.done $0x0  }
0x1fa: {  	s25 =	sld [smem:$0x7BC];
	[sflag:s14] =	ssyncadd.s32 $0xFFFF8000  }
0x1fb: {  	[tilespmem:s4], [sflag:$0x1] =	stream.indirect.gather [hbm4b:s3+s5], $0x20, s0, s5, $0xb8;
	[tilespmem:$0x13400] =	vst v63  }
0x1fc: {  	s0 =	sld [smem:$0x7BD]  }
0x1fd: {  	[tilespmem:s6], [sflag:$0x1] =	stream.indirect.gather [hbm4b:s3+s5], $0x20, s25, s5, $0xb8;
	[tilespmem:$0x13400] =	vst v63  }
0x1fe: {  	s25 =	sld [smem:$0x7BE]  }
0x1ff: {  	[tilespmem:s7], [sflag:$0x1] =	stream.indirect.gather [hbm4b:s3+s5], $0x20, s0, s5, $0xb8;
	[tilespmem:$0x13400] =	vst v63  }
0x200: {  	s0 =	sld [smem:$0x7BF]  }
0x201: {  	[tilespmem:s8], [sflag:$0x1] =	stream.indirect.gather [hbm4b:s3+s5], $0x20, s25, s5, $0xb8;
	[tilespmem:$0x13400] =	vst v63  }
0x202: {  	s25 =	sld [smem:$0x7C0]  }
0x203: {  	[tilespmem:s9], [sflag:$0x1] =	stream.indirect.gather [hbm4b:s3+s5], $0x20, s0, s5, $0xb8;
	[tilespmem:$0x13400] =	vst v63  }
0x204: {  	s0 =	sld [smem:$0x7C1]  }
0x205: {  	[tilespmem:s10], [sflag:$0x1] =	stream.indirect.gather [hbm4b:s3+s5], $0x20, s25, s5, $0xb8;
	[tilespmem:$0x13400] =	vst v63  }
0x206: {  	s25 =	sld [smem:$0x7C2]  }
0x207: {  	[tilespmem:s11], [sflag:$0x1] =	stream.indirect.gather [hbm4b:s3+s5], $0x20, s0, s5, $0xb8;
	[tilespmem:$0x13400] =	vst v63  }
0x208: {  	_ = 	snop  }
0x209: {  	[tilespmem:s13], [sflag:$0x1] =	stream.indirect.gather [hbm4b:s3+s5], $0x20, s25, s5, $0xb8;
	[tilespmem:$0x13400] =	vst v63  }
0x20a: {  	_ =	swait.ge [sflag:s17], $0x8000  }
0x20b: {  	[sflag:s17] =	ssyncset.done $0x0  }
0x20c: {  	s25 =	rddreg [dreg:$0x7];
	[sflag:s17] =	ssyncadd.s32 $0xFFFF8000  }
0x20d: {  	[hbm4b:s25+s2] =	stream.linear.scatter [tilespmem:s12], [sflag:$0x4], $0x8000, $0x38;
	[tilespmem:$0x13400] =	vst v63  }
0x20e: {  	_ =	swait.ge [sflag:s16], $0x8000  }
0x20f: {  	s0 =	sld [smem:$0x7C3]  }
0x210: {  	[sflag:s16] =	ssyncset.done $0x0  }
0x211: {  	s25 =	sld [smem:$0x7C4];
	[sflag:s16] =	ssyncadd.s32 $0xFFFF8000  }
0x212: {  	[tilespmem:s12], [sflag:$0x2] =	stream.indirect.gather [hbm4b:s3+s5], $0x20, s0, s5, $0xb8;
	[tilespmem:$0x13400] =	vst v63  }
0x213: {  	s0 =	sld [smem:$0x7C5]  }
0x214: {  	[tilespmem:s18], [sflag:$0x2] =	stream.indirect.gather [hbm4b:s3+s5], $0x20, s25, s5, $0xb8;
	[tilespmem:$0x13400] =	vst v63  }
0x215: {  	s25 =	sld [smem:$0x7C6]  }
0x216: {  	[tilespmem:s19], [sflag:$0x2] =	stream.indirect.gather [hbm4b:s3+s5], $0x20, s0, s5, $0xb8;
	[tilespmem:$0x13400] =	vst v63  }
0x217: {  	s0 =	sld [smem:$0x7C7]  }
0x218: {  	[tilespmem:s20], [sflag:$0x2] =	stream.indirect.gather [hbm4b:s3+s5], $0x20, s25, s5, $0xb8;
	[tilespmem:$0x13400] =	vst v63  }
0x219: {  	s25 =	sld [smem:$0x7C8]  }
0x21a: {  	[tilespmem:s21], [sflag:$0x2] =	stream.indirect.gather [hbm4b:s3+s5], $0x20, s0, s5, $0xb8;
	[tilespmem:$0x13400] =	vst v63  }
0x21b: {  	s0 =	sld [smem:$0x7C9]  }
0x21c: {  	[tilespmem:s22], [sflag:$0x2] =	stream.indirect.gather [hbm4b:s3+s5], $0x20, s25, s5, $0xb8;
	[tilespmem:$0x13400] =	vst v63  }
0x21d: {  	s25 =	sld [smem:$0x7CA]  }
0x21e: {  	[tilespmem:s23], [sflag:$0x2] =	stream.indirect.gather [hbm4b:s3+s5], $0x20, s0, s5, $0xb8;
	[tilespmem:$0x13400] =	vst v63  }
0x21f: {  	_ = 	snop  }
0x220: {  	[tilespmem:s24], [sflag:$0x2] =	stream.indirect.gather [hbm4b:s3+s5], $0x20, s25, s5, $0xb8;
	[tilespmem:$0x13400] =	vst v63  }
0x221: {  	_ =	swait.ge [sflag:s15], $0x8000  }
0x222: {  	[sflag:s15] =	ssyncset.done $0x0  }
0x223: {  	s25 =	rddreg [dreg:$0x8];
	[sflag:s15] =	ssyncadd.s32 $0xFFFF8000  }
0x224: {  	[hbm4b:s25+s2] =	stream.linear.scatter [tilespmem:s4], [sflag:$0x3], $0x8000, $0x38;
	[tilespmem:$0x13400] =	vst v63  }
0x225: {  	_ =	swait.ge [sflag:s14], $0x8000  }
0x226: {  	s0 =	sld [smem:$0x7CB]  }
0x227: {  	[sflag:s14] =	ssyncset.done $0x0  }
0x228: {  	s25 =	sld [smem:$0x7CC];
	[sflag:s14] =	ssyncadd.s32 $0xFFFF8000  }
0x229: {  	[tilespmem:s4], [sflag:$0x1] =	stream.indirect.gather [hbm4b:s3+s5], $0x20, s0, s5, $0xb8;
	[tilespmem:$0x13400] =	vst v63  }
0x22a: {  	s0 =	sld [smem:$0x7CD]  }
0x22b: {  	[tilespmem:s6], [sflag:$0x1] =	stream.indirect.gather [hbm4b:s3+s5], $0x20, s25, s5, $0xb8;
	[tilespmem:$0x13400] =	vst v63  }
0x22c: {  	s25 =	sld [smem:$0x7CE]  }
0x22d: {  	[tilespmem:s7], [sflag:$0x1] =	stream.indirect.gather [hbm4b:s3+s5], $0x20, s0, s5, $0xb8;
	[tilespmem:$0x13400] =	vst v63  }
0x22e: {  	s0 =	sld [smem:$0x7CF]  }
0x22f: {  	[tilespmem:s8], [sflag:$0x1] =	stream.indirect.gather [hbm4b:s3+s5], $0x20, s25, s5, $0xb8;
	[tilespmem:$0x13400] =	vst v63  }
0x230: {  	s25 =	sld [smem:$0x7D0]  }
0x231: {  	[tilespmem:s9], [sflag:$0x1] =	stream.indirect.gather [hbm4b:s3+s5], $0x20, s0, s5, $0xb8;
	[tilespmem:$0x13400] =	vst v63  }
0x232: {  	s0 =	sld [smem:$0x7D1]  }
0x233: {  	[tilespmem:s10], [sflag:$0x1] =	stream.indirect.gather [hbm4b:s3+s5], $0x20, s25, s5, $0xb8;
	[tilespmem:$0x13400] =	vst v63  }
0x234: {  	s25 =	sld [smem:$0x7D2]  }
0x235: {  	[tilespmem:s11], [sflag:$0x1] =	stream.indirect.gather [hbm4b:s3+s5], $0x20, s0, s5, $0xb8;
	[tilespmem:$0x13400] =	vst v63  }
0x236: {  	_ = 	snop  }
0x237: {  	[tilespmem:s13], [sflag:$0x1] =	stream.indirect.gather [hbm4b:s3+s5], $0x20, s25, s5, $0xb8;
	[tilespmem:$0x13400] =	vst v63  }
0x238: {  	_ =	swait.ge [sflag:s17], $0x8000  }
0x239: {  	[sflag:s17] =	ssyncset.done $0x0  }
0x23a: {  	s25 =	rddreg [dreg:$0x9];
	[sflag:s17] =	ssyncadd.s32 $0xFFFF8000  }
0x23b: {  	[hbm4b:s25+s2] =	stream.linear.scatter [tilespmem:s12], [sflag:$0x4], $0x8000, $0x38;
	[tilespmem:$0x13400] =	vst v63  }
0x23c: {  	_ =	swait.ge [sflag:s16], $0x8000  }
0x23d: {  	s0 =	sld [smem:$0x7D3]  }
0x23e: {  	[sflag:s16] =	ssyncset.done $0x0  }
0x23f: {  	s25 =	sld [smem:$0x7D4];
	[sflag:s16] =	ssyncadd.s32 $0xFFFF8000  }
0x240: {  	[tilespmem:s12], [sflag:$0x2] =	stream.indirect.gather [hbm4b:s3+s5], $0x20, s0, s5, $0xb8;
	[tilespmem:$0x13400] =	vst v63  }
0x241: {  	s0 =	sld [smem:$0x7D5]  }
0x242: {  	[tilespmem:s18], [sflag:$0x2] =	stream.indirect.gather [hbm4b:s3+s5], $0x20, s25, s5, $0xb8;
	[tilespmem:$0x13400] =	vst v63  }
0x243: {  	s25 =	sld [smem:$0x7D6]  }
0x244: {  	[tilespmem:s19], [sflag:$0x2] =	stream.indirect.gather [hbm4b:s3+s5], $0x20, s0, s5, $0xb8;
	[tilespmem:$0x13400] =	vst v63  }
0x245: {  	s0 =	sld [smem:$0x7D7]  }
0x246: {  	[tilespmem:s20], [sflag:$0x2] =	stream.indirect.gather [hbm4b:s3+s5], $0x20, s25, s5, $0xb8;
	[tilespmem:$0x13400] =	vst v63  }
0x247: {  	s25 =	sld [smem:$0x7D8]  }
0x248: {  	[tilespmem:s21], [sflag:$0x2] =	stream.indirect.gather [hbm4b:s3+s5], $0x20, s0, s5, $0xb8;
	[tilespmem:$0x13400] =	vst v63  }
0x249: {  	s0 =	sld [smem:$0x7D9]  }
0x24a: {  	[tilespmem:s22], [sflag:$0x2] =	stream.indirect.gather [hbm4b:s3+s5], $0x20, s25, s5, $0xb8;
	[tilespmem:$0x13400] =	vst v63  }
0x24b: {  	s25 =	sld [smem:$0x7DA]  }
0x24c: {  	[tilespmem:s23], [sflag:$0x2] =	stream.indirect.gather [hbm4b:s3+s5], $0x20, s0, s5, $0xb8;
	[tilespmem:$0x13400] =	vst v63  }
0x24d: {  	_ = 	snop  }
0x24e: {  	[tilespmem:s24], [sflag:$0x2] =	stream.indirect.gather [hbm4b:s3+s5], $0x20, s25, s5, $0xb8;
	[tilespmem:$0x13400] =	vst v63  }
0x24f: {  	_ =	swait.ge [sflag:s15], $0x8000  }
0x250: {  	[sflag:s15] =	ssyncset.done $0x0  }
0x251: {  	s25 =	rddreg [dreg:$0xa];
	[sflag:s15] =	ssyncadd.s32 $0xFFFF8000  }
0x252: {  	[hbm4b:s25+s2] =	stream.linear.scatter [tilespmem:s4], [sflag:$0x3], $0x8000, $0x38;
	[tilespmem:$0x13400] =	vst v63  }
0x253: {  	_ =	swait.ge [sflag:s14], $0x8000  }
0x254: {  	s0 =	sld [smem:$0x7DB]  }
0x255: {  	[sflag:s14] =	ssyncset.done $0x0  }
0x256: {  	s25 =	sld [smem:$0x7DC];
	[sflag:s14] =	ssyncadd.s32 $0xFFFF8000  }
0x257: {  	[tilespmem:s4], [sflag:$0x1] =	stream.indirect.gather [hbm4b:s3+s5], $0x20, s0, s5, $0xb8;
	[tilespmem:$0x13400] =	vst v63  }
0x258: {  	s0 =	sld [smem:$0x7DD]  }
0x259: {  	[tilespmem:s6], [sflag:$0x1] =	stream.indirect.gather [hbm4b:s3+s5], $0x20, s25, s5, $0xb8;
	[tilespmem:$0x13400] =	vst v63  }
0x25a: {  	s25 =	sld [smem:$0x7DE]  }
0x25b: {  	[tilespmem:s7], [sflag:$0x1] =	stream.indirect.gather [hbm4b:s3+s5], $0x20, s0, s5, $0xb8;
	[tilespmem:$0x13400] =	vst v63  }
0x25c: {  	s0 =	sld [smem:$0x7DF]  }
0x25d: {  	[tilespmem:s8], [sflag:$0x1] =	stream.indirect.gather [hbm4b:s3+s5], $0x20, s25, s5, $0xb8;
	[tilespmem:$0x13400] =	vst v63  }
0x25e: {  	s25 =	sld [smem:$0x7E0]  }
0x25f: {  	[tilespmem:s9], [sflag:$0x1] =	stream.indirect.gather [hbm4b:s3+s5], $0x20, s0, s5, $0xb8;
	[tilespmem:$0x13400] =	vst v63  }
0x260: {  	s0 =	sld [smem:$0x7E1]  }
0x261: {  	[tilespmem:s10], [sflag:$0x1] =	stream.indirect.gather [hbm4b:s3+s5], $0x20, s25, s5, $0xb8;
	[tilespmem:$0x13400] =	vst v63  }
0x262: {  	s25 =	sld [smem:$0x7E2]  }
0x263: {  	[tilespmem:s11], [sflag:$0x1] =	stream.indirect.gather [hbm4b:s3+s5], $0x20, s0, s5, $0xb8;
	[tilespmem:$0x13400] =	vst v63  }
0x264: {  	_ = 	snop  }
0x265: {  	[tilespmem:s13], [sflag:$0x1] =	stream.indirect.gather [hbm4b:s3+s5], $0x20, s25, s5, $0xb8;
	[tilespmem:$0x13400] =	vst v63  }
0x266: {  	_ =	swait.ge [sflag:s17], $0x8000  }
0x267: {  	[sflag:s17] =	ssyncset.done $0x0  }
0x268: {  	s25 =	rddreg [dreg:$0xb];
	[sflag:s17] =	ssyncadd.s32 $0xFFFF8000  }
0x269: {  	[hbm4b:s25+s2] =	stream.linear.scatter [tilespmem:s12], [sflag:$0x4], $0x8000, $0x38;
	[tilespmem:$0x13400] =	vst v63  }
0x26a: {  	_ =	swait.ge [sflag:s16], $0x8000  }
0x26b: {  	s0 =	sld [smem:$0x7E3]  }
0x26c: {  	[sflag:s16] =	ssyncset.done $0x0  }
0x26d: {  	s25 =	sld [smem:$0x7E4];
	[sflag:s16] =	ssyncadd.s32 $0xFFFF8000  }
0x26e: {  	[tilespmem:s12], [sflag:$0x2] =	stream.indirect.gather [hbm4b:s3+s5], $0x20, s0, s5, $0xb8;
	[tilespmem:$0x13400] =	vst v63  }
0x26f: {  	s0 =	sld [smem:$0x7E5]  }
0x270: {  	[tilespmem:s18], [sflag:$0x2] =	stream.indirect.gather [hbm4b:s3+s5], $0x20, s25, s5, $0xb8;
	[tilespmem:$0x13400] =	vst v63  }
0x271: {  	s25 =	sld [smem:$0x7E6]  }
0x272: {  	[tilespmem:s19], [sflag:$0x2] =	stream.indirect.gather [hbm4b:s3+s5], $0x20, s0, s5, $0xb8;
	[tilespmem:$0x13400] =	vst v63  }
0x273: {  	s0 =	sld [smem:$0x7E7]  }
0x274: {  	[tilespmem:s20], [sflag:$0x2] =	stream.indirect.gather [hbm4b:s3+s5], $0x20, s25, s5, $0xb8;
	[tilespmem:$0x13400] =	vst v63  }
0x275: {  	s25 =	sld [smem:$0x7E8]  }
0x276: {  	[tilespmem:s21], [sflag:$0x2] =	stream.indirect.gather [hbm4b:s3+s5], $0x20, s0, s5, $0xb8;
	[tilespmem:$0x13400] =	vst v63  }
0x277: {  	s0 =	sld [smem:$0x7E9]  }
0x278: {  	[tilespmem:s22], [sflag:$0x2] =	stream.indirect.gather [hbm4b:s3+s5], $0x20, s25, s5, $0xb8;
	[tilespmem:$0x13400] =	vst v63  }
0x279: {  	s25 =	sld [smem:$0x7EA]  }
0x27a: {  	[tilespmem:s23], [sflag:$0x2] =	stream.indirect.gather [hbm4b:s3+s5], $0x20, s0, s5, $0xb8;
	[tilespmem:$0x13400] =	vst v63  }
0x27b: {  	_ = 	snop  }
0x27c: {  	[tilespmem:s24], [sflag:$0x2] =	stream.indirect.gather [hbm4b:s3+s5], $0x20, s25, s5, $0xb8;
	[tilespmem:$0x13400] =	vst v63  }
0x27d: {  	_ =	swait.ge [sflag:s15], $0x8000  }
0x27e: {  	[sflag:s15] =	ssyncset.done $0x0  }
0x27f: {  	s25 =	rddreg [dreg:$0xc];
	[sflag:s15] =	ssyncadd.s32 $0xFFFF8000  }
0x280: {  	[hbm4b:s25+s2] =	stream.linear.scatter [tilespmem:s4], [sflag:$0x3], $0x8000, $0x38;
	[tilespmem:$0x13400] =	vst v63  }
0x281: {  	_ =	swait.ge [sflag:s14], $0x8000  }
0x282: {  	s0 =	sld [smem:$0x7EB]  }
0x283: {  	[sflag:s14] =	ssyncset.done $0x0  }
0x284: {  	s25 =	sld [smem:$0x7EC];
	[sflag:s14] =	ssyncadd.s32 $0xFFFF8000  }
0x285: {  	[tilespmem:s4], [sflag:$0x1] =	stream.indirect.gather [hbm4b:s3+s5], $0x20, s0, s5, $0xb8;
	[tilespmem:$0x13400] =	vst v63  }
0x286: {  	s0 =	sld [smem:$0x7ED]  }
0x287: {  	[tilespmem:s6], [sflag:$0x1] =	stream.indirect.gather [hbm4b:s3+s5], $0x20, s25, s5, $0xb8;
	[tilespmem:$0x13400] =	vst v63  }
0x288: {  	s25 =	sld [smem:$0x7EE]  }
0x289: {  	[tilespmem:s7], [sflag:$0x1] =	stream.indirect.gather [hbm4b:s3+s5], $0x20, s0, s5, $0xb8;
	[tilespmem:$0x13400] =	vst v63  }
0x28a: {  	s0 =	sld [smem:$0x7EF]  }
0x28b: {  	[tilespmem:s8], [sflag:$0x1] =	stream.indirect.gather [hbm4b:s3+s5], $0x20, s25, s5, $0xb8;
	[tilespmem:$0x13400] =	vst v63  }
0x28c: {  	s25 =	sld [smem:$0x7F0]  }
0x28d: {  	[tilespmem:s9], [sflag:$0x1] =	stream.indirect.gather [hbm4b:s3+s5], $0x20, s0, s5, $0xb8;
	[tilespmem:$0x13400] =	vst v63  }
0x28e: {  	s0 =	sld [smem:$0x7F1]  }
0x28f: {  	[tilespmem:s10], [sflag:$0x1] =	stream.indirect.gather [hbm4b:s3+s5], $0x20, s25, s5, $0xb8;
	[tilespmem:$0x13400] =	vst v63  }
0x290: {  	s25 =	sld [smem:$0x7F2]  }
0x291: {  	[tilespmem:s11], [sflag:$0x1] =	stream.indirect.gather [hbm4b:s3+s5], $0x20, s0, s5, $0xb8;
	[tilespmem:$0x13400] =	vst v63  }
0x292: {  	_ = 	snop  }
0x293: {  	[tilespmem:s13], [sflag:$0x1] =	stream.indirect.gather [hbm4b:s3+s5], $0x20, s25, s5, $0xb8;
	[tilespmem:$0x13400] =	vst v63  }
0x294: {  	_ =	swait.ge [sflag:s17], $0x8000  }
0x295: {  	[sflag:s17] =	ssyncset.done $0x0  }
0x296: {  	s25 =	rddreg [dreg:$0xd];
	[sflag:s17] =	ssyncadd.s32 $0xFFFF8000  }
0x297: {  	[hbm4b:s25+s2] =	stream.linear.scatter [tilespmem:s12], [sflag:$0x4], $0x8000, $0x38;
	[tilespmem:$0x13400] =	vst v63  }
0x298: {  	_ =	swait.ge [sflag:s16], $0x8000  }
0x299: {  	s0 =	sld [smem:$0x7F3]  }
0x29a: {  	[sflag:s16] =	ssyncset.done $0x0  }
0x29b: {  	s25 =	sld [smem:$0x7F4];
	[sflag:s16] =	ssyncadd.s32 $0xFFFF8000  }
0x29c: {  	[tilespmem:s12], [sflag:$0x2] =	stream.indirect.gather [hbm4b:s3+s5], $0x20, s0, s5, $0xb8;
	[tilespmem:$0x13400] =	vst v63  }
0x29d: {  	s0 =	sld [smem:$0x7F5]  }
0x29e: {  	[tilespmem:s18], [sflag:$0x2] =	stream.indirect.gather [hbm4b:s3+s5], $0x20, s25, s5, $0xb8;
	[tilespmem:$0x13400] =	vst v63  }
0x29f: {  	s25 =	sld [smem:$0x7F6]  }
0x2a0: {  	[tilespmem:s19], [sflag:$0x2] =	stream.indirect.gather [hbm4b:s3+s5], $0x20, s0, s5, $0xb8;
	[tilespmem:$0x13400] =	vst v63  }
0x2a1: {  	s0 =	sld [smem:$0x7F7]  }
0x2a2: {  	[tilespmem:s20], [sflag:$0x2] =	stream.indirect.gather [hbm4b:s3+s5], $0x20, s25, s5, $0xb8;
	[tilespmem:$0x13400] =	vst v63  }
0x2a3: {  	s25 =	sld [smem:$0x7F8]  }
0x2a4: {  	[tilespmem:s21], [sflag:$0x2] =	stream.indirect.gather [hbm4b:s3+s5], $0x20, s0, s5, $0xb8;
	[tilespmem:$0x13400] =	vst v63  }
0x2a5: {  	s0 =	sld [smem:$0x7F9]  }
0x2a6: {  	[tilespmem:s22], [sflag:$0x2] =	stream.indirect.gather [hbm4b:s3+s5], $0x20, s25, s5, $0xb8;
	[tilespmem:$0x13400] =	vst v63  }
0x2a7: {  	s25 =	sld [smem:$0x7FA]  }
0x2a8: {  	[tilespmem:s23], [sflag:$0x2] =	stream.indirect.gather [hbm4b:s3+s5], $0x20, s0, s5, $0xb8;
	[tilespmem:$0x13400] =	vst v63  }
0x2a9: {  	_ = 	snop  }
0x2aa: {  	[tilespmem:s24], [sflag:$0x2] =	stream.indirect.gather [hbm4b:s3+s5], $0x20, s25, s5, $0xb8;
	[tilespmem:$0x13400] =	vst v63  }
0x2ab: {  	_ =	swait.ge [sflag:s15], $0x8000  }
0x2ac: {  	[sflag:s15] =	ssyncset.done $0x0  }
0x2ad: {  	s25 =	rddreg [dreg:$0xe];
	[sflag:s15] =	ssyncadd.s32 $0xFFFF8000  }
0x2ae: {  	[hbm4b:s25+s2] =	stream.linear.scatter [tilespmem:s4], [sflag:$0x3], $0x8000, $0x38;
	[tilespmem:$0x13400] =	vst v63  }
0x2af: {  	_ =	swait.ge [sflag:s14], $0x8000  }
0x2b0: {  	s0 =	sld [smem:$0x7FB]  }
0x2b1: {  	[sflag:s14] =	ssyncset.done $0x0  }
0x2b2: {  	s25 =	sld [smem:$0x7FC];
	[sflag:s14] =	ssyncadd.s32 $0xFFFF8000  }
0x2b3: {  	[tilespmem:s4], [sflag:$0x1] =	stream.indirect.gather [hbm4b:s3+s5], $0x20, s0, s5, $0xb8;
	[tilespmem:$0x13400] =	vst v63  }
0x2b4: {  	s0 =	sld [smem:$0x7FD]  }
0x2b5: {  	[tilespmem:s6], [sflag:$0x1] =	stream.indirect.gather [hbm4b:s3+s5], $0x20, s25, s5, $0xb8;
	[tilespmem:$0x13400] =	vst v63  }
0x2b6: {  	_ = 	snop  }
0x2b7: {  	[tilespmem:s7], [sflag:$0x1] =	stream.indirect.gather [hbm4b:s3+s5], $0x20, s0, s5, $0xb8;
	[tilespmem:$0x13400] =	vst v63  }
0x2b8: {  	s25 =	simm.s32 $0x3180  }
0x2b9: {  	[tilespmem:s8], [sflag:$0x1] =	stream.indirect.gather [hbm4b:s3+s5], $0x20, s25, s5, $0xb8;
	[tilespmem:$0x13400] =	vst v63  }
0x2ba: {  	_ = 	snop  }
0x2bb: {  	[tilespmem:s9], [sflag:$0x1] =	stream.indirect.gather [hbm4b:s3+s5], $0x20, s28, s5, $0xb8;
	[tilespmem:$0x13400] =	vst v63  }
0x2bc: {  	_ = 	snop  }
0x2bd: {  	[tilespmem:s10], [sflag:$0x1] =	stream.indirect.gather [hbm4b:s3+s5], $0x20, s29, s5, $0xb8;
	[tilespmem:$0x13400] =	vst v63  }
0x2be: {  	_ = 	snop  }
0x2bf: {  	[tilespmem:s11], [sflag:$0x1] =	stream.indirect.gather [hbm4b:s3+s5], $0x20, s30, s5, $0xb8;
	[tilespmem:$0x13400] =	vst v63  }
0x2c0: {  	_ = 	snop  }
0x2c1: {  	[tilespmem:s13], [sflag:$0x1] =	stream.indirect.gather [hbm4b:s3+s5], $0x20, s26, s5, $0xb8;
	[tilespmem:$0x13400] =	vst v63  }
0x2c2: {  	_ =	swait.ge [sflag:s17], $0x8000  }
0x2c3: {  	[sflag:s17] =	ssyncset.done $0x0  }
0x2c4: {  	s25 =	rddreg [dreg:$0xf];
	[sflag:s17] =	ssyncadd.s32 $0xFFFF8000  }
0x2c5: {  	[hbm4b:s25+s2] =	stream.linear.scatter [tilespmem:s12], [sflag:$0x4], $0x8000, $0x38;
	[tilespmem:$0x13400] =	vst v63  }
0x2c6: {  	_ =	swait.ge [sflag:s15], $0x8000  }
0x2c7: {  	[sflag:s15] =	ssyncset.done $0x0  }
0x2c8: {  	p1 =	sne.s32 s1, $0x1;
	s25 =	rddreg [dreg:$0x10];
	[sflag:s15] =	ssyncadd.s32 $0xFFFF8000  }
0x2c9: {  	[hbm4b:s25+s2] =	stream.linear.scatter [tilespmem:s4], [sflag:$0x3], $0x8000, $0x38;
	[tilespmem:$0x13400] =	vst v63  }
.Ltmp2:
0x2ca: {  	_ =	swait.ge [sflag:s14], $0x8000;
	(pc) =	sbr.rel @p1 .LBB2_4-.Ltmp2, $4  }
0x2cb: {  	[sflag:s14] =	ssyncset.done $0x0  }
0x2cc: {  	[sflag:s14] =	ssyncadd.s32 $0xFFFF8000  }
0x2cd: {  	_ =	swait.ge [sflag:s16], $0x8000  }
0x2ce: {  	s1 =	sadd.s32 $0xFFFFFFFF, s1;
	s0 =	rddreg [dreg:$0x3];
	[sflag:s16] =	ssyncset.done $0x0  }
0x2cf: {  	s30 =	simm.s32 $0x3300;
	s29 =	simm.s32 $0x3280  }
0x2d0: {  	s28 =	simm.s32 $0x3200;
	s26 =	simm.s32 $0x3180;
	s25 =	stileid.u32  }
.LBB2_6:
0x2d1: {  	[sflag:s16] =	ssyncadd.s32 @p0 $0xFFFF8000  }
0x2d2: {  	[tilespmem:s2], [sflag:$0x5] =	stream.linear.gather [hbm4b:s0+s2], $0x3400, $0x38;
	[tilespmem:$0x13400] =	vst v63  }
0x2d3: {  	_ =	swait.ge [sflag:s31], $0x3400  }
0x2d4: {  	[sflag:s31] =	ssyncset.done $0x0  }
0x2d5: {  	[sflag:s31] =	ssyncadd.s32 $0xFFFFCC00  }
0x2d6: {  	[tilespmem:s4], [sflag:$0x1] =	stream.indirect.gather [hbm4b:s3+s5], $0x20, s2, s5, $0xb8;
	[tilespmem:$0x13400] =	vst v63  }
0x2d7: {  	_ = 	snop  }
0x2d8: {  	[tilespmem:s6], [sflag:$0x1] =	stream.indirect.gather [hbm4b:s3+s5], $0x20, s5, s5, $0xb8;
	[tilespmem:$0x13400] =	vst v63  }
0x2d9: {  	s31 =	rddreg [dreg:$0x11]  }
0x2da: {  	[tilespmem:s7], [sflag:$0x1] =	stream.indirect.gather [hbm4b:s3+s5], $0x20, s31, s5, $0xb8;
	[tilespmem:$0x13400] =	vst v63  }
0x2db: {  	s1 =	rddreg [dreg:$0x12]  }
0x2dc: {  	[tilespmem:s8], [sflag:$0x1] =	stream.indirect.gather [hbm4b:s3+s5], $0x20, s1, s5, $0xb8;
	[tilespmem:$0x13400] =	vst v63  }
0x2dd: {  	s0 =	rddreg [dreg:$0x13]  }
0x2de: {  	[tilespmem:s9], [sflag:$0x1] =	stream.indirect.gather [hbm4b:s3+s5], $0x20, s0, s5, $0xb8;
	[tilespmem:$0x13400] =	vst v63  }
0x2df: {  	s31 =	rddreg [dreg:$0x14]  }
0x2e0: {  	[tilespmem:s10], [sflag:$0x1] =	stream.indirect.gather [hbm4b:s3+s5], $0x20, s31, s5, $0xb8;
	[tilespmem:$0x13400] =	vst v63  }
0x2e1: {  	s0 =	rddreg [dreg:$0x15]  }
0x2e2: {  	[tilespmem:s11], [sflag:$0x1] =	stream.indirect.gather [hbm4b:s3+s5], $0x20, s0, s5, $0xb8;
	[tilespmem:$0x13400] =	vst v63  }
0x2e3: {  	s31 =	rddreg [dreg:$0x16]  }
0x2e4: {  	[tilespmem:s13], [sflag:$0x1] =	stream.indirect.gather [hbm4b:s3+s5], $0x20, s31, s5, $0xb8;
	[tilespmem:$0x13400] =	vst v63  }
0x2e5: {  	s0 =	rddreg [dreg:$0x17]  }
0x2e6: {  	[tilespmem:s12], [sflag:$0x2] =	stream.indirect.gather [hbm4b:s3+s5], $0x20, s0, s5, $0xb8;
	[tilespmem:$0x13400] =	vst v63  }
0x2e7: {  	s31 =	rddreg [dreg:$0x18]  }
0x2e8: {  	[tilespmem:s18], [sflag:$0x2] =	stream.indirect.gather [hbm4b:s3+s5], $0x20, s31, s5, $0xb8;
	[tilespmem:$0x13400] =	vst v63  }
0x2e9: {  	s0 =	rddreg [dreg:$0x19]  }
0x2ea: {  	[tilespmem:s19], [sflag:$0x2] =	stream.indirect.gather [hbm4b:s3+s5], $0x20, s0, s5, $0xb8;
	[tilespmem:$0x13400] =	vst v63  }
0x2eb: {  	s31 =	rddreg [dreg:$0x1a]  }
0x2ec: {  	[tilespmem:s20], [sflag:$0x2] =	stream.indirect.gather [hbm4b:s3+s5], $0x20, s31, s5, $0xb8;
	[tilespmem:$0x13400] =	vst v63  }
0x2ed: {  	s0 =	rddreg [dreg:$0x1b]  }
0x2ee: {  	[tilespmem:s21], [sflag:$0x2] =	stream.indirect.gather [hbm4b:s3+s5], $0x20, s0, s5, $0xb8;
	[tilespmem:$0x13400] =	vst v63  }
0x2ef: {  	s31 =	rddreg [dreg:$0x1c]  }
0x2f0: {  	[tilespmem:s22], [sflag:$0x2] =	stream.indirect.gather [hbm4b:s3+s5], $0x20, s31, s5, $0xb8;
	[tilespmem:$0x13400] =	vst v63  }
0x2f1: {  	s0 =	rddreg [dreg:$0x1d]  }
0x2f2: {  	[tilespmem:s23], [sflag:$0x2] =	stream.indirect.gather [hbm4b:s3+s5], $0x20, s0, s5, $0xb8;
	[tilespmem:$0x13400] =	vst v63  }
0x2f3: {  	s31 =	rddreg [dreg:$0x1e]  }
0x2f4: {  	[tilespmem:s24], [sflag:$0x2] =	stream.indirect.gather [hbm4b:s3+s5], $0x20, s31, s5, $0xb8;
	[tilespmem:$0x13400] =	vst v63  }
0x2f5: {  	_ =	swait.ge [sflag:s15], $0x8000  }
0x2f6: {  	[sflag:s15] =	ssyncset.done $0x0  }
0x2f7: {  	s31 =	rddreg [dreg:$0x4];
	[sflag:s15] =	ssyncadd.s32 $0xFFFF8000  }
0x2f8: {  	[hbm4b:s31+s2] =	stream.linear.scatter [tilespmem:s4], [sflag:$0x3], $0x8000, $0x38;
	[tilespmem:$0x13400] =	vst v63  }
0x2f9: {  	_ =	swait.ge [sflag:s14], $0x8000  }
0x2fa: {  	s1 =	rddreg [dreg:$0x1f];
	[sflag:s14] =	ssyncset.done $0x0  }
0x2fb: {  	s31 =	sld [smem:$0x7AC];
	[sflag:s14] =	ssyncadd.s32 $0xFFFF8000  }
0x2fc: {  	[tilespmem:s4], [sflag:$0x1] =	stream.indirect.gather [hbm4b:s3+s5], $0x20, s1, s5, $0xb8;
	[tilespmem:$0x13400] =	vst v63  }
0x2fd: {  	s0 =	sld [smem:$0x7AD]  }
0x2fe: {  	[tilespmem:s6], [sflag:$0x1] =	stream.indirect.gather [hbm4b:s3+s5], $0x20, s31, s5, $0xb8;
	[tilespmem:$0x13400] =	vst v63  }
0x2ff: {  	s31 =	sld [smem:$0x7AE]  }
0x300: {  	[tilespmem:s7], [sflag:$0x1] =	stream.indirect.gather [hbm4b:s3+s5], $0x20, s0, s5, $0xb8;
	[tilespmem:$0x13400] =	vst v63  }
0x301: {  	s0 =	sld [smem:$0x7AF]  }
0x302: {  	[tilespmem:s8], [sflag:$0x1] =	stream.indirect.gather [hbm4b:s3+s5], $0x20, s31, s5, $0xb8;
	[tilespmem:$0x13400] =	vst v63  }
0x303: {  	s31 =	sld [smem:$0x7B0]  }
0x304: {  	[tilespmem:s9], [sflag:$0x1] =	stream.indirect.gather [hbm4b:s3+s5], $0x20, s0, s5, $0xb8;
	[tilespmem:$0x13400] =	vst v63  }
0x305: {  	s0 =	sld [smem:$0x7B1]  }
0x306: {  	[tilespmem:s10], [sflag:$0x1] =	stream.indirect.gather [hbm4b:s3+s5], $0x20, s31, s5, $0xb8;
	[tilespmem:$0x13400] =	vst v63  }
0x307: {  	s31 =	sld [smem:$0x7B2]  }
0x308: {  	[tilespmem:s11], [sflag:$0x1] =	stream.indirect.gather [hbm4b:s3+s5], $0x20, s0, s5, $0xb8;
	[tilespmem:$0x13400] =	vst v63  }
0x309: {  	_ = 	snop  }
0x30a: {  	[tilespmem:s13], [sflag:$0x1] =	stream.indirect.gather [hbm4b:s3+s5], $0x20, s31, s5, $0xb8;
	[tilespmem:$0x13400] =	vst v63  }
0x30b: {  	_ =	swait.ge [sflag:s17], $0x8000  }
0x30c: {  	[sflag:s17] =	ssyncset.done $0x0  }
0x30d: {  	s31 =	rddreg [dreg:$0x5];
	[sflag:s17] =	ssyncadd.s32 $0xFFFF8000  }
0x30e: {  	[hbm4b:s31+s2] =	stream.linear.scatter [tilespmem:s12], [sflag:$0x4], $0x8000, $0x38;
	[tilespmem:$0x13400] =	vst v63  }
0x30f: {  	_ =	swait.ge [sflag:s16], $0x8000  }
0x310: {  	s1 =	sld [smem:$0x7B3]  }
0x311: {  	[sflag:s16] =	ssyncset.done $0x0  }
0x312: {  	s31 =	sld [smem:$0x7B4];
	[sflag:s16] =	ssyncadd.s32 $0xFFFF8000  }
0x313: {  	[tilespmem:s12], [sflag:$0x2] =	stream.indirect.gather [hbm4b:s3+s5], $0x20, s1, s5, $0xb8;
	[tilespmem:$0x13400] =	vst v63  }
0x314: {  	s0 =	sld [smem:$0x7B5]  }
0x315: {  	[tilespmem:s18], [sflag:$0x2] =	stream.indirect.gather [hbm4b:s3+s5], $0x20, s31, s5, $0xb8;
	[tilespmem:$0x13400] =	vst v63  }
0x316: {  	s31 =	sld [smem:$0x7B6]  }
0x317: {  	[tilespmem:s19], [sflag:$0x2] =	stream.indirect.gather [hbm4b:s3+s5], $0x20, s0, s5, $0xb8;
	[tilespmem:$0x13400] =	vst v63  }
0x318: {  	s0 =	sld [smem:$0x7B7]  }
0x319: {  	[tilespmem:s20], [sflag:$0x2] =	stream.indirect.gather [hbm4b:s3+s5], $0x20, s31, s5, $0xb8;
	[tilespmem:$0x13400] =	vst v63  }
0x31a: {  	s31 =	sld [smem:$0x7B8]  }
0x31b: {  	[tilespmem:s21], [sflag:$0x2] =	stream.indirect.gather [hbm4b:s3+s5], $0x20, s0, s5, $0xb8;
	[tilespmem:$0x13400] =	vst v63  }
0x31c: {  	s0 =	sld [smem:$0x7B9]  }
0x31d: {  	[tilespmem:s22], [sflag:$0x2] =	stream.indirect.gather [hbm4b:s3+s5], $0x20, s31, s5, $0xb8;
	[tilespmem:$0x13400] =	vst v63  }
0x31e: {  	s31 =	sld [smem:$0x7BA]  }
0x31f: {  	[tilespmem:s23], [sflag:$0x2] =	stream.indirect.gather [hbm4b:s3+s5], $0x20, s0, s5, $0xb8;
	[tilespmem:$0x13400] =	vst v63  }
0x320: {  	_ = 	snop  }
0x321: {  	[tilespmem:s24], [sflag:$0x2] =	stream.indirect.gather [hbm4b:s3+s5], $0x20, s31, s5, $0xb8;
	[tilespmem:$0x13400] =	vst v63  }
0x322: {  	_ =	swait.ge [sflag:s15], $0x8000  }
0x323: {  	[sflag:s15] =	ssyncset.done $0x0  }
0x324: {  	s31 =	rddreg [dreg:$0x6];
	[sflag:s15] =	ssyncadd.s32 $0xFFFF8000  }
0x325: {  	[hbm4b:s31+s2] =	stream.linear.scatter [tilespmem:s4], [sflag:$0x3], $0x8000, $0x38;
	[tilespmem:$0x13400] =	vst v63  }
0x326: {  	_ =	swait.ge [sflag:s14], $0x8000  }
0x327: {  	s1 =	sld [smem:$0x7BB]  }
0x328: {  	[sflag:s14] =	ssyncset.done $0x0  }
0x329: {  	s31 =	sld [smem:$0x7BC];
	[sflag:s14] =	ssyncadd.s32 $0xFFFF8000  }
0x32a: {  	[tilespmem:s4], [sflag:$0x1] =	stream.indirect.gather [hbm4b:s3+s5], $0x20, s1, s5, $0xb8;
	[tilespmem:$0x13400] =	vst v63  }
0x32b: {  	s0 =	sld [smem:$0x7BD]  }
0x32c: {  	[tilespmem:s6], [sflag:$0x1] =	stream.indirect.gather [hbm4b:s3+s5], $0x20, s31, s5, $0xb8;
	[tilespmem:$0x13400] =	vst v63  }
0x32d: {  	s31 =	sld [smem:$0x7BE]  }
0x32e: {  	[tilespmem:s7], [sflag:$0x1] =	stream.indirect.gather [hbm4b:s3+s5], $0x20, s0, s5, $0xb8;
	[tilespmem:$0x13400] =	vst v63  }
0x32f: {  	s0 =	sld [smem:$0x7BF]  }
0x330: {  	[tilespmem:s8], [sflag:$0x1] =	stream.indirect.gather [hbm4b:s3+s5], $0x20, s31, s5, $0xb8;
	[tilespmem:$0x13400] =	vst v63  }
0x331: {  	s31 =	sld [smem:$0x7C0]  }
0x332: {  	[tilespmem:s9], [sflag:$0x1] =	stream.indirect.gather [hbm4b:s3+s5], $0x20, s0, s5, $0xb8;
	[tilespmem:$0x13400] =	vst v63  }
0x333: {  	s0 =	sld [smem:$0x7C1]  }
0x334: {  	[tilespmem:s10], [sflag:$0x1] =	stream.indirect.gather [hbm4b:s3+s5], $0x20, s31, s5, $0xb8;
	[tilespmem:$0x13400] =	vst v63  }
0x335: {  	s31 =	sld [smem:$0x7C2]  }
0x336: {  	[tilespmem:s11], [sflag:$0x1] =	stream.indirect.gather [hbm4b:s3+s5], $0x20, s0, s5, $0xb8;
	[tilespmem:$0x13400] =	vst v63  }
0x337: {  	_ = 	snop  }
0x338: {  	[tilespmem:s13], [sflag:$0x1] =	stream.indirect.gather [hbm4b:s3+s5], $0x20, s31, s5, $0xb8;
	[tilespmem:$0x13400] =	vst v63  }
0x339: {  	_ =	swait.ge [sflag:s17], $0x8000  }
0x33a: {  	[sflag:s17] =	ssyncset.done $0x0  }
0x33b: {  	s31 =	rddreg [dreg:$0x7];
	[sflag:s17] =	ssyncadd.s32 $0xFFFF8000  }
0x33c: {  	[hbm4b:s31+s2] =	stream.linear.scatter [tilespmem:s12], [sflag:$0x4], $0x8000, $0x38;
	[tilespmem:$0x13400] =	vst v63  }
0x33d: {  	_ =	swait.ge [sflag:s16], $0x8000  }
0x33e: {  	s1 =	sld [smem:$0x7C3]  }
0x33f: {  	[sflag:s16] =	ssyncset.done $0x0  }
0x340: {  	s31 =	sld [smem:$0x7C4];
	[sflag:s16] =	ssyncadd.s32 $0xFFFF8000  }
0x341: {  	[tilespmem:s12], [sflag:$0x2] =	stream.indirect.gather [hbm4b:s3+s5], $0x20, s1, s5, $0xb8;
	[tilespmem:$0x13400] =	vst v63  }
0x342: {  	s0 =	sld [smem:$0x7C5]  }
0x343: {  	[tilespmem:s18], [sflag:$0x2] =	stream.indirect.gather [hbm4b:s3+s5], $0x20, s31, s5, $0xb8;
	[tilespmem:$0x13400] =	vst v63  }
0x344: {  	s31 =	sld [smem:$0x7C6]  }
0x345: {  	[tilespmem:s19], [sflag:$0x2] =	stream.indirect.gather [hbm4b:s3+s5], $0x20, s0, s5, $0xb8;
	[tilespmem:$0x13400] =	vst v63  }
0x346: {  	s0 =	sld [smem:$0x7C7]  }
0x347: {  	[tilespmem:s20], [sflag:$0x2] =	stream.indirect.gather [hbm4b:s3+s5], $0x20, s31, s5, $0xb8;
	[tilespmem:$0x13400] =	vst v63  }
0x348: {  	s31 =	sld [smem:$0x7C8]  }
0x349: {  	[tilespmem:s21], [sflag:$0x2] =	stream.indirect.gather [hbm4b:s3+s5], $0x20, s0, s5, $0xb8;
	[tilespmem:$0x13400] =	vst v63  }
0x34a: {  	s0 =	sld [smem:$0x7C9]  }
0x34b: {  	[tilespmem:s22], [sflag:$0x2] =	stream.indirect.gather [hbm4b:s3+s5], $0x20, s31, s5, $0xb8;
	[tilespmem:$0x13400] =	vst v63  }
0x34c: {  	s31 =	sld [smem:$0x7CA]  }
0x34d: {  	[tilespmem:s23], [sflag:$0x2] =	stream.indirect.gather [hbm4b:s3+s5], $0x20, s0, s5, $0xb8;
	[tilespmem:$0x13400] =	vst v63  }
0x34e: {  	_ = 	snop  }
0x34f: {  	[tilespmem:s24], [sflag:$0x2] =	stream.indirect.gather [hbm4b:s3+s5], $0x20, s31, s5, $0xb8;
	[tilespmem:$0x13400] =	vst v63  }
0x350: {  	_ =	swait.ge [sflag:s15], $0x8000  }
0x351: {  	[sflag:s15] =	ssyncset.done $0x0  }
0x352: {  	s31 =	rddreg [dreg:$0x8];
	[sflag:s15] =	ssyncadd.s32 $0xFFFF8000  }
0x353: {  	[hbm4b:s31+s2] =	stream.linear.scatter [tilespmem:s4], [sflag:$0x3], $0x8000, $0x38;
	[tilespmem:$0x13400] =	vst v63  }
0x354: {  	_ =	swait.ge [sflag:s14], $0x8000  }
0x355: {  	s1 =	sld [smem:$0x7CB]  }
0x356: {  	[sflag:s14] =	ssyncset.done $0x0  }
0x357: {  	s31 =	sld [smem:$0x7CC];
	[sflag:s14] =	ssyncadd.s32 $0xFFFF8000  }
0x358: {  	[tilespmem:s4], [sflag:$0x1] =	stream.indirect.gather [hbm4b:s3+s5], $0x20, s1, s5, $0xb8;
	[tilespmem:$0x13400] =	vst v63  }
0x359: {  	s0 =	sld [smem:$0x7CD]  }
0x35a: {  	[tilespmem:s6], [sflag:$0x1] =	stream.indirect.gather [hbm4b:s3+s5], $0x20, s31, s5, $0xb8;
	[tilespmem:$0x13400] =	vst v63  }
0x35b: {  	s31 =	sld [smem:$0x7CE]  }
0x35c: {  	[tilespmem:s7], [sflag:$0x1] =	stream.indirect.gather [hbm4b:s3+s5], $0x20, s0, s5, $0xb8;
	[tilespmem:$0x13400] =	vst v63  }
0x35d: {  	s0 =	sld [smem:$0x7CF]  }
0x35e: {  	[tilespmem:s8], [sflag:$0x1] =	stream.indirect.gather [hbm4b:s3+s5], $0x20, s31, s5, $0xb8;
	[tilespmem:$0x13400] =	vst v63  }
0x35f: {  	s31 =	sld [smem:$0x7D0]  }
0x360: {  	[tilespmem:s9], [sflag:$0x1] =	stream.indirect.gather [hbm4b:s3+s5], $0x20, s0, s5, $0xb8;
	[tilespmem:$0x13400] =	vst v63  }
0x361: {  	s0 =	sld [smem:$0x7D1]  }
0x362: {  	[tilespmem:s10], [sflag:$0x1] =	stream.indirect.gather [hbm4b:s3+s5], $0x20, s31, s5, $0xb8;
	[tilespmem:$0x13400] =	vst v63  }
0x363: {  	s31 =	sld [smem:$0x7D2]  }
0x364: {  	[tilespmem:s11], [sflag:$0x1] =	stream.indirect.gather [hbm4b:s3+s5], $0x20, s0, s5, $0xb8;
	[tilespmem:$0x13400] =	vst v63  }
0x365: {  	_ = 	snop  }
0x366: {  	[tilespmem:s13], [sflag:$0x1] =	stream.indirect.gather [hbm4b:s3+s5], $0x20, s31, s5, $0xb8;
	[tilespmem:$0x13400] =	vst v63  }
0x367: {  	_ =	swait.ge [sflag:s17], $0x8000  }
0x368: {  	[sflag:s17] =	ssyncset.done $0x0  }
0x369: {  	s31 =	rddreg [dreg:$0x9];
	[sflag:s17] =	ssyncadd.s32 $0xFFFF8000  }
0x36a: {  	[hbm4b:s31+s2] =	stream.linear.scatter [tilespmem:s12], [sflag:$0x4], $0x8000, $0x38;
	[tilespmem:$0x13400] =	vst v63  }
0x36b: {  	_ =	swait.ge [sflag:s16], $0x8000  }
0x36c: {  	s1 =	sld [smem:$0x7D3]  }
0x36d: {  	[sflag:s16] =	ssyncset.done $0x0  }
0x36e: {  	s31 =	sld [smem:$0x7D4];
	[sflag:s16] =	ssyncadd.s32 $0xFFFF8000  }
0x36f: {  	[tilespmem:s12], [sflag:$0x2] =	stream.indirect.gather [hbm4b:s3+s5], $0x20, s1, s5, $0xb8;
	[tilespmem:$0x13400] =	vst v63  }
0x370: {  	s0 =	sld [smem:$0x7D5]  }
0x371: {  	[tilespmem:s18], [sflag:$0x2] =	stream.indirect.gather [hbm4b:s3+s5], $0x20, s31, s5, $0xb8;
	[tilespmem:$0x13400] =	vst v63  }
0x372: {  	s31 =	sld [smem:$0x7D6]  }
0x373: {  	[tilespmem:s19], [sflag:$0x2] =	stream.indirect.gather [hbm4b:s3+s5], $0x20, s0, s5, $0xb8;
	[tilespmem:$0x13400] =	vst v63  }
0x374: {  	s0 =	sld [smem:$0x7D7]  }
0x375: {  	[tilespmem:s20], [sflag:$0x2] =	stream.indirect.gather [hbm4b:s3+s5], $0x20, s31, s5, $0xb8;
	[tilespmem:$0x13400] =	vst v63  }
0x376: {  	s31 =	sld [smem:$0x7D8]  }
0x377: {  	[tilespmem:s21], [sflag:$0x2] =	stream.indirect.gather [hbm4b:s3+s5], $0x20, s0, s5, $0xb8;
	[tilespmem:$0x13400] =	vst v63  }
0x378: {  	s0 =	sld [smem:$0x7D9]  }
0x379: {  	[tilespmem:s22], [sflag:$0x2] =	stream.indirect.gather [hbm4b:s3+s5], $0x20, s31, s5, $0xb8;
	[tilespmem:$0x13400] =	vst v63  }
0x37a: {  	s31 =	sld [smem:$0x7DA]  }
0x37b: {  	[tilespmem:s23], [sflag:$0x2] =	stream.indirect.gather [hbm4b:s3+s5], $0x20, s0, s5, $0xb8;
	[tilespmem:$0x13400] =	vst v63  }
0x37c: {  	_ = 	snop  }
0x37d: {  	[tilespmem:s24], [sflag:$0x2] =	stream.indirect.gather [hbm4b:s3+s5], $0x20, s31, s5, $0xb8;
	[tilespmem:$0x13400] =	vst v63  }
0x37e: {  	_ =	swait.ge [sflag:s15], $0x8000  }
0x37f: {  	[sflag:s15] =	ssyncset.done $0x0  }
0x380: {  	s31 =	rddreg [dreg:$0xa];
	[sflag:s15] =	ssyncadd.s32 $0xFFFF8000  }
0x381: {  	[hbm4b:s31+s2] =	stream.linear.scatter [tilespmem:s4], [sflag:$0x3], $0x8000, $0x38;
	[tilespmem:$0x13400] =	vst v63  }
0x382: {  	_ =	swait.ge [sflag:s14], $0x8000  }
0x383: {  	s1 =	sld [smem:$0x7DB]  }
0x384: {  	[sflag:s14] =	ssyncset.done $0x0  }
0x385: {  	s31 =	sld [smem:$0x7DC];
	[sflag:s14] =	ssyncadd.s32 $0xFFFF8000  }
0x386: {  	[tilespmem:s4], [sflag:$0x1] =	stream.indirect.gather [hbm4b:s3+s5], $0x20, s1, s5, $0xb8;
	[tilespmem:$0x13400] =	vst v63  }
0x387: {  	s0 =	sld [smem:$0x7DD]  }
0x388: {  	[tilespmem:s6], [sflag:$0x1] =	stream.indirect.gather [hbm4b:s3+s5], $0x20, s31, s5, $0xb8;
	[tilespmem:$0x13400] =	vst v63  }
0x389: {  	s31 =	sld [smem:$0x7DE]  }
0x38a: {  	[tilespmem:s7], [sflag:$0x1] =	stream.indirect.gather [hbm4b:s3+s5], $0x20, s0, s5, $0xb8;
	[tilespmem:$0x13400] =	vst v63  }
0x38b: {  	s0 =	sld [smem:$0x7DF]  }
0x38c: {  	[tilespmem:s8], [sflag:$0x1] =	stream.indirect.gather [hbm4b:s3+s5], $0x20, s31, s5, $0xb8;
	[tilespmem:$0x13400] =	vst v63  }
0x38d: {  	s31 =	sld [smem:$0x7E0]  }
0x38e: {  	[tilespmem:s9], [sflag:$0x1] =	stream.indirect.gather [hbm4b:s3+s5], $0x20, s0, s5, $0xb8;
	[tilespmem:$0x13400] =	vst v63  }
0x38f: {  	s0 =	sld [smem:$0x7E1]  }
0x390: {  	[tilespmem:s10], [sflag:$0x1] =	stream.indirect.gather [hbm4b:s3+s5], $0x20, s31, s5, $0xb8;
	[tilespmem:$0x13400] =	vst v63  }
0x391: {  	s31 =	sld [smem:$0x7E2]  }
0x392: {  	[tilespmem:s11], [sflag:$0x1] =	stream.indirect.gather [hbm4b:s3+s5], $0x20, s0, s5, $0xb8;
	[tilespmem:$0x13400] =	vst v63  }
0x393: {  	_ = 	snop  }
0x394: {  	[tilespmem:s13], [sflag:$0x1] =	stream.indirect.gather [hbm4b:s3+s5], $0x20, s31, s5, $0xb8;
	[tilespmem:$0x13400] =	vst v63  }
0x395: {  	_ =	swait.ge [sflag:s17], $0x8000  }
0x396: {  	[sflag:s17] =	ssyncset.done $0x0  }
0x397: {  	s31 =	rddreg [dreg:$0xb];
	[sflag:s17] =	ssyncadd.s32 $0xFFFF8000  }
0x398: {  	[hbm4b:s31+s2] =	stream.linear.scatter [tilespmem:s12], [sflag:$0x4], $0x8000, $0x38;
	[tilespmem:$0x13400] =	vst v63  }
0x399: {  	_ =	swait.ge [sflag:s16], $0x8000  }
0x39a: {  	s1 =	sld [smem:$0x7E3]  }
0x39b: {  	[sflag:s16] =	ssyncset.done $0x0  }
0x39c: {  	s31 =	sld [smem:$0x7E4];
	[sflag:s16] =	ssyncadd.s32 $0xFFFF8000  }
0x39d: {  	[tilespmem:s12], [sflag:$0x2] =	stream.indirect.gather [hbm4b:s3+s5], $0x20, s1, s5, $0xb8;
	[tilespmem:$0x13400] =	vst v63  }
0x39e: {  	s0 =	sld [smem:$0x7E5]  }
0x39f: {  	[tilespmem:s18], [sflag:$0x2] =	stream.indirect.gather [hbm4b:s3+s5], $0x20, s31, s5, $0xb8;
	[tilespmem:$0x13400] =	vst v63  }
0x3a0: {  	s31 =	sld [smem:$0x7E6]  }
0x3a1: {  	[tilespmem:s19], [sflag:$0x2] =	stream.indirect.gather [hbm4b:s3+s5], $0x20, s0, s5, $0xb8;
	[tilespmem:$0x13400] =	vst v63  }
0x3a2: {  	s0 =	sld [smem:$0x7E7]  }
0x3a3: {  	[tilespmem:s20], [sflag:$0x2] =	stream.indirect.gather [hbm4b:s3+s5], $0x20, s31, s5, $0xb8;
	[tilespmem:$0x13400] =	vst v63  }
0x3a4: {  	s31 =	sld [smem:$0x7E8]  }
0x3a5: {  	[tilespmem:s21], [sflag:$0x2] =	stream.indirect.gather [hbm4b:s3+s5], $0x20, s0, s5, $0xb8;
	[tilespmem:$0x13400] =	vst v63  }
0x3a6: {  	s0 =	sld [smem:$0x7E9]  }
0x3a7: {  	[tilespmem:s22], [sflag:$0x2] =	stream.indirect.gather [hbm4b:s3+s5], $0x20, s31, s5, $0xb8;
	[tilespmem:$0x13400] =	vst v63  }
0x3a8: {  	s31 =	sld [smem:$0x7EA]  }
0x3a9: {  	[tilespmem:s23], [sflag:$0x2] =	stream.indirect.gather [hbm4b:s3+s5], $0x20, s0, s5, $0xb8;
	[tilespmem:$0x13400] =	vst v63  }
0x3aa: {  	_ = 	snop  }
0x3ab: {  	[tilespmem:s24], [sflag:$0x2] =	stream.indirect.gather [hbm4b:s3+s5], $0x20, s31, s5, $0xb8;
	[tilespmem:$0x13400] =	vst v63  }
0x3ac: {  	_ =	swait.ge [sflag:s15], $0x8000  }
0x3ad: {  	[sflag:s15] =	ssyncset.done $0x0  }
0x3ae: {  	s31 =	rddreg [dreg:$0xc];
	[sflag:s15] =	ssyncadd.s32 $0xFFFF8000  }
0x3af: {  	[hbm4b:s31+s2] =	stream.linear.scatter [tilespmem:s4], [sflag:$0x3], $0x8000, $0x38;
	[tilespmem:$0x13400] =	vst v63  }
0x3b0: {  	_ =	swait.ge [sflag:s14], $0x8000  }
0x3b1: {  	s1 =	sld [smem:$0x7EB]  }
0x3b2: {  	[sflag:s14] =	ssyncset.done $0x0  }
0x3b3: {  	s31 =	sld [smem:$0x7EC];
	[sflag:s14] =	ssyncadd.s32 $0xFFFF8000  }
0x3b4: {  	[tilespmem:s4], [sflag:$0x1] =	stream.indirect.gather [hbm4b:s3+s5], $0x20, s1, s5, $0xb8;
	[tilespmem:$0x13400] =	vst v63  }
0x3b5: {  	s0 =	sld [smem:$0x7ED]  }
0x3b6: {  	[tilespmem:s6], [sflag:$0x1] =	stream.indirect.gather [hbm4b:s3+s5], $0x20, s31, s5, $0xb8;
	[tilespmem:$0x13400] =	vst v63  }
0x3b7: {  	s31 =	sld [smem:$0x7EE]  }
0x3b8: {  	[tilespmem:s7], [sflag:$0x1] =	stream.indirect.gather [hbm4b:s3+s5], $0x20, s0, s5, $0xb8;
	[tilespmem:$0x13400] =	vst v63  }
0x3b9: {  	s0 =	sld [smem:$0x7EF]  }
0x3ba: {  	[tilespmem:s8], [sflag:$0x1] =	stream.indirect.gather [hbm4b:s3+s5], $0x20, s31, s5, $0xb8;
	[tilespmem:$0x13400] =	vst v63  }
0x3bb: {  	s31 =	sld [smem:$0x7F0]  }
0x3bc: {  	[tilespmem:s9], [sflag:$0x1] =	stream.indirect.gather [hbm4b:s3+s5], $0x20, s0, s5, $0xb8;
	[tilespmem:$0x13400] =	vst v63  }
0x3bd: {  	s0 =	sld [smem:$0x7F1]  }
0x3be: {  	[tilespmem:s10], [sflag:$0x1] =	stream.indirect.gather [hbm4b:s3+s5], $0x20, s31, s5, $0xb8;
	[tilespmem:$0x13400] =	vst v63  }
0x3bf: {  	s31 =	sld [smem:$0x7F2]  }
0x3c0: {  	[tilespmem:s11], [sflag:$0x1] =	stream.indirect.gather [hbm4b:s3+s5], $0x20, s0, s5, $0xb8;
	[tilespmem:$0x13400] =	vst v63  }
0x3c1: {  	_ = 	snop  }
0x3c2: {  	[tilespmem:s13], [sflag:$0x1] =	stream.indirect.gather [hbm4b:s3+s5], $0x20, s31, s5, $0xb8;
	[tilespmem:$0x13400] =	vst v63  }
0x3c3: {  	_ =	swait.ge [sflag:s17], $0x8000  }
0x3c4: {  	[sflag:s17] =	ssyncset.done $0x0  }
0x3c5: {  	s1 =	rddreg [dreg:$0xd];
	[sflag:s17] =	ssyncadd.s32 $0xFFFF8000  }
0x3c6: {  	[hbm4b:s1+s2] =	stream.linear.scatter [tilespmem:s12], [sflag:$0x4], $0x8000, $0x38;
	[tilespmem:$0x13400] =	vst v63  }
0x3c7: {  	_ =	swait.ge [sflag:s16], $0x8000  }
0x3c8: {  	s31 =	sld [smem:$0x7F3]  }
0x3c9: {  	[sflag:s16] =	ssyncset.done $0x0  }
0x3ca: {  	s1 =	sld [smem:$0x7F4];
	[sflag:s16] =	ssyncadd.s32 $0xFFFF8000  }
0x3cb: {  	[tilespmem:s12], [sflag:$0x2] =	stream.indirect.gather [hbm4b:s3+s5], $0x20, s31, s5, $0xb8;
	[tilespmem:$0x13400] =	vst v63  }
0x3cc: {  	s31 =	sld [smem:$0x7F5]  }
0x3cd: {  	[tilespmem:s18], [sflag:$0x2] =	stream.indirect.gather [hbm4b:s3+s5], $0x20, s1, s5, $0xb8;
	[tilespmem:$0x13400] =	vst v63  }
0x3ce: {  	s18 =	sld [smem:$0x7F6]  }
0x3cf: {  	[tilespmem:s19], [sflag:$0x2] =	stream.indirect.gather [hbm4b:s3+s5], $0x20, s31, s5, $0xb8;
	[tilespmem:$0x13400] =	vst v63  }
0x3d0: {  	s31 =	sld [smem:$0x7F7]  }
0x3d1: {  	[tilespmem:s20], [sflag:$0x2] =	stream.indirect.gather [hbm4b:s3+s5], $0x20, s18, s5, $0xb8;
	[tilespmem:$0x13400] =	vst v63  }
0x3d2: {  	s18 =	sld [smem:$0x7F8]  }
0x3d3: {  	[tilespmem:s21], [sflag:$0x2] =	stream.indirect.gather [hbm4b:s3+s5], $0x20, s31, s5, $0xb8;
	[tilespmem:$0x13400] =	vst v63  }
0x3d4: {  	s19 =	sld [smem:$0x7F9]  }
0x3d5: {  	[tilespmem:s22], [sflag:$0x2] =	stream.indirect.gather [hbm4b:s3+s5], $0x20, s18, s5, $0xb8;
	[tilespmem:$0x13400] =	vst v63  }
0x3d6: {  	s20 =	sld [smem:$0x7FA]  }
0x3d7: {  	[tilespmem:s23], [sflag:$0x2] =	stream.indirect.gather [hbm4b:s3+s5], $0x20, s19, s5, $0xb8;
	[tilespmem:$0x13400] =	vst v63  }
0x3d8: {  	_ = 	snop  }
0x3d9: {  	[tilespmem:s24], [sflag:$0x2] =	stream.indirect.gather [hbm4b:s3+s5], $0x20, s20, s5, $0xb8;
	[tilespmem:$0x13400] =	vst v63  }
0x3da: {  	_ =	swait.ge [sflag:s15], $0x8000  }
0x3db: {  	[sflag:s15] =	ssyncset.done $0x0  }
0x3dc: {  	s21 =	rddreg [dreg:$0xe];
	[sflag:s15] =	ssyncadd.s32 $0xFFFF8000  }
0x3dd: {  	[hbm4b:s21+s2] =	stream.linear.scatter [tilespmem:s4], [sflag:$0x3], $0x8000, $0x38;
	[tilespmem:$0x13400] =	vst v63  }
0x3de: {  	_ =	swait.ge [sflag:s14], $0x8000  }
0x3df: {  	s22 =	sld [smem:$0x7FB]  }
0x3e0: {  	[sflag:s14] =	ssyncset.done $0x0  }
0x3e1: {  	s23 =	sld [smem:$0x7FC];
	[sflag:s14] =	ssyncadd.s32 $0xFFFF8000  }
0x3e2: {  	[tilespmem:s4], [sflag:$0x1] =	stream.indirect.gather [hbm4b:s3+s5], $0x20, s22, s5, $0xb8;
	[tilespmem:$0x13400] =	vst v63  }
0x3e3: {  	s24 =	sld [smem:$0x7FD]  }
0x3e4: {  	[tilespmem:s6], [sflag:$0x1] =	stream.indirect.gather [hbm4b:s3+s5], $0x20, s23, s5, $0xb8;
	[tilespmem:$0x13400] =	vst v63  }
0x3e5: {  	_ = 	snop  }
0x3e6: {  	[tilespmem:s7], [sflag:$0x1] =	stream.indirect.gather [hbm4b:s3+s5], $0x20, s24, s5, $0xb8;
	[tilespmem:$0x13400] =	vst v63  }
0x3e7: {  	_ = 	snop  }
0x3e8: {  	[tilespmem:s8], [sflag:$0x1] =	stream.indirect.gather [hbm4b:s3+s5], $0x20, s26, s5, $0xb8;
	[tilespmem:$0x13400] =	vst v63  }
0x3e9: {  	_ = 	snop  }
0x3ea: {  	[tilespmem:s9], [sflag:$0x1] =	stream.indirect.gather [hbm4b:s3+s5], $0x20, s28, s5, $0xb8;
	[tilespmem:$0x13400] =	vst v63  }
0x3eb: {  	_ = 	snop  }
0x3ec: {  	[tilespmem:s10], [sflag:$0x1] =	stream.indirect.gather [hbm4b:s3+s5], $0x20, s29, s5, $0xb8;
	[tilespmem:$0x13400] =	vst v63  }
0x3ed: {  	_ = 	snop  }
0x3ee: {  	[tilespmem:s11], [sflag:$0x1] =	stream.indirect.gather [hbm4b:s3+s5], $0x20, s30, s5, $0xb8;
	[tilespmem:$0x13400] =	vst v63  }
0x3ef: {  	s29 =	simm.s32 $0x3380  }
0x3f0: {  	[tilespmem:s13], [sflag:$0x1] =	stream.indirect.gather [hbm4b:s3+s5], $0x20, s29, s5, $0xb8;
	[tilespmem:$0x13400] =	vst v63  }
0x3f1: {  	_ =	swait.ge [sflag:s17], $0x8000  }
0x3f2: {  	[sflag:s17] =	ssyncset.done $0x0  }
0x3f3: {  	s30 =	rddreg [dreg:$0xf];
	[sflag:s17] =	ssyncadd.s32 $0xFFFF8000  }
0x3f4: {  	[hbm4b:s30+s2] =	stream.linear.scatter [tilespmem:s12], [sflag:$0x4], $0x8000, $0x38;
	[tilespmem:$0x13400] =	vst v63  }
0x3f5: {  	_ =	swait.ge [sflag:s15], $0x8000  }
0x3f6: {  	[sflag:s15] =	ssyncset.done $0x0  }
0x3f7: {  	s31 =	rddreg [dreg:$0x10];
	[sflag:s15] =	ssyncadd.s32 $0xFFFF8000  }
0x3f8: {  	[hbm4b:s31+s2] =	stream.linear.scatter [tilespmem:s4], [sflag:$0x3], $0x8000, $0x38;
	[tilespmem:$0x13400] =	vst v63  }
0x3f9: {  	_ =	swait.ge [sflag:s14], $0x8000  }
0x3fa: {  	[sflag:s14] =	ssyncset.done $0x0  }
0x3fb: {  	[sflag:s14] =	ssyncadd.s32 $0xFFFF8000  }
0x3fc: {  	_ =	swait.ge [sflag:s16], $0x8000  }
0x3fd: {  	[sflag:s16] =	ssyncset.done $0x0  }
0x3fe: {  	[sflag:s16] =	ssyncadd.s32 $0xFFFF8000  }
0x3ff: {  	_ =	sfence.sel $0x180000  }
0x400: {  	[bflag:$0x0] =	sbarrier.arrive $0xFFFF  }
0x401: {  	_ =	strace $0x90000047  }
0x402: {  	[bflag:$0x2] =	sbarrier.arrive $0xFFFF  }
0x403: {  	p0 =	sne.s32 s25, $0x0;
	s0 =	rddreg [dreg:$0x2]  }
0x404: {  	s0 =	sadd.s32 @!p0 $0x100000, s0  }
0x405: {  	[sflag:s0] =	ssyncadd.tile.s32 @!p0 $0x1;
	_ =	shalt  }
.LBB2_1:
.Ltmp3:
0x406: {  	(pc) =	sbr.rel .LBB2_6-.Ltmp3, $3  }
0x407: {  	_ =	sdelay $0x1  }
0x408: {  	s30 =	simm.s32 $0x3300  }
0x409: {  	s29 =	simm.s32 $0x3280;
	s28 =	simm.s32 $0x3200;
	s26 =	simm.s32 $0x3180  }
.LBB2_3:
.Ltmp4:
0x40a: {  	(pc) =	sbr.rel .LBB2_6-.Ltmp4, $3  }
0x40b: {  	_ =	sdelay $0x1  }
0x40c: {  	s30 =	simm.s32 $0x3300;
	s29 =	simm.s32 $0x3280  }
0x40d: {  	s28 =	simm.s32 $0x3200;
	s26 =	simm.s32 $0x3180;
	s25 =	stileid.u32  }
.Lfunc_end2:
_tile_overlayer_lowered:
.L_overlay_start_2:
0x40e: {  	(tag) =	ssettag $0x2  }
0x40f: {  	s0 =	rddreg [dreg:$0x0];
	s2 =	stileid.u32  }
0x410: {  	s1 =	rddreg [dreg:$0x1];
	p0 =	sne.s32 s2, $0x0  }
0x411: {  	s3 =	rddreg [dreg:$0x2];
	[bflag:$0x3] =	sbarrier.arrive $0xFFFF;
	s2 =	simm.s32 @!p0 $0x1C05  }
0x412: {  	[timem:s3], [sflag:s2] =	dma.local @!p0 [hbm:s0], s1  }
0x413: {  	s0 =	simm.s32 @!p0 $0x5  }
0x414: {  	_ =	swait.ge @!p0 [sflag:s0], s1  }
0x415: {  	s1 =	ssub.s32 @!p0 $0x0, s1;
	[sflag:s0] =	ssyncset.done @!p0 $0x0  }
0x416: {  	[sflag:s0] =	ssyncadd.s32 @!p0 s1  }
0x417: {  	[bflag:$0x3] =	sbarrier.arrive $0xFFFF  }
0x418: {  	_ =	shalt  }

</sc_bundles>
